<compile_context>
chip_gen: v7x
topology: tpu7x:2x2x1
jax: 0.10.2.dev20260603
libtpu: 0.0.44.dev20260713+nightly
codegen_flags: <defaults>
</compile_context>

<pallas_src>
import functools

import jax
import jax.numpy as jnp
from jax import lax
from jax.experimental import pallas as pl
from jax.experimental.pallas import tpu as pltpu
from jax.experimental.pallas import tpu_sc as plsc

NC = 2
NS = 16
L = 16
NW = NC * NS
R, C = 2048, 2048
N = R * C
ROWS_W = R // NW
CROWS = 8
NCHUNK = ROWS_W // CROWS
XROWS = 4
XNCH = ROWS_W // XROWS
XD = 4
U = 8

_ABS_MASK = 0x7FFFFFFF
_SIGN_MASK = -0x80000000

_MESH = plsc.VectorSubcoreMesh(
    core_axis_name="c", subcore_axis_name="s", num_cores=NC, num_subcores=NS
)

_PARAMS = pltpu.CompilerParams(
    needs_layout_passes=False, use_tc_tiling_on_sc=True
)


def _wid():
    return lax.axis_index("s") * NC + lax.axis_index("c")



TCROWS = 1024


def _tc_stats_body(w_ref, stat_ref, acc_ref):
    i = pl.program_id(0)
    x = w_ref[...]
    s = jnp.sum(x)
    q = jnp.sum(x * x)

    @pl.when(i == 0)
    def _():
        acc_ref[0] = jnp.float32(0.0)
        acc_ref[1] = jnp.float32(0.0)

    acc_ref[0] = acc_ref[0] + s
    acc_ref[1] = acc_ref[1] + q

    @pl.when(i == pl.num_programs(0) - 1)
    def _():
        for j in range(L):
            stat_ref[j] = acc_ref[0]
            stat_ref[L + j] = acc_ref[1]


_tc_stats = pl.pallas_call(
    _tc_stats_body,
    grid=(R // TCROWS,),
    in_specs=[pl.BlockSpec((TCROWS, C), lambda i: (i, 0))],
    out_specs=pl.BlockSpec(memory_space=pltpu.SMEM),
    out_shape=jax.ShapeDtypeStruct((2 * L,), jnp.float32),
    scratch_shapes=[pltpu.SMEM((2,), jnp.float32)],
    compiler_params=pltpu.CompilerParams(dimension_semantics=("arbitrary",)),
)


def _xform_body(w_hbm, stats_hbm, table_hbm, alpha_hbm, out_hbm,
                stat_v, table_v, alpha_v,
                in0, in1, in2, in3, out0, out1, out2, out3,
                si0, si1, si2, si3, so0, so1, so2, so3):
    row0 = _wid() * ROWS_W

    def _xin_copy(c, buf, sem):
        return pltpu.make_async_copy(
            w_hbm.at[pl.ds(row0 + c * XROWS, XROWS), :], buf, sem
        )

    ins = [in0, in1, in2, in3]
    outs = [out0, out1, out2, out3]
    isems = [si0, si1, si2, si3]
    osems = [so0, so1, so2, so3]
    for b in range(XD):
        _xin_copy(b, ins[b], isems[b]).start()

    pltpu.sync_copy(stats_hbm, stat_v)
    pltpu.sync_copy(table_hbm, table_v)
    pltpu.sync_copy(alpha_hbm, alpha_v)

    tot = stat_v[pl.ds(0, L)]
    totq = stat_v[pl.ds(L, L)]
    mean = tot * jnp.float32(1.0 / N)
    var = (totq - jnp.float32(N) * mean * mean) * jnp.float32(1.0 / (N - 1))
    vb = plsc.bitcast(var, jnp.int32)
    magic = jnp.full((L,), 0x5F3759DF, dtype=jnp.int32)
    y = plsc.bitcast(magic - lax.shift_right_logical(vb, 1), jnp.float32)
    for _ in range(3):
        y = y * (jnp.float32(1.5) - jnp.float32(0.5) * var * y * y)
    s7 = (y / alpha_v[...]) * jnp.float32(7.0)
    m7 = mean * s7

    abs_mask = jnp.full((L,), _ABS_MASK, dtype=jnp.int32)
    sign_mask = jnp.full((L,), _SIGN_MASK, dtype=jnp.int32)
    seven_i = jnp.full((L,), 7, dtype=jnp.int32)
    seven_f = jnp.full((L,), 7.0, dtype=jnp.float32)
    half8 = jnp.full((L,), 7.5, dtype=jnp.float32)

    def _out_copy(c, buf, sem):
        return pltpu.make_async_copy(
            buf, out_hbm.at[pl.ds(row0 + c * XROWS, XROWS), :], sem
        )

    def _xf(ibuf, obuf):
        def vec_body(o):
            for r in range(XROWS):
                x = ibuf[r, pl.ds(o, L)]
                z = x * s7 - m7
                zi = plsc.bitcast(z, jnp.int32)
                az = plsc.bitcast(zi & abs_mask, jnp.float32)
                az = jnp.minimum(az, seven_f)
                idx = seven_i - (half8 - az).astype(jnp.int32)
                g = plsc.load_gather(table_v, [idx])
                gi = plsc.bitcast(g, jnp.int32) ^ (zi & sign_mask)
                obuf[r, pl.ds(o, L)] = plsc.bitcast(gi, jnp.float32)

        plsc.parallel_loop(0, C, step=L, unroll=U)(vec_body)

    def ring(j4, carry):
        for b in range(XD):
            c = XD * j4 + b
            _xin_copy(c, ins[b], isems[b]).wait()

            @pl.when(j4 > 0)
            def _():
                _out_copy(c - XD, outs[b], osems[b]).wait()

            _xf(ins[b], outs[b])
            _out_copy(c, outs[b], osems[b]).start()

            @pl.when(c + XD < XNCH)
            def _():
                _xin_copy(c + XD, ins[b], isems[b]).start()

        return carry

    lax.fori_loop(0, XNCH // XD, ring, 0)
    for b in range(XD):
        _out_copy(XNCH - XD + b, outs[b], osems[b]).wait()


@functools.partial(
    pl.kernel,
    out_type=jax.ShapeDtypeStruct((R, C), jnp.float32),
    mesh=_MESH,
    compiler_params=_PARAMS,
    scratch_types=[
        pltpu.VMEM((2 * L,), jnp.float32),
        pltpu.VMEM((L,), jnp.float32),
        pltpu.VMEM((L,), jnp.float32),
    ]
    + [pltpu.VMEM((XROWS, C), jnp.float32)] * (2 * XD)
    + [pltpu.SemaphoreType.DMA] * (2 * XD),
)
def _xform_call(w_hbm, stats_hbm, table_hbm, alpha_hbm, out_hbm,
                stat_v, table_v, alpha_v,
                in0, in1, in2, in3, out0, out1, out2, out3,
                si0, si1, si2, si3, so0, so1, so2, so3):
    _xform_body(w_hbm, stats_hbm, table_hbm, alpha_hbm, out_hbm,
                stat_v, table_v, alpha_v,
                in0, in1, in2, in3, out0, out1, out2, out3,
                si0, si1, si2, si3, so0, so1, so2, so3)


def kernel(weight, wgt_alpha):
    grid = jnp.linspace(0.0, 1.0, 8, dtype=jnp.float32) * 1.0
    table = grid * wgt_alpha.astype(jnp.float32)
    table16 = jnp.concatenate([table, jnp.zeros((8,), jnp.float32)])
    alpha16 = jnp.full((L,), wgt_alpha, dtype=jnp.float32)
    stats = _tc_stats(weight)
    out = _xform_call(weight, stats, table16, alpha16)
    return out

# --- scband reference (transcript-rebuilt; emitter-appended) ---
"""Pipeline reference for scband-weight-quantize-fn-17437567221967 (READ-ONLY COPY).

The authoritative reference and input builder live on the scoring server;
editing this copy changes nothing except your own understanding.
"""

import jax, jax.numpy as jnp
import numpy as np

# init kwargs
FACTORW = 3.3
W_BIT = 4          # module stores self.w_bit = w_bit - 1 = 3
N_GRID = 8
CONSTANT = 1.0


def weight_grid_setting(w_bit, n_grid, constant):
    # weight_grid_setting is not defined in the provided source; assume a
    # uniform grid of N_grid quantization levels on [0, 1] scaled by constant.
    return jnp.linspace(0.0, 1.0, n_grid, dtype=jnp.float32) * constant

GRIDS = weight_grid_setting(W_BIT - 1, N_GRID, CONSTANT)


def grid_quant(x, value_s):
    # nearest-grid-point quantization, faithful to the torch grid_quant
    shape = x.shape
    xflat = x.reshape(-1)
    value_s = value_s.astype(x.dtype)
    diffs = jnp.abs(xflat[None, :] - value_s[:, None])   # [N_grid, numel]
    idxs = jnp.argmin(diffs, axis=0)
    return value_s[idxs].reshape(shape)


def setup_inputs(seed: int = 0) -> dict:
    key = jax.random.key(seed)
    k1, _ = jax.random.split(key)
    weight = jax.random.normal(k1, (2048, 2048), dtype=jnp.float32)
    # learned parameter of the module
    wgt_alpha = jnp.array(3.0, dtype=jnp.float32)
    return {"weight": weight, "wgt_alpha": wgt_alpha}


def reference(weight, wgt_alpha):
    # w_bit=4 -> self.w_bit=3, which is != 32, so the quantize branch runs.
    # mean/std are computed on weight.data (detached constants)
    mean = jnp.mean(weight)
    std = jnp.std(weight, ddof=1)  # torch std() is unbiased by default
    w = (weight - mean) / std
    # _pq.forward
    x = w / wgt_alpha
    x_c = jnp.clip(x, -1.0, 1.0)
    sign = jnp.sign(x_c)
    x_abs = jnp.abs(x_c)
    x_q = grid_quant(x_abs, GRIDS) * sign
    out = x_q * wgt_alpha
    return out

if __name__ == "__main__":
    import jax
    _d = setup_inputs()
    print(jax.jit(kernel)(*tuple(_d.values())))

</pallas_src>

<mosaic_0001>
#map = affine_map<(d0, d1) -> (0, 0)>
#map1 = affine_map<(d0, d1) -> (0)>
module attributes {stable_mosaic.version = 14 : i64} {
  func.func @_xform_call(%arg0: i32, %arg1: i32, %arg2: memref<2048x2048xf32, #tpu.memory_space<hbm>>, %arg3: memref<32xf32, #tpu.memory_space<hbm>>, %arg4: memref<16xf32, #tpu.memory_space<hbm>>, %arg5: memref<16xf32, #tpu.memory_space<hbm>>, %arg6: memref<2048x2048xf32, #tpu.memory_space<hbm>>, %arg7: memref<32xf32, #tpu.memory_space<vmem>>, %arg8: memref<16xf32, #tpu.memory_space<vmem>>, %arg9: memref<16xf32, #tpu.memory_space<vmem>>, %arg10: memref<4x2048xf32, #tpu.memory_space<vmem>>, %arg11: memref<4x2048xf32, #tpu.memory_space<vmem>>, %arg12: memref<4x2048xf32, #tpu.memory_space<vmem>>, %arg13: memref<4x2048xf32, #tpu.memory_space<vmem>>, %arg14: memref<4x2048xf32, #tpu.memory_space<vmem>>, %arg15: memref<4x2048xf32, #tpu.memory_space<vmem>>, %arg16: memref<4x2048xf32, #tpu.memory_space<vmem>>, %arg17: memref<4x2048xf32, #tpu.memory_space<vmem>>, %arg18: memref<!tpu.dma_semaphore, #tpu.memory_space<semaphore_mem>>, %arg19: memref<!tpu.dma_semaphore, #tpu.memory_space<semaphore_mem>>, %arg20: memref<!tpu.dma_semaphore, #tpu.memory_space<semaphore_mem>>, %arg21: memref<!tpu.dma_semaphore, #tpu.memory_space<semaphore_mem>>, %arg22: memref<!tpu.dma_semaphore, #tpu.memory_space<semaphore_mem>>, %arg23: memref<!tpu.dma_semaphore, #tpu.memory_space<semaphore_mem>>, %arg24: memref<!tpu.dma_semaphore, #tpu.memory_space<semaphore_mem>>, %arg25: memref<!tpu.dma_semaphore, #tpu.memory_space<semaphore_mem>>) attributes {dimension_semantics = [#tpu.dimension_semantics<core_parallel>, #tpu.dimension_semantics<subcore_parallel>], iteration_bounds = array<i64: 2, 16>, scalar_prefetch = 0 : i64, scratch_operands = 19 : i64, tpu.core_type = #tpu.core_type<sc_vector_subcore>, window_params = [{transform_indices = #map}, {transform_indices = #map1}, {transform_indices = #map1}, {transform_indices = #map1}, {transform_indices = #map}]} {
    %mul3A = arith.constant 2 : i32
    %mul3A_0 = arith.muli %arg1, %mul3A : i32
    %add3A = arith.addi %mul3A_0, %arg0 : i32
    %mul3A_1 = arith.constant 64 : i32
    %mul3A_2 = arith.muli %add3A, %mul3A_1 : i32
    %add3A_3 = arith.constant 0 : i32
    %add3A_4 = arith.addi %mul3A_2, %add3A_3 : i32
    %dma_start3A = arith.constant 0 : i32
    %dma_start3A_5 = tpu.memref_slice %arg2[%add3A_4, %dma_start3A] : memref<2048x2048xf32, #tpu.memory_space<hbm>> -> memref<4x2048xf32, #tpu.memory_space<hbm>>
    %dma_start3A_6 = arith.constant 0 : i32
    %dma_start3A_7 = tpu.memref_slice %arg2[%add3A_4, %dma_start3A_6] : memref<2048x2048xf32, #tpu.memory_space<hbm>> -> memref<4x2048xf32, #tpu.memory_space<hbm>>
    tpu.enqueue_dma source(%dma_start3A_7 : memref<4x2048xf32, #tpu.memory_space<hbm>>) target(%arg10 : memref<4x2048xf32, #tpu.memory_space<vmem>>) target_semaphore(%arg18 : memref<!tpu.dma_semaphore, #tpu.memory_space<semaphore_mem>>)
    %add3A_8 = arith.constant 4 : i32
    %add3A_9 = arith.addi %mul3A_2, %add3A_8 : i32
    %dma_start3A_10 = arith.constant 0 : i32
    %dma_start3A_11 = tpu.memref_slice %arg2[%add3A_9, %dma_start3A_10] : memref<2048x2048xf32, #tpu.memory_space<hbm>> -> memref<4x2048xf32, #tpu.memory_space<hbm>>
    %dma_start3A_12 = arith.constant 0 : i32
    %dma_start3A_13 = tpu.memref_slice %arg2[%add3A_9, %dma_start3A_12] : memref<2048x2048xf32, #tpu.memory_space<hbm>> -> memref<4x2048xf32, #tpu.memory_space<hbm>>
    tpu.enqueue_dma source(%dma_start3A_13 : memref<4x2048xf32, #tpu.memory_space<hbm>>) target(%arg11 : memref<4x2048xf32, #tpu.memory_space<vmem>>) target_semaphore(%arg19 : memref<!tpu.dma_semaphore, #tpu.memory_space<semaphore_mem>>)
    %add3A_14 = arith.constant 8 : i32
    %add3A_15 = arith.addi %mul3A_2, %add3A_14 : i32
    %dma_start3A_16 = arith.constant 0 : i32
    %dma_start3A_17 = tpu.memref_slice %arg2[%add3A_15, %dma_start3A_16] : memref<2048x2048xf32, #tpu.memory_space<hbm>> -> memref<4x2048xf32, #tpu.memory_space<hbm>>
    %dma_start3A_18 = arith.constant 0 : i32
    %dma_start3A_19 = tpu.memref_slice %arg2[%add3A_15, %dma_start3A_18] : memref<2048x2048xf32, #tpu.memory_space<hbm>> -> memref<4x2048xf32, #tpu.memory_space<hbm>>
    tpu.enqueue_dma source(%dma_start3A_19 : memref<4x2048xf32, #tpu.memory_space<hbm>>) target(%arg12 : memref<4x2048xf32, #tpu.memory_space<vmem>>) target_semaphore(%arg20 : memref<!tpu.dma_semaphore, #tpu.memory_space<semaphore_mem>>)
    %add3A_20 = arith.constant 12 : i32
    %add3A_21 = arith.addi %mul3A_2, %add3A_20 : i32
    %dma_start3A_22 = arith.constant 0 : i32
    %dma_start3A_23 = tpu.memref_slice %arg2[%add3A_21, %dma_start3A_22] : memref<2048x2048xf32, #tpu.memory_space<hbm>> -> memref<4x2048xf32, #tpu.memory_space<hbm>>
    %dma_start3A_24 = arith.constant 0 : i32
    %dma_start3A_25 = tpu.memref_slice %arg2[%add3A_21, %dma_start3A_24] : memref<2048x2048xf32, #tpu.memory_space<hbm>> -> memref<4x2048xf32, #tpu.memory_space<hbm>>
    tpu.enqueue_dma source(%dma_start3A_25 : memref<4x2048xf32, #tpu.memory_space<hbm>>) target(%arg13 : memref<4x2048xf32, #tpu.memory_space<vmem>>) target_semaphore(%arg21 : memref<!tpu.dma_semaphore, #tpu.memory_space<semaphore_mem>>)
    "tpu.region"() ({
      %run_scoped3A = tpu.sem_alloc : memref<!tpu.dma_semaphore, #tpu.memory_space<semaphore_mem>>
      tpu.enqueue_dma source(%arg3 : memref<32xf32, #tpu.memory_space<hbm>>) target(%arg7 : memref<32xf32, #tpu.memory_space<vmem>>) target_semaphore(%run_scoped3A : memref<!tpu.dma_semaphore, #tpu.memory_space<semaphore_mem>>)
      tpu.wait_dma2 semaphore(%run_scoped3A : memref<!tpu.dma_semaphore, #tpu.memory_space<semaphore_mem>>) src(%arg3 : memref<32xf32, #tpu.memory_space<hbm>>) dst(%arg7 : memref<32xf32, #tpu.memory_space<vmem>>)
      tpu.yield
    }) : () -> ()
    "tpu.region"() ({
      %run_scoped3A = tpu.sem_alloc : memref<!tpu.dma_semaphore, #tpu.memory_space<semaphore_mem>>
      tpu.enqueue_dma source(%arg4 : memref<16xf32, #tpu.memory_space<hbm>>) target(%arg8 : memref<16xf32, #tpu.memory_space<vmem>>) target_semaphore(%run_scoped3A : memref<!tpu.dma_semaphore, #tpu.memory_space<semaphore_mem>>)
      tpu.wait_dma2 semaphore(%run_scoped3A : memref<!tpu.dma_semaphore, #tpu.memory_space<semaphore_mem>>) src(%arg4 : memref<16xf32, #tpu.memory_space<hbm>>) dst(%arg8 : memref<16xf32, #tpu.memory_space<vmem>>)
      tpu.yield
    }) : () -> ()
    "tpu.region"() ({
      %run_scoped3A = tpu.sem_alloc : memref<!tpu.dma_semaphore, #tpu.memory_space<semaphore_mem>>
      tpu.enqueue_dma source(%arg5 : memref<16xf32, #tpu.memory_space<hbm>>) target(%arg9 : memref<16xf32, #tpu.memory_space<vmem>>) target_semaphore(%run_scoped3A : memref<!tpu.dma_semaphore, #tpu.memory_space<semaphore_mem>>)
      tpu.wait_dma2 semaphore(%run_scoped3A : memref<!tpu.dma_semaphore, #tpu.memory_space<semaphore_mem>>) src(%arg5 : memref<16xf32, #tpu.memory_space<hbm>>) dst(%arg9 : memref<16xf32, #tpu.memory_space<vmem>>)
      tpu.yield
    }) : () -> ()
    %get3A = arith.constant 0 : index
    %get3A_26 = tpu.vector_load %arg7[%get3A] {strides = array<i32>} : memref<32xf32, #tpu.memory_space<vmem>>, vector<16xf32>,
    %get3A_27 = arith.constant 16 : index
    %get3A_28 = tpu.vector_load %arg7[%get3A_27] {strides = array<i32>} : memref<32xf32, #tpu.memory_space<vmem>>, vector<16xf32>,
    %mul3A_29 = arith.constant 2.38418579E-7 : f32
    %mul3A_30 = vector.broadcast %mul3A_29 : f32 to vector<16xf32>
    %mul3A_31 = arith.mulf %get3A_26, %mul3A_30 : vector<16xf32>
    %mul3A_32 = arith.constant 0x4A800000 : f32
    %mul3A_33 = vector.broadcast %mul3A_32 : f32 to vector<16xf32>
    %mul3A_34 = arith.mulf %mul3A_33, %mul3A_31 : vector<16xf32>
    %mul3A_35 = arith.mulf %mul3A_34, %mul3A_31 : vector<16xf32>
    %sub3A = arith.subf %get3A_28, %mul3A_35 : vector<16xf32>
    %mul3A_36 = arith.constant 2.38418636E-7 : f32
    %mul3A_37 = vector.broadcast %mul3A_36 : f32 to vector<16xf32>
    %mul3A_38 = arith.mulf %sub3A, %mul3A_37 : vector<16xf32>
    %bitcast3A = vector.bitcast %mul3A_38 : vector<16xf32> to vector<16xi32>
    %broadcast_in_dim3A = arith.constant 1597463007 : i32
    %broadcast_in_dim3A_39 = vector.broadcast %broadcast_in_dim3A : i32 to vector<16xi32>
    %shift_right_logical3A = arith.constant 1 : i32
    %shift_right_logical3A_40 = vector.broadcast %shift_right_logical3A : i32 to vector<16xi32>
    %shift_right_logical3A_41 = arith.shrui %bitcast3A, %shift_right_logical3A_40 : vector<16xi32>
    %sub3A_42 = arith.subi %broadcast_in_dim3A_39, %shift_right_logical3A_41 : vector<16xi32>
    %bitcast3A_43 = vector.bitcast %sub3A_42 : vector<16xi32> to vector<16xf32>
    %mul3A_44 = arith.constant 5.000000e-01 : f32
    %mul3A_45 = vector.broadcast %mul3A_44 : f32 to vector<16xf32>
    %mul3A_46 = arith.mulf %mul3A_45, %mul3A_38 : vector<16xf32>
    %mul3A_47 = arith.mulf %mul3A_46, %bitcast3A_43 : vector<16xf32>
    %mul3A_48 = arith.mulf %mul3A_47, %bitcast3A_43 : vector<16xf32>
    %sub3A_49 = arith.constant 1.500000e+00 : f32
    %sub3A_50 = vector.broadcast %sub3A_49 : f32 to vector<16xf32>
    %sub3A_51 = arith.subf %sub3A_50, %mul3A_48 : vector<16xf32>
    %mul3A_52 = arith.mulf %bitcast3A_43, %sub3A_51 : vector<16xf32>
    %mul3A_53 = arith.constant 5.000000e-01 : f32
    %mul3A_54 = vector.broadcast %mul3A_53 : f32 to vector<16xf32>
    %mul3A_55 = arith.mulf %mul3A_54, %mul3A_38 : vector<16xf32>
    %mul3A_56 = arith.mulf %mul3A_55, %mul3A_52 : vector<16xf32>
    %mul3A_57 = arith.mulf %mul3A_56, %mul3A_52 : vector<16xf32>
    %sub3A_58 = arith.constant 1.500000e+00 : f32
    %sub3A_59 = vector.broadcast %sub3A_58 : f32 to vector<16xf32>
    %sub3A_60 = arith.subf %sub3A_59, %mul3A_57 : vector<16xf32>
    %mul3A_61 = arith.mulf %mul3A_52, %sub3A_60 : vector<16xf32>
    %mul3A_62 = arith.constant 5.000000e-01 : f32
    %mul3A_63 = vector.broadcast %mul3A_62 : f32 to vector<16xf32>
    %mul3A_64 = arith.mulf %mul3A_63, %mul3A_38 : vector<16xf32>
    %mul3A_65 = arith.mulf %mul3A_64, %mul3A_61 : vector<16xf32>
    %mul3A_66 = arith.mulf %mul3A_65, %mul3A_61 : vector<16xf32>
    %sub3A_67 = arith.constant 1.500000e+00 : f32
    %sub3A_68 = vector.broadcast %sub3A_67 : f32 to vector<16xf32>
    %sub3A_69 = arith.subf %sub3A_68, %mul3A_66 : vector<16xf32>
    %mul3A_70 = arith.mulf %mul3A_61, %sub3A_69 : vector<16xf32>
    %get3A_71 = arith.constant 0 : index
    %get3A_72 = tpu.vector_load %arg9[%get3A_71] {strides = array<i32>} : memref<16xf32, #tpu.memory_space<vmem>>, vector<16xf32>,
    %div3A = arith.divf %mul3A_70, %get3A_72 : vector<16xf32>
    %mul3A_73 = arith.constant 7.000000e+00 : f32
    %mul3A_74 = vector.broadcast %mul3A_73 : f32 to vector<16xf32>
    %mul3A_75 = arith.mulf %div3A, %mul3A_74 : vector<16xf32>
    %mul3A_76 = arith.mulf %mul3A_31, %mul3A_75 : vector<16xf32>
    %broadcast_in_dim3A_77 = arith.constant 2147483647 : i32
    %broadcast_in_dim3A_78 = vector.broadcast %broadcast_in_dim3A_77 : i32 to vector<16xi32>
    %broadcast_in_dim3A_79 = arith.constant -2147483648 : i32
    %broadcast_in_dim3A_80 = vector.broadcast %broadcast_in_dim3A_79 : i32 to vector<16xi32>
    %broadcast_in_dim3A_81 = arith.constant 7 : i32
    %broadcast_in_dim3A_82 = vector.broadcast %broadcast_in_dim3A_81 : i32 to vector<16xi32>
    %broadcast_in_dim3A_83 = arith.constant 7.000000e+00 : f32
    %broadcast_in_dim3A_84 = vector.broadcast %broadcast_in_dim3A_83 : f32 to vector<16xf32>
    %broadcast_in_dim3A_85 = arith.constant 7.500000e+00 : f32
    %broadcast_in_dim3A_86 = vector.broadcast %broadcast_in_dim3A_85 : f32 to vector<16xf32>
    %scan3A = arith.constant 0 : i32
    %scan3A_87 = arith.constant 0 : i32
    %scan3A_88 = arith.constant 4 : i32
    %scan3A_89 = arith.addi %scan3A_87, %scan3A_88 : i32
    %scan3A_90 = arith.constant 1 : i32
    scf.for %scan3A_115 = %scan3A_87 to %scan3A_89 step %scan3A_90  : i32 {
      %mul3A_116 = arith.constant 4 : i32
      %mul3A_117 = arith.muli %mul3A_116, %scan3A_115 : i32
      %add3A_118 = arith.constant 0 : i32
      %add3A_119 = arith.addi %mul3A_117, %add3A_118 : i32
      %mul3A_120 = arith.constant 4 : i32
      %mul3A_121 = arith.muli %add3A_119, %mul3A_120 : i32
      %add3A_122 = arith.addi %mul3A_2, %mul3A_121 : i32
      %dma_wait3A_123 = arith.constant 0 : i32
      %dma_wait3A_124 = tpu.memref_slice %arg2[%add3A_122, %dma_wait3A_123] : memref<2048x2048xf32, #tpu.memory_space<hbm>> -> memref<4x2048xf32, #tpu.memory_space<hbm>>
      %dma_wait3A_125 = arith.constant 0 : i32
      %dma_wait3A_126 = tpu.memref_slice %arg2[%add3A_122, %dma_wait3A_125] : memref<2048x2048xf32, #tpu.memory_space<hbm>> -> memref<4x2048xf32, #tpu.memory_space<hbm>>
      tpu.wait_dma2 semaphore(%arg18 : memref<!tpu.dma_semaphore, #tpu.memory_space<semaphore_mem>>) src(%dma_wait3A_126 : memref<4x2048xf32, #tpu.memory_space<hbm>>) dst(%arg10 : memref<4x2048xf32, #tpu.memory_space<vmem>>)
      %gt3A = arith.constant 0 : i32
      %gt3A_127 = arith.cmpi sgt, %scan3A_115, %gt3A : i32
      %convert_element_type3A = arith.extui %gt3A_127 : i1 to i32
      %cond3A = arith.constant 0 : i32
      %cond3A_128 = arith.cmpi ne, %convert_element_type3A, %cond3A : i32
      scf.if %cond3A_128 {
        %sub3A_243 = arith.constant 4 : i32
        %sub3A_244 = arith.subi %add3A_119, %sub3A_243 : i32
        %mul3A_245 = arith.constant 4 : i32
        %mul3A_246 = arith.muli %sub3A_244, %mul3A_245 : i32
        %add3A_247 = arith.addi %mul3A_2, %mul3A_246 : i32
        %dma_wait3A_248 = arith.constant 0 : i32
        %dma_wait3A_249 = tpu.memref_slice %arg6[%add3A_247, %dma_wait3A_248] : memref<2048x2048xf32, #tpu.memory_space<hbm>> -> memref<4x2048xf32, #tpu.memory_space<hbm>>
        %dma_wait3A_250 = arith.constant 0 : i32
        %dma_wait3A_251 = tpu.memref_slice %arg6[%add3A_247, %dma_wait3A_250] : memref<2048x2048xf32, #tpu.memory_space<hbm>> -> memref<4x2048xf32, #tpu.memory_space<hbm>>
        tpu.wait_dma2 semaphore(%arg22 : memref<!tpu.dma_semaphore, #tpu.memory_space<semaphore_mem>>) src(%arg14 : memref<4x2048xf32, #tpu.memory_space<vmem>>) dst(%dma_wait3A_251 : memref<4x2048xf32, #tpu.memory_space<hbm>>)
      } else {
      }
      %parallel_loop3A = arith.constant 0 : i32
      %parallel_loop3A_129 = arith.constant 2048 : i32
      %parallel_loop3A_130 = arith.constant 16 : i32
      scf.for %parallel_loop3A_243 = %parallel_loop3A to %parallel_loop3A_129 step %parallel_loop3A_130  : i32 {
        %parallel_loop3A_244 = arith.constant 0 : i32
        %parallel_loop3A_245 = arith.index_cast %parallel_loop3A_244 : i32 to index
        %parallel_loop3A_246 = arith.index_cast %parallel_loop3A_243 : i32 to index
        %parallel_loop3A_247 = tpu.vector_load %arg10[%parallel_loop3A_245, %parallel_loop3A_246] {strides = array<i32>} : memref<4x2048xf32, #tpu.memory_space<vmem>>, vector<16xf32>,
        %parallel_loop3A_248 = arith.mulf %parallel_loop3A_247, %mul3A_75 : vector<16xf32>
        %parallel_loop3A_249 = arith.subf %parallel_loop3A_248, %mul3A_76 : vector<16xf32>
        %parallel_loop3A_250 = vector.bitcast %parallel_loop3A_249 : vector<16xf32> to vector<16xi32>
        %parallel_loop3A_251 = arith.andi %parallel_loop3A_250, %broadcast_in_dim3A_78 : vector<16xi32>
        %parallel_loop3A_252 = vector.bitcast %parallel_loop3A_251 : vector<16xi32> to vector<16xf32>
        %parallel_loop3A_253 = arith.minimumf %parallel_loop3A_252, %broadcast_in_dim3A_84 : vector<16xf32>
        %parallel_loop3A_254 = arith.subf %broadcast_in_dim3A_86, %parallel_loop3A_253 : vector<16xf32>
        %parallel_loop3A_255 = arith.fptosi %parallel_loop3A_254 : vector<16xf32> to vector<16xi32>
        %parallel_loop3A_256 = arith.subi %broadcast_in_dim3A_82, %parallel_loop3A_255 : vector<16xi32>
        %parallel_loop3A_257 = tpu.vector_load_idx %arg8[%parallel_loop3A_256] : memref<16xf32, #tpu.memory_space<vmem>>[vector<16xi32>], vector<16xf32>,
        %parallel_loop3A_258 = vector.bitcast %parallel_loop3A_257 : vector<16xf32> to vector<16xi32>
        %parallel_loop3A_259 = arith.andi %parallel_loop3A_250, %broadcast_in_dim3A_80 : vector<16xi32>
        %parallel_loop3A_260 = arith.xori %parallel_loop3A_258, %parallel_loop3A_259 : vector<16xi32>
        %parallel_loop3A_261 = vector.bitcast %parallel_loop3A_260 : vector<16xi32> to vector<16xf32>
        %parallel_loop3A_262 = arith.constant 0 : i32
        %parallel_loop3A_263 = arith.index_cast %parallel_loop3A_262 : i32 to index
        %parallel_loop3A_264 = arith.index_cast %parallel_loop3A_243 : i32 to index
        %parallel_loop3A_265 = tpu.vector_load %arg14[%parallel_loop3A_263, %parallel_loop3A_264] {strides = array<i32>} : memref<4x2048xf32, #tpu.memory_space<vmem>>, vector<16xf32>,
        tpu.vector_store %arg14[%parallel_loop3A_263, %parallel_loop3A_264], %parallel_loop3A_261 {strides = array<i32>} : memref<4x2048xf32, #tpu.memory_space<vmem>>, vector<16xf32>,
        %parallel_loop3A_266 = arith.constant 1 : i32
        %parallel_loop3A_267 = arith.index_cast %parallel_loop3A_266 : i32 to index
        %parallel_loop3A_268 = arith.index_cast %parallel_loop3A_243 : i32 to index
        %parallel_loop3A_269 = tpu.vector_load %arg10[%parallel_loop3A_267, %parallel_loop3A_268] {strides = array<i32>} : memref<4x2048xf32, #tpu.memory_space<vmem>>, vector<16xf32>,
        %parallel_loop3A_270 = arith.mulf %parallel_loop3A_269, %mul3A_75 : vector<16xf32>
        %parallel_loop3A_271 = arith.subf %parallel_loop3A_270, %mul3A_76 : vector<16xf32>
        %parallel_loop3A_272 = vector.bitcast %parallel_loop3A_271 : vector<16xf32> to vector<16xi32>
        %parallel_loop3A_273 = arith.andi %parallel_loop3A_272, %broadcast_in_dim3A_78 : vector<16xi32>
        %parallel_loop3A_274 = vector.bitcast %parallel_loop3A_273 : vector<16xi32> to vector<16xf32>
        %parallel_loop3A_275 = arith.minimumf %parallel_loop3A_274, %broadcast_in_dim3A_84 : vector<16xf32>
        %parallel_loop3A_276 = arith.subf %broadcast_in_dim3A_86, %parallel_loop3A_275 : vector<16xf32>
        %parallel_loop3A_277 = arith.fptosi %parallel_loop3A_276 : vector<16xf32> to vector<16xi32>
        %parallel_loop3A_278 = arith.subi %broadcast_in_dim3A_82, %parallel_loop3A_277 : vector<16xi32>
        %parallel_loop3A_279 = tpu.vector_load_idx %arg8[%parallel_loop3A_278] : memref<16xf32, #tpu.memory_space<vmem>>[vector<16xi32>], vector<16xf32>,
        %parallel_loop3A_280 = vector.bitcast %parallel_loop3A_279 : vector<16xf32> to vector<16xi32>
        %parallel_loop3A_281 = arith.andi %parallel_loop3A_272, %broadcast_in_dim3A_80 : vector<16xi32>
        %parallel_loop3A_282 = arith.xori %parallel_loop3A_280, %parallel_loop3A_281 : vector<16xi32>
        %parallel_loop3A_283 = vector.bitcast %parallel_loop3A_282 : vector<16xi32> to vector<16xf32>
        %parallel_loop3A_284 = arith.constant 1 : i32
        %parallel_loop3A_285 = arith.index_cast %parallel_loop3A_284 : i32 to index
        %parallel_loop3A_286 = arith.index_cast %parallel_loop3A_243 : i32 to index
        %parallel_loop3A_287 = tpu.vector_load %arg14[%parallel_loop3A_285, %parallel_loop3A_286] {strides = array<i32>} : memref<4x2048xf32, #tpu.memory_space<vmem>>, vector<16xf32>,
        tpu.vector_store %arg14[%parallel_loop3A_285, %parallel_loop3A_286], %parallel_loop3A_283 {strides = array<i32>} : memref<4x2048xf32, #tpu.memory_space<vmem>>, vector<16xf32>,
        %parallel_loop3A_288 = arith.constant 2 : i32
        %parallel_loop3A_289 = arith.index_cast %parallel_loop3A_288 : i32 to index
        %parallel_loop3A_290 = arith.index_cast %parallel_loop3A_243 : i32 to index
        %parallel_loop3A_291 = tpu.vector_load %arg10[%parallel_loop3A_289, %parallel_loop3A_290] {strides = array<i32>} : memref<4x2048xf32, #tpu.memory_space<vmem>>, vector<16xf32>,
        %parallel_loop3A_292 = arith.mulf %parallel_loop3A_291, %mul3A_75 : vector<16xf32>
        %parallel_loop3A_293 = arith.subf %parallel_loop3A_292, %mul3A_76 : vector<16xf32>
        %parallel_loop3A_294 = vector.bitcast %parallel_loop3A_293 : vector<16xf32> to vector<16xi32>
        %parallel_loop3A_295 = arith.andi %parallel_loop3A_294, %broadcast_in_dim3A_78 : vector<16xi32>
        %parallel_loop3A_296 = vector.bitcast %parallel_loop3A_295 : vector<16xi32> to vector<16xf32>
        %parallel_loop3A_297 = arith.minimumf %parallel_loop3A_296, %broadcast_in_dim3A_84 : vector<16xf32>
        %parallel_loop3A_298 = arith.subf %broadcast_in_dim3A_86, %parallel_loop3A_297 : vector<16xf32>
        %parallel_loop3A_299 = arith.fptosi %parallel_loop3A_298 : vector<16xf32> to vector<16xi32>
        %parallel_loop3A_300 = arith.subi %broadcast_in_dim3A_82, %parallel_loop3A_299 : vector<16xi32>
        %parallel_loop3A_301 = tpu.vector_load_idx %arg8[%parallel_loop3A_300] : memref<16xf32, #tpu.memory_space<vmem>>[vector<16xi32>], vector<16xf32>,
        %parallel_loop3A_302 = vector.bitcast %parallel_loop3A_301 : vector<16xf32> to vector<16xi32>
        %parallel_loop3A_303 = arith.andi %parallel_loop3A_294, %broadcast_in_dim3A_80 : vector<16xi32>
        %parallel_loop3A_304 = arith.xori %parallel_loop3A_302, %parallel_loop3A_303 : vector<16xi32>
        %parallel_loop3A_305 = vector.bitcast %parallel_loop3A_304 : vector<16xi32> to vector<16xf32>
        %parallel_loop3A_306 = arith.constant 2 : i32
        %parallel_loop3A_307 = arith.index_cast %parallel_loop3A_306 : i32 to index
        %parallel_loop3A_308 = arith.index_cast %parallel_loop3A_243 : i32 to index
        %parallel_loop3A_309 = tpu.vector_load %arg14[%parallel_loop3A_307, %parallel_loop3A_308] {strides = array<i32>} : memref<4x2048xf32, #tpu.memory_space<vmem>>, vector<16xf32>,
        tpu.vector_store %arg14[%parallel_loop3A_307, %parallel_loop3A_308], %parallel_loop3A_305 {strides = array<i32>} : memref<4x2048xf32, #tpu.memory_space<vmem>>, vector<16xf32>,
        %parallel_loop3A_310 = arith.constant 3 : i32
        %parallel_loop3A_311 = arith.index_cast %parallel_loop3A_310 : i32 to index
        %parallel_loop3A_312 = arith.index_cast %parallel_loop3A_243 : i32 to index
        %parallel_loop3A_313 = tpu.vector_load %arg10[%parallel_loop3A_311, %parallel_loop3A_312] {strides = array<i32>} : memref<4x2048xf32, #tpu.memory_space<vmem>>, vector<16xf32>,
        %parallel_loop3A_314 = arith.mulf %parallel_loop3A_313, %mul3A_75 : vector<16xf32>
        %parallel_loop3A_315 = arith.subf %parallel_loop3A_314, %mul3A_76 : vector<16xf32>
        %parallel_loop3A_316 = vector.bitcast %parallel_loop3A_315 : vector<16xf32> to vector<16xi32>
        %parallel_loop3A_317 = arith.andi %parallel_loop3A_316, %broadcast_in_dim3A_78 : vector<16xi32>
        %parallel_loop3A_318 = vector.bitcast %parallel_loop3A_317 : vector<16xi32> to vector<16xf32>
        %parallel_loop3A_319 = arith.minimumf %parallel_loop3A_318, %broadcast_in_dim3A_84 : vector<16xf32>
        %parallel_loop3A_320 = arith.subf %broadcast_in_dim3A_86, %parallel_loop3A_319 : vector<16xf32>
        %parallel_loop3A_321 = arith.fptosi %parallel_loop3A_320 : vector<16xf32> to vector<16xi32>
        %parallel_loop3A_322 = arith.subi %broadcast_in_dim3A_82, %parallel_loop3A_321 : vector<16xi32>
        %parallel_loop3A_323 = tpu.vector_load_idx %arg8[%parallel_loop3A_322] : memref<16xf32, #tpu.memory_space<vmem>>[vector<16xi32>], vector<16xf32>,
        %parallel_loop3A_324 = vector.bitcast %parallel_loop3A_323 : vector<16xf32> to vector<16xi32>
        %parallel_loop3A_325 = arith.andi %parallel_loop3A_316, %broadcast_in_dim3A_80 : vector<16xi32>
        %parallel_loop3A_326 = arith.xori %parallel_loop3A_324, %parallel_loop3A_325 : vector<16xi32>
        %parallel_loop3A_327 = vector.bitcast %parallel_loop3A_326 : vector<16xi32> to vector<16xf32>
        %parallel_loop3A_328 = arith.constant 3 : i32
        %parallel_loop3A_329 = arith.index_cast %parallel_loop3A_328 : i32 to index
        %parallel_loop3A_330 = arith.index_cast %parallel_loop3A_243 : i32 to index
        %parallel_loop3A_331 = tpu.vector_load %arg14[%parallel_loop3A_329, %parallel_loop3A_330] {strides = array<i32>} : memref<4x2048xf32, #tpu.memory_space<vmem>>, vector<16xf32>,
        tpu.vector_store %arg14[%parallel_loop3A_329, %parallel_loop3A_330], %parallel_loop3A_327 {strides = array<i32>} : memref<4x2048xf32, #tpu.memory_space<vmem>>, vector<16xf32>,
      } {sc.loop_unroll_factor = 8 : i64, sc.parallel_access}
      %mul3A_131 = arith.constant 4 : i32
      %mul3A_132 = arith.muli %add3A_119, %mul3A_131 : i32
      %add3A_133 = arith.addi %mul3A_2, %mul3A_132 : i32
      %dma_start3A_134 = arith.constant 0 : i32
      %dma_start3A_135 = tpu.memref_slice %arg6[%add3A_133, %dma_start3A_134] : memref<2048x2048xf32, #tpu.memory_space<hbm>> -> memref<4x2048xf32, #tpu.memory_space<hbm>>
      %dma_start3A_136 = arith.constant 0 : i32
      %dma_start3A_137 = tpu.memref_slice %arg6[%add3A_133, %dma_start3A_136] : memref<2048x2048xf32, #tpu.memory_space<hbm>> -> memref<4x2048xf32, #tpu.memory_space<hbm>>
      tpu.enqueue_dma source(%arg14 : memref<4x2048xf32, #tpu.memory_space<vmem>>) target(%dma_start3A_137 : memref<4x2048xf32, #tpu.memory_space<hbm>>) target_semaphore(%arg22 : memref<!tpu.dma_semaphore, #tpu.memory_space<semaphore_mem>>)
      %add3A_138 = arith.constant 4 : i32
      %add3A_139 = arith.addi %add3A_119, %add3A_138 : i32
      %lt3A = arith.constant 16 : i32
      %lt3A_140 = arith.cmpi slt, %add3A_139, %lt3A : i32
      %convert_element_type3A_141 = arith.extui %lt3A_140 : i1 to i32
      %cond3A_142 = arith.constant 0 : i32
      %cond3A_143 = arith.cmpi ne, %convert_element_type3A_141, %cond3A_142 : i32
      scf.if %cond3A_143 {
        %add3A_243 = arith.constant 4 : i32
        %add3A_244 = arith.addi %add3A_119, %add3A_243 : i32
        %mul3A_245 = arith.constant 4 : i32
        %mul3A_246 = arith.muli %add3A_244, %mul3A_245 : i32
        %add3A_247 = arith.addi %mul3A_2, %mul3A_246 : i32
        %dma_start3A_248 = arith.constant 0 : i32
        %dma_start3A_249 = tpu.memref_slice %arg2[%add3A_247, %dma_start3A_248] : memref<2048x2048xf32, #tpu.memory_space<hbm>> -> memref<4x2048xf32, #tpu.memory_space<hbm>>
        %dma_start3A_250 = arith.constant 0 : i32
        %dma_start3A_251 = tpu.memref_slice %arg2[%add3A_247, %dma_start3A_250] : memref<2048x2048xf32, #tpu.memory_space<hbm>> -> memref<4x2048xf32, #tpu.memory_space<hbm>>
        tpu.enqueue_dma source(%dma_start3A_251 : memref<4x2048xf32, #tpu.memory_space<hbm>>) target(%arg10 : memref<4x2048xf32, #tpu.memory_space<vmem>>) target_semaphore(%arg18 : memref<!tpu.dma_semaphore, #tpu.memory_space<semaphore_mem>>)
      } else {
      }
      %mul3A_144 = arith.constant 4 : i32
      %mul3A_145 = arith.muli %mul3A_144, %scan3A_115 : i32
      %add3A_146 = arith.constant 1 : i32
      %add3A_147 = arith.addi %mul3A_145, %add3A_146 : i32
      %mul3A_148 = arith.constant 4 : i32
      %mul3A_149 = arith.muli %add3A_147, %mul3A_148 : i32
      %add3A_150 = arith.addi %mul3A_2, %mul3A_149 : i32
      %dma_wait3A_151 = arith.constant 0 : i32
      %dma_wait3A_152 = tpu.memref_slice %arg2[%add3A_150, %dma_wait3A_151] : memref<2048x2048xf32, #tpu.memory_space<hbm>> -> memref<4x2048xf32, #tpu.memory_space<hbm>>
      %dma_wait3A_153 = arith.constant 0 : i32
      %dma_wait3A_154 = tpu.memref_slice %arg2[%add3A_150, %dma_wait3A_153] : memref<2048x2048xf32, #tpu.memory_space<hbm>> -> memref<4x2048xf32, #tpu.memory_space<hbm>>
      tpu.wait_dma2 semaphore(%arg19 : memref<!tpu.dma_semaphore, #tpu.memory_space<semaphore_mem>>) src(%dma_wait3A_154 : memref<4x2048xf32, #tpu.memory_space<hbm>>) dst(%arg11 : memref<4x2048xf32, #tpu.memory_space<vmem>>)
      %gt3A_155 = arith.constant 0 : i32
      %gt3A_156 = arith.cmpi sgt, %scan3A_115, %gt3A_155 : i32
      %convert_element_type3A_157 = arith.extui %gt3A_156 : i1 to i32
      %cond3A_158 = arith.constant 0 : i32
      %cond3A_159 = arith.cmpi ne, %convert_element_type3A_157, %cond3A_158 : i32
      scf.if %cond3A_159 {
        %sub3A_243 = arith.constant 4 : i32
        %sub3A_244 = arith.subi %add3A_147, %sub3A_243 : i32
        %mul3A_245 = arith.constant 4 : i32
        %mul3A_246 = arith.muli %sub3A_244, %mul3A_245 : i32
        %add3A_247 = arith.addi %mul3A_2, %mul3A_246 : i32
        %dma_wait3A_248 = arith.constant 0 : i32
        %dma_wait3A_249 = tpu.memref_slice %arg6[%add3A_247, %dma_wait3A_248] : memref<2048x2048xf32, #tpu.memory_space<hbm>> -> memref<4x2048xf32, #tpu.memory_space<hbm>>
        %dma_wait3A_250 = arith.constant 0 : i32
        %dma_wait3A_251 = tpu.memref_slice %arg6[%add3A_247, %dma_wait3A_250] : memref<2048x2048xf32, #tpu.memory_space<hbm>> -> memref<4x2048xf32, #tpu.memory_space<hbm>>
        tpu.wait_dma2 semaphore(%arg23 : memref<!tpu.dma_semaphore, #tpu.memory_space<semaphore_mem>>) src(%arg15 : memref<4x2048xf32, #tpu.memory_space<vmem>>) dst(%dma_wait3A_251 : memref<4x2048xf32, #tpu.memory_space<hbm>>)
      } else {
      }
      %parallel_loop3A_160 = arith.constant 0 : i32
      %parallel_loop3A_161 = arith.constant 2048 : i32
      %parallel_loop3A_162 = arith.constant 16 : i32
      scf.for %parallel_loop3A_243 = %parallel_loop3A_160 to %parallel_loop3A_161 step %parallel_loop3A_162  : i32 {
        %parallel_loop3A_244 = arith.constant 0 : i32
        %parallel_loop3A_245 = arith.index_cast %parallel_loop3A_244 : i32 to index
        %parallel_loop3A_246 = arith.index_cast %parallel_loop3A_243 : i32 to index
        %parallel_loop3A_247 = tpu.vector_load %arg11[%parallel_loop3A_245, %parallel_loop3A_246] {strides = array<i32>} : memref<4x2048xf32, #tpu.memory_space<vmem>>, vector<16xf32>,
        %parallel_loop3A_248 = arith.mulf %parallel_loop3A_247, %mul3A_75 : vector<16xf32>
        %parallel_loop3A_249 = arith.subf %parallel_loop3A_248, %mul3A_76 : vector<16xf32>
        %parallel_loop3A_250 = vector.bitcast %parallel_loop3A_249 : vector<16xf32> to vector<16xi32>
        %parallel_loop3A_251 = arith.andi %parallel_loop3A_250, %broadcast_in_dim3A_78 : vector<16xi32>
        %parallel_loop3A_252 = vector.bitcast %parallel_loop3A_251 : vector<16xi32> to vector<16xf32>
        %parallel_loop3A_253 = arith.minimumf %parallel_loop3A_252, %broadcast_in_dim3A_84 : vector<16xf32>
        %parallel_loop3A_254 = arith.subf %broadcast_in_dim3A_86, %parallel_loop3A_253 : vector<16xf32>
        %parallel_loop3A_255 = arith.fptosi %parallel_loop3A_254 : vector<16xf32> to vector<16xi32>
        %parallel_loop3A_256 = arith.subi %broadcast_in_dim3A_82, %parallel_loop3A_255 : vector<16xi32>
        %parallel_loop3A_257 = tpu.vector_load_idx %arg8[%parallel_loop3A_256] : memref<16xf32, #tpu.memory_space<vmem>>[vector<16xi32>], vector<16xf32>,
        %parallel_loop3A_258 = vector.bitcast %parallel_loop3A_257 : vector<16xf32> to vector<16xi32>
        %parallel_loop3A_259 = arith.andi %parallel_loop3A_250, %broadcast_in_dim3A_80 : vector<16xi32>
        %parallel_loop3A_260 = arith.xori %parallel_loop3A_258, %parallel_loop3A_259 : vector<16xi32>
        %parallel_loop3A_261 = vector.bitcast %parallel_loop3A_260 : vector<16xi32> to vector<16xf32>
        %parallel_loop3A_262 = arith.constant 0 : i32
        %parallel_loop3A_263 = arith.index_cast %parallel_loop3A_262 : i32 to index
        %parallel_loop3A_264 = arith.index_cast %parallel_loop3A_243 : i32 to index
        %parallel_loop3A_265 = tpu.vector_load %arg15[%parallel_loop3A_263, %parallel_loop3A_264] {strides = array<i32>} : memref<4x2048xf32, #tpu.memory_space<vmem>>, vector<16xf32>,
        tpu.vector_store %arg15[%parallel_loop3A_263, %parallel_loop3A_264], %parallel_loop3A_261 {strides = array<i32>} : memref<4x2048xf32, #tpu.memory_space<vmem>>, vector<16xf32>,
        %parallel_loop3A_266 = arith.constant 1 : i32
        %parallel_loop3A_267 = arith.index_cast %parallel_loop3A_266 : i32 to index
        %parallel_loop3A_268 = arith.index_cast %parallel_loop3A_243 : i32 to index
        %parallel_loop3A_269 = tpu.vector_load %arg11[%parallel_loop3A_267, %parallel_loop3A_268] {strides = array<i32>} : memref<4x2048xf32, #tpu.memory_space<vmem>>, vector<16xf32>,
        %parallel_loop3A_270 = arith.mulf %parallel_loop3A_269, %mul3A_75 : vector<16xf32>
        %parallel_loop3A_271 = arith.subf %parallel_loop3A_270, %mul3A_76 : vector<16xf32>
        %parallel_loop3A_272 = vector.bitcast %parallel_loop3A_271 : vector<16xf32> to vector<16xi32>
        %parallel_loop3A_273 = arith.andi %parallel_loop3A_272, %broadcast_in_dim3A_78 : vector<16xi32>
        %parallel_loop3A_274 = vector.bitcast %parallel_loop3A_273 : vector<16xi32> to vector<16xf32>
        %parallel_loop3A_275 = arith.minimumf %parallel_loop3A_274, %broadcast_in_dim3A_84 : vector<16xf32>
        %parallel_loop3A_276 = arith.subf %broadcast_in_dim3A_86, %parallel_loop3A_275 : vector<16xf32>
        %parallel_loop3A_277 = arith.fptosi %parallel_loop3A_276 : vector<16xf32> to vector<16xi32>
        %parallel_loop3A_278 = arith.subi %broadcast_in_dim3A_82, %parallel_loop3A_277 : vector<16xi32>
        %parallel_loop3A_279 = tpu.vector_load_idx %arg8[%parallel_loop3A_278] : memref<16xf32, #tpu.memory_space<vmem>>[vector<16xi32>], vector<16xf32>,
        %parallel_loop3A_280 = vector.bitcast %parallel_loop3A_279 : vector<16xf32> to vector<16xi32>
        %parallel_loop3A_281 = arith.andi %parallel_loop3A_272, %broadcast_in_dim3A_80 : vector<16xi32>
        %parallel_loop3A_282 = arith.xori %parallel_loop3A_280, %parallel_loop3A_281 : vector<16xi32>
        %parallel_loop3A_283 = vector.bitcast %parallel_loop3A_282 : vector<16xi32> to vector<16xf32>
        %parallel_loop3A_284 = arith.constant 1 : i32
        %parallel_loop3A_285 = arith.index_cast %parallel_loop3A_284 : i32 to index
        %parallel_loop3A_286 = arith.index_cast %parallel_loop3A_243 : i32 to index
        %parallel_loop3A_287 = tpu.vector_load %arg15[%parallel_loop3A_285, %parallel_loop3A_286] {strides = array<i32>} : memref<4x2048xf32, #tpu.memory_space<vmem>>, vector<16xf32>,
        tpu.vector_store %arg15[%parallel_loop3A_285, %parallel_loop3A_286], %parallel_loop3A_283 {strides = array<i32>} : memref<4x2048xf32, #tpu.memory_space<vmem>>, vector<16xf32>,
        %parallel_loop3A_288 = arith.constant 2 : i32
        %parallel_loop3A_289 = arith.index_cast %parallel_loop3A_288 : i32 to index
        %parallel_loop3A_290 = arith.index_cast %parallel_loop3A_243 : i32 to index
        %parallel_loop3A_291 = tpu.vector_load %arg11[%parallel_loop3A_289, %parallel_loop3A_290] {strides = array<i32>} : memref<4x2048xf32, #tpu.memory_space<vmem>>, vector<16xf32>,
        %parallel_loop3A_292 = arith.mulf %parallel_loop3A_291, %mul3A_75 : vector<16xf32>
        %parallel_loop3A_293 = arith.subf %parallel_loop3A_292, %mul3A_76 : vector<16xf32>
        %parallel_loop3A_294 = vector.bitcast %parallel_loop3A_293 : vector<16xf32> to vector<16xi32>
        %parallel_loop3A_295 = arith.andi %parallel_loop3A_294, %broadcast_in_dim3A_78 : vector<16xi32>
        %parallel_loop3A_296 = vector.bitcast %parallel_loop3A_295 : vector<16xi32> to vector<16xf32>
        %parallel_loop3A_297 = arith.minimumf %parallel_loop3A_296, %broadcast_in_dim3A_84 : vector<16xf32>
        %parallel_loop3A_298 = arith.subf %broadcast_in_dim3A_86, %parallel_loop3A_297 : vector<16xf32>
        %parallel_loop3A_299 = arith.fptosi %parallel_loop3A_298 : vector<16xf32> to vector<16xi32>
        %parallel_loop3A_300 = arith.subi %broadcast_in_dim3A_82, %parallel_loop3A_299 : vector<16xi32>
        %parallel_loop3A_301 = tpu.vector_load_idx %arg8[%parallel_loop3A_300] : memref<16xf32, #tpu.memory_space<vmem>>[vector<16xi32>], vector<16xf32>,
        %parallel_loop3A_302 = vector.bitcast %parallel_loop3A_301 : vector<16xf32> to vector<16xi32>
        %parallel_loop3A_303 = arith.andi %parallel_loop3A_294, %broadcast_in_dim3A_80 : vector<16xi32>
        %parallel_loop3A_304 = arith.xori %parallel_loop3A_302, %parallel_loop3A_303 : vector<16xi32>
        %parallel_loop3A_305 = vector.bitcast %parallel_loop3A_304 : vector<16xi32> to vector<16xf32>
        %parallel_loop3A_306 = arith.constant 2 : i32
        %parallel_loop3A_307 = arith.index_cast %parallel_loop3A_306 : i32 to index
        %parallel_loop3A_308 = arith.index_cast %parallel_loop3A_243 : i32 to index
        %parallel_loop3A_309 = tpu.vector_load %arg15[%parallel_loop3A_307, %parallel_loop3A_308] {strides = array<i32>} : memref<4x2048xf32, #tpu.memory_space<vmem>>, vector<16xf32>,
        tpu.vector_store %arg15[%parallel_loop3A_307, %parallel_loop3A_308], %parallel_loop3A_305 {strides = array<i32>} : memref<4x2048xf32, #tpu.memory_space<vmem>>, vector<16xf32>,
        %parallel_loop3A_310 = arith.constant 3 : i32
        %parallel_loop3A_311 = arith.index_cast %parallel_loop3A_310 : i32 to index
        %parallel_loop3A_312 = arith.index_cast %parallel_loop3A_243 : i32 to index
        %parallel_loop3A_313 = tpu.vector_load %arg11[%parallel_loop3A_311, %parallel_loop3A_312] {strides = array<i32>} : memref<4x2048xf32, #tpu.memory_space<vmem>>, vector<16xf32>,
        %parallel_loop3A_314 = arith.mulf %parallel_loop3A_313, %mul3A_75 : vector<16xf32>
        %parallel_loop3A_315 = arith.subf %parallel_loop3A_314, %mul3A_76 : vector<16xf32>
        %parallel_loop3A_316 = vector.bitcast %parallel_loop3A_315 : vector<16xf32> to vector<16xi32>
        %parallel_loop3A_317 = arith.andi %parallel_loop3A_316, %broadcast_in_dim3A_78 : vector<16xi32>
        %parallel_loop3A_318 = vector.bitcast %parallel_loop3A_317 : vector<16xi32> to vector<16xf32>
        %parallel_loop3A_319 = arith.minimumf %parallel_loop3A_318, %broadcast_in_dim3A_84 : vector<16xf32>
        %parallel_loop3A_320 = arith.subf %broadcast_in_dim3A_86, %parallel_loop3A_319 : vector<16xf32>
        %parallel_loop3A_321 = arith.fptosi %parallel_loop3A_320 : vector<16xf32> to vector<16xi32>
        %parallel_loop3A_322 = arith.subi %broadcast_in_dim3A_82, %parallel_loop3A_321 : vector<16xi32>
        %parallel_loop3A_323 = tpu.vector_load_idx %arg8[%parallel_loop3A_322] : memref<16xf32, #tpu.memory_space<vmem>>[vector<16xi32>], vector<16xf32>,
        %parallel_loop3A_324 = vector.bitcast %parallel_loop3A_323 : vector<16xf32> to vector<16xi32>
        %parallel_loop3A_325 = arith.andi %parallel_loop3A_316, %broadcast_in_dim3A_80 : vector<16xi32>
        %parallel_loop3A_326 = arith.xori %parallel_loop3A_324, %parallel_loop3A_325 : vector<16xi32>
        %parallel_loop3A_327 = vector.bitcast %parallel_loop3A_326 : vector<16xi32> to vector<16xf32>
        %parallel_loop3A_328 = arith.constant 3 : i32
        %parallel_loop3A_329 = arith.index_cast %parallel_loop3A_328 : i32 to index
        %parallel_loop3A_330 = arith.index_cast %parallel_loop3A_243 : i32 to index
        %parallel_loop3A_331 = tpu.vector_load %arg15[%parallel_loop3A_329, %parallel_loop3A_330] {strides = array<i32>} : memref<4x2048xf32, #tpu.memory_space<vmem>>, vector<16xf32>,
        tpu.vector_store %arg15[%parallel_loop3A_329, %parallel_loop3A_330], %parallel_loop3A_327 {strides = array<i32>} : memref<4x2048xf32, #tpu.memory_space<vmem>>, vector<16xf32>,
      } {sc.loop_unroll_factor = 8 : i64, sc.parallel_access}
      %mul3A_163 = arith.constant 4 : i32
      %mul3A_164 = arith.muli %add3A_147, %mul3A_163 : i32
      %add3A_165 = arith.addi %mul3A_2, %mul3A_164 : i32
      %dma_start3A_166 = arith.constant 0 : i32
      %dma_start3A_167 = tpu.memref_slice %arg6[%add3A_165, %dma_start3A_166] : memref<2048x2048xf32, #tpu.memory_space<hbm>> -> memref<4x2048xf32, #tpu.memory_space<hbm>>
      %dma_start3A_168 = arith.constant 0 : i32
      %dma_start3A_169 = tpu.memref_slice %arg6[%add3A_165, %dma_start3A_168] : memref<2048x2048xf32, #tpu.memory_space<hbm>> -> memref<4x2048xf32, #tpu.memory_space<hbm>>
      tpu.enqueue_dma source(%arg15 : memref<4x2048xf32, #tpu.memory_space<vmem>>) target(%dma_start3A_169 : memref<4x2048xf32, #tpu.memory_space<hbm>>) target_semaphore(%arg23 : memref<!tpu.dma_semaphore, #tpu.memory_space<semaphore_mem>>)
      %add3A_170 = arith.constant 4 : i32
      %add3A_171 = arith.addi %add3A_147, %add3A_170 : i32
      %lt3A_172 = arith.constant 16 : i32
      %lt3A_173 = arith.cmpi slt, %add3A_171, %lt3A_172 : i32
      %convert_element_type3A_174 = arith.extui %lt3A_173 : i1 to i32
      %cond3A_175 = arith.constant 0 : i32
      %cond3A_176 = arith.cmpi ne, %convert_element_type3A_174, %cond3A_175 : i32
      scf.if %cond3A_176 {
        %add3A_243 = arith.constant 4 : i32
        %add3A_244 = arith.addi %add3A_147, %add3A_243 : i32
        %mul3A_245 = arith.constant 4 : i32
        %mul3A_246 = arith.muli %add3A_244, %mul3A_245 : i32
        %add3A_247 = arith.addi %mul3A_2, %mul3A_246 : i32
        %dma_start3A_248 = arith.constant 0 : i32
        %dma_start3A_249 = tpu.memref_slice %arg2[%add3A_247, %dma_start3A_248] : memref<2048x2048xf32, #tpu.memory_space<hbm>> -> memref<4x2048xf32, #tpu.memory_space<hbm>>
        %dma_start3A_250 = arith.constant 0 : i32
        %dma_start3A_251 = tpu.memref_slice %arg2[%add3A_247, %dma_start3A_250] : memref<2048x2048xf32, #tpu.memory_space<hbm>> -> memref<4x2048xf32, #tpu.memory_space<hbm>>
        tpu.enqueue_dma source(%dma_start3A_251 : memref<4x2048xf32, #tpu.memory_space<hbm>>) target(%arg11 : memref<4x2048xf32, #tpu.memory_space<vmem>>) target_semaphore(%arg19 : memref<!tpu.dma_semaphore, #tpu.memory_space<semaphore_mem>>)
      } else {
      }
      %mul3A_177 = arith.constant 4 : i32
      %mul3A_178 = arith.muli %mul3A_177, %scan3A_115 : i32
      %add3A_179 = arith.constant 2 : i32
      %add3A_180 = arith.addi %mul3A_178, %add3A_179 : i32
      %mul3A_181 = arith.constant 4 : i32
      %mul3A_182 = arith.muli %add3A_180, %mul3A_181 : i32
      %add3A_183 = arith.addi %mul3A_2, %mul3A_182 : i32
      %dma_wait3A_184 = arith.constant 0 : i32
      %dma_wait3A_185 = tpu.memref_slice %arg2[%add3A_183, %dma_wait3A_184] : memref<2048x2048xf32, #tpu.memory_space<hbm>> -> memref<4x2048xf32, #tpu.memory_space<hbm>>
      %dma_wait3A_186 = arith.constant 0 : i32
      %dma_wait3A_187 = tpu.memref_slice %arg2[%add3A_183, %dma_wait3A_186] : memref<2048x2048xf32, #tpu.memory_space<hbm>> -> memref<4x2048xf32, #tpu.memory_space<hbm>>
      tpu.wait_dma2 semaphore(%arg20 : memref<!tpu.dma_semaphore, #tpu.memory_space<semaphore_mem>>) src(%dma_wait3A_187 : memref<4x2048xf32, #tpu.memory_space<hbm>>) dst(%arg12 : memref<4x2048xf32, #tpu.memory_space<vmem>>)
      %gt3A_188 = arith.constant 0 : i32
      %gt3A_189 = arith.cmpi sgt, %scan3A_115, %gt3A_188 : i32
      %convert_element_type3A_190 = arith.extui %gt3A_189 : i1 to i32
      %cond3A_191 = arith.constant 0 : i32
      %cond3A_192 = arith.cmpi ne, %convert_element_type3A_190, %cond3A_191 : i32
      scf.if %cond3A_192 {
        %sub3A_243 = arith.constant 4 : i32
        %sub3A_244 = arith.subi %add3A_180, %sub3A_243 : i32
        %mul3A_245 = arith.constant 4 : i32
        %mul3A_246 = arith.muli %sub3A_244, %mul3A_245 : i32
        %add3A_247 = arith.addi %mul3A_2, %mul3A_246 : i32
        %dma_wait3A_248 = arith.constant 0 : i32
        %dma_wait3A_249 = tpu.memref_slice %arg6[%add3A_247, %dma_wait3A_248] : memref<2048x2048xf32, #tpu.memory_space<hbm>> -> memref<4x2048xf32, #tpu.memory_space<hbm>>
        %dma_wait3A_250 = arith.constant 0 : i32
        %dma_wait3A_251 = tpu.memref_slice %arg6[%add3A_247, %dma_wait3A_250] : memref<2048x2048xf32, #tpu.memory_space<hbm>> -> memref<4x2048xf32, #tpu.memory_space<hbm>>
        tpu.wait_dma2 semaphore(%arg24 : memref<!tpu.dma_semaphore, #tpu.memory_space<semaphore_mem>>) src(%arg16 : memref<4x2048xf32, #tpu.memory_space<vmem>>) dst(%dma_wait3A_251 : memref<4x2048xf32, #tpu.memory_space<hbm>>)
      } else {
      }
      %parallel_loop3A_193 = arith.constant 0 : i32
      %parallel_loop3A_194 = arith.constant 2048 : i32
      %parallel_loop3A_195 = arith.constant 16 : i32
      scf.for %parallel_loop3A_243 = %parallel_loop3A_193 to %parallel_loop3A_194 step %parallel_loop3A_195  : i32 {
        %parallel_loop3A_244 = arith.constant 0 : i32
        %parallel_loop3A_245 = arith.index_cast %parallel_loop3A_244 : i32 to index
        %parallel_loop3A_246 = arith.index_cast %parallel_loop3A_243 : i32 to index
        %parallel_loop3A_247 = tpu.vector_load %arg12[%parallel_loop3A_245, %parallel_loop3A_246] {strides = array<i32>} : memref<4x2048xf32, #tpu.memory_space<vmem>>, vector<16xf32>,
        %parallel_loop3A_248 = arith.mulf %parallel_loop3A_247, %mul3A_75 : vector<16xf32>
        %parallel_loop3A_249 = arith.subf %parallel_loop3A_248, %mul3A_76 : vector<16xf32>
        %parallel_loop3A_250 = vector.bitcast %parallel_loop3A_249 : vector<16xf32> to vector<16xi32>
        %parallel_loop3A_251 = arith.andi %parallel_loop3A_250, %broadcast_in_dim3A_78 : vector<16xi32>
        %parallel_loop3A_252 = vector.bitcast %parallel_loop3A_251 : vector<16xi32> to vector<16xf32>
        %parallel_loop3A_253 = arith.minimumf %parallel_loop3A_252, %broadcast_in_dim3A_84 : vector<16xf32>
        %parallel_loop3A_254 = arith.subf %broadcast_in_dim3A_86, %parallel_loop3A_253 : vector<16xf32>
        %parallel_loop3A_255 = arith.fptosi %parallel_loop3A_254 : vector<16xf32> to vector<16xi32>
        %parallel_loop3A_256 = arith.subi %broadcast_in_dim3A_82, %parallel_loop3A_255 : vector<16xi32>
        %parallel_loop3A_257 = tpu.vector_load_idx %arg8[%parallel_loop3A_256] : memref<16xf32, #tpu.memory_space<vmem>>[vector<16xi32>], vector<16xf32>,
        %parallel_loop3A_258 = vector.bitcast %parallel_loop3A_257 : vector<16xf32> to vector<16xi32>
        %parallel_loop3A_259 = arith.andi %parallel_loop3A_250, %broadcast_in_dim3A_80 : vector<16xi32>
        %parallel_loop3A_260 = arith.xori %parallel_loop3A_258, %parallel_loop3A_259 : vector<16xi32>
        %parallel_loop3A_261 = vector.bitcast %parallel_loop3A_260 : vector<16xi32> to vector<16xf32>
        %parallel_loop3A_262 = arith.constant 0 : i32
        %parallel_loop3A_263 = arith.index_cast %parallel_loop3A_262 : i32 to index
        %parallel_loop3A_264 = arith.index_cast %parallel_loop3A_243 : i32 to index
        %parallel_loop3A_265 = tpu.vector_load %arg16[%parallel_loop3A_263, %parallel_loop3A_264] {strides = array<i32>} : memref<4x2048xf32, #tpu.memory_space<vmem>>, vector<16xf32>,
        tpu.vector_store %arg16[%parallel_loop3A_263, %parallel_loop3A_264], %parallel_loop3A_261 {strides = array<i32>} : memref<4x2048xf32, #tpu.memory_space<vmem>>, vector<16xf32>,
        %parallel_loop3A_266 = arith.constant 1 : i32
        %parallel_loop3A_267 = arith.index_cast %parallel_loop3A_266 : i32 to index
        %parallel_loop3A_268 = arith.index_cast %parallel_loop3A_243 : i32 to index
        %parallel_loop3A_269 = tpu.vector_load %arg12[%parallel_loop3A_267, %parallel_loop3A_268] {strides = array<i32>} : memref<4x2048xf32, #tpu.memory_space<vmem>>, vector<16xf32>,
        %parallel_loop3A_270 = arith.mulf %parallel_loop3A_269, %mul3A_75 : vector<16xf32>
        %parallel_loop3A_271 = arith.subf %parallel_loop3A_270, %mul3A_76 : vector<16xf32>
        %parallel_loop3A_272 = vector.bitcast %parallel_loop3A_271 : vector<16xf32> to vector<16xi32>
        %parallel_loop3A_273 = arith.andi %parallel_loop3A_272, %broadcast_in_dim3A_78 : vector<16xi32>
        %parallel_loop3A_274 = vector.bitcast %parallel_loop3A_273 : vector<16xi32> to vector<16xf32>
        %parallel_loop3A_275 = arith.minimumf %parallel_loop3A_274, %broadcast_in_dim3A_84 : vector<16xf32>
        %parallel_loop3A_276 = arith.subf %broadcast_in_dim3A_86, %parallel_loop3A_275 : vector<16xf32>
        %parallel_loop3A_277 = arith.fptosi %parallel_loop3A_276 : vector<16xf32> to vector<16xi32>
        %parallel_loop3A_278 = arith.subi %broadcast_in_dim3A_82, %parallel_loop3A_277 : vector<16xi32>
        %parallel_loop3A_279 = tpu.vector_load_idx %arg8[%parallel_loop3A_278] : memref<16xf32, #tpu.memory_space<vmem>>[vector<16xi32>], vector<16xf32>,
        %parallel_loop3A_280 = vector.bitcast %parallel_loop3A_279 : vector<16xf32> to vector<16xi32>
        %parallel_loop3A_281 = arith.andi %parallel_loop3A_272, %broadcast_in_dim3A_80 : vector<16xi32>
        %parallel_loop3A_282 = arith.xori %parallel_loop3A_280, %parallel_loop3A_281 : vector<16xi32>
        %parallel_loop3A_283 = vector.bitcast %parallel_loop3A_282 : vector<16xi32> to vector<16xf32>
        %parallel_loop3A_284 = arith.constant 1 : i32
        %parallel_loop3A_285 = arith.index_cast %parallel_loop3A_284 : i32 to index
        %parallel_loop3A_286 = arith.index_cast %parallel_loop3A_243 : i32 to index
        %parallel_loop3A_287 = tpu.vector_load %arg16[%parallel_loop3A_285, %parallel_loop3A_286] {strides = array<i32>} : memref<4x2048xf32, #tpu.memory_space<vmem>>, vector<16xf32>,
        tpu.vector_store %arg16[%parallel_loop3A_285, %parallel_loop3A_286], %parallel_loop3A_283 {strides = array<i32>} : memref<4x2048xf32, #tpu.memory_space<vmem>>, vector<16xf32>,
        %parallel_loop3A_288 = arith.constant 2 : i32
        %parallel_loop3A_289 = arith.index_cast %parallel_loop3A_288 : i32 to index
        %parallel_loop3A_290 = arith.index_cast %parallel_loop3A_243 : i32 to index
        %parallel_loop3A_291 = tpu.vector_load %arg12[%parallel_loop3A_289, %parallel_loop3A_290] {strides = array<i32>} : memref<4x2048xf32, #tpu.memory_space<vmem>>, vector<16xf32>,
        %parallel_loop3A_292 = arith.mulf %parallel_loop3A_291, %mul3A_75 : vector<16xf32>
        %parallel_loop3A_293 = arith.subf %parallel_loop3A_292, %mul3A_76 : vector<16xf32>
        %parallel_loop3A_294 = vector.bitcast %parallel_loop3A_293 : vector<16xf32> to vector<16xi32>
        %parallel_loop3A_295 = arith.andi %parallel_loop3A_294, %broadcast_in_dim3A_78 : vector<16xi32>
        %parallel_loop3A_296 = vector.bitcast %parallel_loop3A_295 : vector<16xi32> to vector<16xf32>
        %parallel_loop3A_297 = arith.minimumf %parallel_loop3A_296, %broadcast_in_dim3A_84 : vector<16xf32>
        %parallel_loop3A_298 = arith.subf %broadcast_in_dim3A_86, %parallel_loop3A_297 : vector<16xf32>
        %parallel_loop3A_299 = arith.fptosi %parallel_loop3A_298 : vector<16xf32> to vector<16xi32>
        %parallel_loop3A_300 = arith.subi %broadcast_in_dim3A_82, %parallel_loop3A_299 : vector<16xi32>
        %parallel_loop3A_301 = tpu.vector_load_idx %arg8[%parallel_loop3A_300] : memref<16xf32, #tpu.memory_space<vmem>>[vector<16xi32>], vector<16xf32>,
        %parallel_loop3A_302 = vector.bitcast %parallel_loop3A_301 : vector<16xf32> to vector<16xi32>
        %parallel_loop3A_303 = arith.andi %parallel_loop3A_294, %broadcast_in_dim3A_80 : vector<16xi32>
        %parallel_loop3A_304 = arith.xori %parallel_loop3A_302, %parallel_loop3A_303 : vector<16xi32>
        %parallel_loop3A_305 = vector.bitcast %parallel_loop3A_304 : vector<16xi32> to vector<16xf32>
        %parallel_loop3A_306 = arith.constant 2 : i32
        %parallel_loop3A_307 = arith.index_cast %parallel_loop3A_306 : i32 to index
        %parallel_loop3A_308 = arith.index_cast %parallel_loop3A_243 : i32 to index
        %parallel_loop3A_309 = tpu.vector_load %arg16[%parallel_loop3A_307, %parallel_loop3A_308] {strides = array<i32>} : memref<4x2048xf32, #tpu.memory_space<vmem>>, vector<16xf32>,
        tpu.vector_store %arg16[%parallel_loop3A_307, %parallel_loop3A_308], %parallel_loop3A_305 {strides = array<i32>} : memref<4x2048xf32, #tpu.memory_space<vmem>>, vector<16xf32>,
        %parallel_loop3A_310 = arith.constant 3 : i32
        %parallel_loop3A_311 = arith.index_cast %parallel_loop3A_310 : i32 to index
        %parallel_loop3A_312 = arith.index_cast %parallel_loop3A_243 : i32 to index
        %parallel_loop3A_313 = tpu.vector_load %arg12[%parallel_loop3A_311, %parallel_loop3A_312] {strides = array<i32>} : memref<4x2048xf32, #tpu.memory_space<vmem>>, vector<16xf32>,
        %parallel_loop3A_314 = arith.mulf %parallel_loop3A_313, %mul3A_75 : vector<16xf32>
        %parallel_loop3A_315 = arith.subf %parallel_loop3A_314, %mul3A_76 : vector<16xf32>
        %parallel_loop3A_316 = vector.bitcast %parallel_loop3A_315 : vector<16xf32> to vector<16xi32>
        %parallel_loop3A_317 = arith.andi %parallel_loop3A_316, %broadcast_in_dim3A_78 : vector<16xi32>
        %parallel_loop3A_318 = vector.bitcast %parallel_loop3A_317 : vector<16xi32> to vector<16xf32>
        %parallel_loop3A_319 = arith.minimumf %parallel_loop3A_318, %broadcast_in_dim3A_84 : vector<16xf32>
        %parallel_loop3A_320 = arith.subf %broadcast_in_dim3A_86, %parallel_loop3A_319 : vector<16xf32>
        %parallel_loop3A_321 = arith.fptosi %parallel_loop3A_320 : vector<16xf32> to vector<16xi32>
        %parallel_loop3A_322 = arith.subi %broadcast_in_dim3A_82, %parallel_loop3A_321 : vector<16xi32>
        %parallel_loop3A_323 = tpu.vector_load_idx %arg8[%parallel_loop3A_322] : memref<16xf32, #tpu.memory_space<vmem>>[vector<16xi32>], vector<16xf32>,
        %parallel_loop3A_324 = vector.bitcast %parallel_loop3A_323 : vector<16xf32> to vector<16xi32>
        %parallel_loop3A_325 = arith.andi %parallel_loop3A_316, %broadcast_in_dim3A_80 : vector<16xi32>
        %parallel_loop3A_326 = arith.xori %parallel_loop3A_324, %parallel_loop3A_325 : vector<16xi32>
        %parallel_loop3A_327 = vector.bitcast %parallel_loop3A_326 : vector<16xi32> to vector<16xf32>
        %parallel_loop3A_328 = arith.constant 3 : i32
        %parallel_loop3A_329 = arith.index_cast %parallel_loop3A_328 : i32 to index
        %parallel_loop3A_330 = arith.index_cast %parallel_loop3A_243 : i32 to index
        %parallel_loop3A_331 = tpu.vector_load %arg16[%parallel_loop3A_329, %parallel_loop3A_330] {strides = array<i32>} : memref<4x2048xf32, #tpu.memory_space<vmem>>, vector<16xf32>,
        tpu.vector_store %arg16[%parallel_loop3A_329, %parallel_loop3A_330], %parallel_loop3A_327 {strides = array<i32>} : memref<4x2048xf32, #tpu.memory_space<vmem>>, vector<16xf32>,
      } {sc.loop_unroll_factor = 8 : i64, sc.parallel_access}
      %mul3A_196 = arith.constant 4 : i32
      %mul3A_197 = arith.muli %add3A_180, %mul3A_196 : i32
      %add3A_198 = arith.addi %mul3A_2, %mul3A_197 : i32
      %dma_start3A_199 = arith.constant 0 : i32
      %dma_start3A_200 = tpu.memref_slice %arg6[%add3A_198, %dma_start3A_199] : memref<2048x2048xf32, #tpu.memory_space<hbm>> -> memref<4x2048xf32, #tpu.memory_space<hbm>>
      %dma_start3A_201 = arith.constant 0 : i32
      %dma_start3A_202 = tpu.memref_slice %arg6[%add3A_198, %dma_start3A_201] : memref<2048x2048xf32, #tpu.memory_space<hbm>> -> memref<4x2048xf32, #tpu.memory_space<hbm>>
      tpu.enqueue_dma source(%arg16 : memref<4x2048xf32, #tpu.memory_space<vmem>>) target(%dma_start3A_202 : memref<4x2048xf32, #tpu.memory_space<hbm>>) target_semaphore(%arg24 : memref<!tpu.dma_semaphore, #tpu.memory_space<semaphore_mem>>)
      %add3A_203 = arith.constant 4 : i32
      %add3A_204 = arith.addi %add3A_180, %add3A_203 : i32
      %lt3A_205 = arith.constant 16 : i32
      %lt3A_206 = arith.cmpi slt, %add3A_204, %lt3A_205 : i32
      %convert_element_type3A_207 = arith.extui %lt3A_206 : i1 to i32
      %cond3A_208 = arith.constant 0 : i32
      %cond3A_209 = arith.cmpi ne, %convert_element_type3A_207, %cond3A_208 : i32
      scf.if %cond3A_209 {
        %add3A_243 = arith.constant 4 : i32
        %add3A_244 = arith.addi %add3A_180, %add3A_243 : i32
        %mul3A_245 = arith.constant 4 : i32
        %mul3A_246 = arith.muli %add3A_244, %mul3A_245 : i32
        %add3A_247 = arith.addi %mul3A_2, %mul3A_246 : i32
        %dma_start3A_248 = arith.constant 0 : i32
        %dma_start3A_249 = tpu.memref_slice %arg2[%add3A_247, %dma_start3A_248] : memref<2048x2048xf32, #tpu.memory_space<hbm>> -> memref<4x2048xf32, #tpu.memory_space<hbm>>
        %dma_start3A_250 = arith.constant 0 : i32
        %dma_start3A_251 = tpu.memref_slice %arg2[%add3A_247, %dma_start3A_250] : memref<2048x2048xf32, #tpu.memory_space<hbm>> -> memref<4x2048xf32, #tpu.memory_space<hbm>>
        tpu.enqueue_dma source(%dma_start3A_251 : memref<4x2048xf32, #tpu.memory_space<hbm>>) target(%arg12 : memref<4x2048xf32, #tpu.memory_space<vmem>>) target_semaphore(%arg20 : memref<!tpu.dma_semaphore, #tpu.memory_space<semaphore_mem>>)
      } else {
      }
      %mul3A_210 = arith.constant 4 : i32
      %mul3A_211 = arith.muli %mul3A_210, %scan3A_115 : i32
      %add3A_212 = arith.constant 3 : i32
      %add3A_213 = arith.addi %mul3A_211, %add3A_212 : i32
      %mul3A_214 = arith.constant 4 : i32
      %mul3A_215 = arith.muli %add3A_213, %mul3A_214 : i32
      %add3A_216 = arith.addi %mul3A_2, %mul3A_215 : i32
      %dma_wait3A_217 = arith.constant 0 : i32
      %dma_wait3A_218 = tpu.memref_slice %arg2[%add3A_216, %dma_wait3A_217] : memref<2048x2048xf32, #tpu.memory_space<hbm>> -> memref<4x2048xf32, #tpu.memory_space<hbm>>
      %dma_wait3A_219 = arith.constant 0 : i32
      %dma_wait3A_220 = tpu.memref_slice %arg2[%add3A_216, %dma_wait3A_219] : memref<2048x2048xf32, #tpu.memory_space<hbm>> -> memref<4x2048xf32, #tpu.memory_space<hbm>>
      tpu.wait_dma2 semaphore(%arg21 : memref<!tpu.dma_semaphore, #tpu.memory_space<semaphore_mem>>) src(%dma_wait3A_220 : memref<4x2048xf32, #tpu.memory_space<hbm>>) dst(%arg13 : memref<4x2048xf32, #tpu.memory_space<vmem>>)
      %gt3A_221 = arith.constant 0 : i32
      %gt3A_222 = arith.cmpi sgt, %scan3A_115, %gt3A_221 : i32
      %convert_element_type3A_223 = arith.extui %gt3A_222 : i1 to i32
      %cond3A_224 = arith.constant 0 : i32
      %cond3A_225 = arith.cmpi ne, %convert_element_type3A_223, %cond3A_224 : i32
      scf.if %cond3A_225 {
        %sub3A_243 = arith.constant 4 : i32
        %sub3A_244 = arith.subi %add3A_213, %sub3A_243 : i32
        %mul3A_245 = arith.constant 4 : i32
        %mul3A_246 = arith.muli %sub3A_244, %mul3A_245 : i32
        %add3A_247 = arith.addi %mul3A_2, %mul3A_246 : i32
        %dma_wait3A_248 = arith.constant 0 : i32
        %dma_wait3A_249 = tpu.memref_slice %arg6[%add3A_247, %dma_wait3A_248] : memref<2048x2048xf32, #tpu.memory_space<hbm>> -> memref<4x2048xf32, #tpu.memory_space<hbm>>
        %dma_wait3A_250 = arith.constant 0 : i32
        %dma_wait3A_251 = tpu.memref_slice %arg6[%add3A_247, %dma_wait3A_250] : memref<2048x2048xf32, #tpu.memory_space<hbm>> -> memref<4x2048xf32, #tpu.memory_space<hbm>>
        tpu.wait_dma2 semaphore(%arg25 : memref<!tpu.dma_semaphore, #tpu.memory_space<semaphore_mem>>) src(%arg17 : memref<4x2048xf32, #tpu.memory_space<vmem>>) dst(%dma_wait3A_251 : memref<4x2048xf32, #tpu.memory_space<hbm>>)
      } else {
      }
      %parallel_loop3A_226 = arith.constant 0 : i32
      %parallel_loop3A_227 = arith.constant 2048 : i32
      %parallel_loop3A_228 = arith.constant 16 : i32
      scf.for %parallel_loop3A_243 = %parallel_loop3A_226 to %parallel_loop3A_227 step %parallel_loop3A_228  : i32 {
        %parallel_loop3A_244 = arith.constant 0 : i32
        %parallel_loop3A_245 = arith.index_cast %parallel_loop3A_244 : i32 to index
        %parallel_loop3A_246 = arith.index_cast %parallel_loop3A_243 : i32 to index
        %parallel_loop3A_247 = tpu.vector_load %arg13[%parallel_loop3A_245, %parallel_loop3A_246] {strides = array<i32>} : memref<4x2048xf32, #tpu.memory_space<vmem>>, vector<16xf32>,
        %parallel_loop3A_248 = arith.mulf %parallel_loop3A_247, %mul3A_75 : vector<16xf32>
        %parallel_loop3A_249 = arith.subf %parallel_loop3A_248, %mul3A_76 : vector<16xf32>
        %parallel_loop3A_250 = vector.bitcast %parallel_loop3A_249 : vector<16xf32> to vector<16xi32>
        %parallel_loop3A_251 = arith.andi %parallel_loop3A_250, %broadcast_in_dim3A_78 : vector<16xi32>
        %parallel_loop3A_252 = vector.bitcast %parallel_loop3A_251 : vector<16xi32> to vector<16xf32>
        %parallel_loop3A_253 = arith.minimumf %parallel_loop3A_252, %broadcast_in_dim3A_84 : vector<16xf32>
        %parallel_loop3A_254 = arith.subf %broadcast_in_dim3A_86, %parallel_loop3A_253 : vector<16xf32>
        %parallel_loop3A_255 = arith.fptosi %parallel_loop3A_254 : vector<16xf32> to vector<16xi32>
        %parallel_loop3A_256 = arith.subi %broadcast_in_dim3A_82, %parallel_loop3A_255 : vector<16xi32>
        %parallel_loop3A_257 = tpu.vector_load_idx %arg8[%parallel_loop3A_256] : memref<16xf32, #tpu.memory_space<vmem>>[vector<16xi32>], vector<16xf32>,
        %parallel_loop3A_258 = vector.bitcast %parallel_loop3A_257 : vector<16xf32> to vector<16xi32>
        %parallel_loop3A_259 = arith.andi %parallel_loop3A_250, %broadcast_in_dim3A_80 : vector<16xi32>
        %parallel_loop3A_260 = arith.xori %parallel_loop3A_258, %parallel_loop3A_259 : vector<16xi32>
        %parallel_loop3A_261 = vector.bitcast %parallel_loop3A_260 : vector<16xi32> to vector<16xf32>
        %parallel_loop3A_262 = arith.constant 0 : i32
        %parallel_loop3A_263 = arith.index_cast %parallel_loop3A_262 : i32 to index
        %parallel_loop3A_264 = arith.index_cast %parallel_loop3A_243 : i32 to index
        %parallel_loop3A_265 = tpu.vector_load %arg17[%parallel_loop3A_263, %parallel_loop3A_264] {strides = array<i32>} : memref<4x2048xf32, #tpu.memory_space<vmem>>, vector<16xf32>,
        tpu.vector_store %arg17[%parallel_loop3A_263, %parallel_loop3A_264], %parallel_loop3A_261 {strides = array<i32>} : memref<4x2048xf32, #tpu.memory_space<vmem>>, vector<16xf32>,
        %parallel_loop3A_266 = arith.constant 1 : i32
        %parallel_loop3A_267 = arith.index_cast %parallel_loop3A_266 : i32 to index
        %parallel_loop3A_268 = arith.index_cast %parallel_loop3A_243 : i32 to index
        %parallel_loop3A_269 = tpu.vector_load %arg13[%parallel_loop3A_267, %parallel_loop3A_268] {strides = array<i32>} : memref<4x2048xf32, #tpu.memory_space<vmem>>, vector<16xf32>,
        %parallel_loop3A_270 = arith.mulf %parallel_loop3A_269, %mul3A_75 : vector<16xf32>
        %parallel_loop3A_271 = arith.subf %parallel_loop3A_270, %mul3A_76 : vector<16xf32>
        %parallel_loop3A_272 = vector.bitcast %parallel_loop3A_271 : vector<16xf32> to vector<16xi32>
        %parallel_loop3A_273 = arith.andi %parallel_loop3A_272, %broadcast_in_dim3A_78 : vector<16xi32>
        %parallel_loop3A_274 = vector.bitcast %parallel_loop3A_273 : vector<16xi32> to vector<16xf32>
        %parallel_loop3A_275 = arith.minimumf %parallel_loop3A_274, %broadcast_in_dim3A_84 : vector<16xf32>
        %parallel_loop3A_276 = arith.subf %broadcast_in_dim3A_86, %parallel_loop3A_275 : vector<16xf32>
        %parallel_loop3A_277 = arith.fptosi %parallel_loop3A_276 : vector<16xf32> to vector<16xi32>
        %parallel_loop3A_278 = arith.subi %broadcast_in_dim3A_82, %parallel_loop3A_277 : vector<16xi32>
        %parallel_loop3A_279 = tpu.vector_load_idx %arg8[%parallel_loop3A_278] : memref<16xf32, #tpu.memory_space<vmem>>[vector<16xi32>], vector<16xf32>,
        %parallel_loop3A_280 = vector.bitcast %parallel_loop3A_279 : vector<16xf32> to vector<16xi32>
        %parallel_loop3A_281 = arith.andi %parallel_loop3A_272, %broadcast_in_dim3A_80 : vector<16xi32>
        %parallel_loop3A_282 = arith.xori %parallel_loop3A_280, %parallel_loop3A_281 : vector<16xi32>
        %parallel_loop3A_283 = vector.bitcast %parallel_loop3A_282 : vector<16xi32> to vector<16xf32>
        %parallel_loop3A_284 = arith.constant 1 : i32
        %parallel_loop3A_285 = arith.index_cast %parallel_loop3A_284 : i32 to index
        %parallel_loop3A_286 = arith.index_cast %parallel_loop3A_243 : i32 to index
        %parallel_loop3A_287 = tpu.vector_load %arg17[%parallel_loop3A_285, %parallel_loop3A_286] {strides = array<i32>} : memref<4x2048xf32, #tpu.memory_space<vmem>>, vector<16xf32>,
        tpu.vector_store %arg17[%parallel_loop3A_285, %parallel_loop3A_286], %parallel_loop3A_283 {strides = array<i32>} : memref<4x2048xf32, #tpu.memory_space<vmem>>, vector<16xf32>,
        %parallel_loop3A_288 = arith.constant 2 : i32
        %parallel_loop3A_289 = arith.index_cast %parallel_loop3A_288 : i32 to index
        %parallel_loop3A_290 = arith.index_cast %parallel_loop3A_243 : i32 to index
        %parallel_loop3A_291 = tpu.vector_load %arg13[%parallel_loop3A_289, %parallel_loop3A_290] {strides = array<i32>} : memref<4x2048xf32, #tpu.memory_space<vmem>>, vector<16xf32>,
        %parallel_loop3A_292 = arith.mulf %parallel_loop3A_291, %mul3A_75 : vector<16xf32>
        %parallel_loop3A_293 = arith.subf %parallel_loop3A_292, %mul3A_76 : vector<16xf32>
        %parallel_loop3A_294 = vector.bitcast %parallel_loop3A_293 : vector<16xf32> to vector<16xi32>
        %parallel_loop3A_295 = arith.andi %parallel_loop3A_294, %broadcast_in_dim3A_78 : vector<16xi32>
        %parallel_loop3A_296 = vector.bitcast %parallel_loop3A_295 : vector<16xi32> to vector<16xf32>
        %parallel_loop3A_297 = arith.minimumf %parallel_loop3A_296, %broadcast_in_dim3A_84 : vector<16xf32>
        %parallel_loop3A_298 = arith.subf %broadcast_in_dim3A_86, %parallel_loop3A_297 : vector<16xf32>
        %parallel_loop3A_299 = arith.fptosi %parallel_loop3A_298 : vector<16xf32> to vector<16xi32>
        %parallel_loop3A_300 = arith.subi %broadcast_in_dim3A_82, %parallel_loop3A_299 : vector<16xi32>
        %parallel_loop3A_301 = tpu.vector_load_idx %arg8[%parallel_loop3A_300] : memref<16xf32, #tpu.memory_space<vmem>>[vector<16xi32>], vector<16xf32>,
        %parallel_loop3A_302 = vector.bitcast %parallel_loop3A_301 : vector<16xf32> to vector<16xi32>
        %parallel_loop3A_303 = arith.andi %parallel_loop3A_294, %broadcast_in_dim3A_80 : vector<16xi32>
        %parallel_loop3A_304 = arith.xori %parallel_loop3A_302, %parallel_loop3A_303 : vector<16xi32>
        %parallel_loop3A_305 = vector.bitcast %parallel_loop3A_304 : vector<16xi32> to vector<16xf32>
        %parallel_loop3A_306 = arith.constant 2 : i32
        %parallel_loop3A_307 = arith.index_cast %parallel_loop3A_306 : i32 to index
        %parallel_loop3A_308 = arith.index_cast %parallel_loop3A_243 : i32 to index
        %parallel_loop3A_309 = tpu.vector_load %arg17[%parallel_loop3A_307, %parallel_loop3A_308] {strides = array<i32>} : memref<4x2048xf32, #tpu.memory_space<vmem>>, vector<16xf32>,
        tpu.vector_store %arg17[%parallel_loop3A_307, %parallel_loop3A_308], %parallel_loop3A_305 {strides = array<i32>} : memref<4x2048xf32, #tpu.memory_space<vmem>>, vector<16xf32>,
        %parallel_loop3A_310 = arith.constant 3 : i32
        %parallel_loop3A_311 = arith.index_cast %parallel_loop3A_310 : i32 to index
        %parallel_loop3A_312 = arith.index_cast %parallel_loop3A_243 : i32 to index
        %parallel_loop3A_313 = tpu.vector_load %arg13[%parallel_loop3A_311, %parallel_loop3A_312] {strides = array<i32>} : memref<4x2048xf32, #tpu.memory_space<vmem>>, vector<16xf32>,
        %parallel_loop3A_314 = arith.mulf %parallel_loop3A_313, %mul3A_75 : vector<16xf32>
        %parallel_loop3A_315 = arith.subf %parallel_loop3A_314, %mul3A_76 : vector<16xf32>
        %parallel_loop3A_316 = vector.bitcast %parallel_loop3A_315 : vector<16xf32> to vector<16xi32>
        %parallel_loop3A_317 = arith.andi %parallel_loop3A_316, %broadcast_in_dim3A_78 : vector<16xi32>
        %parallel_loop3A_318 = vector.bitcast %parallel_loop3A_317 : vector<16xi32> to vector<16xf32>
        %parallel_loop3A_319 = arith.minimumf %parallel_loop3A_318, %broadcast_in_dim3A_84 : vector<16xf32>
        %parallel_loop3A_320 = arith.subf %broadcast_in_dim3A_86, %parallel_loop3A_319 : vector<16xf32>
        %parallel_loop3A_321 = arith.fptosi %parallel_loop3A_320 : vector<16xf32> to vector<16xi32>
        %parallel_loop3A_322 = arith.subi %broadcast_in_dim3A_82, %parallel_loop3A_321 : vector<16xi32>
        %parallel_loop3A_323 = tpu.vector_load_idx %arg8[%parallel_loop3A_322] : memref<16xf32, #tpu.memory_space<vmem>>[vector<16xi32>], vector<16xf32>,
        %parallel_loop3A_324 = vector.bitcast %parallel_loop3A_323 : vector<16xf32> to vector<16xi32>
        %parallel_loop3A_325 = arith.andi %parallel_loop3A_316, %broadcast_in_dim3A_80 : vector<16xi32>
        %parallel_loop3A_326 = arith.xori %parallel_loop3A_324, %parallel_loop3A_325 : vector<16xi32>
        %parallel_loop3A_327 = vector.bitcast %parallel_loop3A_326 : vector<16xi32> to vector<16xf32>
        %parallel_loop3A_328 = arith.constant 3 : i32
        %parallel_loop3A_329 = arith.index_cast %parallel_loop3A_328 : i32 to index
        %parallel_loop3A_330 = arith.index_cast %parallel_loop3A_243 : i32 to index
        %parallel_loop3A_331 = tpu.vector_load %arg17[%parallel_loop3A_329, %parallel_loop3A_330] {strides = array<i32>} : memref<4x2048xf32, #tpu.memory_space<vmem>>, vector<16xf32>,
        tpu.vector_store %arg17[%parallel_loop3A_329, %parallel_loop3A_330], %parallel_loop3A_327 {strides = array<i32>} : memref<4x2048xf32, #tpu.memory_space<vmem>>, vector<16xf32>,
      } {sc.loop_unroll_factor = 8 : i64, sc.parallel_access}
      %mul3A_229 = arith.constant 4 : i32
      %mul3A_230 = arith.muli %add3A_213, %mul3A_229 : i32
      %add3A_231 = arith.addi %mul3A_2, %mul3A_230 : i32
      %dma_start3A_232 = arith.constant 0 : i32
      %dma_start3A_233 = tpu.memref_slice %arg6[%add3A_231, %dma_start3A_232] : memref<2048x2048xf32, #tpu.memory_space<hbm>> -> memref<4x2048xf32, #tpu.memory_space<hbm>>
      %dma_start3A_234 = arith.constant 0 : i32
      %dma_start3A_235 = tpu.memref_slice %arg6[%add3A_231, %dma_start3A_234] : memref<2048x2048xf32, #tpu.memory_space<hbm>> -> memref<4x2048xf32, #tpu.memory_space<hbm>>
      tpu.enqueue_dma source(%arg17 : memref<4x2048xf32, #tpu.memory_space<vmem>>) target(%dma_start3A_235 : memref<4x2048xf32, #tpu.memory_space<hbm>>) target_semaphore(%arg25 : memref<!tpu.dma_semaphore, #tpu.memory_space<semaphore_mem>>)
      %add3A_236 = arith.constant 4 : i32
      %add3A_237 = arith.addi %add3A_213, %add3A_236 : i32
      %lt3A_238 = arith.constant 16 : i32
      %lt3A_239 = arith.cmpi slt, %add3A_237, %lt3A_238 : i32
      %convert_element_type3A_240 = arith.extui %lt3A_239 : i1 to i32
      %cond3A_241 = arith.constant 0 : i32
      %cond3A_242 = arith.cmpi ne, %convert_element_type3A_240, %cond3A_241 : i32
      scf.if %cond3A_242 {
        %add3A_243 = arith.constant 4 : i32
        %add3A_244 = arith.addi %add3A_213, %add3A_243 : i32
        %mul3A_245 = arith.constant 4 : i32
        %mul3A_246 = arith.muli %add3A_244, %mul3A_245 : i32
        %add3A_247 = arith.addi %mul3A_2, %mul3A_246 : i32
        %dma_start3A_248 = arith.constant 0 : i32
        %dma_start3A_249 = tpu.memref_slice %arg2[%add3A_247, %dma_start3A_248] : memref<2048x2048xf32, #tpu.memory_space<hbm>> -> memref<4x2048xf32, #tpu.memory_space<hbm>>
        %dma_start3A_250 = arith.constant 0 : i32
        %dma_start3A_251 = tpu.memref_slice %arg2[%add3A_247, %dma_start3A_250] : memref<2048x2048xf32, #tpu.memory_space<hbm>> -> memref<4x2048xf32, #tpu.memory_space<hbm>>
        tpu.enqueue_dma source(%dma_start3A_251 : memref<4x2048xf32, #tpu.memory_space<hbm>>) target(%arg13 : memref<4x2048xf32, #tpu.memory_space<vmem>>) target_semaphore(%arg21 : memref<!tpu.dma_semaphore, #tpu.memory_space<semaphore_mem>>)
      } else {
      }
    }
    %scan3A_91 = arith.constant 4 : i32
    %add3A_92 = arith.constant 48 : i32
    %add3A_93 = arith.addi %mul3A_2, %add3A_92 : i32
    %dma_wait3A = arith.constant 0 : i32
    %dma_wait3A_94 = tpu.memref_slice %arg6[%add3A_93, %dma_wait3A] : memref<2048x2048xf32, #tpu.memory_space<hbm>> -> memref<4x2048xf32, #tpu.memory_space<hbm>>
    %dma_wait3A_95 = arith.constant 0 : i32
    %dma_wait3A_96 = tpu.memref_slice %arg6[%add3A_93, %dma_wait3A_95] : memref<2048x2048xf32, #tpu.memory_space<hbm>> -> memref<4x2048xf32, #tpu.memory_space<hbm>>
    tpu.wait_dma2 semaphore(%arg22 : memref<!tpu.dma_semaphore, #tpu.memory_space<semaphore_mem>>) src(%arg14 : memref<4x2048xf32, #tpu.memory_space<vmem>>) dst(%dma_wait3A_96 : memref<4x2048xf32, #tpu.memory_space<hbm>>)
    %add3A_97 = arith.constant 52 : i32
    %add3A_98 = arith.addi %mul3A_2, %add3A_97 : i32
    %dma_wait3A_99 = arith.constant 0 : i32
    %dma_wait3A_100 = tpu.memref_slice %arg6[%add3A_98, %dma_wait3A_99] : memref<2048x2048xf32, #tpu.memory_space<hbm>> -> memref<4x2048xf32, #tpu.memory_space<hbm>>
    %dma_wait3A_101 = arith.constant 0 : i32
    %dma_wait3A_102 = tpu.memref_slice %arg6[%add3A_98, %dma_wait3A_101] : memref<2048x2048xf32, #tpu.memory_space<hbm>> -> memref<4x2048xf32, #tpu.memory_space<hbm>>
    tpu.wait_dma2 semaphore(%arg23 : memref<!tpu.dma_semaphore, #tpu.memory_space<semaphore_mem>>) src(%arg15 : memref<4x2048xf32, #tpu.memory_space<vmem>>) dst(%dma_wait3A_102 : memref<4x2048xf32, #tpu.memory_space<hbm>>)
    %add3A_103 = arith.constant 56 : i32
    %add3A_104 = arith.addi %mul3A_2, %add3A_103 : i32
    %dma_wait3A_105 = arith.constant 0 : i32
    %dma_wait3A_106 = tpu.memref_slice %arg6[%add3A_104, %dma_wait3A_105] : memref<2048x2048xf32, #tpu.memory_space<hbm>> -> memref<4x2048xf32, #tpu.memory_space<hbm>>
    %dma_wait3A_107 = arith.constant 0 : i32
    %dma_wait3A_108 = tpu.memref_slice %arg6[%add3A_104, %dma_wait3A_107] : memref<2048x2048xf32, #tpu.memory_space<hbm>> -> memref<4x2048xf32, #tpu.memory_space<hbm>>
    tpu.wait_dma2 semaphore(%arg24 : memref<!tpu.dma_semaphore, #tpu.memory_space<semaphore_mem>>) src(%arg16 : memref<4x2048xf32, #tpu.memory_space<vmem>>) dst(%dma_wait3A_108 : memref<4x2048xf32, #tpu.memory_space<hbm>>)
    %add3A_109 = arith.constant 60 : i32
    %add3A_110 = arith.addi %mul3A_2, %add3A_109 : i32
    %dma_wait3A_111 = arith.constant 0 : i32
    %dma_wait3A_112 = tpu.memref_slice %arg6[%add3A_110, %dma_wait3A_111] : memref<2048x2048xf32, #tpu.memory_space<hbm>> -> memref<4x2048xf32, #tpu.memory_space<hbm>>
    %dma_wait3A_113 = arith.constant 0 : i32
    %dma_wait3A_114 = tpu.memref_slice %arg6[%add3A_110, %dma_wait3A_113] : memref<2048x2048xf32, #tpu.memory_space<hbm>> -> memref<4x2048xf32, #tpu.memory_space<hbm>>
    tpu.wait_dma2 semaphore(%arg25 : memref<!tpu.dma_semaphore, #tpu.memory_space<semaphore_mem>>) src(%arg17 : memref<4x2048xf32, #tpu.memory_space<vmem>>) dst(%dma_wait3A_114 : memref<4x2048xf32, #tpu.memory_space<hbm>>)
    return
  }
}

module attributes {stable_mosaic.version = 14 : i64} {
  func.func @_tc_stats_body(%arg0: i32, %arg1: memref<1024x2048xf32, #tpu.memory_space<vmem>>, %arg2: memref<32xf32, #tpu.memory_space<smem>>, %arg3: memref<2xf32, #tpu.memory_space<smem>>) attributes {dimension_semantics = [#tpu.dimension_semantics<arbitrary>], iteration_bounds = array<i64: 2>, scalar_prefetch = 0 : i64, scratch_operands = 1 : i64, tpu.core_type = #tpu.core_type<tc>, window_params = [{transform_indices = @transform_0, window_bounds = array<i64: 1024, 2048>}, {transform_indices = @transform_1, window_bounds = array<i64: 32>}]} {
    %get3A = arith.constant 0 : index
    %get3A_0 = arith.constant 0 : index
    %get3A_1 = vector.load %arg1[%get3A, %get3A_0] : memref<1024x2048xf32, #tpu.memory_space<vmem>>, vector<1024x2048xf32>
    %reduce_sum3A = vector.shape_cast %get3A_1 : vector<1024x2048xf32> to vector<1x1024x2048xf32>
    %reduce_sum3A_2 = arith.constant dense<0.000000e+00> : vector<1xf32>
    %reduce_sum3A_3 = vector.multi_reduction <add>, %reduce_sum3A, %reduce_sum3A_2 [1, 2] : vector<1x1024x2048xf32> to vector<1xf32>
    %reduce_sum3A_4 = vector.shape_cast %reduce_sum3A_3 : vector<1xf32> to vector<1x1x1xf32>
    %reduce_sum3A_5 = vector.extract %reduce_sum3A_4[0, 0, 0] : f32 from vector<1x1x1xf32>
    %mul3A = arith.mulf %get3A_1, %get3A_1 : vector<1024x2048xf32>
    %reduce_sum3A_6 = vector.shape_cast %mul3A : vector<1024x2048xf32> to vector<1x1024x2048xf32>
    %reduce_sum3A_7 = arith.constant dense<0.000000e+00> : vector<1xf32>
    %reduce_sum3A_8 = vector.multi_reduction <add>, %reduce_sum3A_6, %reduce_sum3A_7 [1, 2] : vector<1x1024x2048xf32> to vector<1xf32>
    %reduce_sum3A_9 = vector.shape_cast %reduce_sum3A_8 : vector<1xf32> to vector<1x1x1xf32>
    %reduce_sum3A_10 = vector.extract %reduce_sum3A_9[0, 0, 0] : f32 from vector<1x1x1xf32>
    %eq3A = arith.constant 0 : i32
    %eq3A_11 = arith.cmpi eq, %arg0, %eq3A : i32
    %convert_element_type3A = arith.extui %eq3A_11 : i1 to i32
    %cond3A = arith.constant 0 : i32
    %cond3A_12 = arith.cmpi ne, %convert_element_type3A, %cond3A : i32
    scf.if %cond3A_12 {
      %swap3A_26 = arith.constant 0.000000e+00 : f32
      %swap3A_27 = arith.constant 0 : index
      %swap3A_28 = memref.load %arg3[%swap3A_27] : memref<2xf32, #tpu.memory_space<smem>>
      memref.store %swap3A_26, %arg3[%swap3A_27] : memref<2xf32, #tpu.memory_space<smem>>
      %swap3A_29 = arith.constant 0.000000e+00 : f32
      %swap3A_30 = arith.constant 1 : index
      %swap3A_31 = memref.load %arg3[%swap3A_30] : memref<2xf32, #tpu.memory_space<smem>>
      memref.store %swap3A_29, %arg3[%swap3A_30] : memref<2xf32, #tpu.memory_space<smem>>
    } else {
    }
    %get3A_13 = arith.constant 0 : index
    %get3A_14 = memref.load %arg3[%get3A_13] : memref<2xf32, #tpu.memory_space<smem>>
    %add3A = arith.addf %get3A_14, %reduce_sum3A_5 : f32
    %swap3A = arith.constant 0 : index
    %swap3A_15 = memref.load %arg3[%swap3A] : memref<2xf32, #tpu.memory_space<smem>>
    memref.store %add3A, %arg3[%swap3A] : memref<2xf32, #tpu.memory_space<smem>>
    %get3A_16 = arith.constant 1 : index
    %get3A_17 = memref.load %arg3[%get3A_16] : memref<2xf32, #tpu.memory_space<smem>>
    %add3A_18 = arith.addf %get3A_17, %reduce_sum3A_10 : f32
    %swap3A_19 = arith.constant 1 : index
    %swap3A_20 = memref.load %arg3[%swap3A_19] : memref<2xf32, #tpu.memory_space<smem>>
    memref.store %add3A_18, %arg3[%swap3A_19] : memref<2xf32, #tpu.memory_space<smem>>
    %eq3A_21 = arith.constant 1 : i32
    %eq3A_22 = arith.cmpi eq, %arg0, %eq3A_21 : i32
    %convert_element_type3A_23 = arith.extui %eq3A_22 : i1 to i32
    %cond3A_24 = arith.constant 0 : i32
    %cond3A_25 = arith.cmpi ne, %convert_element_type3A_23, %cond3A_24 : i32
    scf.if %cond3A_25 {
      %get3A_26 = arith.constant 0 : index
      %get3A_27 = memref.load %arg3[%get3A_26] : memref<2xf32, #tpu.memory_space<smem>>
      %swap3A_28 = arith.constant 0 : index
      %swap3A_29 = memref.load %arg2[%swap3A_28] : memref<32xf32, #tpu.memory_space<smem>>
      memref.store %get3A_27, %arg2[%swap3A_28] : memref<32xf32, #tpu.memory_space<smem>>
      %get3A_30 = arith.constant 1 : index
      %get3A_31 = memref.load %arg3[%get3A_30] : memref<2xf32, #tpu.memory_space<smem>>
      %swap3A_32 = arith.constant 16 : index
      %swap3A_33 = memref.load %arg2[%swap3A_32] : memref<32xf32, #tpu.memory_space<smem>>
      memref.store %get3A_31, %arg2[%swap3A_32] : memref<32xf32, #tpu.memory_space<smem>>
      %get3A_34 = arith.constant 0 : index
      %get3A_35 = memref.load %arg3[%get3A_34] : memref<2xf32, #tpu.memory_space<smem>>
      %swap3A_36 = arith.constant 1 : index
      %swap3A_37 = memref.load %arg2[%swap3A_36] : memref<32xf32, #tpu.memory_space<smem>>
      memref.store %get3A_35, %arg2[%swap3A_36] : memref<32xf32, #tpu.memory_space<smem>>
      %get3A_38 = arith.constant 1 : index
      %get3A_39 = memref.load %arg3[%get3A_38] : memref<2xf32, #tpu.memory_space<smem>>
      %swap3A_40 = arith.constant 17 : index
      %swap3A_41 = memref.load %arg2[%swap3A_40] : memref<32xf32, #tpu.memory_space<smem>>
      memref.store %get3A_39, %arg2[%swap3A_40] : memref<32xf32, #tpu.memory_space<smem>>
      %get3A_42 = arith.constant 0 : index
      %get3A_43 = memref.load %arg3[%get3A_42] : memref<2xf32, #tpu.memory_space<smem>>
      %swap3A_44 = arith.constant 2 : index
      %swap3A_45 = memref.load %arg2[%swap3A_44] : memref<32xf32, #tpu.memory_space<smem>>
      memref.store %get3A_43, %arg2[%swap3A_44] : memref<32xf32, #tpu.memory_space<smem>>
      %get3A_46 = arith.constant 1 : index
      %get3A_47 = memref.load %arg3[%get3A_46] : memref<2xf32, #tpu.memory_space<smem>>
      %swap3A_48 = arith.constant 18 : index
      %swap3A_49 = memref.load %arg2[%swap3A_48] : memref<32xf32, #tpu.memory_space<smem>>
      memref.store %get3A_47, %arg2[%swap3A_48] : memref<32xf32, #tpu.memory_space<smem>>
      %get3A_50 = arith.constant 0 : index
      %get3A_51 = memref.load %arg3[%get3A_50] : memref<2xf32, #tpu.memory_space<smem>>
      %swap3A_52 = arith.constant 3 : index
      %swap3A_53 = memref.load %arg2[%swap3A_52] : memref<32xf32, #tpu.memory_space<smem>>
      memref.store %get3A_51, %arg2[%swap3A_52] : memref<32xf32, #tpu.memory_space<smem>>
      %get3A_54 = arith.constant 1 : index
      %get3A_55 = memref.load %arg3[%get3A_54] : memref<2xf32, #tpu.memory_space<smem>>
      %swap3A_56 = arith.constant 19 : index
      %swap3A_57 = memref.load %arg2[%swap3A_56] : memref<32xf32, #tpu.memory_space<smem>>
      memref.store %get3A_55, %arg2[%swap3A_56] : memref<32xf32, #tpu.memory_space<smem>>
      %get3A_58 = arith.constant 0 : index
      %get3A_59 = memref.load %arg3[%get3A_58] : memref<2xf32, #tpu.memory_space<smem>>
      %swap3A_60 = arith.constant 4 : index
      %swap3A_61 = memref.load %arg2[%swap3A_60] : memref<32xf32, #tpu.memory_space<smem>>
      memref.store %get3A_59, %arg2[%swap3A_60] : memref<32xf32, #tpu.memory_space<smem>>
      %get3A_62 = arith.constant 1 : index
      %get3A_63 = memref.load %arg3[%get3A_62] : memref<2xf32, #tpu.memory_space<smem>>
      %swap3A_64 = arith.constant 20 : index
      %swap3A_65 = memref.load %arg2[%swap3A_64] : memref<32xf32, #tpu.memory_space<smem>>
      memref.store %get3A_63, %arg2[%swap3A_64] : memref<32xf32, #tpu.memory_space<smem>>
      %get3A_66 = arith.constant 0 : index
      %get3A_67 = memref.load %arg3[%get3A_66] : memref<2xf32, #tpu.memory_space<smem>>
      %swap3A_68 = arith.constant 5 : index
      %swap3A_69 = memref.load %arg2[%swap3A_68] : memref<32xf32, #tpu.memory_space<smem>>
      memref.store %get3A_67, %arg2[%swap3A_68] : memref<32xf32, #tpu.memory_space<smem>>
      %get3A_70 = arith.constant 1 : index
      %get3A_71 = memref.load %arg3[%get3A_70] : memref<2xf32, #tpu.memory_space<smem>>
      %swap3A_72 = arith.constant 21 : index
      %swap3A_73 = memref.load %arg2[%swap3A_72] : memref<32xf32, #tpu.memory_space<smem>>
      memref.store %get3A_71, %arg2[%swap3A_72] : memref<32xf32, #tpu.memory_space<smem>>
      %get3A_74 = arith.constant 0 : index
      %get3A_75 = memref.load %arg3[%get3A_74] : memref<2xf32, #tpu.memory_space<smem>>
      %swap3A_76 = arith.constant 6 : index
      %swap3A_77 = memref.load %arg2[%swap3A_76] : memref<32xf32, #tpu.memory_space<smem>>
      memref.store %get3A_75, %arg2[%swap3A_76] : memref<32xf32, #tpu.memory_space<smem>>
      %get3A_78 = arith.constant 1 : index
      %get3A_79 = memref.load %arg3[%get3A_78] : memref<2xf32, #tpu.memory_space<smem>>
      %swap3A_80 = arith.constant 22 : index
      %swap3A_81 = memref.load %arg2[%swap3A_80] : memref<32xf32, #tpu.memory_space<smem>>
      memref.store %get3A_79, %arg2[%swap3A_80] : memref<32xf32, #tpu.memory_space<smem>>
      %get3A_82 = arith.constant 0 : index
      %get3A_83 = memref.load %arg3[%get3A_82] : memref<2xf32, #tpu.memory_space<smem>>
      %swap3A_84 = arith.constant 7 : index
      %swap3A_85 = memref.load %arg2[%swap3A_84] : memref<32xf32, #tpu.memory_space<smem>>
      memref.store %get3A_83, %arg2[%swap3A_84] : memref<32xf32, #tpu.memory_space<smem>>
      %get3A_86 = arith.constant 1 : index
      %get3A_87 = memref.load %arg3[%get3A_86] : memref<2xf32, #tpu.memory_space<smem>>
      %swap3A_88 = arith.constant 23 : index
      %swap3A_89 = memref.load %arg2[%swap3A_88] : memref<32xf32, #tpu.memory_space<smem>>
      memref.store %get3A_87, %arg2[%swap3A_88] : memref<32xf32, #tpu.memory_space<smem>>
      %get3A_90 = arith.constant 0 : index
      %get3A_91 = memref.load %arg3[%get3A_90] : memref<2xf32, #tpu.memory_space<smem>>
      %swap3A_92 = arith.constant 8 : index
      %swap3A_93 = memref.load %arg2[%swap3A_92] : memref<32xf32, #tpu.memory_space<smem>>
      memref.store %get3A_91, %arg2[%swap3A_92] : memref<32xf32, #tpu.memory_space<smem>>
      %get3A_94 = arith.constant 1 : index
      %get3A_95 = memref.load %arg3[%get3A_94] : memref<2xf32, #tpu.memory_space<smem>>
      %swap3A_96 = arith.constant 24 : index
      %swap3A_97 = memref.load %arg2[%swap3A_96] : memref<32xf32, #tpu.memory_space<smem>>
      memref.store %get3A_95, %arg2[%swap3A_96] : memref<32xf32, #tpu.memory_space<smem>>
      %get3A_98 = arith.constant 0 : index
      %get3A_99 = memref.load %arg3[%get3A_98] : memref<2xf32, #tpu.memory_space<smem>>
      %swap3A_100 = arith.constant 9 : index
      %swap3A_101 = memref.load %arg2[%swap3A_100] : memref<32xf32, #tpu.memory_space<smem>>
      memref.store %get3A_99, %arg2[%swap3A_100] : memref<32xf32, #tpu.memory_space<smem>>
      %get3A_102 = arith.constant 1 : index
      %get3A_103 = memref.load %arg3[%get3A_102] : memref<2xf32, #tpu.memory_space<smem>>
      %swap3A_104 = arith.constant 25 : index
      %swap3A_105 = memref.load %arg2[%swap3A_104] : memref<32xf32, #tpu.memory_space<smem>>
      memref.store %get3A_103, %arg2[%swap3A_104] : memref<32xf32, #tpu.memory_space<smem>>
      %get3A_106 = arith.constant 0 : index
      %get3A_107 = memref.load %arg3[%get3A_106] : memref<2xf32, #tpu.memory_space<smem>>
      %swap3A_108 = arith.constant 10 : index
      %swap3A_109 = memref.load %arg2[%swap3A_108] : memref<32xf32, #tpu.memory_space<smem>>
      memref.store %get3A_107, %arg2[%swap3A_108] : memref<32xf32, #tpu.memory_space<smem>>
      %get3A_110 = arith.constant 1 : index
      %get3A_111 = memref.load %arg3[%get3A_110] : memref<2xf32, #tpu.memory_space<smem>>
      %swap3A_112 = arith.constant 26 : index
      %swap3A_113 = memref.load %arg2[%swap3A_112] : memref<32xf32, #tpu.memory_space<smem>>
      memref.store %get3A_111, %arg2[%swap3A_112] : memref<32xf32, #tpu.memory_space<smem>>
      %get3A_114 = arith.constant 0 : index
      %get3A_115 = memref.load %arg3[%get3A_114] : memref<2xf32, #tpu.memory_space<smem>>
      %swap3A_116 = arith.constant 11 : index
      %swap3A_117 = memref.load %arg2[%swap3A_116] : memref<32xf32, #tpu.memory_space<smem>>
      memref.store %get3A_115, %arg2[%swap3A_116] : memref<32xf32, #tpu.memory_space<smem>>
      %get3A_118 = arith.constant 1 : index
      %get3A_119 = memref.load %arg3[%get3A_118] : memref<2xf32, #tpu.memory_space<smem>>
      %swap3A_120 = arith.constant 27 : index
      %swap3A_121 = memref.load %arg2[%swap3A_120] : memref<32xf32, #tpu.memory_space<smem>>
      memref.store %get3A_119, %arg2[%swap3A_120] : memref<32xf32, #tpu.memory_space<smem>>
      %get3A_122 = arith.constant 0 : index
      %get3A_123 = memref.load %arg3[%get3A_122] : memref<2xf32, #tpu.memory_space<smem>>
      %swap3A_124 = arith.constant 12 : index
      %swap3A_125 = memref.load %arg2[%swap3A_124] : memref<32xf32, #tpu.memory_space<smem>>
      memref.store %get3A_123, %arg2[%swap3A_124] : memref<32xf32, #tpu.memory_space<smem>>
      %get3A_126 = arith.constant 1 : index
      %get3A_127 = memref.load %arg3[%get3A_126] : memref<2xf32, #tpu.memory_space<smem>>
      %swap3A_128 = arith.constant 28 : index
      %swap3A_129 = memref.load %arg2[%swap3A_128] : memref<32xf32, #tpu.memory_space<smem>>
      memref.store %get3A_127, %arg2[%swap3A_128] : memref<32xf32, #tpu.memory_space<smem>>
      %get3A_130 = arith.constant 0 : index
      %get3A_131 = memref.load %arg3[%get3A_130] : memref<2xf32, #tpu.memory_space<smem>>
      %swap3A_132 = arith.constant 13 : index
      %swap3A_133 = memref.load %arg2[%swap3A_132] : memref<32xf32, #tpu.memory_space<smem>>
      memref.store %get3A_131, %arg2[%swap3A_132] : memref<32xf32, #tpu.memory_space<smem>>
      %get3A_134 = arith.constant 1 : index
      %get3A_135 = memref.load %arg3[%get3A_134] : memref<2xf32, #tpu.memory_space<smem>>
      %swap3A_136 = arith.constant 29 : index
      %swap3A_137 = memref.load %arg2[%swap3A_136] : memref<32xf32, #tpu.memory_space<smem>>
      memref.store %get3A_135, %arg2[%swap3A_136] : memref<32xf32, #tpu.memory_space<smem>>
      %get3A_138 = arith.constant 0 : index
      %get3A_139 = memref.load %arg3[%get3A_138] : memref<2xf32, #tpu.memory_space<smem>>
      %swap3A_140 = arith.constant 14 : index
      %swap3A_141 = memref.load %arg2[%swap3A_140] : memref<32xf32, #tpu.memory_space<smem>>
      memref.store %get3A_139, %arg2[%swap3A_140] : memref<32xf32, #tpu.memory_space<smem>>
      %get3A_142 = arith.constant 1 : index
      %get3A_143 = memref.load %arg3[%get3A_142] : memref<2xf32, #tpu.memory_space<smem>>
      %swap3A_144 = arith.constant 30 : index
      %swap3A_145 = memref.load %arg2[%swap3A_144] : memref<32xf32, #tpu.memory_space<smem>>
      memref.store %get3A_143, %arg2[%swap3A_144] : memref<32xf32, #tpu.memory_space<smem>>
      %get3A_146 = arith.constant 0 : index
      %get3A_147 = memref.load %arg3[%get3A_146] : memref<2xf32, #tpu.memory_space<smem>>
      %swap3A_148 = arith.constant 15 : index
      %swap3A_149 = memref.load %arg2[%swap3A_148] : memref<32xf32, #tpu.memory_space<smem>>
      memref.store %get3A_147, %arg2[%swap3A_148] : memref<32xf32, #tpu.memory_space<smem>>
      %get3A_150 = arith.constant 1 : index
      %get3A_151 = memref.load %arg3[%get3A_150] : memref<2xf32, #tpu.memory_space<smem>>
      %swap3A_152 = arith.constant 31 : index
      %swap3A_153 = memref.load %arg2[%swap3A_152] : memref<32xf32, #tpu.memory_space<smem>>
      memref.store %get3A_151, %arg2[%swap3A_152] : memref<32xf32, #tpu.memory_space<smem>>
    } else {
    }
    return
  }
  func.func @transform_0(%arg0: i32) -> (i32, i32) {
    %c0_i32 = arith.constant 0 : i32
    %c0_i32_0 = arith.constant 0 : i32
    return %arg0, %c0_i32 : i32, i32
  }
  func.func @transform_1(%arg0: i32) -> i32 {
    %c0_i32 = arith.constant 0 : i32
    %c0_i32_0 = arith.constant 0 : i32
    return %c0_i32 : i32
  }
}

</mosaic_0001>

<sc_bundles>
// kernel: kernel.4.cloned.1.call-start
scs
__scs_entry_jumppad:
0x0: {  	(pc) =	sbr.rel $0x88, $3  }
0x1: {  	(tag) =	ssettag $0x0;
	lr =	simm.s32 $0x1  }
0x2: {  	[smem:$0x3F9F] =	sst lr;
	_ =	strace $0xD0000000  }
0x3: {  	_ = 	snop  }
0x4: {  	_ = 	snop  }
0x5: {  	_ = 	snop  }
0x6: {  	_ = 	snop  }
0x7: {  	_ = 	snop  }
__scs_overlays_trampoline_lowered:
0x8: {  	[smem:$0x3FAE] =	sst s0  }
0x9: {  	[smem:$0x3FAF] =	sst s1  }
0xa: {  	[smem:$0x3FB0] =	sst s2  }
0xb: {  	[smem:$0x3FB1] =	sst s3  }
0xc: {  	[smem:$0x3FB2] =	sst s4  }
0xd: {  	[smem:$0x3FB3] =	sst s5  }
0xe: {  	[smem:$0x3FB4] =	sst s6  }
0xf: {  	[smem:$0x3FB5] =	sst s7  }
0x10: {  	[smem:$0x3FB6] =	sst s8  }
0x11: {  	[smem:$0x3FB7] =	sst s9;
	s0 =	simm.s32 @!p0 $0x0  }
0x12: {  	s1 =	sld [smem:$0x3F9D];
	s0 =	simm.s32 @p0 $0x1  }
0x13: {  	[smem:$0x3FB8] =	sst s0;
	s0 =	simm.s32 @!p1 $0x0  }
0x14: {  	s2 =	sld [smem:$0x3F9C];
	s0 =	simm.s32 @p1 $0x1  }
0x15: {  	[smem:$0x3FB9] =	sst s0;
	s0 =	simm.s32 @!p2 $0x0  }
0x16: {  	s3 =	sld [smem:$0x3FDB];
	s0 =	simm.s32 @p2 $0x1  }
0x17: {  	s4 =	simm.s32 $0x1BF5;
	[smem:$0x3FBB] =	sst s0  }
0x18: {  	s0 =	sld [smem:$0x3F9E];
	_ =	swait.ge [sflag:s4], $0x0  }
0x19: {  	s7 =	sld [smem:$0x3F9F]  }
0x1a: {  	s8 =	sadd.s32 $0xFFFFE003, lr  }
0x1b: {  	s9 =	sadd.s32 $0xFFFFFEF7, lr;
	s5 =	simm.s32 $0xFFFFFFFF;
	p2 =	slt.u32 s8, $0xFFFFF086  }
0x1c: {  	p1 =	slt.u32 s9, $0xF7A;
	s5 =	simm.s32 @!p2 $0x0  }
0x1d: {  	s5 =	simm.s32 @p1 $0x1;
	p0 =	seq.s32 s7, s2  }
0x1e: {  	s7 =	smul.u32 @!p0 $0xF7A, s2;
	p2 =	seq.s32 @!p0 s5, $0x0  }
0x1f: {  	s9 =	smul.u32 $0xF7A, s1;
	s8 =	simm.s32 @!p0 $0x1BF5;
	p2 =	por !p2, p0  }
0x20: {  	[sflag:s8] =	ssyncset.s32 @!p0 $0xFFFFF086;
	s6 =	sadd.s32 @!p0 s3, s7;
	s7 =	simm.s32 @!p0 $0x108  }
0x21: {  	s3 =	sadd.s32 s3, s9;
	s6 =	sadd.s32 @!p0 $0x88, s6;
	s7 =	simm.s32 @p2 $0x1082  }
0x22: {  	[simem:s7], [sflag:s8] =	dma.local @!p0 [hbm:s6], $0xF7A  }
0x23: {  	s9 =	sor.u32 $0xD0000000, s2;
	s6 =	simm.s32 $0x108;
	_ =	swait.ge @!p0 [sflag:s8], $0x0  }
0x24: {  	s3 =	sadd.s32 $0x88, s3;
	s6 =	simm.s32 @!p1 $0x1082;
	[sflag:s4] =	ssyncset.s32 $0xFFFFF086  }
0x25: {  	[simem:s6], [sflag:s4] =	dma.local [hbm:s3], $0xF7A  }
0x26: {  	[smem:$0x3F9F] =	sst s1;
	(tag) =	ssettag s2;
	_ =	strace s9  }
0x27: {  	s1 =	sld [smem:$0x3FAF]  }
0x28: {  	s2 =	sld [smem:$0x3FB0]  }
0x29: {  	s4 =	sld [smem:$0x3FB2]  }
0x2a: {  	p0 =	seq.s32 s5, $0x0;
	s5 =	sld [smem:$0x3FB3]  }
0x2b: {  	s6 =	sld [smem:$0x3FB4]  }
0x2c: {  	s7 =	sld [smem:$0x3FB5]  }
0x2d: {  	s3 =	simm.s32 $0x108;
	s8 =	sld [smem:$0x3FB6]  }
0x2e: {  	s3 =	simm.s32 @!p0 $0x1082;
	s9 =	sld [smem:$0x3FB7]  }
0x2f: {  	lr =	sadd.s32 s0, s3;
	s0 =	sld [smem:$0x3FAE]  }
0x30: {  	s3 =	sld [smem:$0x3FB1]  }
0x31: {  	[smem:$0x3FBA] =	sst s10  }
0x32: {  	s10 =	sld [smem:$0x3FB8];
	_ =	sdelay $0x3  }
0x33: {  	p0 =	seq.s32 s10, $0x1;
	s10 =	sld [smem:$0x3FBA];
	_ =	sdelay $0x3  }
0x34: {  	[smem:$0x3FBA] =	sst s10  }
0x35: {  	s10 =	sld [smem:$0x3FB9];
	_ =	sdelay $0x3  }
0x36: {  	p1 =	seq.s32 s10, $0x1;
	s10 =	sld [smem:$0x3FBA];
	_ =	sdelay $0x3  }
0x37: {  	[smem:$0x3FBA] =	sst s10  }
0x38: {  	s10 =	sld [smem:$0x3FBB]  }
0x39: {  	_ = 	snop;
	(pc) =	sbr.ind lr, $3  }
0x3a: {  	_ = 	snop  }
0x3b: {  	_ = 	snop  }
0x3c: {  	p2 =	seq.s32 s10, $0x1;
	s10 =	sld [smem:$0x3FBA]  }
0x3d: {  	_ =	shalt  }
0x3e: {  	_ =	shalt  }
0x3f: {  	_ =	shalt  }
0x40: {  	_ =	shalt  }
0x41: {  	_ =	shalt  }
0x42: {  	_ =	shalt  }
0x43: {  	_ =	shalt  }
0x44: {  	_ =	shalt  }
0x45: {  	_ =	shalt  }
0x46: {  	_ =	shalt  }
0x47: {  	_ =	shalt  }
0x48: {  	_ =	shalt  }
0x49: {  	_ =	shalt  }
0x4a: {  	_ =	shalt  }
0x4b: {  	_ =	shalt  }
0x4c: {  	_ =	shalt  }
0x4d: {  	_ =	shalt  }
0x4e: {  	_ =	shalt  }
0x4f: {  	_ =	shalt  }
0x50: {  	_ =	shalt  }
0x51: {  	_ =	shalt  }
0x52: {  	_ =	shalt  }
0x53: {  	_ =	shalt  }
0x54: {  	_ =	shalt  }
0x55: {  	_ =	shalt  }
0x56: {  	_ =	shalt  }
0x57: {  	_ =	shalt  }
0x58: {  	_ =	shalt  }
0x59: {  	_ =	shalt  }
0x5a: {  	_ =	shalt  }
0x5b: {  	_ =	shalt  }
0x5c: {  	_ =	shalt  }
0x5d: {  	_ =	shalt  }
0x5e: {  	_ =	shalt  }
0x5f: {  	_ =	shalt  }
0x60: {  	_ =	shalt  }
0x61: {  	_ =	shalt  }
0x62: {  	_ =	shalt  }
0x63: {  	_ =	shalt  }
0x64: {  	_ =	shalt  }
0x65: {  	_ =	shalt  }
0x66: {  	_ =	shalt  }
0x67: {  	_ =	shalt  }
0x68: {  	_ =	shalt  }
0x69: {  	_ =	shalt  }
0x6a: {  	_ =	shalt  }
0x6b: {  	_ =	shalt  }
0x6c: {  	_ =	shalt  }
0x6d: {  	_ =	shalt  }
0x6e: {  	_ =	shalt  }
0x6f: {  	_ =	shalt  }
0x70: {  	_ =	shalt  }
0x71: {  	_ =	shalt  }
0x72: {  	_ =	shalt  }
0x73: {  	_ =	shalt  }
0x74: {  	_ =	shalt  }
0x75: {  	_ =	shalt  }
0x76: {  	_ =	shalt  }
0x77: {  	_ =	shalt  }
0x78: {  	_ =	shalt  }
0x79: {  	_ =	shalt  }
0x7a: {  	_ =	shalt  }
0x7b: {  	_ =	shalt  }
0x7c: {  	_ =	shalt  }
0x7d: {  	_ =	shalt  }
0x7e: {  	_ =	shalt  }
0x7f: {  	_ =	shalt  }
0x80: {  	_ =	shalt  }
0x81: {  	_ =	shalt  }
0x82: {  	_ =	shalt  }
0x83: {  	_ =	shalt  }
0x84: {  	_ =	shalt  }
0x85: {  	_ =	shalt  }
0x86: {  	_ =	shalt  }
0x87: {  	_ =	shalt  }
.Lfunc_end0:
.L_simem_size_0:
called_computation_lowered:
.L_overlay_start_0:
0x88: {  	s2 =	sld [smem:$0x3FD9]  }
0x89: {  	s3 =	sld [smem:$0x3FFE];
	_ =	sdelay $0x1  }
0x8a: {  	s1 =	srdreg.scid  }
0x8b: {  	s0 =	sand.u32 $0x1, s1  }
0x8c: {  	s17 =	sshll.u32 s0, $0xA;
	s2 =	sadd.s32 s3, s2  }
0x8d: {  	s2 =	sadd.s32 s2, s17  }
0x8e: {  	[smem:$0x3FC6] =	sst s2  }
0x8f: {  	_ = 	snop  }
0x90: {  	s2 =	sld [smem:$0x3FC9]  }
0x91: {  	s18 =	sld [smem:$0x3FD0];
	(tm) =	ssettm $0x1  }
0x92: {  	s4 =	sld [smem:$0x3FFB];
	_ =	sdelay $0x3  }
0x93: {  	_ =	strace s4  }
0x94: {  	s4 =	sld [smem:$0x3FFC];
	_ =	sdelay $0x3  }
0x95: {  	_ =	strace s4  }
0x96: {  	s4 =	sld [smem:$0x3FFD];
	_ =	sdelay $0x3  }
0x97: {  	_ =	strace s4  }
0x98: {  	_ =	strace $0x8FFFFFFF  }
0x99: {  	s19 =	sld [smem:$0x3FDB];
	_ =	sdelay $0x1  }
0x9a: {  	s5 =	simm.s32 $_scs_section_size  }
0x9b: {  	s6 =	simm.s32 $_size__tile_overlayer_lowered;
	s7 =	simm.s32 $_tile_overlayer_lowered  }
0x9c: {  	s22 =	simm.s32 $0x1BFF;
	s21 =	sshll.u32 s7, $0x1;
	s4 =	sadd.s32 s5, s19  }
0x9d: {  	s8 =	simm.s32 $0x0;
	s20 =	sshll.u32 s6, $0x1;
	s6 =	sadd.s32 s21, s4  }
0x9e: {  	[timem:s8], [sflag:s22] =	dma.local [hbm:s6], s20  }
0x9f: {  	_ =	swait.ge [sflag:s22], s20  }
0xa0: {  	s5 =	ssub.s32 $0x0, s20;
	[sflag:s22] =	ssyncset.done $0x0  }
0xa1: {  	[sflag:s22] =	ssyncadd.s32 s5;
	_ =	sdelay $0x1  }
0xa2: {  	s23 =	simm.s32 $0x1B8B  }
0xa3: {  	_ =	swait.ge [sflag:s23], $0x1  }
0xa4: {  	[sflag:s23] =	ssyncset.done $0x0  }
0xa5: {  	s25 =	simm.s32 $0x1B8E;
	s24 =	sld [smem:$0x3FFE];
	[sflag:s23] =	ssyncadd.s32 $0xFFFFFFFF  }
0xa6: {  	s26 =	simm.s32 $execute0_lowered;
	[smem:$0x3FD2] =	sst s25  }
0xa7: {  	s6 =	sshll.u32 s26, $0x1;
	_ =	strace $0x80000046;
	[dreg:$0x1] =	wrdreg $0xFFFFFFFF  }
0xa8: {  	s28 =	simm.s32 $_size_execute0_lowered;
	s4 =	sadd.s32 s4, s6;
	[dreg:$0x0] =	wrdreg $0x0  }
0xa9: {  	s6 =	sshll.u32 s28, $0x1;
	[dreg:$0x2] =	wrdreg s4  }
0xaa: {  	[dreg:$0x3] =	wrdreg s6  }
0xab: {  	[dreg:$0x4] =	wrdreg $0xC0  }
0xac: {  	_ =	task [dreg:s8], $0x5FFFF  }
0xad: {  	[dreg:$0x1] =	wrdreg $0xFFFFFFFF  }
0xae: {  	[dreg:$0x0] =	wrdreg $0x60  }
0xaf: {  	[dreg:$0x2] =	wrdreg s2  }
0xb0: {  	[dreg:$0x3] =	wrdreg s24  }
0xb1: {  	[dreg:$0x4] =	wrdreg s18  }
0xb2: {  	[dreg:$0x5] =	wrdreg $0x9  }
0xb3: {  	_ =	task.clear_ibuf [dreg:s8], $0x6FFFF;
	_ =	strace $0x90000046  }
0xb4: {  	s29 =	simm.s32 $0x9;
	_ =	strace $0x80000048  }
0xb5: {  	_ =	swait.ge [sflag:s29], $0x1  }
0xb6: {  	[sflag:s29] =	ssyncadd.s32 $0xFFFFFFFF  }
0xb7: {  	_ =	strace $0x90000048  }
0xb8: {  	_ =	sfence  }
0xb9: {  	s30 =	sld [smem:$0x0];
	_ =	sdelay $0x2  }
0xba: {  	s31 =	sshll.u32 s1, $0xD;
	s1 =	sshrl.u32 s1, $0x2  }
0xbb: {  	s3 =	sand.u32 $0x4000, s31;
	s1 =	sadd.s32 s1, s30  }
0xbc: {  	s0 =	sor.u32 s3, s0;
	s1 =	sshll.u32 s1, $0x11  }
0xbd: {  	s0 =	sor.u32 s1, s0  }
0xbe: {  	s0 =	sadd.s32 $0x8F2B, s0  }
0xbf: {  	[sflag:s0] =	ssyncadd.remote.s32 $0x1  }
0xc0: {  	_ =	sfence.sel $0xFFFF  }
0xc1: {  	[dreg:$0x0] =	wrdreg $0xFFFFFFFF;
	(pc) =	sbr.abs _section_cstart, $3  }
0xc2: {  	[dreg:$0x1] =	wrdreg $0xFFFFFFFF  }
0xc3: {  	_ =	task.clear_ibuf [dreg:s8], $0x2FFFF;
	_ =	strace $0x9FFFFFFF  }
0xc4: {  	(tm) =	ssettm $0x7FFFFFFF  }
0xc5: {  	_ =	shalt  }
tec
execute0_lowered:
.L_overlay_start_1:
0x0: {  	(tag) =	ssettag $0x1  }
0x1: {  	s0 =	rddreg [dreg:$0x0]  }
0x2: {  	s2 =	rddreg [dreg:$0x1]  }
0x3: {  	s1 =	rddreg [dreg:$0x2];
	s3 =	simm.s32 $0x0;
	s18 =	srdreg.scid  }
0x4: {  	s4 =	stileid.u32;
	s29 =	simm.s32 $0x1;
	s30 =	simm.s32 $0x8180  }
0x5: {  	s31 =	simm.s32 $0x2;
	s28 =	simm.s32 $0x3;
	s7 =	simm.s32 $0x4  }
0x6: {  	s9 =	simm.s32 $0x8;
	s10 =	simm.s32 $0xE180;
	s8 =	simm.s32 $0x0  }
0x7: {  	[smem:$0x7FF] =	sst s3;
	s3 =	sand.u32 $0x1, s18;
	s5 =	sadd.s32 $0x800, s2  }
0x8: {  	s4 =	sshll.u32 s4, $0xF;
	s6 =	sadd.s32 $0xA00, s2;
	s2 =	sadd.s32 $0xC00, s2  }
0x9: {  	s13 =	sadd.s32 $0x40, s1;
	_ =	strace $0x80000047;
	[dreg:$0x4] =	wrdreg s5  }
0xa: {  	s19 =	sshll.u32 s3, $0xE;
	[dreg:$0x5] =	wrdreg s6;
	s3 =	ssub.s32 $0x2, s3  }
0xb: {  	[dreg:$0x6] =	wrdreg s2;
	s2 =	simm.s32 $0xA180;
	s6 =	sor.u32 s19, s4  }
0xc: {  	s5 =	simm.s32 $0xC180;
	s20 =	sshrl.u32 s3, $0x1;
	s4 =	sadd.s32 s0, s6  }
0xd: {  	s19 =	simm.s32 $0x200;
	s22 =	sadd.s32 $0x40, s4;
	[dreg:$0x7] =	wrdreg s4  }
0xe: {  	s21 =	ssub.s32 s3, s20;
	s23 =	sadd.s32 $0x800, s4;
	[dreg:$0x8] =	wrdreg s22  }
0xf: {  	s18 =	sor.u32 $0x800, s6;
	s24 =	sadd.s32 $0x840, s4;
	[dreg:$0x9] =	wrdreg s23  }
.Ltmp0:
0x10: {  	s25 =	sadd.s32 $0x1000, s4;
	[dreg:$0xa] =	wrdreg s24;
	(pc) =	sbr.rel .LBB2_1-.Ltmp0, $4  }
0x11: {  	s20 =	simm.s32 $0x400;
	s26 =	sadd.s32 $0x1040, s4;
	[dreg:$0xb] =	wrdreg s25  }
0x12: {  	s15 =	sadd.s32 $0x1800, s4;
	s0 =	smax.u32 s21, $0x1;
	[dreg:$0xc] =	wrdreg s26  }
0x13: {  	s16 =	sadd.s32 $0x1840, s4;
	s4 =	simm.s32 $0x7;
	[dreg:$0xd] =	wrdreg s0  }
0x14: {  	s24 =	simm.s32 $0x6180;
	s26 =	simm.s32 $0x80;
	s0 =	simm.s32 $0x6  }
.LBB2_24:
0x15: {  	s3 =	simm.s32 $0x5  }
0x16: {  	_ =	swait.ge [sflag:s3], $0x2000  }
0x17: {  	[sflag:s3] =	ssyncset.done $0x0  }
0x18: {  	[sflag:s3] =	ssyncadd.s32 $0xFFFFE000  }
0x19: {  	_ =	swait.ge [sflag:s0], $0x2000  }
0x1a: {  	[sflag:s0] =	ssyncset.done $0x0  }
0x1b: {  	[sflag:s0] =	ssyncadd.s32 $0xFFFFE000  }
0x1c: {  	_ =	swait.ge [sflag:s4], $0x2000  }
0x1d: {  	[sflag:s4] =	ssyncset.done $0x0  }
0x1e: {  	[sflag:s4] =	ssyncadd.s32 $0xFFFFE000  }
0x1f: {  	_ =	swait.ge [sflag:s9], $0x2000  }
0x20: {  	s8 =	rddreg [dreg:$0xe]  }
0x21: {  	s25 =	rddreg [dreg:$0xd];
	s8 =	sadd.s32 $0x1, s8  }
0x22: {  	p0 =	sne.s32 s8, s25  }
.Ltmp1:
0x23: {  	_ = 	snop;
	(pc) =	sbr.rel @!p0 .LBB2_25-.Ltmp1, $3  }
0x24: {  	_ =	sdelay $0x1  }
0x25: {  	[sflag:s9] =	ssyncset.done $0x0  }
0x26: {  	[sflag:s9] =	ssyncadd.s32 $0xFFFFE000  }
.LBB2_1:
0x27: {  	[dreg:$0xe] =	wrdreg s8  }
0x28: {  	s3 =	rddreg [dreg:$0x7];
	s25 =	simm.s32 $0x180  }
0x29: {  	[tilespmem:s25], [sflag:$0x1] =	stream.strided.gather [hbm4b:s3+s19], $0x2000, s20, s19, $0x38;
	[tilespmem:$0x10180] =	vst v63  }
0x2a: {  	s8 =	rddreg [dreg:$0x8];
	s11 =	simm.s32 $0x2180  }
0x2b: {  	[tilespmem:s11], [sflag:$0x2] =	stream.strided.gather [hbm4b:s8+s19], $0x2000, s20, s19, $0x38;
	[tilespmem:$0x10180] =	vst v63  }
0x2c: {  	s12 =	rddreg [dreg:$0x9];
	s14 =	simm.s32 $0x4180  }
0x2d: {  	[tilespmem:s14], [sflag:$0x3] =	stream.strided.gather [hbm4b:s12+s19], $0x2000, s20, s19, $0x38;
	[tilespmem:$0x10180] =	vst v63  }
0x2e: {  	s17 =	rddreg [dreg:$0xa]  }
0x2f: {  	[tilespmem:s24], [sflag:$0x4] =	stream.strided.gather [hbm4b:s17+s19], $0x2000, s20, s19, $0x38;
	[tilespmem:$0x10180] =	vst v63  }
0x30: {  	s21 =	simm.s32 $0x0;
	s22 =	rddreg [dreg:$0x4];
	s11 =	simm.s32 $0x9  }
0x31: {  	[tilespmem:s21], [sflag:$0x9] =	stream.linear.gather [hbm4b:s22+s21], $0x80, $0x38;
	[tilespmem:$0x10180] =	vst v63  }
0x32: {  	_ =	swait.ge [sflag:s11], $0x80  }
0x33: {  	[sflag:s11] =	ssyncset.done $0x0  }
0x34: {  	s23 =	rddreg [dreg:$0x5];
	[sflag:s11] =	ssyncadd.s32 $0xFFFFFF80  }
0x35: {  	[tilespmem:s26], [sflag:$0x9] =	stream.linear.gather [hbm4b:s23+s21], $0x80, $0x38;
	[tilespmem:$0x10180] =	vst v63  }
0x36: {  	_ =	swait.ge [sflag:s11], $0x80  }
0x37: {  	[sflag:s11] =	ssyncset.done $0x0  }
0x38: {  	s12 =	simm.s32 $0x100;
	s25 =	rddreg [dreg:$0x6];
	[sflag:s11] =	ssyncadd.s32 $0xFFFFFF80  }
0x39: {  	[tilespmem:s12], [sflag:$0x9] =	stream.linear.gather [hbm4b:s25+s21], $0x80, $0x38;
	[tilespmem:$0x10180] =	vst v63  }
0x3a: {  	_ =	swait.ge [sflag:s11], $0x80  }
0x3b: {  	[sflag:s11] =	ssyncset.done $0x0  }
0x3c: {  	[sflag:s11] =	ssyncadd.s32 $0xFFFFFF80  }
0x3d: {  	v0 =	vld [tilespmem:$0x0];
	_ =	sdelay $0x4  }
0x3e: {  	v1 =	vmul.f32 $2.384185790e-07, v0  }
0x3f: {  	v0 =	vld [tilespmem:$0x10]  }
0x40: {  	v2 =	vmul.f32 $-4.194304000e+06, v1;
	_ =	sdelay $0x1  }
0x41: {  	v2 =	vmul.f32 v2, v1;
	_ =	sdelay $0x1  }
0x42: {  	v0 =	vadd.f32 v2, v0;
	_ =	sdelay $0x1  }
0x43: {  	v0 =	vmul.f32 $2.384186360e-07, v0;
	_ =	sdelay $0x1  }
0x44: {  	v2 =	vshrl.u32 v0, $0x1;
	v0 =	vmul.f32 $5.000000000e-01, v0  }
0x45: {  	v2 =	vsub.s32 $0x5F3759DF, v2  }
0x46: {  	v3 =	vmul.f32 v2, v0;
	_ =	sdelay $0x1  }
0x47: {  	v3 =	vmul.f32 v2, v3;
	_ =	sdelay $0x1  }
0x48: {  	v3 =	vsub.f32 $1.500000000e+00, v3;
	_ =	sdelay $0x1  }
0x49: {  	v2 =	vmul.f32 v2, v3;
	_ =	sdelay $0x1  }
0x4a: {  	v3 =	vmul.f32 v2, v0  }
0x4b: {  	v4 =	vld [tilespmem:$0x100]  }
0x4c: {  	v3 =	vmul.f32 v3, v2;
	_ =	sdelay $0x1  }
0x4d: {  	v3 =	vsub.f32 $1.500000000e+00, v3;
	_ =	sdelay $0x1  }
0x4e: {  	(erf) = vrcp.f32 v4;
	v2 =	vmul.f32 v3, v2;
	_ =	sdelay $0x1  }
0x4f: {  	v0 =	vmul.f32 v2, v0;
	_ =	sdelay $0x1  }
0x50: {  	v0 =	vmul.f32 v0, v2;
	_ =	sdelay $0x1  }
0x51: {  	v0 =	vsub.f32 $1.500000000e+00, v0;
	_ =	sdelay $0x1  }
0x52: {  	v0 =	vmul.f32 v0, v2  }
0x53: {  	v2 =	vpop (erf)  }
0x54: {  	v0 =	vmul.f32 v0, v2;
	_ =	sdelay $0x1  }
0x55: {  	v0 =	vmul.f32 $7.000000000e+00, v0;
	_ =	sdelay $0x1  }
0x56: {  	s8 =	simm.s32 $0x0;
	v1 =	vmul.f32 v0, v1  }
.LBB2_2:
0x57: {  	_ =	swait.ge [sflag:s29], $0x2000  }
0x58: {  	p0 =	seq.s32 s8, $0x0;
	[sflag:s29] =	ssyncset.done $0x0  }
0x59: {  	s3 =	simm.s32 @!p0 $0x5;
	[sflag:s29] =	ssyncadd.s32 $0xFFFFE000  }
0x5a: {  	_ =	swait.ge @!p0 [sflag:s3], $0x2000  }
0x5b: {  	[sflag:s3] =	ssyncset.done @!p0 $0x0  }
0x5c: {  	s11 =	simm.s32 $0x280;
	[sflag:s3] =	ssyncadd.s32 @!p0 $0xFFFFE000  }
0x5d: {  	v2 =	vld [tilespmem:s11+$0xFFFFFF70]  }
0x5e: {  	v3 =	vld [tilespmem:s11+$0xFFFFFF10]  }
0x5f: {  	v4 =	vld [tilespmem:s11+$0xFFFFFF20]  }
0x60: {  	v5 =	vld [tilespmem:s11+$0xFFFFFF30]  }
0x61: {  	v7 =	vld [tilespmem:s11+$0xFFFFFF40]  }
0x62: {  	v8 =	vld [tilespmem:s11+$0xFFFFFF50]  }
0x63: {  	v9 =	vld [tilespmem:s11+$0xFFFFFF60]  }
0x64: {  	s23 =	simm.s32 $0x480;
	v10 =	vld [tilespmem:s11+$0xFFFFFF00]  }
0x65: {  	v18 =	vld [tilespmem:s23+$0xFFFFFF70]  }
0x66: {  	v19 =	vld [tilespmem:s23+$0xFFFFFF10]  }
0x67: {  	v20 =	vld [tilespmem:s23+$0xFFFFFF20]  }
0x68: {  	v21 =	vld [tilespmem:s23+$0xFFFFFF30]  }
0x69: {  	v22 =	vld [tilespmem:s23+$0xFFFFFF40]  }
0x6a: {  	v23 =	vld [tilespmem:s23+$0xFFFFFF50]  }
0x6b: {  	v24 =	vld [tilespmem:s23+$0xFFFFFF60];
	v2 =	vmul.f32 v2, v0;
	v3 =	vmul.f32 v3, v0  }
0x6c: {  	s21 =	simm.s32 $0x680;
	v25 =	vld [tilespmem:s23+$0xFFFFFF00];
	v4 =	vmul.f32 v4, v0;
	v5 =	vmul.f32 v5, v0  }
0x6d: {  	v36 =	vld [tilespmem:s21+$0xFFFFFF20];
	v7 =	vmul.f32 v7, v0;
	v8 =	vmul.f32 v8, v0  }
0x6e: {  	v37 =	vld [tilespmem:s21+$0xFFFFFF30];
	v9 =	vmul.f32 v9, v0;
	v10 =	vmul.f32 v10, v0;
	v2 =	vsub.f32 v2, v1  }
0x6f: {  	v18 =	vmul.f32 v18, v0;
	v19 =	vmul.f32 v19, v0  }
0x70: {  	v20 =	vmul.f32 v20, v0;
	v21 =	vmul.f32 v21, v0;
	v6 =	vand.u32 $0x7FFFFFFF, v2  }
0x71: {  	v39 =	vld [tilespmem:s21+$0xFFFFFF40];
	v22 =	vmul.f32 v22, v0;
	v23 =	vmul.f32 v23, v0;
	v6 =	vmin.f32 v6, $7.000000000e+00  }
0x72: {  	v24 =	vmul.f32 v24, v0;
	v25 =	vmul.f32 v25, v0;
	v6 =	vsub.f32 $7.500000000e+00, v6  }
0x73: {  	v40 =	vld [tilespmem:s21+$0xFFFFFF50];
	v48 =	vmul.f32 v36, v0;
	v49 =	vmul.f32 v37, v0  }
0x74: {  	v41 =	vld [tilespmem:s21+$0xFFFFFF60];
	v3 =	vsub.f32 v3, v1;
	v4 =	vsub.f32 v4, v1;
	v6 =	vtrunc.f32 v6  }
0x75: {  	v5 =	vsub.f32 v5, v1;
	v7 =	vsub.f32 v7, v1;
	v6 =	vcvt.f32.s32 v6  }
0x76: {  	v50 =	vmul.f32 v39, v0;
	v8 =	vsub.f32 v8, v1;
	v9 =	vsub.f32 v9, v1  }
0x77: {  	v10 =	vsub.f32 v10, v1;
	v18 =	vsub.f32 v18, v1;
	v6 =	vsub.s32 $0x7, v6  }
0x78: {  	v51 =	vmul.f32 v40, v0;
	v19 =	vsub.f32 v19, v1;
	v20 =	vsub.f32 v20, v1  }
0x79: {  	v53 =	vmul.f32 v41, v0;
	v21 =	vsub.f32 v21, v1;
	v22 =	vsub.f32 v22, v1  }
0x7a: {  	v23 =	vsub.f32 v23, v1;
	v11 =	vand.u32 $0x7FFFFFFF, v3;
	v12 =	vand.u32 $0x7FFFFFFF, v4  }
0x7b: {  	v13 =	vand.u32 $0x7FFFFFFF, v5;
	v14 =	vand.u32 $0x7FFFFFFF, v7;
	v15 =	vand.u32 $0x7FFFFFFF, v8  }
0x7c: {  	v16 =	vand.u32 $0x7FFFFFFF, v9;
	v17 =	vand.u32 $0x7FFFFFFF, v10;
	v2 =	vand.u32 $0x80000000, v2;
	v6 =	vld.idx.msk [tilespmem:v6+s26+$0x0], $0xffff  }
0x7d: {  	v11 =	vmin.f32 v11, $7.000000000e+00;
	v12 =	vmin.f32 v12, $7.000000000e+00;
	v17 =	vmin.f32 v17, $7.000000000e+00  }
0x7e: {  	v13 =	vmin.f32 v13, $7.000000000e+00;
	v17 =	vsub.f32 $7.500000000e+00, v17;
	v11 =	vsub.f32 $7.500000000e+00, v11  }
0x7f: {  	v14 =	vmin.f32 v14, $7.000000000e+00;
	v15 =	vmin.f32 v15, $7.000000000e+00;
	v12 =	vsub.f32 $7.500000000e+00, v12  }
0x80: {  	v16 =	vmin.f32 v16, $7.000000000e+00;
	v17 =	vtrunc.f32 v17;
	v11 =	vtrunc.f32 v11  }
0x81: {  	v12 =	vtrunc.f32 v12;
	v11 =	vcvt.f32.s32 v11;
	v2 =	vxor.u32 v6, v2  }
0x82: {  	s25 =	simm.s32 $0x8280;
	v6 =	vsub.f32 $7.500000000e+00, v13;
	v13 =	vsub.f32 $7.500000000e+00, v14;
	v14 =	vcvt.f32.s32 v17  }
0x83: {  	v16 =	vsub.f32 $7.500000000e+00, v16;
	v12 =	vcvt.f32.s32 v12;
	v11 =	vsub.s32 $0x7, v11;
	[tilespmem:s25+$0xFFFFFF70] =	vst v2  }
0x84: {  	v2 =	vsub.f32 $7.500000000e+00, v15;
	v15 =	vld [tilespmem:s11+$0xFFFFFFF0];
	v6 =	vtrunc.f32 v6;
	v14 =	vsub.s32 $0x7, v14  }
0x85: {  	v12 =	vsub.s32 $0x7, v12;
	v13 =	vtrunc.f32 v13;
	v6 =	vcvt.f32.s32 v6  }
0x86: {  	v24 =	vsub.f32 v24, v1;
	v2 =	vtrunc.f32 v2;
	v13 =	vcvt.f32.s32 v13  }
0x87: {  	v16 =	vtrunc.f32 v16;
	v2 =	vcvt.f32.s32 v2;
	v6 =	vsub.s32 $0x7, v6  }
0x88: {  	v25 =	vsub.f32 v25, v1;
	v16 =	vcvt.f32.s32 v16;
	v11 =	vld.idx.msk [tilespmem:v11+s26+$0x0], $0xffff;
	v13 =	vsub.s32 $0x7, v13  }
0x89: {  	v10 =	vand.u32 $0x80000000, v10;
	v2 =	vsub.s32 $0x7, v2;
	v15 =	vmul.f32 v15, v0;
	v14 =	vld.idx.msk [tilespmem:v14+s26+$0x0], $0xffff  }
0x8a: {  	v3 =	vand.u32 $0x80000000, v3;
	v4 =	vand.u32 $0x80000000, v4;
	v16 =	vsub.s32 $0x7, v16;
	v12 =	vld.idx.msk [tilespmem:v12+s26+$0x0], $0xffff  }
0x8b: {  	v5 =	vand.u32 $0x80000000, v5;
	v7 =	vand.u32 $0x80000000, v7;
	v15 =	vsub.f32 v15, v1  }
0x8c: {  	v26 =	vand.u32 $0x7FFFFFFF, v18;
	v27 =	vand.u32 $0x7FFFFFFF, v19;
	v28 =	vand.u32 $0x7FFFFFFF, v20;
	v6 =	vld.idx.msk [tilespmem:v6+s26+$0x0], $0xffff  }
0x8d: {  	v29 =	vand.u32 $0x7FFFFFFF, v21;
	v3 =	vxor.u32 v11, v3;
	v13 =	vld.idx.msk [tilespmem:v13+s26+$0x0], $0xffff;
	v17 =	vand.u32 $0x7FFFFFFF, v15  }
0x8e: {  	v30 =	vand.u32 $0x7FFFFFFF, v22;
	[tilespmem:s25+$0xFFFFFF10] =	vst v3;
	v2 =	vld.idx.msk [tilespmem:v2+s26+$0x0], $0xffff;
	v17 =	vmin.f32 v17, $7.000000000e+00;
	v10 =	vxor.u32 v14, v10  }
0x8f: {  	v31 =	vand.u32 $0x7FFFFFFF, v23;
	v3 =	vxor.u32 v12, v4;
	v14 =	vld.idx.msk [tilespmem:v16+s26+$0x0], $0xffff;
	v17 =	vsub.f32 $7.500000000e+00, v17;
	[tilespmem:s25+$0xFFFFFF00] =	vst v10  }
0x90: {  	v32 =	vand.u32 $0x7FFFFFFF, v24;
	v33 =	vand.u32 $0x7FFFFFFF, v25;
	v18 =	vand.u32 $0x80000000, v18;
	[tilespmem:s25+$0xFFFFFF20] =	vst v3;
	v11 =	vld [tilespmem:s11+$0xFFFFFF80]  }
0x91: {  	v26 =	vmin.f32 v26, $7.000000000e+00;
	v10 =	vtrunc.f32 v17;
	v3 =	vxor.u32 v6, v5;
	v6 =	vld [tilespmem:s11+$0xFFFFFFA0]  }
0x92: {  	v5 =	vand.u32 $0x80000000, v8;
	v4 =	vcvt.f32.s32 v10;
	v10 =	vld [tilespmem:s11+$0xFFFFFF90];
	[tilespmem:s25+$0xFFFFFF30] =	vst v3;
	v3 =	vxor.u32 v13, v7  }
0x93: {  	v26 =	vsub.f32 $7.500000000e+00, v26;
	v7 =	vand.u32 $0x80000000, v9;
	v2 =	vxor.u32 v2, v5;
	v8 =	vld [tilespmem:s11+$0xFFFFFFB0];
	[tilespmem:s25+$0xFFFFFF40] =	vst v3  }
0x94: {  	v27 =	vmin.f32 v27, $7.000000000e+00;
	[tilespmem:s25+$0xFFFFFF50] =	vst v2;
	v2 =	vxor.u32 v14, v7;
	v4 =	vsub.s32 $0x7, v4;
	v3 =	vld [tilespmem:s11+$0xFFFFFFC0]  }
0x95: {  	v28 =	vmin.f32 v28, $7.000000000e+00;
	v26 =	vtrunc.f32 v26;
	v7 =	vld [tilespmem:s11+$0xFFFFFFD0];
	[tilespmem:s25+$0xFFFFFF60] =	vst v2;
	v5 =	vmul.f32 v11, v0  }
0x96: {  	v33 =	vmin.f32 v33, $7.000000000e+00;
	v29 =	vmin.f32 v29, $7.000000000e+00;
	v26 =	vcvt.f32.s32 v26;
	v9 =	vld [tilespmem:s11+$0xFFFFFFE0]  }
0x97: {  	v6 =	vmul.f32 v6, v0;
	v2 =	vmul.f32 v10, v0;
	v5 =	vsub.f32 v5, v1  }
0x98: {  	v26 =	vsub.s32 $0x7, v26;
	v13 =	vand.u32 $0x80000000, v15;
	v8 =	vmul.f32 v8, v0  }
0x99: {  	v6 =	vsub.f32 v6, v1;
	v4 =	vld.idx.msk [tilespmem:v4+s26+$0x0], $0xffff;
	v2 =	vsub.f32 v2, v1;
	v10 =	vand.u32 $0x7FFFFFFF, v5  }
0x9a: {  	v3 =	vmul.f32 v3, v0;
	v7 =	vmul.f32 v7, v0;
	v8 =	vsub.f32 v8, v1  }
0x9b: {  	v12 =	vand.u32 $0x7FFFFFFF, v6;
	v9 =	vmul.f32 v9, v0;
	v10 =	vmin.f32 v10, $7.000000000e+00  }
0x9c: {  	v11 =	vand.u32 $0x7FFFFFFF, v2;
	v3 =	vsub.f32 v3, v1;
	v7 =	vsub.f32 v7, v1  }
0x9d: {  	v12 =	vmin.f32 v12, $7.000000000e+00;
	v10 =	vsub.f32 $7.500000000e+00, v10;
	v9 =	vsub.f32 v9, v1  }
0x9e: {  	v12 =	vsub.f32 $7.500000000e+00, v12;
	v15 =	vand.u32 $0x7FFFFFFF, v7;
	v4 =	vxor.u32 v4, v13  }
0x9f: {  	v10 =	vtrunc.f32 v10;
	v13 =	vand.u32 $0x7FFFFFFF, v8;
	v16 =	vand.u32 $0x7FFFFFFF, v9;
	[tilespmem:s25+$0xFFFFFFF0] =	vst v4  }
0xa0: {  	v15 =	vmin.f32 v15, $7.000000000e+00;
	v12 =	vtrunc.f32 v12;
	v10 =	vcvt.f32.s32 v10;
	v14 =	vld [tilespmem:s11+$0x70]  }
0xa1: {  	v4 =	vmin.f32 v11, $7.000000000e+00;
	v11 =	vand.u32 $0x7FFFFFFF, v3;
	v13 =	vmin.f32 v13, $7.000000000e+00  }
0xa2: {  	v16 =	vmin.f32 v16, $7.000000000e+00;
	v15 =	vsub.f32 $7.500000000e+00, v15;
	v4 =	vsub.f32 $7.500000000e+00, v4  }
0xa3: {  	v12 =	vcvt.f32.s32 v12;
	v11 =	vmin.f32 v11, $7.000000000e+00;
	v13 =	vsub.f32 $7.500000000e+00, v13  }
0xa4: {  	v16 =	vsub.f32 $7.500000000e+00, v16;
	v15 =	vtrunc.f32 v15;
	v4 =	vtrunc.f32 v4  }
0xa5: {  	v10 =	vsub.s32 $0x7, v10;
	v4 =	vcvt.f32.s32 v4;
	v14 =	vmul.f32 v14, v0  }
0xa6: {  	v11 =	vsub.f32 $7.500000000e+00, v11;
	v13 =	vtrunc.f32 v13;
	v16 =	vtrunc.f32 v16  }
0xa7: {  	v15 =	vcvt.f32.s32 v15;
	v4 =	vsub.s32 $0x7, v4;
	v14 =	vsub.f32 v14, v1  }
0xa8: {  	v12 =	vsub.s32 $0x7, v12;
	v11 =	vtrunc.f32 v11;
	v13 =	vcvt.f32.s32 v13  }
0xa9: {  	v11 =	vcvt.f32.s32 v11;
	v15 =	vsub.s32 $0x7, v15;
	v17 =	vand.u32 $0x7FFFFFFF, v14  }
0xaa: {  	v26 =	vld.idx.msk [tilespmem:v26+s26+$0x0], $0xffff;
	v16 =	vcvt.f32.s32 v16;
	v13 =	vsub.s32 $0x7, v13;
	v17 =	vmin.f32 v17, $7.000000000e+00  }
0xab: {  	v30 =	vmin.f32 v30, $7.000000000e+00;
	v10 =	vld.idx.msk [tilespmem:v10+s26+$0x0], $0xffff;
	v11 =	vsub.s32 $0x7, v11;
	v17 =	vsub.f32 $7.500000000e+00, v17  }
0xac: {  	v31 =	vmin.f32 v31, $7.000000000e+00;
	v32 =	vmin.f32 v32, $7.000000000e+00;
	v16 =	vsub.s32 $0x7, v16;
	v4 =	vld.idx.msk [tilespmem:v4+s26+$0x0], $0xffff  }
0xad: {  	v33 =	vsub.f32 $7.500000000e+00, v33;
	v27 =	vsub.f32 $7.500000000e+00, v27;
	v12 =	vld.idx.msk [tilespmem:v12+s26+$0x0], $0xffff;
	v17 =	vtrunc.f32 v17  }
0xae: {  	v28 =	vsub.f32 $7.500000000e+00, v28;
	v29 =	vsub.f32 $7.500000000e+00, v29;
	v15 =	vld.idx.msk [tilespmem:v15+s26+$0x0], $0xffff;
	v17 =	vcvt.f32.s32 v17  }
0xaf: {  	v30 =	vsub.f32 $7.500000000e+00, v30;
	v33 =	vtrunc.f32 v33;
	v5 =	vand.u32 $0x80000000, v5;
	v13 =	vld.idx.msk [tilespmem:v13+s26+$0x0], $0xffff  }
0xb0: {  	v2 =	vand.u32 $0x80000000, v2;
	v5 =	vxor.u32 v10, v5;
	v11 =	vld.idx.msk [tilespmem:v11+s26+$0x0], $0xffff;
	v17 =	vsub.s32 $0x7, v17  }
0xb1: {  	v27 =	vtrunc.f32 v27;
	v6 =	vand.u32 $0x80000000, v6;
	v10 =	vld.idx.msk [tilespmem:v16+s26+$0x0], $0xffff;
	[tilespmem:s25+$0xFFFFFF80] =	vst v5;
	v2 =	vxor.u32 v4, v2  }
0xb2: {  	v28 =	vtrunc.f32 v28;
	v5 =	vand.u32 $0x80000000, v8;
	v8 =	vld [tilespmem:s11+$0x0];
	[tilespmem:s25+$0xFFFFFF90] =	vst v2;
	v2 =	vxor.u32 v12, v6  }
0xb3: {  	v31 =	vsub.f32 $7.500000000e+00, v31;
	v29 =	vtrunc.f32 v29;
	v30 =	vtrunc.f32 v30;
	v6 =	vld [tilespmem:s11+$0x10];
	[tilespmem:s25+$0xFFFFFFA0] =	vst v2  }
0xb4: {  	v3 =	vand.u32 $0x80000000, v3;
	v2 =	vxor.u32 v13, v5;
	v5 =	vand.u32 $0x80000000, v7;
	v7 =	vld [tilespmem:s11+$0x20]  }
0xb5: {  	v28 =	vcvt.f32.s32 v28;
	v29 =	vcvt.f32.s32 v29;
	[tilespmem:s25+$0xFFFFFFB0] =	vst v2;
	v2 =	vxor.u32 v11, v3;
	v4 =	vld.idx.msk [tilespmem:v17+s26+$0x0], $0xffff  }
0xb6: {  	v30 =	vcvt.f32.s32 v30;
	v3 =	vand.u32 $0x80000000, v9;
	v9 =	vld [tilespmem:s11+$0x30];
	[tilespmem:s25+$0xFFFFFFC0] =	vst v2;
	v2 =	vxor.u32 v15, v5  }
0xb7: {  	v33 =	vcvt.f32.s32 v33;
	v27 =	vcvt.f32.s32 v27;
	v28 =	vsub.s32 $0x7, v28;
	v5 =	vld [tilespmem:s11+$0x40];
	[tilespmem:s25+$0xFFFFFFD0] =	vst v2  }
0xb8: {  	v29 =	vsub.s32 $0x7, v29;
	v30 =	vsub.s32 $0x7, v30;
	v2 =	vxor.u32 v10, v3;
	v10 =	vld [tilespmem:s11+$0x50]  }
0xb9: {  	v18 =	vxor.u32 v26, v18;
	v26 =	vsub.s32 $0x7, v33;
	v3 =	vand.u32 $0x80000000, v14  }
0xba: {  	s17 =	simm.s32 $0x8480;
	[tilespmem:s25+$0xFFFFFFE0] =	vst v2;
	v6 =	vmul.f32 v6, v0;
	v2 =	vxor.u32 v4, v3;
	v3 =	vmul.f32 v8, v0  }
0xbb: {  	[tilespmem:s17+$0xFFFFFF70] =	vst v18;
	v18 =	vsub.s32 $0x7, v27;
	v27 =	vtrunc.f32 v31;
	v7 =	vmul.f32 v7, v0;
	v8 =	vld [tilespmem:s11+$0x60]  }
0xbc: {  	[tilespmem:s25+$0x70] =	vst v2;
	v2 =	vsub.f32 v6, v1;
	v6 =	vmul.f32 v9, v0;
	v4 =	vsub.f32 v3, v1  }
0xbd: {  	v10 =	vmul.f32 v10, v0;
	v3 =	vsub.f32 v7, v1;
	v7 =	vmul.f32 v5, v0  }
0xbe: {  	v11 =	vld [tilespmem:s11+$0xF0];
	v12 =	vand.u32 $0x7FFFFFFF, v2;
	v5 =	vsub.f32 v6, v1;
	v9 =	vand.u32 $0x7FFFFFFF, v4  }
0xbf: {  	v13 =	vand.u32 $0x7FFFFFFF, v3;
	v6 =	vsub.f32 v7, v1;
	v7 =	vsub.f32 v10, v1  }
0xc0: {  	v12 =	vmin.f32 v12, $7.000000000e+00;
	v8 =	vmul.f32 v8, v0;
	v14 =	vand.u32 $0x7FFFFFFF, v5  }
0xc1: {  	v10 =	vmin.f32 v9, $7.000000000e+00;
	v13 =	vmin.f32 v13, $7.000000000e+00;
	v12 =	vsub.f32 $7.500000000e+00, v12  }
0xc2: {  	v15 =	vand.u32 $0x7FFFFFFF, v6;
	v14 =	vmin.f32 v14, $7.000000000e+00;
	v10 =	vsub.f32 $7.500000000e+00, v10  }
0xc3: {  	v13 =	vsub.f32 $7.500000000e+00, v13;
	v11 =	vmul.f32 v11, v0;
	v8 =	vsub.f32 v8, v1  }
0xc4: {  	v15 =	vmin.f32 v15, $7.000000000e+00;
	v14 =	vsub.f32 $7.500000000e+00, v14;
	v12 =	vtrunc.f32 v12  }
0xc5: {  	v10 =	vtrunc.f32 v10;
	v15 =	vsub.f32 $7.500000000e+00, v15;
	v13 =	vtrunc.f32 v13  }
0xc6: {  	v12 =	vcvt.f32.s32 v12;
	v9 =	vsub.f32 v11, v1;
	v11 =	vand.u32 $0x7FFFFFFF, v7  }
0xc7: {  	v16 =	vand.u32 $0x7FFFFFFF, v8;
	v14 =	vtrunc.f32 v14;
	v10 =	vcvt.f32.s32 v10  }
0xc8: {  	v13 =	vcvt.f32.s32 v13;
	v11 =	vmin.f32 v11, $7.000000000e+00;
	v16 =	vmin.f32 v16, $7.000000000e+00  }
0xc9: {  	v28 =	vld.idx.msk [tilespmem:v28+s26+$0x0], $0xffff;
	v15 =	vtrunc.f32 v15;
	v14 =	vcvt.f32.s32 v14;
	v12 =	vsub.s32 $0x7, v12  }
0xca: {  	v29 =	vld.idx.msk [tilespmem:v29+s26+$0x0], $0xffff;
	v17 =	vand.u32 $0x7FFFFFFF, v9;
	v11 =	vsub.f32 $7.500000000e+00, v11;
	v16 =	vsub.f32 $7.500000000e+00, v16  }
0xcb: {  	v30 =	vld.idx.msk [tilespmem:v30+s26+$0x0], $0xffff;
	v10 =	vsub.s32 $0x7, v10;
	v15 =	vcvt.f32.s32 v15;
	v17 =	vmin.f32 v17, $7.000000000e+00  }
0xcc: {  	v31 =	vld [tilespmem:s23+$0xFFFFFFF0];
	v13 =	vsub.s32 $0x7, v13;
	v17 =	vsub.f32 $7.500000000e+00, v17;
	v11 =	vtrunc.f32 v11  }
0xcd: {  	v26 =	vld.idx.msk [tilespmem:v26+s26+$0x0], $0xffff;
	v14 =	vsub.s32 $0x7, v14;
	v16 =	vtrunc.f32 v16;
	v11 =	vcvt.f32.s32 v11  }
0xce: {  	v18 =	vld.idx.msk [tilespmem:v18+s26+$0x0], $0xffff;
	v15 =	vsub.s32 $0x7, v15;
	v16 =	vcvt.f32.s32 v16;
	v17 =	vtrunc.f32 v17  }
0xcf: {  	v32 =	vsub.f32 $7.500000000e+00, v32;
	v12 =	vld.idx.msk [tilespmem:v12+s26+$0x0], $0xffff;
	v17 =	vcvt.f32.s32 v17;
	v11 =	vsub.s32 $0x7, v11  }
0xd0: {  	v36 =	vsub.f32 v50, v1;
	v27 =	vcvt.f32.s32 v27;
	v16 =	vsub.s32 $0x7, v16;
	v10 =	vld.idx.msk [tilespmem:v10+s26+$0x0], $0xffff  }
0xd1: {  	v37 =	vsub.f32 v51, v1;
	v32 =	vtrunc.f32 v32;
	v13 =	vld.idx.msk [tilespmem:v13+s26+$0x0], $0xffff;
	v17 =	vsub.s32 $0x7, v17  }
0xd2: {  	v32 =	vcvt.f32.s32 v32;
	v27 =	vsub.s32 $0x7, v27;
	v31 =	vmul.f32 v31, v0;
	v14 =	vld.idx.msk [tilespmem:v14+s26+$0x0], $0xffff  }
0xd3: {  	v2 =	vand.u32 $0x80000000, v2;
	v4 =	vand.u32 $0x80000000, v4;
	v59 =	vand.u32 $0x80000000, v8;
	v15 =	vld.idx.msk [tilespmem:v15+s26+$0x0], $0xffff  }
0xd4: {  	v8 =	vand.u32 $0x80000000, v9;
	v9 =	vsub.f32 v31, v1;
	v12 =	vxor.u32 v12, v2;
	v11 =	vld.idx.msk [tilespmem:v11+s26+$0x0], $0xffff  }
0xd5: {  	v32 =	vsub.s32 $0x7, v32;
	v3 =	vand.u32 $0x80000000, v3;
	v16 =	vld.idx.msk [tilespmem:v16+s26+$0x0], $0xffff;
	v4 =	vxor.u32 v10, v4;
	[tilespmem:s25+$0x10] =	vst v12  }
0xd6: {  	v5 =	vand.u32 $0x80000000, v5;
	v3 =	vxor.u32 v13, v3;
	[tilespmem:s25+$0x0] =	vst v4;
	v4 =	vand.u32 $0x7FFFFFFF, v9;
	v17 =	vld.idx.msk [tilespmem:v17+s26+$0x0], $0xffff  }
0xd7: {  	v6 =	vand.u32 $0x80000000, v6;
	v10 =	vld.idx.msk [tilespmem:v27+s26+$0x0], $0xffff;
	v5 =	vxor.u32 v14, v5;
	[tilespmem:s25+$0x20] =	vst v3;
	v4 =	vmin.f32 v4, $7.000000000e+00  }
0xd8: {  	v7 =	vand.u32 $0x80000000, v7;
	v3 =	vld [tilespmem:s11+$0x90];
	v6 =	vxor.u32 v15, v6;
	[tilespmem:s25+$0x30] =	vst v5;
	v4 =	vsub.f32 $7.500000000e+00, v4  }
0xd9: {  	v19 =	vand.u32 $0x80000000, v19;
	v20 =	vand.u32 $0x80000000, v20;
	[tilespmem:s25+$0x40] =	vst v6;
	v6 =	vld [tilespmem:s11+$0xB0];
	v7 =	vxor.u32 v11, v7  }
0xda: {  	v44 =	vand.u32 $0x7FFFFFFF, v36;
	v45 =	vand.u32 $0x7FFFFFFF, v37;
	v4 =	vtrunc.f32 v4;
	[tilespmem:s25+$0x50] =	vst v7;
	v7 =	vld [tilespmem:s11+$0xC0]  }
0xdb: {  	v16 =	vxor.u32 v16, v59;
	v8 =	vxor.u32 v17, v8;
	v17 =	vand.u32 $0x80000000, v25;
	v25 =	vld.idx.msk [tilespmem:v32+s26+$0x0], $0xffff  }
0xdc: {  	v45 =	vmin.f32 v45, $7.000000000e+00;
	v2 =	vcvt.f32.s32 v4;
	[tilespmem:s25+$0x60] =	vst v16;
	v16 =	vld [tilespmem:s11+$0xD0];
	v17 =	vxor.u32 v26, v17  }
0xdd: {  	v44 =	vmin.f32 v44, $7.000000000e+00;
	v45 =	vsub.f32 $7.500000000e+00, v45;
	[tilespmem:s17+$0xFFFFFF00] =	vst v17;
	v17 =	vxor.u32 v18, v19;
	v18 =	vld [tilespmem:s11+$0x80]  }
0xde: {  	v14 =	vsub.s32 $0x7, v2;
	v19 =	vand.u32 $0x80000000, v21;
	v21 =	vld [tilespmem:s23+$0xFFFFFF80];
	[tilespmem:s17+$0xFFFFFF10] =	vst v17;
	v17 =	vxor.u32 v28, v20  }
0xdf: {  	v20 =	vand.u32 $0x80000000, v22;
	v22 =	vand.u32 $0x80000000, v23;
	v23 =	vld [tilespmem:s23+$0xFFFFFF90];
	[tilespmem:s17+$0xFFFFFF20] =	vst v17;
	v17 =	vxor.u32 v29, v19  }
0xe0: {  	v44 =	vsub.f32 $7.500000000e+00, v44;
	v19 =	vand.u32 $0x80000000, v24;
	v10 =	vxor.u32 v10, v22;
	v24 =	vld [tilespmem:s23+$0xFFFFFFA0];
	[tilespmem:s17+$0xFFFFFF30] =	vst v17  }
0xe1: {  	v40 =	vsub.f32 v53, v1;
	v36 =	vand.u32 $0x80000000, v36;
	v45 =	vtrunc.f32 v45;
	[tilespmem:s17+$0xFFFFFF50] =	vst v10;
	v4 =	vld [tilespmem:s23+$0xFFFFFFB0]  }
0xe2: {  	v44 =	vtrunc.f32 v44;
	v58 =	vcvt.f32.s32 v45;
	v17 =	vxor.u32 v30, v20;
	v15 =	vld [tilespmem:s23+$0xFFFFFFD0]  }
0xe3: {  	v37 =	vand.u32 $0x80000000, v37;
	v57 =	vcvt.f32.s32 v44;
	v10 =	vxor.u32 v25, v19;
	[tilespmem:s17+$0xFFFFFF40] =	vst v17;
	v14 =	vld.idx.msk [tilespmem:v14+s26+$0x0], $0xffff  }
0xe4: {  	v44 =	vsub.s32 $0x7, v58;
	v3 =	vmul.f32 v3, v0;
	[tilespmem:s17+$0xFFFFFF60] =	vst v10;
	v13 =	vld [tilespmem:s23+$0xFFFFFFC0];
	v2 =	vmul.f32 v18, v0  }
0xe5: {  	v9 =	vand.u32 $0x80000000, v9;
	v6 =	vmul.f32 v6, v0;
	v17 =	vld [tilespmem:s23+$0xFFFFFFE0];
	v11 =	vmul.f32 v21, v0  }
0xe6: {  	v7 =	vmul.f32 v7, v0;
	v10 =	vmul.f32 v23, v0;
	v2 =	vsub.f32 v2, v1  }
0xe7: {  	v16 =	vmul.f32 v16, v0;
	v18 =	vmul.f32 v24, v0;
	v11 =	vsub.f32 v11, v1  }
0xe8: {  	v10 =	vsub.f32 v10, v1;
	v4 =	vmul.f32 v4, v0;
	v19 =	vand.u32 $0x7FFFFFFF, v2  }
0xe9: {  	v15 =	vmul.f32 v15, v0;
	v9 =	vxor.u32 v14, v9;
	v18 =	vsub.f32 v18, v1  }
0xea: {  	v13 =	vmul.f32 v13, v0;
	v20 =	vand.u32 $0x7FFFFFFF, v11;
	v17 =	vmul.f32 v17, v0  }
0xeb: {  	v11 =	vand.u32 $0x80000000, v11;
	v19 =	vmin.f32 v19, $7.000000000e+00;
	v21 =	vand.u32 $0x7FFFFFFF, v10  }
0xec: {  	v4 =	vsub.f32 v4, v1;
	v20 =	vmin.f32 v20, $7.000000000e+00;
	v15 =	vsub.f32 v15, v1  }
0xed: {  	v10 =	vand.u32 $0x80000000, v10;
	v22 =	vand.u32 $0x7FFFFFFF, v18;
	v13 =	vsub.f32 v13, v1  }
0xee: {  	v21 =	vmin.f32 v21, $7.000000000e+00;
	v17 =	vsub.f32 v17, v1;
	v18 =	vand.u32 $0x80000000, v18  }
0xef: {  	v23 =	vand.u32 $0x7FFFFFFF, v4;
	v22 =	vmin.f32 v22, $7.000000000e+00;
	v25 =	vand.u32 $0x7FFFFFFF, v15  }
0xf0: {  	[tilespmem:s17+$0xFFFFFFF0] =	vst v9;
	v21 =	vsub.f32 $7.500000000e+00, v21;
	v26 =	vand.u32 $0x80000000, v4;
	v14 =	vand.u32 $0x7FFFFFFF, v17  }
0xf1: {  	v15 =	vand.u32 $0x80000000, v15;
	v9 =	vmin.f32 v14, $7.000000000e+00;
	v14 =	vsub.f32 $7.500000000e+00, v20;
	v20 =	vld [tilespmem:s23+$0x70]  }
0xf2: {  	v24 =	vand.u32 $0x7FFFFFFF, v13;
	v23 =	vmin.f32 v23, $7.000000000e+00;
	v22 =	vsub.f32 $7.500000000e+00, v22  }
0xf3: {  	v25 =	vmin.f32 v25, $7.000000000e+00;
	v13 =	vand.u32 $0x80000000, v13;
	v23 =	vsub.f32 $7.500000000e+00, v23  }
0xf4: {  	v24 =	vmin.f32 v24, $7.000000000e+00;
	v21 =	vtrunc.f32 v21;
	v22 =	vtrunc.f32 v22  }
0xf5: {  	v25 =	vsub.f32 $7.500000000e+00, v25;
	v14 =	vtrunc.f32 v14;
	v23 =	vtrunc.f32 v23  }
0xf6: {  	v24 =	vsub.f32 $7.500000000e+00, v24;
	v14 =	vcvt.f32.s32 v14;
	v4 =	vmul.f32 v20, v0  }
0xf7: {  	v9 =	vsub.f32 $7.500000000e+00, v9;
	v12 =	vtrunc.f32 v25;
	v5 =	vcvt.f32.s32 v22  }
0xf8: {  	v25 =	vld [tilespmem:s11+$0xE0];
	v20 =	vcvt.f32.s32 v21;
	v14 =	vsub.s32 $0x7, v14;
	v21 =	vsub.f32 v4, v1  }
0xf9: {  	v24 =	vtrunc.f32 v24;
	v22 =	vcvt.f32.s32 v23;
	v5 =	vsub.s32 $0x7, v5;
	v4 =	vld [tilespmem:s11+$0xA0]  }
0xfa: {  	v23 =	vcvt.f32.s32 v24;
	v20 =	vsub.s32 $0x7, v20;
	v24 =	vand.u32 $0x7FFFFFFF, v21  }
0xfb: {  	v9 =	vtrunc.f32 v9;
	v12 =	vcvt.f32.s32 v12;
	v24 =	vmin.f32 v24, $7.000000000e+00  }
0xfc: {  	v9 =	vcvt.f32.s32 v9;
	v22 =	vsub.s32 $0x7, v22;
	v24 =	vsub.f32 $7.500000000e+00, v24  }
0xfd: {  	v12 =	vsub.s32 $0x7, v12;
	v23 =	vsub.s32 $0x7, v23;
	v25 =	vmul.f32 v25, v0;
	v14 =	vld.idx.msk [tilespmem:v14+s26+$0x0], $0xffff  }
0xfe: {  	v27 =	vsub.s32 $0x7, v9;
	v28 =	vld.idx.msk [tilespmem:v5+s26+$0x0], $0xffff;
	v4 =	vmul.f32 v4, v0;
	v9 =	vtrunc.f32 v24  }
0xff: {  	v5 =	vsub.f32 v6, v1;
	v6 =	vsub.f32 v16, v1;
	v20 =	vld.idx.msk [tilespmem:v20+s26+$0x0], $0xffff;
	v24 =	vcvt.f32.s32 v9  }
0x100: {  	v17 =	vand.u32 $0x80000000, v17;
	v9 =	vsub.f32 v3, v1;
	v3 =	vsub.f32 v4, v1  }
0x101: {  	v22 =	vld.idx.msk [tilespmem:v22+s26+$0x0], $0xffff;
	v4 =	vsub.f32 v7, v1;
	v7 =	vsub.f32 v25, v1;
	v24 =	vsub.s32 $0x7, v24  }
0x102: {  	v23 =	vld.idx.msk [tilespmem:v23+s26+$0x0], $0xffff;
	v25 =	vand.u32 $0x7FFFFFFF, v5;
	v5 =	vand.u32 $0x80000000, v5;
	v11 =	vxor.u32 v14, v11  }
0x103: {  	v16 =	vld.idx.msk [tilespmem:v27+s26+$0x0], $0xffff;
	v29 =	vand.u32 $0x7FFFFFFF, v9;
	v14 =	vand.u32 $0x7FFFFFFF, v3;
	v27 =	vand.u32 $0x7FFFFFFF, v4  }
0x104: {  	v12 =	vld.idx.msk [tilespmem:v12+s26+$0x0], $0xffff;
	[tilespmem:s17+$0xFFFFFF80] =	vst v11;
	v11 =	vand.u32 $0x7FFFFFFF, v6;
	v3 =	vand.u32 $0x80000000, v3;
	v10 =	vxor.u32 v20, v10  }
0x105: {  	v29 =	vmin.f32 v29, $7.000000000e+00;
	v14 =	vmin.f32 v14, $7.000000000e+00;
	v30 =	vld [tilespmem:s23+$0x0];
	[tilespmem:s17+$0xFFFFFF90] =	vst v10;
	v10 =	vxor.u32 v28, v18  }
0x106: {  	v11 =	vmin.f32 v11, $7.000000000e+00;
	v18 =	vmin.f32 v25, $7.000000000e+00;
	[tilespmem:s17+$0xFFFFFFA0] =	vst v10;
	v10 =	vxor.u32 v22, v26;
	v20 =	vld.idx.msk [tilespmem:v24+s26+$0x0], $0xffff  }
0x107: {  	v25 =	vmin.f32 v27, $7.000000000e+00;
	v27 =	vld [tilespmem:s23+$0x10];
	[tilespmem:s17+$0xFFFFFFB0] =	vst v10;
	v10 =	vxor.u32 v23, v13;
	v24 =	vand.u32 $0x7FFFFFFF, v7  }
0x108: {  	v13 =	vsub.f32 $7.500000000e+00, v19;
	v19 =	vsub.f32 $7.500000000e+00, v29;
	v22 =	vmin.f32 v24, $7.000000000e+00;
	v24 =	vld [tilespmem:s23+$0x20]  }
0x109: {  	[tilespmem:s17+$0xFFFFFFC0] =	vst v10;
	v10 =	vxor.u32 v12, v15;
	v12 =	vsub.f32 $7.500000000e+00, v14;
	v14 =	vsub.f32 $7.500000000e+00, v18  }
0x10a: {  	v15 =	vld [tilespmem:s23+$0x40];
	[tilespmem:s17+$0xFFFFFFD0] =	vst v10;
	v10 =	vxor.u32 v16, v17;
	v16 =	vand.u32 $0x80000000, v21;
	v17 =	vsub.f32 $7.500000000e+00, v25  }
0x10b: {  	v23 =	vld [tilespmem:s23+$0x30];
	v18 =	vmul.f32 v30, v0;
	v13 =	vtrunc.f32 v13;
	[tilespmem:s17+$0xFFFFFFE0] =	vst v10;
	v10 =	vxor.u32 v20, v16  }
0x10c: {  	v21 =	vld [tilespmem:s23+$0x50];
	v12 =	vtrunc.f32 v12;
	v13 =	vcvt.f32.s32 v13;
	v16 =	vsub.f32 $7.500000000e+00, v11;
	[tilespmem:s17+$0x70] =	vst v10  }
0x10d: {  	v11 =	vmul.f32 v27, v0;
	v10 =	vsub.f32 v18, v1;
	v18 =	vmul.f32 v24, v0;
	v24 =	vld [tilespmem:s23+$0xF0]  }
0x10e: {  	v19 =	vtrunc.f32 v19;
	v22 =	vsub.f32 $7.500000000e+00, v22;
	v12 =	vcvt.f32.s32 v12;
	v20 =	vld [tilespmem:s23+$0x60]  }
0x10f: {  	v13 =	vsub.s32 $0x7, v13;
	v15 =	vmul.f32 v15, v0;
	v25 =	vsub.f32 v11, v1  }
0x110: {  	v11 =	vmul.f32 v23, v0;
	v16 =	vtrunc.f32 v16;
	v18 =	vsub.f32 v18, v1  }
0x111: {  	v23 =	vand.u32 $0x7FFFFFFF, v10;
	v15 =	vsub.f32 v15, v1;
	v26 =	vand.u32 $0x7FFFFFFF, v25  }
0x112: {  	v27 =	vsub.f32 v11, v1;
	v11 =	vmul.f32 v21, v0;
	v24 =	vmul.f32 v24, v0  }
0x113: {  	v25 =	vand.u32 $0x80000000, v25;
	v21 =	vand.u32 $0x7FFFFFFF, v18;
	v20 =	vmul.f32 v20, v0  }
0x114: {  	v26 =	vmin.f32 v26, $7.000000000e+00;
	v34 =	vand.u32 $0x80000000, v18;
	v24 =	vsub.f32 v24, v1  }
0x115: {  	v28 =	vand.u32 $0x7FFFFFFF, v27;
	v29 =	vsub.f32 v11, v1;
	v11 =	vmin.f32 v23, $7.000000000e+00  }
0x116: {  	v23 =	vand.u32 $0x7FFFFFFF, v15;
	v21 =	vmin.f32 v21, $7.000000000e+00;
	v60 =	vand.u32 $0x7FFFFFFF, v24  }
0x117: {  	v26 =	vsub.f32 $7.500000000e+00, v26;
	v15 =	vand.u32 $0x80000000, v15;
	v32 =	vmin.f32 v60, $7.000000000e+00  }
0x118: {  	v62 =	vld [tilespmem:s21+$0xFFFFFF70];
	v61 =	vsub.f32 $7.500000000e+00, v11;
	v11 =	vand.u32 $0x80000000, v10;
	v10 =	vsub.f32 $7.500000000e+00, v32  }
0x119: {  	v20 =	vsub.f32 v20, v1;
	v28 =	vmin.f32 v28, $7.000000000e+00;
	v23 =	vmin.f32 v23, $7.000000000e+00  }
0x11a: {  	v21 =	vsub.f32 $7.500000000e+00, v21;
	v30 =	vand.u32 $0x7FFFFFFF, v29;
	v10 =	vtrunc.f32 v10  }
0x11b: {  	v28 =	vsub.f32 $7.500000000e+00, v28;
	v31 =	vand.u32 $0x7FFFFFFF, v20;
	v10 =	vcvt.f32.s32 v10  }
0x11c: {  	v23 =	vsub.f32 $7.500000000e+00, v23;
	v26 =	vtrunc.f32 v26;
	v31 =	vmin.f32 v31, $7.000000000e+00  }
0x11d: {  	v31 =	vsub.f32 $7.500000000e+00, v31;
	v32 =	vmul.f32 v62, v0;
	v10 =	vsub.s32 $0x7, v10  }
0x11e: {  	v29 =	vand.u32 $0x80000000, v29;
	v30 =	vmin.f32 v30, $7.000000000e+00;
	v33 =	vtrunc.f32 v61  }
0x11f: {  	v26 =	vcvt.f32.s32 v26;
	v18 =	vtrunc.f32 v31;
	v31 =	vsub.f32 v32, v1  }
0x120: {  	v21 =	vtrunc.f32 v21;
	v30 =	vsub.f32 $7.500000000e+00, v30;
	v28 =	vtrunc.f32 v28  }
0x121: {  	v23 =	vtrunc.f32 v23;
	v26 =	vsub.s32 $0x7, v26;
	v46 =	vand.u32 $0x7FFFFFFF, v31  }
0x122: {  	v33 =	vcvt.f32.s32 v33;
	v21 =	vcvt.f32.s32 v21;
	v35 =	vld.idx.msk [tilespmem:v10+s26+$0x0], $0xffff;
	v10 =	vmin.f32 v46, $7.000000000e+00  }
0x123: {  	v28 =	vcvt.f32.s32 v28;
	v23 =	vcvt.f32.s32 v23;
	v10 =	vsub.f32 $7.500000000e+00, v10  }
0x124: {  	v47 =	vld [tilespmem:s21+$0xFFFFFF10];
	v30 =	vtrunc.f32 v30;
	v63 =	vsub.s32 $0x7, v33;
	v18 =	vcvt.f32.s32 v18  }
0x125: {  	v21 =	vsub.s32 $0x7, v21;
	v33 =	vsub.f32 v48, v1;
	v10 =	vtrunc.f32 v10  }
0x126: {  	v30 =	vcvt.f32.s32 v30;
	v38 =	vsub.s32 $0x7, v18;
	v26 =	vld.idx.msk [tilespmem:v26+s26+$0x0], $0xffff;
	v18 =	vcvt.f32.s32 v10  }
0x127: {  	v10 =	vand.u32 $0x80000000, v2;
	v2 =	vand.u32 $0x80000000, v9;
	v9 =	vtrunc.f32 v22;
	v22 =	vld [tilespmem:s21+$0xFFFFFF00]  }
0x128: {  	v28 =	vsub.s32 $0x7, v28;
	v23 =	vsub.s32 $0x7, v23;
	v42 =	vsub.s32 $0x7, v18  }
0x129: {  	v62 =	vcvt.f32.s32 v16;
	v18 =	vand.u32 $0x80000000, v24;
	v24 =	vmul.f32 v47, v0  }
0x12a: {  	v16 =	vsub.s32 $0x7, v12;
	v55 =	vand.u32 $0x7FFFFFFF, v33;
	v30 =	vsub.s32 $0x7, v30  }
0x12b: {  	v18 =	vxor.u32 v35, v18;
	v35 =	vsub.f32 v49, v1;
	v24 =	vsub.f32 v24, v1  }
0x12c: {  	v31 =	vand.u32 $0x80000000, v31;
	v25 =	vxor.u32 v26, v25;
	v22 =	vmul.f32 v22, v0  }
0x12d: {  	v46 =	vand.u32 $0x7FFFFFFF, v40;
	v43 =	vand.u32 $0x7FFFFFFF, v35;
	v54 =	vand.u32 $0x7FFFFFFF, v24;
	v52 =	vld.idx.msk [tilespmem:v42+s26+$0x0], $0xffff  }
0x12e: {  	v13 =	vld.idx.msk [tilespmem:v13+s26+$0x0], $0xffff;
	v22 =	vsub.f32 v22, v1;
	v41 =	vmin.f32 v54, $7.000000000e+00;
	v42 =	vmin.f32 v55, $7.000000000e+00  }
0x12f: {  	v12 =	vld.idx.msk [tilespmem:v44+s26+$0x0], $0xffff;
	v43 =	vmin.f32 v43, $7.000000000e+00;
	v41 =	vsub.f32 $7.500000000e+00, v41;
	v42 =	vsub.f32 $7.500000000e+00, v42  }
0x130: {  	v21 =	vld.idx.msk [tilespmem:v21+s26+$0x0], $0xffff;
	v46 =	vmin.f32 v46, $7.000000000e+00;
	v43 =	vsub.f32 $7.500000000e+00, v43;
	v56 =	vand.u32 $0x7FFFFFFF, v22  }
0x131: {  	v23 =	vld.idx.msk [tilespmem:v23+s26+$0x0], $0xffff;
	v39 =	vmin.f32 v56, $7.000000000e+00;
	v41 =	vtrunc.f32 v41;
	v42 =	vtrunc.f32 v42  }
0x132: {  	s22 =	simm.s32 $0x8680;
	v30 =	vld.idx.msk [tilespmem:v30+s26+$0x0], $0xffff;
	v39 =	vsub.f32 $7.500000000e+00, v39;
	v41 =	vcvt.f32.s32 v41;
	v31 =	vxor.u32 v52, v31  }
0x133: {  	v28 =	vld.idx.msk [tilespmem:v28+s26+$0x0], $0xffff;
	v46 =	vsub.f32 $7.500000000e+00, v46;
	v43 =	vtrunc.f32 v43;
	v42 =	vcvt.f32.s32 v42;
	[tilespmem:s22+$0xFFFFFF70] =	vst v31  }
0x134: {  	v43 =	vcvt.f32.s32 v43;
	v39 =	vtrunc.f32 v39;
	v31 =	vsub.s32 $0x7, v41;
	v59 =	vld [tilespmem:s21+$0xFFFFFFF0]  }
0x135: {  	v32 =	vld.idx.msk [tilespmem:v63+s26+$0x0], $0xffff;
	v21 =	vxor.u32 v21, v34;
	[tilespmem:s17+$0x10] =	vst v25;
	v42 =	vsub.s32 $0x7, v42;
	v39 =	vcvt.f32.s32 v39  }
0x136: {  	v38 =	vld.idx.msk [tilespmem:v38+s26+$0x0], $0xffff;
	v60 =	vxor.u32 v23, v15;
	[tilespmem:s17+$0x20] =	vst v21;
	v46 =	vtrunc.f32 v46;
	v43 =	vsub.s32 $0x7, v43  }
0x137: {  	v21 =	vld [tilespmem:s23+$0x90];
	[tilespmem:s17+$0x40] =	vst v60;
	v30 =	vxor.u32 v30, v29;
	v46 =	vcvt.f32.s32 v46;
	v39 =	vsub.s32 $0x7, v39  }
0x138: {  	v14 =	vtrunc.f32 v14;
	v27 =	vand.u32 $0x80000000, v27;
	[tilespmem:s17+$0x50] =	vst v30;
	v30 =	vld [tilespmem:s23+$0xC0];
	v41 =	vsub.s32 $0x7, v57  }
0x139: {  	v27 =	vxor.u32 v28, v27;
	v46 =	vsub.s32 $0x7, v46;
	v26 =	vld.idx.msk [tilespmem:v31+s26+$0x0], $0xffff;
	v28 =	vmul.f32 v59, v0  }
0x13a: {  	v4 =	vand.u32 $0x80000000, v4;
	v19 =	vcvt.f32.s32 v19;
	v17 =	vtrunc.f32 v17;
	v31 =	vld.idx.msk [tilespmem:v42+s26+$0x0], $0xffff  }
0x13b: {  	v14 =	vcvt.f32.s32 v14;
	v33 =	vand.u32 $0x80000000, v33;
	v29 =	vld.idx.msk [tilespmem:v43+s26+$0x0], $0xffff;
	v28 =	vsub.f32 v28, v1  }
0x13c: {  	v11 =	vxor.u32 v32, v11;
	v15 =	vsub.s32 $0x7, v19;
	v19 =	vcvt.f32.s32 v17;
	v39 =	vld.idx.msk [tilespmem:v39+s26+$0x0], $0xffff  }
0x13d: {  	[tilespmem:s17+$0x0] =	vst v11;
	v17 =	vsub.s32 $0x7, v14;
	v24 =	vand.u32 $0x80000000, v24;
	v61 =	vld.idx.msk [tilespmem:v41+s26+$0x0], $0xffff;
	v11 =	vand.u32 $0x7FFFFFFF, v28  }
0x13e: {  	v9 =	vcvt.f32.s32 v9;
	v63 =	vld.idx.msk [tilespmem:v46+s26+$0x0], $0xffff;
	v14 =	vxor.u32 v26, v24;
	v11 =	vmin.f32 v11, $7.000000000e+00  }
0x13f: {  	v35 =	vand.u32 $0x80000000, v35;
	v24 =	vld [tilespmem:s23+$0x80];
	[tilespmem:s22+$0xFFFFFF10] =	vst v14;
	v14 =	vxor.u32 v31, v33;
	v11 =	vsub.f32 $7.500000000e+00, v11  }
0x140: {  	v23 =	vsub.s32 $0x7, v19;
	v22 =	vand.u32 $0x80000000, v22;
	v31 =	vld [tilespmem:s21+$0xFFFFFF90];
	[tilespmem:s22+$0xFFFFFF20] =	vst v14;
	v14 =	vxor.u32 v29, v35  }
0x141: {  	v19 =	vsub.s32 $0x7, v9;
	v22 =	vxor.u32 v39, v22;
	[tilespmem:s22+$0xFFFFFF30] =	vst v14;
	v9 =	vtrunc.f32 v11;
	v11 =	vld [tilespmem:s21+$0xFFFFFFA0]  }
0x142: {  	v6 =	vand.u32 $0x80000000, v6;
	v20 =	vand.u32 $0x80000000, v20;
	v14 =	vxor.u32 v61, v36;
	[tilespmem:s22+$0xFFFFFF00] =	vst v22;
	v36 =	vld [tilespmem:s21+$0xFFFFFFB0]  }
0x143: {  	v12 =	vxor.u32 v12, v37;
	v40 =	vand.u32 $0x80000000, v40;
	[tilespmem:s22+$0xFFFFFF40] =	vst v14;
	v26 =	vld [tilespmem:s21+$0xFFFFFF80];
	v9 =	vcvt.f32.s32 v9  }
0x144: {  	v7 =	vand.u32 $0x80000000, v7;
	[tilespmem:s22+$0xFFFFFF50] =	vst v12;
	v20 =	vxor.u32 v38, v20;
	v12 =	vxor.u32 v63, v40;
	v38 =	vld [tilespmem:s21+$0xFFFFFFC0]  }
0x145: {  	v21 =	vmul.f32 v21, v0;
	v30 =	vmul.f32 v30, v0;
	[tilespmem:s22+$0xFFFFFF60] =	vst v12;
	v9 =	vsub.s32 $0x7, v9  }
0x146: {  	v28 =	vand.u32 $0x80000000, v28;
	v29 =	vxor.u32 v13, v10;
	v12 =	vmul.f32 v31, v0;
	v31 =	vld [tilespmem:s21+$0xFFFFFFE0]  }
0x147: {  	v22 =	vsub.s32 $0x7, v62;
	v14 =	vmul.f32 v24, v0;
	v11 =	vmul.f32 v11, v0  }
0x148: {  	v12 =	vsub.f32 v12, v1;
	v13 =	vmul.f32 v36, v0;
	v24 =	vmul.f32 v26, v0  }
0x149: {  	v14 =	vsub.f32 v14, v1;
	v34 =	vmul.f32 v38, v0;
	v11 =	vsub.f32 v11, v1  }
0x14a: {  	v41 =	vand.u32 $0x7FFFFFFF, v12;
	v13 =	vsub.f32 v13, v1;
	v10 =	vsub.f32 v24, v1;
	v9 =	vld.idx.msk [tilespmem:v9+s26+$0x0], $0xffff  }
0x14b: {  	v26 =	vld [tilespmem:s21+$0xFFFFFFD0];
	v24 =	vand.u32 $0x7FFFFFFF, v14;
	v34 =	vsub.f32 v34, v1;
	v31 =	vmul.f32 v31, v0  }
0x14c: {  	v35 =	vmin.f32 v41, $7.000000000e+00;
	v42 =	vand.u32 $0x7FFFFFFF, v11;
	v43 =	vand.u32 $0x7FFFFFFF, v13  }
0x14d: {  	v49 =	vsub.f32 $7.500000000e+00, v35;
	v39 =	vand.u32 $0x80000000, v11;
	v25 =	vand.u32 $0x80000000, v13  }
0x14e: {  	v24 =	vmin.f32 v24, $7.000000000e+00;
	v40 =	vand.u32 $0x7FFFFFFF, v10;
	v44 =	vand.u32 $0x7FFFFFFF, v34  }
0x14f: {  	v31 =	vsub.f32 v31, v1;
	v36 =	vmin.f32 v42, $7.000000000e+00;
	v9 =	vxor.u32 v9, v28  }
0x150: {  	v37 =	vmin.f32 v43, $7.000000000e+00;
	v26 =	vmul.f32 v26, v0;
	v33 =	vmin.f32 v40, $7.000000000e+00;
	[tilespmem:s22+$0xFFFFFFF0] =	vst v9  }
0x151: {  	v40 =	vand.u32 $0x80000000, v12;
	v12 =	vsub.f32 $7.500000000e+00, v36;
	v51 =	vsub.f32 $7.500000000e+00, v37;
	v50 =	vld [tilespmem:s21+$0x70]  }
0x152: {  	v46 =	vand.u32 $0x7FFFFFFF, v31;
	v26 =	vsub.f32 v26, v1;
	v28 =	vmin.f32 v44, $7.000000000e+00  }
0x153: {  	v48 =	vmin.f32 v46, $7.000000000e+00;
	v12 =	vtrunc.f32 v12;
	v11 =	vtrunc.f32 v51  }
0x154: {  	v9 =	vsub.f32 $7.500000000e+00, v33;
	v28 =	vsub.f32 $7.500000000e+00, v28;
	v33 =	vtrunc.f32 v49  }
0x155: {  	v53 =	vsub.f32 $7.500000000e+00, v48;
	v12 =	vcvt.f32.s32 v12;
	v11 =	vcvt.f32.s32 v11  }
0x156: {  	v45 =	vand.u32 $0x7FFFFFFF, v26;
	v9 =	vtrunc.f32 v9;
	v35 =	vmul.f32 v50, v0  }
0x157: {  	v33 =	vcvt.f32.s32 v33;
	v47 =	vmin.f32 v45, $7.000000000e+00;
	v9 =	vcvt.f32.s32 v9  }
0x158: {  	[tilespmem:s17+$0x30] =	vst v27;
	v28 =	vtrunc.f32 v28;
	v54 =	vtrunc.f32 v53;
	v35 =	vsub.f32 v35, v1  }
0x159: {  	v27 =	vld [tilespmem:s23+$0xA0];
	[tilespmem:s17+$0x60] =	vst v20;
	v12 =	vsub.s32 $0x7, v12;
	v52 =	vsub.f32 $7.500000000e+00, v47;
	v9 =	vsub.s32 $0x7, v9  }
0x15a: {  	v59 =	vld [tilespmem:s23+$0xE0];
	v11 =	vsub.s32 $0x7, v11;
	v36 =	vcvt.f32.s32 v54;
	v56 =	vand.u32 $0x7FFFFFFF, v35  }
0x15b: {  	v55 =	vld [tilespmem:s23+$0xB0];
	v20 =	vsub.s32 $0x7, v33;
	v13 =	vtrunc.f32 v52;
	v58 =	vmin.f32 v56, $7.000000000e+00  }
0x15c: {  	v28 =	vcvt.f32.s32 v28;
	v13 =	vcvt.f32.s32 v13;
	v33 =	vsub.f32 $7.500000000e+00, v58  }
0x15d: {  	v57 =	vld [tilespmem:s23+$0xD0];
	v10 =	vand.u32 $0x80000000, v10;
	v34 =	vand.u32 $0x80000000, v34;
	v36 =	vsub.s32 $0x7, v36  }
0x15e: {  	v28 =	vsub.s32 $0x7, v28;
	v60 =	vsub.s32 $0x7, v13;
	v61 =	vld.idx.msk [tilespmem:v9+s26+$0x0], $0xffff;
	v13 =	vtrunc.f32 v33  }
0x15f: {  	v24 =	vsub.f32 $7.500000000e+00, v24;
	v37 =	vmul.f32 v59, v0;
	v48 =	vld.idx.msk [tilespmem:v11+s26+$0x0], $0xffff;
	v9 =	vcvt.f32.s32 v13  }
0x160: {  	v13 =	vmul.f32 v27, v0;
	v27 =	vld.idx.msk [tilespmem:v20+s26+$0x0], $0xffff;
	v20 =	vsub.f32 v21, v1;
	v21 =	vmul.f32 v55, v0  }
0x161: {  	v31 =	vand.u32 $0x80000000, v31;
	v32 =	vtrunc.f32 v24;
	v62 =	vld.idx.msk [tilespmem:v12+s26+$0x0], $0xffff;
	v63 =	vsub.s32 $0x7, v9  }
0x162: {  	v36 =	vld.idx.msk [tilespmem:v36+s26+$0x0], $0xffff;
	v9 =	vmul.f32 v57, v0;
	v11 =	vand.u32 $0x7FFFFFFF, v20;
	v12 =	vsub.f32 v21, v1  }
0x163: {  	v21 =	vld.idx.msk [tilespmem:v28+s26+$0x0], $0xffff;
	v28 =	vmin.f32 v11, $7.000000000e+00;
	v11 =	vsub.f32 v30, v1;
	v30 =	vxor.u32 v61, v10  }
0x164: {  	v26 =	vand.u32 $0x80000000, v26;
	v25 =	vxor.u32 v48, v25;
	v49 =	vld.idx.msk [tilespmem:v60+s26+$0x0], $0xffff;
	v13 =	vsub.f32 v13, v1;
	[tilespmem:s22+$0xFFFFFF80] =	vst v30  }
0x165: {  	v10 =	vsub.f32 v37, v1;
	v9 =	vsub.f32 v9, v1;
	v27 =	vxor.u32 v27, v40;
	v56 =	vld [tilespmem:s21+$0x0]  }
0x166: {  	v50 =	vand.u32 $0x7FFFFFFF, v13;
	v51 =	vand.u32 $0x7FFFFFFF, v12;
	v52 =	vand.u32 $0x7FFFFFFF, v11;
	[tilespmem:s22+$0xFFFFFF90] =	vst v27;
	v30 =	vld.idx.msk [tilespmem:v63+s26+$0x0], $0xffff  }
0x167: {  	[tilespmem:s22+$0xFFFFFFB0] =	vst v25;
	v54 =	vmin.f32 v50, $7.000000000e+00;
	v55 =	vand.u32 $0x7FFFFFFF, v10;
	v27 =	vxor.u32 v62, v39;
	v59 =	vld [tilespmem:s21+$0x10]  }
0x168: {  	v57 =	vmin.f32 v51, $7.000000000e+00;
	v53 =	vand.u32 $0x7FFFFFFF, v9;
	v58 =	vmin.f32 v52, $7.000000000e+00;
	[tilespmem:s22+$0xFFFFFFA0] =	vst v27;
	v63 =	vld [tilespmem:s21+$0x30]  }
0x169: {  	v60 =	vmin.f32 v55, $7.000000000e+00;
	v62 =	vsub.f32 $7.500000000e+00, v28;
	v21 =	vxor.u32 v21, v34;
	v61 =	vld [tilespmem:s21+$0x20]  }
0x16a: {  	v45 =	vsub.f32 $7.500000000e+00, v54;
	v25 =	vsub.f32 $7.500000000e+00, v57;
	[tilespmem:s22+$0xFFFFFFC0] =	vst v21;
	v21 =	vxor.u32 v49, v26  }
0x16b: {  	v28 =	vand.u32 $0x80000000, v35;
	v27 =	vmin.f32 v53, $7.000000000e+00;
	v46 =	vld [tilespmem:s21+$0x40];
	[tilespmem:s22+$0xFFFFFFD0] =	vst v21;
	v21 =	vxor.u32 v36, v31  }
0x16c: {  	v26 =	vsub.f32 $7.500000000e+00, v58;
	v31 =	vmul.f32 v56, v0;
	v47 =	vld [tilespmem:s21+$0x50];
	[tilespmem:s22+$0xFFFFFFE0] =	vst v21;
	v21 =	vxor.u32 v30, v28  }
0x16d: {  	v28 =	vsub.f32 $7.500000000e+00, v27;
	v27 =	vmul.f32 v59, v0;
	v30 =	vsub.f32 $7.500000000e+00, v60;
	[tilespmem:s22+$0x70] =	vst v21  }
0x16e: {  	v51 =	vmul.f32 v63, v0;
	v21 =	vsub.f32 v31, v1;
	v24 =	vmul.f32 v61, v0;
	v49 =	vld [tilespmem:s21+$0xF0]  }
0x16f: {  	v48 =	vld [tilespmem:s21+$0x60];
	v31 =	vtrunc.f32 v62;
	v50 =	vsub.f32 v27, v1;
	v27 =	vtrunc.f32 v45  }
0x170: {  	v43 =	vsub.f32 v51, v1;
	v52 =	vand.u32 $0x7FFFFFFF, v21;
	v41 =	vsub.f32 v24, v1  }
0x171: {  	v24 =	vmul.f32 v46, v0;
	v35 =	vmul.f32 v47, v0;
	v21 =	vand.u32 $0x80000000, v21  }
0x172: {  	v53 =	vand.u32 $0x7FFFFFFF, v50;
	v55 =	vand.u32 $0x7FFFFFFF, v43;
	v56 =	vmin.f32 v52, $7.000000000e+00  }
0x173: {  	[tilespmem:s17+$0xF0] =	vst v18;
	v18 =	vld.idx.msk [tilespmem:v22+s26+$0x0], $0xffff;
	v22 =	vand.u32 $0x80000000, v43;
	v54 =	vand.u32 $0x7FFFFFFF, v41;
	v37 =	vmul.f32 v49, v0  }
0x174: {  	v34 =	vsub.f32 v24, v1;
	v24 =	vmul.f32 v48, v0;
	v35 =	vsub.f32 v35, v1  }
0x175: {  	v60 =	vmin.f32 v55, $7.000000000e+00;
	v44 =	vsub.f32 $7.500000000e+00, v56;
	v33 =	vsub.f32 v37, v1  }
0x176: {  	v59 =	vmin.f32 v54, $7.000000000e+00;
	v40 =	vsub.f32 $7.500000000e+00, v60;
	v57 =	vand.u32 $0x7FFFFFFF, v34  }
0x177: {  	v36 =	vsub.f32 v24, v1;
	v24 =	vmin.f32 v53, $7.000000000e+00;
	v62 =	vand.u32 $0x7FFFFFFF, v33  }
0x178: {  	v58 =	vand.u32 $0x7FFFFFFF, v35;
	v44 =	vtrunc.f32 v44;
	v46 =	vmin.f32 v62, $7.000000000e+00  }
0x179: {  	v45 =	vmin.f32 v57, $7.000000000e+00;
	v39 =	vmin.f32 v58, $7.000000000e+00;
	v46 =	vsub.f32 $7.500000000e+00, v46  }
0x17a: {  	v24 =	vsub.f32 $7.500000000e+00, v24;
	v48 =	vtrunc.f32 v40;
	v44 =	vcvt.f32.s32 v44  }
0x17b: {  	v61 =	vand.u32 $0x7FFFFFFF, v36;
	v37 =	vsub.f32 $7.500000000e+00, v59;
	v46 =	vtrunc.f32 v46  }
0x17c: {  	v45 =	vsub.f32 $7.500000000e+00, v45;
	v39 =	vsub.f32 $7.500000000e+00, v39;
	v46 =	vcvt.f32.s32 v46  }
0x17d: {  	v16 =	vld.idx.msk [tilespmem:v16+s26+$0x0], $0xffff;
	v43 =	vcvt.f32.s32 v48;
	v42 =	vmin.f32 v61, $7.000000000e+00;
	v47 =	vtrunc.f32 v24  }
0x17e: {  	v15 =	vld.idx.msk [tilespmem:v15+s26+$0x0], $0xffff;
	v42 =	vsub.f32 $7.500000000e+00, v42;
	v63 =	vtrunc.f32 v37;
	v37 =	vsub.s32 $0x7, v46  }
0x17f: {  	[tilespmem:s25+$0xF0] =	vst v8;
	v8 =	vld.idx.msk [tilespmem:v23+s26+$0x0], $0xffff;
	v23 =	vand.u32 $0x80000000, v41;
	v45 =	vtrunc.f32 v45;
	v39 =	vtrunc.f32 v39  }
0x180: {  	s12 =	simm.s32 $0x100;
	s11 =	sshll.u32 s8, $0xC;
	v17 =	vld.idx.msk [tilespmem:v17+s26+$0x0], $0xffff;
	v24 =	vand.u32 $0x80000000, v50;
	v40 =	vtrunc.f32 v42;
	v42 =	vcvt.f32.s32 v47  }
0x181: {  	s14 =	simm.s32 $0x880;
	s3 =	sor.u32 s6, s11;
	v19 =	vld.idx.msk [tilespmem:v19+s26+$0x0], $0xffff;
	s23 =	simm.s32 $0x8680;
	[tilespmem:s25+$0x80] =	vst v29;
	v38 =	vsub.s32 $0x7, v44;
	v41 =	vcvt.f32.s32 v63;
	v29 =	vcvt.f32.s32 v45  }
.LBB2_3:
0x182: {  	v44 =	vld [tilespmem:s14+$0xFFFFFF70];
	s12 =	sadd.s32 $0x80, s12;
	v42 =	vsub.s32 $0x7, v42;
	v39 =	vcvt.f32.s32 v39;
	v40 =	vcvt.f32.s32 v40  }
0x183: {  	v41 =	vsub.s32 $0x7, v41;
	p1 =	slt.u32 s12, $0x780;
	v43 =	vsub.s32 $0x7, v43;
	v45 =	vsub.s32 $0x7, v29;
	v46 =	vld.idx.msk [tilespmem:v37+s26+$0x0], $0xffff  }
0x184: {  	v34 =	vand.u32 $0x80000000, v34;
	v47 =	vld [tilespmem:s14+$0xFFFFFF10];
	v39 =	vsub.s32 $0x7, v39;
	v40 =	vsub.s32 $0x7, v40  }
0x185: {  	v37 =	vand.u32 $0x80000000, v35;
	v35 =	vand.u32 $0x80000000, v36;
	v29 =	vtrunc.f32 v25;
	v48 =	vld [tilespmem:s14+$0xFFFFFF20]  }
0x186: {  	v26 =	vtrunc.f32 v26;
	v28 =	vtrunc.f32 v28;
	v25 =	vand.u32 $0x80000000, v14;
	v36 =	vld [tilespmem:s14+$0xFFFFFF30]  }
0x187: {  	v14 =	vand.u32 $0x80000000, v20;
	v20 =	vtrunc.f32 v30;
	v49 =	vld [tilespmem:s14+$0xFFFFFF40];
	v44 =	vmul.f32 v44, v0  }
0x188: {  	v33 =	vand.u32 $0x80000000, v33;
	v32 =	vcvt.f32.s32 v32;
	v30 =	vcvt.f32.s32 v31;
	v50 =	vld [tilespmem:s14+$0xFFFFFF50]  }
0x189: {  	v33 =	vxor.u32 v46, v33;
	v31 =	vmul.f32 v47, v0;
	v47 =	vld [tilespmem:s14+$0xFFFFFF60];
	v44 =	vsub.f32 v44, v1  }
0x18a: {  	v27 =	vcvt.f32.s32 v27;
	v32 =	vsub.s32 $0x7, v32;
	v46 =	vld [tilespmem:s14+$0xFFFFFF00];
	v48 =	vmul.f32 v48, v0;
	[tilespmem:s22+$0xF0] =	vst v33  }
0x18b: {  	v31 =	vsub.f32 v31, v1;
	v33 =	vmul.f32 v36, v0;
	v36 =	vand.u32 $0x7FFFFFFF, v44;
	v38 =	vld.idx.msk [tilespmem:v38+s26+$0x0], $0xffff  }
0x18c: {  	v48 =	vsub.f32 v48, v1;
	v49 =	vmul.f32 v49, v0;
	v36 =	vmin.f32 v36, $7.000000000e+00;
	v42 =	vld.idx.msk [tilespmem:v42+s26+$0x0], $0xffff  }
0x18d: {  	v33 =	vsub.f32 v33, v1;
	v50 =	vmul.f32 v50, v0;
	v36 =	vsub.f32 $7.500000000e+00, v36;
	v41 =	vld.idx.msk [tilespmem:v41+s26+$0x0], $0xffff  }
0x18e: {  	v51 =	vand.u32 $0x7FFFFFFF, v31;
	v49 =	vsub.f32 v49, v1;
	v47 =	vmul.f32 v47, v0;
	v43 =	vld.idx.msk [tilespmem:v43+s26+$0x0], $0xffff  }
0x18f: {  	v46 =	vmul.f32 v46, v0;
	v50 =	vsub.f32 v50, v1;
	v36 =	vtrunc.f32 v36;
	v45 =	vld.idx.msk [tilespmem:v45+s26+$0x0], $0xffff  }
0x190: {  	v52 =	vand.u32 $0x7FFFFFFF, v48;
	v47 =	vsub.f32 v47, v1;
	v36 =	vcvt.f32.s32 v36;
	v39 =	vld.idx.msk [tilespmem:v39+s26+$0x0], $0xffff  }
0x191: {  	v53 =	vand.u32 $0x7FFFFFFF, v33;
	v54 =	vand.u32 $0x7FFFFFFF, v49;
	v46 =	vsub.f32 v46, v1;
	v40 =	vld.idx.msk [tilespmem:v40+s26+$0x0], $0xffff  }
0x192: {  	v55 =	vand.u32 $0x7FFFFFFF, v50;
	v56 =	vand.u32 $0x7FFFFFFF, v47;
	v36 =	vsub.s32 $0x7, v36;
	v32 =	vld.idx.msk [tilespmem:v32+s26+$0x0], $0xffff  }
0x193: {  	v51 =	vmin.f32 v51, $7.000000000e+00;
	v52 =	vmin.f32 v52, $7.000000000e+00;
	v57 =	vand.u32 $0x7FFFFFFF, v46  }
0x194: {  	v53 =	vmin.f32 v53, $7.000000000e+00;
	v54 =	vmin.f32 v54, $7.000000000e+00;
	v57 =	vmin.f32 v57, $7.000000000e+00  }
0x195: {  	v55 =	vmin.f32 v55, $7.000000000e+00;
	v56 =	vmin.f32 v56, $7.000000000e+00;
	v57 =	vsub.f32 $7.500000000e+00, v57  }
0x196: {  	v51 =	vsub.f32 $7.500000000e+00, v51;
	v52 =	vsub.f32 $7.500000000e+00, v52;
	v46 =	vand.u32 $0x80000000, v46  }
0x197: {  	v53 =	vsub.f32 $7.500000000e+00, v53;
	v54 =	vsub.f32 $7.500000000e+00, v54;
	v57 =	vtrunc.f32 v57;
	v36 =	vld.idx.msk [tilespmem:v36+s26+$0x0], $0xffff  }
0x198: {  	v51 =	vtrunc.f32 v51;
	v55 =	vsub.f32 $7.500000000e+00, v55;
	v56 =	vsub.f32 $7.500000000e+00, v56  }
0x199: {  	v31 =	vand.u32 $0x80000000, v31;
	v52 =	vtrunc.f32 v52;
	v53 =	vtrunc.f32 v53  }
0x19a: {  	v48 =	vand.u32 $0x80000000, v48;
	v54 =	vtrunc.f32 v54;
	v55 =	vtrunc.f32 v55  }
0x19b: {  	v33 =	vand.u32 $0x80000000, v33;
	v56 =	vtrunc.f32 v56;
	v57 =	vcvt.f32.s32 v57  }
0x19c: {  	v44 =	vand.u32 $0x80000000, v44;
	v51 =	vcvt.f32.s32 v51;
	v52 =	vcvt.f32.s32 v52  }
0x19d: {  	s22 =	sadd.s32 $0x200, s22;
	v53 =	vcvt.f32.s32 v53;
	v54 =	vcvt.f32.s32 v54;
	v36 =	vxor.u32 v36, v44  }
0x19e: {  	v55 =	vcvt.f32.s32 v55;
	v56 =	vcvt.f32.s32 v56;
	v44 =	vsub.s32 $0x7, v57;
	[tilespmem:s22+$0xFFFFFF70] =	vst v36  }
0x19f: {  	v36 =	vsub.s32 $0x7, v51;
	v51 =	vsub.s32 $0x7, v52;
	v52 =	vsub.s32 $0x7, v53;
	v53 =	vld [tilespmem:s14+$0xFFFFFFF0]  }
0x1a0: {  	v54 =	vsub.s32 $0x7, v54;
	v55 =	vsub.s32 $0x7, v55;
	v56 =	vsub.s32 $0x7, v56  }
0x1a1: {  	v49 =	vand.u32 $0x80000000, v49;
	v50 =	vand.u32 $0x80000000, v50;
	v47 =	vand.u32 $0x80000000, v47  }
0x1a2: {  	v21 =	vxor.u32 v38, v21;
	v24 =	vxor.u32 v42, v24;
	v23 =	vxor.u32 v41, v23  }
0x1a3: {  	v41 =	vxor.u32 v43, v22;
	v34 =	vxor.u32 v45, v34;
	v37 =	vxor.u32 v39, v37;
	v38 =	vld.idx.msk [tilespmem:v44+s26+$0x0], $0xffff  }
0x1a4: {  	v35 =	vxor.u32 v40, v35;
	v36 =	vld.idx.msk [tilespmem:v36+s26+$0x0], $0xffff;
	v39 =	vmul.f32 v53, v0;
	[tilespmem:s23+$0x0] =	vst v21;
	v21 =	vcvt.f32.s32 v29  }
0x1a5: {  	v22 =	vsub.s32 $0x7, v30;
	v29 =	vld.idx.msk [tilespmem:v51+s26+$0x0], $0xffff;
	[tilespmem:s23+$0x10] =	vst v24;
	v24 =	vcvt.f32.s32 v26;
	v26 =	vcvt.f32.s32 v28  }
0x1a6: {  	v27 =	vsub.s32 $0x7, v27;
	v28 =	vld.idx.msk [tilespmem:v52+s26+$0x0], $0xffff;
	v30 =	vsub.f32 v39, v1;
	[tilespmem:s23+$0x20] =	vst v23;
	v39 =	vcvt.f32.s32 v20  }
0x1a7: {  	v23 =	vsub.s32 $0x7, v21;
	v40 =	vld.idx.msk [tilespmem:v54+s26+$0x0], $0xffff;
	[tilespmem:s23+$0x30] =	vst v41;
	v21 =	vsub.s32 $0x7, v24;
	v20 =	vsub.s32 $0x7, v26  }
0x1a8: {  	v24 =	vld.idx.msk [tilespmem:v55+s26+$0x0], $0xffff;
	v26 =	vand.u32 $0x7FFFFFFF, v30;
	[tilespmem:s23+$0x40] =	vst v34;
	v34 =	vand.u32 $0x80000000, v13;
	v13 =	vsub.s32 $0x7, v39  }
0x1a9: {  	v12 =	vand.u32 $0x80000000, v12;
	v38 =	vxor.u32 v38, v46;
	v39 =	vld.idx.msk [tilespmem:v56+s26+$0x0], $0xffff;
	v26 =	vmin.f32 v26, $7.000000000e+00;
	[tilespmem:s23+$0x50] =	vst v37  }
0x1aa: {  	v11 =	vand.u32 $0x80000000, v11;
	v31 =	vxor.u32 v36, v31;
	[tilespmem:s22+$0xFFFFFF00] =	vst v38;
	v26 =	vsub.f32 $7.500000000e+00, v26;
	v36 =	vld [tilespmem:s21+$0x80]  }
0x1ab: {  	v9 =	vand.u32 $0x80000000, v9;
	v10 =	vand.u32 $0x80000000, v10;
	v29 =	vxor.u32 v29, v48;
	v37 =	vld [tilespmem:s14+$0xFFFFFF80];
	[tilespmem:s22+$0xFFFFFF10] =	vst v31  }
0x1ac: {  	v25 =	vxor.u32 v32, v25;
	v28 =	vxor.u32 v28, v33;
	v31 =	vld [tilespmem:s14+$0xFFFFFF90];
	[tilespmem:s22+$0xFFFFFF20] =	vst v29;
	v26 =	vtrunc.f32 v26  }
0x1ad: {  	v15 =	vxor.u32 v15, v2;
	v2 =	vmovc v14;
	v29 =	vld [tilespmem:s14+$0xFFFFFFA0];
	[tilespmem:s22+$0xFFFFFF30] =	vst v28;
	v28 =	vxor.u32 v40, v49;
	v26 =	vcvt.f32.s32 v26  }
0x1ae: {  	v16 =	vxor.u32 v16, v3;
	v17 =	vxor.u32 v17, v5;
	v14 =	vxor.u32 v24, v50;
	v32 =	vld [tilespmem:s14+$0xFFFFFFB0];
	[tilespmem:s22+$0xFFFFFF40] =	vst v28  }
0x1af: {  	v3 =	vmovc v34;
	v5 =	vxor.u32 v39, v47;
	v24 =	vld [tilespmem:s14+$0xFFFFFFC0];
	[tilespmem:s22+$0xFFFFFF50] =	vst v14;
	v26 =	vsub.s32 $0x7, v26;
	v14 =	vmul.f32 v36, v0  }
0x1b0: {  	v8 =	vxor.u32 v8, v4;
	v18 =	vxor.u32 v18, v6;
	v28 =	vmul.f32 v37, v0;
	v33 =	vld [tilespmem:s14+$0xFFFFFFD0];
	[tilespmem:s22+$0xFFFFFF60] =	vst v5  }
0x1b1: {  	v19 =	vxor.u32 v19, v7;
	v34 =	vmul.f32 v31, v0;
	v31 =	vld [tilespmem:s14+$0xFFFFFFE0];
	v14 =	vsub.f32 v14, v1;
	[tilespmem:s23+$0x60] =	vst v35  }
0x1b2: {  	v4 =	vmovc v11;
	v5 =	vmov v12;
	v28 =	vsub.f32 v28, v1;
	v35 =	vmul.f32 v29, v0;
	v29 =	vld [tilespmem:s21+$0x90];
	[tilespmem:s17+$0x80] =	vst v25  }
0x1b3: {  	v6 =	vmovc v9;
	v11 =	vsub.f32 v34, v1;
	v12 =	vmul.f32 v32, v0;
	v25 =	vand.u32 $0x7FFFFFFF, v14;
	v32 =	vld [tilespmem:s21+$0xA0];
	[tilespmem:s25+$0x90] =	vst v15  }
0x1b4: {  	v9 =	vand.u32 $0x7FFFFFFF, v28;
	v34 =	vsub.f32 v35, v1;
	v15 =	vmul.f32 v24, v0;
	v24 =	vld.idx.msk [tilespmem:v26+s26+$0x0], $0xffff;
	[tilespmem:s25+$0xA0] =	vst v16  }
0x1b5: {  	v7 =	vmovc v10;
	v16 =	vand.u32 $0x7FFFFFFF, v11;
	v12 =	vsub.f32 v12, v1;
	v26 =	vmul.f32 v33, v0;
	v33 =	vld [tilespmem:s21+$0xB0];
	[tilespmem:s25+$0xB0] =	vst v17  }
0x1b6: {  	v10 =	vand.u32 $0x7FFFFFFF, v34;
	v35 =	vsub.f32 v15, v1;
	v15 =	vmul.f32 v31, v0;
	v31 =	vld [tilespmem:s21+$0xC0];
	[tilespmem:s25+$0xC0] =	vst v8  }
0x1b7: {  	v8 =	vmin.f32 v9, $7.000000000e+00;
	v9 =	vand.u32 $0x7FFFFFFF, v12;
	v26 =	vsub.f32 v26, v1;
	v36 =	vld [tilespmem:s21+$0xD0];
	[tilespmem:s25+$0xD0] =	vst v18  }
0x1b8: {  	v18 =	vmin.f32 v16, $7.000000000e+00;
	v17 =	vand.u32 $0x7FFFFFFF, v35;
	v37 =	vsub.f32 v15, v1;
	v38 =	vld [tilespmem:s21+$0xE0];
	[tilespmem:s25+$0xE0] =	vst v19;
	s25 =	smov.u32 s17;
	s17 =	smov.u32 s23;
	s23 =	smov.u32 s22  }
0x1b9: {  	v10 =	vmin.f32 v10, $7.000000000e+00;
	v16 =	vand.u32 $0x80000000, v30;
	s21 =	smov.u32 s14;
	v19 =	vand.u32 $0x7FFFFFFF, v26;
	v15 =	vld.idx.msk [tilespmem:v22+s26+$0x0], $0xffff  }
0x1ba: {  	v9 =	vmin.f32 v9, $7.000000000e+00;
	v24 =	vxor.u32 v24, v16;
	v22 =	vand.u32 $0x7FFFFFFF, v37;
	v16 =	vld.idx.msk [tilespmem:v27+s26+$0x0], $0xffff  }
0x1bb: {  	v27 =	vmin.f32 v17, $7.000000000e+00;
	v19 =	vmin.f32 v19, $7.000000000e+00;
	v22 =	vmin.f32 v22, $7.000000000e+00;
	[tilespmem:s22+$0xFFFFFFF0] =	vst v24;
	v17 =	vld.idx.msk [tilespmem:v23+s26+$0x0], $0xffff  }
0x1bc: {  	v23 =	vsub.f32 $7.500000000e+00, v8;
	v24 =	vand.u32 $0x80000000, v28;
	v28 =	vsub.f32 $7.500000000e+00, v18;
	v30 =	vld [tilespmem:s14+$0x70]  }
0x1bd: {  	v39 =	vand.u32 $0x80000000, v11;
	v10 =	vsub.f32 $7.500000000e+00, v10;
	v9 =	vsub.f32 $7.500000000e+00, v9;
	v8 =	vld.idx.msk [tilespmem:v21+s26+$0x0], $0xffff  }
0x1be: {  	v11 =	vtrunc.f32 v23;
	v21 =	vsub.f32 $7.500000000e+00, v27;
	v23 =	vsub.f32 $7.500000000e+00, v19;
	v18 =	vld.idx.msk [tilespmem:v20+s26+$0x0], $0xffff  }
0x1bf: {  	v10 =	vtrunc.f32 v10;
	v22 =	vsub.f32 $7.500000000e+00, v22;
	v20 =	vtrunc.f32 v28;
	v19 =	vld.idx.msk [tilespmem:v13+s26+$0x0], $0xffff  }
0x1c0: {  	v9 =	vtrunc.f32 v9;
	v27 =	vand.u32 $0x80000000, v34;
	v13 =	vtrunc.f32 v21  }
0x1c1: {  	v21 =	vand.u32 $0x80000000, v12;
	v12 =	vtrunc.f32 v23;
	v23 =	vmul.f32 v30, v0  }
0x1c2: {  	v11 =	vcvt.f32.s32 v11;
	v28 =	vand.u32 $0x80000000, v35;
	v22 =	vtrunc.f32 v22  }
0x1c3: {  	v10 =	vcvt.f32.s32 v10;
	v20 =	vcvt.f32.s32 v20;
	v23 =	vsub.f32 v23, v1  }
0x1c4: {  	v9 =	vcvt.f32.s32 v9;
	v11 =	vsub.s32 $0x7, v11;
	v13 =	vcvt.f32.s32 v13  }
0x1c5: {  	v22 =	vcvt.f32.s32 v22;
	v12 =	vcvt.f32.s32 v12;
	v30 =	vand.u32 $0x7FFFFFFF, v23  }
0x1c6: {  	v10 =	vsub.s32 $0x7, v10;
	v20 =	vsub.s32 $0x7, v20;
	v30 =	vmin.f32 v30, $7.000000000e+00  }
0x1c7: {  	v9 =	vsub.s32 $0x7, v9;
	v34 =	vsub.s32 $0x7, v13;
	v13 =	vsub.f32 $7.500000000e+00, v30  }
0x1c8: {  	v26 =	vand.u32 $0x80000000, v26;
	v22 =	vsub.s32 $0x7, v22;
	v30 =	vsub.s32 $0x7, v12  }
0x1c9: {  	v37 =	vand.u32 $0x80000000, v37;
	v12 =	vmul.f32 v29, v0;
	v35 =	vld.idx.msk [tilespmem:v11+s26+$0x0], $0xffff;
	v11 =	vtrunc.f32 v13  }
0x1ca: {  	v25 =	vmin.f32 v25, $7.000000000e+00;
	v13 =	vmul.f32 v32, v0;
	v11 =	vcvt.f32.s32 v11  }
0x1cb: {  	v31 =	vmul.f32 v31, v0;
	v29 =	vld.idx.msk [tilespmem:v20+s26+$0x0], $0xffff;
	v20 =	vsub.f32 v12, v1;
	v12 =	vmul.f32 v33, v0  }
0x1cc: {  	v32 =	vld.idx.msk [tilespmem:v10+s26+$0x0], $0xffff;
	v33 =	vsub.s32 $0x7, v11;
	v10 =	vmul.f32 v36, v0;
	v36 =	vmul.f32 v38, v0  }
0x1cd: {  	v13 =	vsub.f32 v13, v1;
	v38 =	vld.idx.msk [tilespmem:v9+s26+$0x0], $0xffff;
	v9 =	vand.u32 $0x7FFFFFFF, v20;
	v12 =	vsub.f32 v12, v1  }
0x1ce: {  	v11 =	vsub.f32 v31, v1;
	v34 =	vld.idx.msk [tilespmem:v34+s26+$0x0], $0xffff;
	v40 =	vmin.f32 v9, $7.000000000e+00;
	v9 =	vsub.f32 v10, v1  }
0x1cf: {  	v31 =	vand.u32 $0x7FFFFFFF, v13;
	v24 =	vxor.u32 v35, v24;
	v10 =	vsub.f32 v36, v1;
	v30 =	vld.idx.msk [tilespmem:v30+s26+$0x0], $0xffff  }
0x1d0: {  	v35 =	vand.u32 $0x7FFFFFFF, v11;
	[tilespmem:s22+$0xFFFFFF80] =	vst v24;
	v22 =	vld.idx.msk [tilespmem:v22+s26+$0x0], $0xffff;
	v24 =	vand.u32 $0x7FFFFFFF, v12;
	v36 =	vand.u32 $0x7FFFFFFF, v9  }
0x1d1: {  	v31 =	vmin.f32 v31, $7.000000000e+00;
	v29 =	vxor.u32 v29, v39;
	v39 =	vand.u32 $0x7FFFFFFF, v10;
	v33 =	vld.idx.msk [tilespmem:v33+s26+$0x0], $0xffff  }
0x1d2: {  	v27 =	vxor.u32 v32, v27;
	v24 =	vmin.f32 v24, $7.000000000e+00;
	v41 =	vld [tilespmem:s14+$0x0];
	[tilespmem:s22+$0xFFFFFF90] =	vst v29;
	v29 =	vmin.f32 v35, $7.000000000e+00  }
0x1d3: {  	v21 =	vxor.u32 v38, v21;
	v35 =	vmin.f32 v39, $7.000000000e+00;
	v32 =	vld [tilespmem:s14+$0x10];
	[tilespmem:s22+$0xFFFFFFA0] =	vst v27;
	v27 =	vmin.f32 v36, $7.000000000e+00  }
0x1d4: {  	v38 =	vsub.f32 $7.500000000e+00, v40;
	v36 =	vld [tilespmem:s14+$0x20];
	[tilespmem:s22+$0xFFFFFFB0] =	vst v21;
	v21 =	vxor.u32 v34, v28;
	v34 =	vsub.f32 $7.500000000e+00, v25  }
0x1d5: {  	v40 =	vsub.f32 $7.500000000e+00, v31;
	v25 =	vsub.f32 $7.500000000e+00, v24;
	v39 =	vld [tilespmem:s14+$0x30];
	[tilespmem:s22+$0xFFFFFFC0] =	vst v21;
	v21 =	vxor.u32 v30, v26  }
0x1d6: {  	v26 =	vsub.f32 $7.500000000e+00, v29;
	v24 =	vld [tilespmem:s14+$0x40];
	[tilespmem:s22+$0xFFFFFFD0] =	vst v21;
	v21 =	vxor.u32 v22, v37;
	v22 =	vand.u32 $0x80000000, v23  }
0x1d7: {  	v28 =	vsub.f32 $7.500000000e+00, v27;
	v23 =	vmul.f32 v41, v0;
	v29 =	vld [tilespmem:s14+$0x50];
	[tilespmem:s22+$0xFFFFFFE0] =	vst v21;
	v21 =	vxor.u32 v33, v22  }
0x1d8: {  	v30 =	vsub.f32 $7.500000000e+00, v35;
	v22 =	vmul.f32 v32, v0;
	v33 =	vld [tilespmem:s14+$0x60];
	[tilespmem:s22+$0x70] =	vst v21;
	v32 =	vtrunc.f32 v34  }
0x1d9: {  	v31 =	vtrunc.f32 v38;
	v21 =	vsub.f32 v23, v1;
	v23 =	vmul.f32 v36, v0;
	v36 =	vld [tilespmem:s14+$0xF0]  }
0x1da: {  	v27 =	vtrunc.f32 v40;
	v22 =	vsub.f32 v22, v1;
	v34 =	vmul.f32 v39, v0  }
0x1db: {  	v37 =	vand.u32 $0x7FFFFFFF, v21;
	v23 =	vsub.f32 v23, v1;
	v24 =	vmul.f32 v24, v0  }
0x1dc: {  	v38 =	vand.u32 $0x7FFFFFFF, v22;
	v43 =	vsub.f32 v34, v1;
	v29 =	vmul.f32 v29, v0  }
0x1dd: {  	v39 =	vand.u32 $0x7FFFFFFF, v23;
	v34 =	vsub.f32 v24, v1;
	v24 =	vmul.f32 v33, v0  }
0x1de: {  	v40 =	vand.u32 $0x7FFFFFFF, v43;
	v35 =	vsub.f32 v29, v1;
	v29 =	vmul.f32 v36, v0  }
0x1df: {  	v37 =	vmin.f32 v37, $7.000000000e+00;
	v41 =	vand.u32 $0x7FFFFFFF, v34;
	v36 =	vsub.f32 v24, v1  }
0x1e0: {  	v24 =	vmin.f32 v38, $7.000000000e+00;
	v38 =	vand.u32 $0x7FFFFFFF, v35;
	v33 =	vsub.f32 v29, v1  }
0x1e1: {  	v29 =	vmin.f32 v39, $7.000000000e+00;
	v39 =	vmin.f32 v40, $7.000000000e+00;
	v40 =	vand.u32 $0x7FFFFFFF, v36  }
0x1e2: {  	v41 =	vmin.f32 v41, $7.000000000e+00;
	v38 =	vmin.f32 v38, $7.000000000e+00;
	v42 =	vand.u32 $0x7FFFFFFF, v33  }
0x1e3: {  	v37 =	vsub.f32 $7.500000000e+00, v37;
	v40 =	vmin.f32 v40, $7.000000000e+00;
	v42 =	vmin.f32 v42, $7.000000000e+00  }
0x1e4: {  	v21 =	vand.u32 $0x80000000, v21;
	v24 =	vsub.f32 $7.500000000e+00, v24;
	v42 =	vsub.f32 $7.500000000e+00, v42  }
0x1e5: {  	v44 =	vtrunc.f32 v37;
	v29 =	vsub.f32 $7.500000000e+00, v29;
	v37 =	vsub.f32 $7.500000000e+00, v39  }
0x1e6: {  	v39 =	vsub.f32 $7.500000000e+00, v41;
	v38 =	vsub.f32 $7.500000000e+00, v38;
	v41 =	vtrunc.f32 v42  }
0x1e7: {  	v40 =	vsub.f32 $7.500000000e+00, v40;
	v42 =	vtrunc.f32 v24;
	v41 =	vcvt.f32.s32 v41  }
.Ltmp2:
0x1e8: {  	v24 =	vand.u32 $0x80000000, v22;
	v22 =	vtrunc.f32 v29;
	v29 =	vtrunc.f32 v37;
	(pc) =	sbr.rel @p1 .LBB2_3-.Ltmp2, $4  }
0x1e9: {  	v45 =	vtrunc.f32 v39;
	v39 =	vtrunc.f32 v38;
	v37 =	vsub.s32 $0x7, v41  }
0x1ea: {  	v23 =	vand.u32 $0x80000000, v23;
	v38 =	vcvt.f32.s32 v44;
	v40 =	vtrunc.f32 v40  }
0x1eb: {  	v42 =	vcvt.f32.s32 v42;
	v41 =	vcvt.f32.s32 v22;
	v22 =	vand.u32 $0x80000000, v43  }
0x1ec: {  	s14 =	sadd.s32 $0x200, s14;
	v38 =	vsub.s32 $0x7, v38;
	v43 =	vcvt.f32.s32 v29;
	v29 =	vcvt.f32.s32 v45  }
0x1ed: {  	_ = 	snop  }
0x1ee: {  	v42 =	vsub.s32 $0x7, v42  }
0x1ef: {  	v41 =	vsub.s32 $0x7, v41  }
0x1f0: {  	v39 =	vcvt.f32.s32 v39;
	v43 =	vsub.s32 $0x7, v43  }
0x1f1: {  	v40 =	vcvt.f32.s32 v40;
	v37 =	vld.idx.msk [tilespmem:v37+s26+$0x0], $0xffff;
	v29 =	vsub.s32 $0x7, v29  }
0x1f2: {  	v38 =	vld.idx.msk [tilespmem:v38+s26+$0x0], $0xffff;
	v39 =	vsub.s32 $0x7, v39  }
0x1f3: {  	v32 =	vcvt.f32.s32 v32;
	v40 =	vsub.s32 $0x7, v40;
	v42 =	vld.idx.msk [tilespmem:v42+s26+$0x0], $0xffff  }
0x1f4: {  	v34 =	vand.u32 $0x80000000, v34;
	v41 =	vld.idx.msk [tilespmem:v41+s26+$0x0], $0xffff  }
0x1f5: {  	v35 =	vand.u32 $0x80000000, v35;
	v36 =	vand.u32 $0x80000000, v36;
	v32 =	vsub.s32 $0x7, v32;
	v43 =	vld.idx.msk [tilespmem:v43+s26+$0x0], $0xffff  }
0x1f6: {  	v25 =	vtrunc.f32 v25;
	v14 =	vand.u32 $0x80000000, v14;
	v26 =	vtrunc.f32 v26;
	v29 =	vld.idx.msk [tilespmem:v29+s26+$0x0], $0xffff  }
0x1f7: {  	v28 =	vtrunc.f32 v28;
	v20 =	vand.u32 $0x80000000, v20;
	v21 =	vxor.u32 v38, v21;
	v39 =	vld.idx.msk [tilespmem:v39+s26+$0x0], $0xffff  }
0x1f8: {  	v48 =	vtrunc.f32 v30;
	v49 =	vand.u32 $0x80000000, v33;
	v31 =	vcvt.f32.s32 v31;
	[tilespmem:s23+$0x0] =	vst v21;
	v40 =	vld.idx.msk [tilespmem:v40+s26+$0x0], $0xffff  }
0x1f9: {  	v2 =	vxor.u32 v15, v2;
	v3 =	vxor.u32 v16, v3;
	v50 =	vld [tilespmem:s21+$0x80];
	v24 =	vxor.u32 v42, v24  }
0x1fa: {  	v27 =	vcvt.f32.s32 v27;
	v5 =	vxor.u32 v17, v5;
	v32 =	vld.idx.msk [tilespmem:v32+s26+$0x0], $0xffff;
	v23 =	vxor.u32 v41, v23;
	[tilespmem:s23+$0x10] =	vst v24  }
0x1fb: {  	v4 =	vxor.u32 v8, v4;
	v6 =	vxor.u32 v18, v6;
	v22 =	vxor.u32 v43, v22;
	[tilespmem:s23+$0x20] =	vst v23;
	v53 =	vld [tilespmem:s21+$0x90]  }
0x1fc: {  	v7 =	vxor.u32 v19, v7;
	v13 =	vand.u32 $0x80000000, v13;
	v29 =	vxor.u32 v29, v34;
	[tilespmem:s23+$0x30] =	vst v22;
	v54 =	vld [tilespmem:s21+$0xA0]  }
0x1fd: {  	v25 =	vcvt.f32.s32 v25;
	v26 =	vcvt.f32.s32 v26;
	v51 =	vxor.u32 v39, v35;
	[tilespmem:s23+$0x40] =	vst v29;
	v56 =	vld [tilespmem:s21+$0xB0]  }
0x1fe: {  	v28 =	vcvt.f32.s32 v28;
	v52 =	vxor.u32 v40, v36;
	v55 =	vmul.f32 v50, v0;
	[tilespmem:s23+$0x50] =	vst v51;
	v57 =	vld [tilespmem:s21+$0xC0]  }
0x1ff: {  	v31 =	vsub.s32 $0x7, v31;
	v27 =	vsub.s32 $0x7, v27;
	v21 =	vcvt.f32.s32 v48;
	[tilespmem:s23+$0x60] =	vst v52;
	v58 =	vld [tilespmem:s21+$0xD0]  }
0x200: {  	v25 =	vsub.s32 $0x7, v25;
	v26 =	vsub.s32 $0x7, v26;
	v29 =	vsub.f32 v55, v1;
	v59 =	vld [tilespmem:s21+$0xE0]  }
0x201: {  	v28 =	vsub.s32 $0x7, v28;
	v30 =	vxor.u32 v37, v49;
	v21 =	vsub.s32 $0x7, v21  }
0x202: {  	v14 =	vxor.u32 v32, v14;
	v60 =	vand.u32 $0x7FFFFFFF, v29;
	v61 =	vmul.f32 v53, v0  }
0x203: {  	v8 =	vmin.f32 v60, $7.000000000e+00;
	v62 =	vmul.f32 v54, v0;
	v63 =	vmul.f32 v56, v0  }
0x204: {  	v33 =	vmul.f32 v57, v0;
	v8 =	vsub.f32 $7.500000000e+00, v8;
	v16 =	vsub.f32 v61, v1  }
0x205: {  	v34 =	vmul.f32 v58, v0;
	v15 =	vmul.f32 v59, v0;
	v17 =	vsub.f32 v62, v1  }
0x206: {  	v18 =	vsub.f32 v63, v1;
	v8 =	vtrunc.f32 v8;
	v19 =	vsub.f32 v33, v1  }
0x207: {  	v35 =	vand.u32 $0x7FFFFFFF, v16;
	v22 =	vsub.f32 v34, v1;
	v8 =	vcvt.f32.s32 v8  }
0x208: {  	v36 =	vand.u32 $0x7FFFFFFF, v17;
	v15 =	vsub.f32 v15, v1;
	v23 =	vmin.f32 v35, $7.000000000e+00  }
0x209: {  	v37 =	vand.u32 $0x7FFFFFFF, v18;
	v38 =	vand.u32 $0x7FFFFFFF, v19;
	v24 =	vmin.f32 v36, $7.000000000e+00  }
0x20a: {  	v39 =	vand.u32 $0x7FFFFFFF, v22;
	v8 =	vsub.s32 $0x7, v8;
	v40 =	vand.u32 $0x7FFFFFFF, v15  }
0x20b: {  	v32 =	vmin.f32 v37, $7.000000000e+00;
	v33 =	vmin.f32 v38, $7.000000000e+00;
	v23 =	vsub.f32 $7.500000000e+00, v23  }
0x20c: {  	[tilespmem:s25+$0x90] =	vst v2;
	v24 =	vsub.f32 $7.500000000e+00, v24;
	v34 =	vmin.f32 v39, $7.000000000e+00;
	v41 =	vmin.f32 v40, $7.000000000e+00  }
0x20d: {  	[tilespmem:s25+$0xA0] =	vst v3;
	v32 =	vsub.f32 $7.500000000e+00, v32;
	v42 =	vsub.f32 $7.500000000e+00, v33;
	v23 =	vtrunc.f32 v23  }
0x20e: {  	[tilespmem:s25+$0xB0] =	vst v5;
	v3 =	vld.idx.msk [tilespmem:v31+s26+$0x0], $0xffff;
	v43 =	vsub.f32 $7.500000000e+00, v34;
	v24 =	vtrunc.f32 v24;
	v23 =	vcvt.f32.s32 v23  }
0x20f: {  	[tilespmem:s25+$0xC0] =	vst v4;
	v45 =	vld.idx.msk [tilespmem:v27+s26+$0x0], $0xffff;
	v2 =	vsub.f32 $7.500000000e+00, v41;
	v44 =	vtrunc.f32 v32;
	v24 =	vcvt.f32.s32 v24  }
0x210: {  	v49 =	vld.idx.msk [tilespmem:v26+s26+$0x0], $0xffff;
	[tilespmem:s17+$0x80] =	vst v14;
	v14 =	vtrunc.f32 v42;
	v46 =	vcvt.f32.s32 v44;
	v23 =	vsub.s32 $0x7, v23  }
0x211: {  	[tilespmem:s25+$0xD0] =	vst v6;
	v47 =	vld.idx.msk [tilespmem:v25+s26+$0x0], $0xffff;
	v48 =	vtrunc.f32 v43;
	v14 =	vcvt.f32.s32 v14;
	v24 =	vsub.s32 $0x7, v24  }
0x212: {  	[tilespmem:s25+$0xE0] =	vst v7;
	v51 =	vld.idx.msk [tilespmem:v28+s26+$0x0], $0xffff;
	v2 =	vtrunc.f32 v2;
	v25 =	vcvt.f32.s32 v48;
	v50 =	vsub.s32 $0x7, v46  }
0x213: {  	[tilespmem:s22+$0xF0] =	vst v30;
	v3 =	vxor.u32 v3, v20;
	v21 =	vld.idx.msk [tilespmem:v21+s26+$0x0], $0xffff;
	v2 =	vcvt.f32.s32 v2;
	v14 =	vsub.s32 $0x7, v14  }
0x214: {  	v11 =	vand.u32 $0x80000000, v11;
	v5 =	vxor.u32 v45, v13;
	[tilespmem:s17+$0x90] =	vst v3;
	v8 =	vld.idx.msk [tilespmem:v8+s26+$0x0], $0xffff;
	v25 =	vsub.s32 $0x7, v25  }
0x215: {  	v52 =	vand.u32 $0x80000000, v12;
	[tilespmem:s17+$0xA0] =	vst v5;
	v6 =	vxor.u32 v49, v11;
	v2 =	vsub.s32 $0x7, v2;
	v3 =	vld.idx.msk [tilespmem:v23+s26+$0x0], $0xffff  }
0x216: {  	v4 =	vxor.u32 v47, v52;
	[tilespmem:s17+$0xC0] =	vst v6;
	v54 =	vand.u32 $0x80000000, v9;
	v53 =	vld.idx.msk [tilespmem:v24+s26+$0x0], $0xffff  }
0x217: {  	[tilespmem:s17+$0xB0] =	vst v4;
	v56 =	vand.u32 $0x80000000, v10;
	v7 =	vxor.u32 v51, v54;
	v55 =	vld.idx.msk [tilespmem:v50+s26+$0x0], $0xffff  }
0x218: {  	v29 =	vand.u32 $0x80000000, v29;
	v9 =	vxor.u32 v21, v56;
	[tilespmem:s17+$0xD0] =	vst v7;
	v57 =	vld.idx.msk [tilespmem:v14+s26+$0x0], $0xffff  }
0x219: {  	[tilespmem:s17+$0xE0] =	vst v9;
	v58 =	vand.u32 $0x80000000, v16;
	v8 =	vxor.u32 v8, v29;
	v59 =	vld.idx.msk [tilespmem:v25+s26+$0x0], $0xffff  }
0x21a: {  	v60 =	vand.u32 $0x80000000, v17;
	[tilespmem:s23+$0x80] =	vst v8;
	v2 =	vld.idx.msk [tilespmem:v2+s26+$0x0], $0xffff;
	v3 =	vxor.u32 v3, v58  }
0x21b: {  	v61 =	vand.u32 $0x80000000, v18;
	v5 =	vxor.u32 v53, v60;
	[tilespmem:s23+$0x90] =	vst v3  }
0x21c: {  	p1 =	sne.s32 s8, $0x3;
	v3 =	vand.u32 $0x80000000, v19;
	v4 =	vxor.u32 v55, v61;
	[tilespmem:s23+$0xA0] =	vst v5  }
.Ltmp3:
0x21d: {  	v62 =	vand.u32 $0x80000000, v22;
	v3 =	vxor.u32 v57, v3;
	[tilespmem:s23+$0xB0] =	vst v4;
	(pc) =	sbr.rel @p1 .LBB2_6-.Ltmp3, $4  }
0x21e: {  	v63 =	vand.u32 $0x80000000, v15;
	v5 =	vxor.u32 v59, v62;
	[tilespmem:s23+$0xC0] =	vst v3  }
0x21f: {  	v2 =	vxor.u32 v2, v63;
	[tilespmem:s23+$0xD0] =	vst v5  }
0x220: {  	s12 =	sadd.s32 s1, s3;
	[tilespmem:s23+$0xE0] =	vst v2  }
0x221: {  	[hbm4b:s12+s19] =	stream.strided.scatter [tilespmem:s30], [sflag:$0x5], $0x2000, s20, s19, $0x38;
	[tilespmem:$0x10180] =	vst v63  }
.Ltmp4:
0x222: {  	(pc) =	sbr.rel .LBB2_7-.Ltmp4, $4  }
0x223: {  	_ = 	snop  }
0x224: {  	_ =	swait.ge [sflag:s31], $0x2000  }
0x225: {  	[sflag:s31] =	ssyncset.done $0x0  }
0x226: {  	[sflag:s31] =	ssyncadd.s32 $0xFFFFE000  }
.LBB2_6:
0x227: {  	s12 =	rddreg [dreg:$0xb]  }
.Ltmp5:
0x228: {  	s14 =	simm.s32 $0x180;
	s12 =	sadd.s32 s11, s12;
	(pc) =	sbr.rel @p0 .LBB2_8-.Ltmp5, $4  }
0x229: {  	[tilespmem:s14], [sflag:$0x1] =	stream.strided.gather [hbm4b:s12+s19], $0x2000, s20, s19, $0x38;
	[tilespmem:$0x10180] =	vst v63  }
0x22a: {  	_ =	swait.ge [sflag:s31], $0x2000  }
0x22b: {  	[sflag:s31] =	ssyncset.done $0x0  }
0x22c: {  	[sflag:s31] =	ssyncadd.s32 $0xFFFFE000  }
.LBB2_7:
0x22d: {  	_ =	swait.ge [sflag:s0], $0x2000  }
0x22e: {  	[sflag:s0] =	ssyncset.done $0x0  }
0x22f: {  	[sflag:s0] =	ssyncadd.s32 $0xFFFFE000  }
.LBB2_8:
0x230: {  	s12 =	simm.s32 $0x2280  }
0x231: {  	v2 =	vld [tilespmem:s12+$0xFFFFFF70]  }
0x232: {  	v3 =	vld [tilespmem:s12+$0xFFFFFF10]  }
0x233: {  	v4 =	vld [tilespmem:s12+$0xFFFFFF20]  }
0x234: {  	v5 =	vld [tilespmem:s12+$0xFFFFFF30]  }
0x235: {  	v7 =	vld [tilespmem:s12+$0xFFFFFF40]  }
0x236: {  	v8 =	vld [tilespmem:s12+$0xFFFFFF50]  }
0x237: {  	v9 =	vld [tilespmem:s12+$0xFFFFFF60]  }
0x238: {  	s23 =	simm.s32 $0x2480;
	v10 =	vld [tilespmem:s12+$0xFFFFFF00]  }
0x239: {  	v18 =	vld [tilespmem:s23+$0xFFFFFF70]  }
0x23a: {  	v19 =	vld [tilespmem:s23+$0xFFFFFF10]  }
0x23b: {  	v20 =	vld [tilespmem:s23+$0xFFFFFF20]  }
0x23c: {  	v21 =	vld [tilespmem:s23+$0xFFFFFF30]  }
0x23d: {  	v22 =	vld [tilespmem:s23+$0xFFFFFF40];
	v2 =	vmul.f32 v2, v0  }
0x23e: {  	v23 =	vld [tilespmem:s23+$0xFFFFFF50];
	v3 =	vmul.f32 v3, v0;
	v4 =	vmul.f32 v4, v0  }
0x23f: {  	v24 =	vld [tilespmem:s23+$0xFFFFFF60];
	v5 =	vmul.f32 v5, v0;
	v7 =	vmul.f32 v7, v0  }
0x240: {  	v25 =	vld [tilespmem:s23+$0xFFFFFF00];
	v8 =	vmul.f32 v8, v0;
	v9 =	vmul.f32 v9, v0  }
0x241: {  	s21 =	simm.s32 $0x2680;
	v10 =	vmul.f32 v10, v0;
	v18 =	vmul.f32 v18, v0  }
0x242: {  	v39 =	vld [tilespmem:s21+$0xFFFFFF40];
	v19 =	vmul.f32 v19, v0;
	v20 =	vmul.f32 v20, v0  }
0x243: {  	v40 =	vld [tilespmem:s21+$0xFFFFFF50];
	v21 =	vmul.f32 v21, v0;
	v22 =	vmul.f32 v22, v0;
	v2 =	vsub.f32 v2, v1  }
0x244: {  	v23 =	vmul.f32 v23, v0;
	v24 =	vmul.f32 v24, v0  }
0x245: {  	v25 =	vmul.f32 v25, v0;
	v3 =	vsub.f32 v3, v1;
	v6 =	vand.u32 $0x7FFFFFFF, v2  }
0x246: {  	v41 =	vld [tilespmem:s21+$0xFFFFFF60];
	v4 =	vsub.f32 v4, v1;
	v5 =	vsub.f32 v5, v1;
	v6 =	vmin.f32 v6, $7.000000000e+00  }
0x247: {  	v51 =	vmul.f32 v39, v0;
	v7 =	vsub.f32 v7, v1;
	v6 =	vsub.f32 $7.500000000e+00, v6  }
0x248: {  	v36 =	vld [tilespmem:s21+$0xFFFFFF20];
	v52 =	vmul.f32 v40, v0;
	v8 =	vsub.f32 v8, v1;
	v9 =	vsub.f32 v9, v1  }
0x249: {  	v37 =	vld [tilespmem:s21+$0xFFFFFF30];
	v10 =	vsub.f32 v10, v1;
	v18 =	vsub.f32 v18, v1;
	v6 =	vtrunc.f32 v6  }
0x24a: {  	v19 =	vsub.f32 v19, v1;
	v20 =	vsub.f32 v20, v1;
	v6 =	vcvt.f32.s32 v6  }
0x24b: {  	v54 =	vmul.f32 v41, v0;
	v21 =	vsub.f32 v21, v1;
	v22 =	vsub.f32 v22, v1  }
0x24c: {  	v23 =	vsub.f32 v23, v1;
	v24 =	vsub.f32 v24, v1;
	v6 =	vsub.s32 $0x7, v6  }
0x24d: {  	v49 =	vmul.f32 v36, v0;
	v25 =	vsub.f32 v25, v1;
	v36 =	vsub.f32 v51, v1  }
0x24e: {  	v50 =	vmul.f32 v37, v0;
	v37 =	vsub.f32 v52, v1;
	v40 =	vsub.f32 v54, v1  }
0x24f: {  	v11 =	vand.u32 $0x7FFFFFFF, v3;
	v12 =	vand.u32 $0x7FFFFFFF, v4;
	v13 =	vand.u32 $0x7FFFFFFF, v5  }
0x250: {  	v14 =	vand.u32 $0x7FFFFFFF, v7;
	v15 =	vand.u32 $0x7FFFFFFF, v8;
	v16 =	vand.u32 $0x7FFFFFFF, v9  }
0x251: {  	v17 =	vand.u32 $0x7FFFFFFF, v10;
	v2 =	vand.u32 $0x80000000, v2;
	v10 =	vand.u32 $0x80000000, v10;
	v6 =	vld.idx.msk [tilespmem:v6+s26+$0x0], $0xffff  }
0x252: {  	v11 =	vmin.f32 v11, $7.000000000e+00;
	v12 =	vmin.f32 v12, $7.000000000e+00;
	v17 =	vmin.f32 v17, $7.000000000e+00  }
0x253: {  	v13 =	vmin.f32 v13, $7.000000000e+00;
	v17 =	vsub.f32 $7.500000000e+00, v17;
	v11 =	vsub.f32 $7.500000000e+00, v11  }
0x254: {  	v14 =	vmin.f32 v14, $7.000000000e+00;
	v15 =	vmin.f32 v15, $7.000000000e+00;
	v12 =	vsub.f32 $7.500000000e+00, v12  }
0x255: {  	v16 =	vmin.f32 v16, $7.000000000e+00;
	v17 =	vtrunc.f32 v17;
	v11 =	vtrunc.f32 v11  }
0x256: {  	v12 =	vtrunc.f32 v12;
	v11 =	vcvt.f32.s32 v11;
	v2 =	vxor.u32 v6, v2  }
0x257: {  	s25 =	simm.s32 $0xA280;
	v6 =	vsub.f32 $7.500000000e+00, v13;
	v13 =	vsub.f32 $7.500000000e+00, v14;
	v14 =	vcvt.f32.s32 v17  }
0x258: {  	v16 =	vsub.f32 $7.500000000e+00, v16;
	v12 =	vcvt.f32.s32 v12;
	v11 =	vsub.s32 $0x7, v11;
	[tilespmem:s25+$0xFFFFFF70] =	vst v2  }
0x259: {  	v2 =	vsub.f32 $7.500000000e+00, v15;
	v15 =	vld [tilespmem:s12+$0xFFFFFFF0];
	v6 =	vtrunc.f32 v6;
	v14 =	vsub.s32 $0x7, v14  }
0x25a: {  	v12 =	vsub.s32 $0x7, v12;
	v13 =	vtrunc.f32 v13;
	v6 =	vcvt.f32.s32 v6  }
0x25b: {  	v3 =	vand.u32 $0x80000000, v3;
	v2 =	vtrunc.f32 v2;
	v13 =	vcvt.f32.s32 v13  }
0x25c: {  	v16 =	vtrunc.f32 v16;
	v2 =	vcvt.f32.s32 v2;
	v6 =	vsub.s32 $0x7, v6  }
0x25d: {  	v4 =	vand.u32 $0x80000000, v4;
	v16 =	vcvt.f32.s32 v16;
	v11 =	vld.idx.msk [tilespmem:v11+s26+$0x0], $0xffff;
	v13 =	vsub.s32 $0x7, v13  }
0x25e: {  	v5 =	vand.u32 $0x80000000, v5;
	v2 =	vsub.s32 $0x7, v2;
	v15 =	vmul.f32 v15, v0;
	v14 =	vld.idx.msk [tilespmem:v14+s26+$0x0], $0xffff  }
0x25f: {  	v7 =	vand.u32 $0x80000000, v7;
	v26 =	vand.u32 $0x7FFFFFFF, v18;
	v16 =	vsub.s32 $0x7, v16;
	v12 =	vld.idx.msk [tilespmem:v12+s26+$0x0], $0xffff  }
0x260: {  	v27 =	vand.u32 $0x7FFFFFFF, v19;
	v28 =	vand.u32 $0x7FFFFFFF, v20;
	v15 =	vsub.f32 v15, v1  }
0x261: {  	v29 =	vand.u32 $0x7FFFFFFF, v21;
	v30 =	vand.u32 $0x7FFFFFFF, v22;
	v31 =	vand.u32 $0x7FFFFFFF, v23;
	v6 =	vld.idx.msk [tilespmem:v6+s26+$0x0], $0xffff  }
0x262: {  	v32 =	vand.u32 $0x7FFFFFFF, v24;
	v3 =	vxor.u32 v11, v3;
	v13 =	vld.idx.msk [tilespmem:v13+s26+$0x0], $0xffff;
	v17 =	vand.u32 $0x7FFFFFFF, v15  }
0x263: {  	v33 =	vand.u32 $0x7FFFFFFF, v25;
	[tilespmem:s25+$0xFFFFFF10] =	vst v3;
	v2 =	vld.idx.msk [tilespmem:v2+s26+$0x0], $0xffff;
	v17 =	vmin.f32 v17, $7.000000000e+00;
	v10 =	vxor.u32 v14, v10  }
0x264: {  	v18 =	vand.u32 $0x80000000, v18;
	v3 =	vxor.u32 v12, v4;
	v14 =	vld.idx.msk [tilespmem:v16+s26+$0x0], $0xffff;
	v17 =	vsub.f32 $7.500000000e+00, v17;
	[tilespmem:s25+$0xFFFFFF00] =	vst v10  }
0x265: {  	v19 =	vand.u32 $0x80000000, v19;
	v20 =	vand.u32 $0x80000000, v20;
	v44 =	vand.u32 $0x7FFFFFFF, v36;
	[tilespmem:s25+$0xFFFFFF20] =	vst v3;
	v11 =	vld [tilespmem:s12+$0xFFFFFF80]  }
0x266: {  	v26 =	vmin.f32 v26, $7.000000000e+00;
	v10 =	vtrunc.f32 v17;
	v3 =	vxor.u32 v6, v5;
	v6 =	vld [tilespmem:s12+$0xFFFFFFA0]  }
0x267: {  	v5 =	vand.u32 $0x80000000, v8;
	v4 =	vcvt.f32.s32 v10;
	v10 =	vld [tilespmem:s12+$0xFFFFFF90];
	[tilespmem:s25+$0xFFFFFF30] =	vst v3;
	v3 =	vxor.u32 v13, v7  }
0x268: {  	v26 =	vsub.f32 $7.500000000e+00, v26;
	v7 =	vand.u32 $0x80000000, v9;
	v2 =	vxor.u32 v2, v5;
	v8 =	vld [tilespmem:s12+$0xFFFFFFB0];
	[tilespmem:s25+$0xFFFFFF40] =	vst v3  }
0x269: {  	v27 =	vmin.f32 v27, $7.000000000e+00;
	[tilespmem:s25+$0xFFFFFF50] =	vst v2;
	v2 =	vxor.u32 v14, v7;
	v4 =	vsub.s32 $0x7, v4;
	v3 =	vld [tilespmem:s12+$0xFFFFFFC0]  }
0x26a: {  	v28 =	vmin.f32 v28, $7.000000000e+00;
	v26 =	vtrunc.f32 v26;
	v7 =	vld [tilespmem:s12+$0xFFFFFFD0];
	[tilespmem:s25+$0xFFFFFF60] =	vst v2;
	v5 =	vmul.f32 v11, v0  }
0x26b: {  	v33 =	vmin.f32 v33, $7.000000000e+00;
	v29 =	vmin.f32 v29, $7.000000000e+00;
	v26 =	vcvt.f32.s32 v26;
	v9 =	vld [tilespmem:s12+$0xFFFFFFE0]  }
0x26c: {  	v6 =	vmul.f32 v6, v0;
	v2 =	vmul.f32 v10, v0;
	v5 =	vsub.f32 v5, v1  }
0x26d: {  	v26 =	vsub.s32 $0x7, v26;
	v13 =	vand.u32 $0x80000000, v15;
	v8 =	vmul.f32 v8, v0  }
0x26e: {  	v6 =	vsub.f32 v6, v1;
	v4 =	vld.idx.msk [tilespmem:v4+s26+$0x0], $0xffff;
	v2 =	vsub.f32 v2, v1;
	v10 =	vand.u32 $0x7FFFFFFF, v5  }
0x26f: {  	v3 =	vmul.f32 v3, v0;
	v7 =	vmul.f32 v7, v0;
	v8 =	vsub.f32 v8, v1  }
0x270: {  	v12 =	vand.u32 $0x7FFFFFFF, v6;
	v9 =	vmul.f32 v9, v0;
	v10 =	vmin.f32 v10, $7.000000000e+00  }
0x271: {  	v11 =	vand.u32 $0x7FFFFFFF, v2;
	v3 =	vsub.f32 v3, v1;
	v7 =	vsub.f32 v7, v1  }
0x272: {  	v12 =	vmin.f32 v12, $7.000000000e+00;
	v10 =	vsub.f32 $7.500000000e+00, v10;
	v9 =	vsub.f32 v9, v1  }
0x273: {  	v12 =	vsub.f32 $7.500000000e+00, v12;
	v15 =	vand.u32 $0x7FFFFFFF, v7;
	v4 =	vxor.u32 v4, v13  }
0x274: {  	v10 =	vtrunc.f32 v10;
	v13 =	vand.u32 $0x7FFFFFFF, v8;
	v16 =	vand.u32 $0x7FFFFFFF, v9;
	[tilespmem:s25+$0xFFFFFFF0] =	vst v4  }
0x275: {  	v15 =	vmin.f32 v15, $7.000000000e+00;
	v12 =	vtrunc.f32 v12;
	v10 =	vcvt.f32.s32 v10;
	v14 =	vld [tilespmem:s12+$0x70]  }
0x276: {  	v4 =	vmin.f32 v11, $7.000000000e+00;
	v11 =	vand.u32 $0x7FFFFFFF, v3;
	v13 =	vmin.f32 v13, $7.000000000e+00  }
0x277: {  	v16 =	vmin.f32 v16, $7.000000000e+00;
	v15 =	vsub.f32 $7.500000000e+00, v15;
	v4 =	vsub.f32 $7.500000000e+00, v4  }
0x278: {  	v12 =	vcvt.f32.s32 v12;
	v11 =	vmin.f32 v11, $7.000000000e+00;
	v13 =	vsub.f32 $7.500000000e+00, v13  }
0x279: {  	v16 =	vsub.f32 $7.500000000e+00, v16;
	v15 =	vtrunc.f32 v15;
	v4 =	vtrunc.f32 v4  }
0x27a: {  	v10 =	vsub.s32 $0x7, v10;
	v4 =	vcvt.f32.s32 v4;
	v14 =	vmul.f32 v14, v0  }
0x27b: {  	v11 =	vsub.f32 $7.500000000e+00, v11;
	v13 =	vtrunc.f32 v13;
	v16 =	vtrunc.f32 v16  }
0x27c: {  	v15 =	vcvt.f32.s32 v15;
	v4 =	vsub.s32 $0x7, v4;
	v14 =	vsub.f32 v14, v1  }
0x27d: {  	v12 =	vsub.s32 $0x7, v12;
	v11 =	vtrunc.f32 v11;
	v13 =	vcvt.f32.s32 v13  }
0x27e: {  	v11 =	vcvt.f32.s32 v11;
	v15 =	vsub.s32 $0x7, v15;
	v17 =	vand.u32 $0x7FFFFFFF, v14  }
0x27f: {  	v26 =	vld.idx.msk [tilespmem:v26+s26+$0x0], $0xffff;
	v16 =	vcvt.f32.s32 v16;
	v13 =	vsub.s32 $0x7, v13;
	v17 =	vmin.f32 v17, $7.000000000e+00  }
0x280: {  	v30 =	vmin.f32 v30, $7.000000000e+00;
	v10 =	vld.idx.msk [tilespmem:v10+s26+$0x0], $0xffff;
	v11 =	vsub.s32 $0x7, v11;
	v17 =	vsub.f32 $7.500000000e+00, v17  }
0x281: {  	v31 =	vmin.f32 v31, $7.000000000e+00;
	v32 =	vmin.f32 v32, $7.000000000e+00;
	v16 =	vsub.s32 $0x7, v16;
	v4 =	vld.idx.msk [tilespmem:v4+s26+$0x0], $0xffff  }
0x282: {  	v33 =	vsub.f32 $7.500000000e+00, v33;
	v27 =	vsub.f32 $7.500000000e+00, v27;
	v12 =	vld.idx.msk [tilespmem:v12+s26+$0x0], $0xffff;
	v17 =	vtrunc.f32 v17  }
0x283: {  	v28 =	vsub.f32 $7.500000000e+00, v28;
	v29 =	vsub.f32 $7.500000000e+00, v29;
	v15 =	vld.idx.msk [tilespmem:v15+s26+$0x0], $0xffff;
	v17 =	vcvt.f32.s32 v17  }
0x284: {  	v30 =	vsub.f32 $7.500000000e+00, v30;
	v33 =	vtrunc.f32 v33;
	v5 =	vand.u32 $0x80000000, v5;
	v13 =	vld.idx.msk [tilespmem:v13+s26+$0x0], $0xffff  }
0x285: {  	v2 =	vand.u32 $0x80000000, v2;
	v5 =	vxor.u32 v10, v5;
	v11 =	vld.idx.msk [tilespmem:v11+s26+$0x0], $0xffff;
	v17 =	vsub.s32 $0x7, v17  }
0x286: {  	v27 =	vtrunc.f32 v27;
	v6 =	vand.u32 $0x80000000, v6;
	v10 =	vld.idx.msk [tilespmem:v16+s26+$0x0], $0xffff;
	[tilespmem:s25+$0xFFFFFF80] =	vst v5;
	v2 =	vxor.u32 v4, v2  }
0x287: {  	v28 =	vtrunc.f32 v28;
	v5 =	vand.u32 $0x80000000, v8;
	v8 =	vld [tilespmem:s12+$0x0];
	[tilespmem:s25+$0xFFFFFF90] =	vst v2;
	v2 =	vxor.u32 v12, v6  }
0x288: {  	v31 =	vsub.f32 $7.500000000e+00, v31;
	v29 =	vtrunc.f32 v29;
	v30 =	vtrunc.f32 v30;
	v6 =	vld [tilespmem:s12+$0x10];
	[tilespmem:s25+$0xFFFFFFA0] =	vst v2  }
0x289: {  	v3 =	vand.u32 $0x80000000, v3;
	v2 =	vxor.u32 v13, v5;
	v5 =	vand.u32 $0x80000000, v7;
	v7 =	vld [tilespmem:s12+$0x20]  }
0x28a: {  	v28 =	vcvt.f32.s32 v28;
	v29 =	vcvt.f32.s32 v29;
	[tilespmem:s25+$0xFFFFFFB0] =	vst v2;
	v2 =	vxor.u32 v11, v3;
	v4 =	vld.idx.msk [tilespmem:v17+s26+$0x0], $0xffff  }
0x28b: {  	v30 =	vcvt.f32.s32 v30;
	v3 =	vand.u32 $0x80000000, v9;
	v9 =	vld [tilespmem:s12+$0x30];
	[tilespmem:s25+$0xFFFFFFC0] =	vst v2;
	v2 =	vxor.u32 v15, v5  }
0x28c: {  	v33 =	vcvt.f32.s32 v33;
	v27 =	vcvt.f32.s32 v27;
	v28 =	vsub.s32 $0x7, v28;
	v5 =	vld [tilespmem:s12+$0x40];
	[tilespmem:s25+$0xFFFFFFD0] =	vst v2  }
0x28d: {  	v29 =	vsub.s32 $0x7, v29;
	v30 =	vsub.s32 $0x7, v30;
	v2 =	vxor.u32 v10, v3;
	v10 =	vld [tilespmem:s12+$0x50]  }
0x28e: {  	v18 =	vxor.u32 v26, v18;
	v26 =	vsub.s32 $0x7, v33;
	v3 =	vand.u32 $0x80000000, v14  }
0x28f: {  	s17 =	simm.s32 $0xA480;
	[tilespmem:s25+$0xFFFFFFE0] =	vst v2;
	v6 =	vmul.f32 v6, v0;
	v2 =	vxor.u32 v4, v3;
	v3 =	vmul.f32 v8, v0  }
0x290: {  	[tilespmem:s17+$0xFFFFFF70] =	vst v18;
	v18 =	vsub.s32 $0x7, v27;
	v27 =	vtrunc.f32 v31;
	v7 =	vmul.f32 v7, v0;
	v8 =	vld [tilespmem:s12+$0x60]  }
0x291: {  	[tilespmem:s25+$0x70] =	vst v2;
	v2 =	vsub.f32 v6, v1;
	v6 =	vmul.f32 v9, v0;
	v4 =	vsub.f32 v3, v1  }
0x292: {  	v10 =	vmul.f32 v10, v0;
	v3 =	vsub.f32 v7, v1;
	v7 =	vmul.f32 v5, v0  }
0x293: {  	v11 =	vld [tilespmem:s12+$0xF0];
	v12 =	vand.u32 $0x7FFFFFFF, v2;
	v5 =	vsub.f32 v6, v1;
	v9 =	vand.u32 $0x7FFFFFFF, v4  }
0x294: {  	v13 =	vand.u32 $0x7FFFFFFF, v3;
	v6 =	vsub.f32 v7, v1;
	v7 =	vsub.f32 v10, v1  }
0x295: {  	v12 =	vmin.f32 v12, $7.000000000e+00;
	v8 =	vmul.f32 v8, v0;
	v14 =	vand.u32 $0x7FFFFFFF, v5  }
0x296: {  	v10 =	vmin.f32 v9, $7.000000000e+00;
	v13 =	vmin.f32 v13, $7.000000000e+00;
	v12 =	vsub.f32 $7.500000000e+00, v12  }
0x297: {  	v15 =	vand.u32 $0x7FFFFFFF, v6;
	v14 =	vmin.f32 v14, $7.000000000e+00;
	v10 =	vsub.f32 $7.500000000e+00, v10  }
0x298: {  	v13 =	vsub.f32 $7.500000000e+00, v13;
	v11 =	vmul.f32 v11, v0;
	v8 =	vsub.f32 v8, v1  }
0x299: {  	v15 =	vmin.f32 v15, $7.000000000e+00;
	v14 =	vsub.f32 $7.500000000e+00, v14;
	v12 =	vtrunc.f32 v12  }
0x29a: {  	v10 =	vtrunc.f32 v10;
	v15 =	vsub.f32 $7.500000000e+00, v15;
	v13 =	vtrunc.f32 v13  }
0x29b: {  	v12 =	vcvt.f32.s32 v12;
	v9 =	vsub.f32 v11, v1;
	v11 =	vand.u32 $0x7FFFFFFF, v7  }
0x29c: {  	v16 =	vand.u32 $0x7FFFFFFF, v8;
	v14 =	vtrunc.f32 v14;
	v10 =	vcvt.f32.s32 v10  }
0x29d: {  	v13 =	vcvt.f32.s32 v13;
	v11 =	vmin.f32 v11, $7.000000000e+00;
	v16 =	vmin.f32 v16, $7.000000000e+00  }
0x29e: {  	v28 =	vld.idx.msk [tilespmem:v28+s26+$0x0], $0xffff;
	v15 =	vtrunc.f32 v15;
	v14 =	vcvt.f32.s32 v14;
	v17 =	vand.u32 $0x7FFFFFFF, v9  }
0x29f: {  	v29 =	vld.idx.msk [tilespmem:v29+s26+$0x0], $0xffff;
	v12 =	vsub.s32 $0x7, v12;
	v11 =	vsub.f32 $7.500000000e+00, v11;
	v17 =	vmin.f32 v17, $7.000000000e+00  }
0x2a0: {  	v30 =	vld.idx.msk [tilespmem:v30+s26+$0x0], $0xffff;
	v16 =	vsub.f32 $7.500000000e+00, v16;
	v10 =	vsub.s32 $0x7, v10;
	v17 =	vsub.f32 $7.500000000e+00, v17  }
0x2a1: {  	v31 =	vld [tilespmem:s23+$0xFFFFFFF0];
	v15 =	vcvt.f32.s32 v15;
	v13 =	vsub.s32 $0x7, v13;
	v11 =	vtrunc.f32 v11  }
0x2a2: {  	v26 =	vld.idx.msk [tilespmem:v26+s26+$0x0], $0xffff;
	v14 =	vsub.s32 $0x7, v14;
	v11 =	vcvt.f32.s32 v11;
	v17 =	vtrunc.f32 v17  }
0x2a3: {  	v18 =	vld.idx.msk [tilespmem:v18+s26+$0x0], $0xffff;
	v16 =	vtrunc.f32 v16;
	v15 =	vsub.s32 $0x7, v15;
	v17 =	vcvt.f32.s32 v17  }
0x2a4: {  	v32 =	vsub.f32 $7.500000000e+00, v32;
	v16 =	vcvt.f32.s32 v16;
	v12 =	vld.idx.msk [tilespmem:v12+s26+$0x0], $0xffff;
	v11 =	vsub.s32 $0x7, v11  }
0x2a5: {  	v45 =	vand.u32 $0x7FFFFFFF, v37;
	v27 =	vcvt.f32.s32 v27;
	v10 =	vld.idx.msk [tilespmem:v10+s26+$0x0], $0xffff;
	v17 =	vsub.s32 $0x7, v17  }
0x2a6: {  	v46 =	vand.u32 $0x7FFFFFFF, v40;
	v32 =	vtrunc.f32 v32;
	v16 =	vsub.s32 $0x7, v16;
	v13 =	vld.idx.msk [tilespmem:v13+s26+$0x0], $0xffff  }
0x2a7: {  	v32 =	vcvt.f32.s32 v32;
	v27 =	vsub.s32 $0x7, v27;
	v31 =	vmul.f32 v31, v0;
	v14 =	vld.idx.msk [tilespmem:v14+s26+$0x0], $0xffff  }
0x2a8: {  	v2 =	vand.u32 $0x80000000, v2;
	v4 =	vand.u32 $0x80000000, v4;
	v59 =	vand.u32 $0x80000000, v8;
	v15 =	vld.idx.msk [tilespmem:v15+s26+$0x0], $0xffff  }
0x2a9: {  	v8 =	vand.u32 $0x80000000, v9;
	v9 =	vsub.f32 v31, v1;
	v12 =	vxor.u32 v12, v2;
	v11 =	vld.idx.msk [tilespmem:v11+s26+$0x0], $0xffff  }
0x2aa: {  	v32 =	vsub.s32 $0x7, v32;
	v3 =	vand.u32 $0x80000000, v3;
	v4 =	vxor.u32 v10, v4;
	[tilespmem:s25+$0x10] =	vst v12;
	v17 =	vld.idx.msk [tilespmem:v17+s26+$0x0], $0xffff  }
0x2ab: {  	v5 =	vand.u32 $0x80000000, v5;
	v16 =	vld.idx.msk [tilespmem:v16+s26+$0x0], $0xffff;
	v3 =	vxor.u32 v13, v3;
	[tilespmem:s25+$0x0] =	vst v4;
	v4 =	vand.u32 $0x7FFFFFFF, v9  }
0x2ac: {  	v6 =	vand.u32 $0x80000000, v6;
	v10 =	vld.idx.msk [tilespmem:v27+s26+$0x0], $0xffff;
	v5 =	vxor.u32 v14, v5;
	[tilespmem:s25+$0x20] =	vst v3;
	v4 =	vmin.f32 v4, $7.000000000e+00  }
0x2ad: {  	v7 =	vand.u32 $0x80000000, v7;
	v3 =	vld [tilespmem:s12+$0x90];
	v6 =	vxor.u32 v15, v6;
	[tilespmem:s25+$0x30] =	vst v5;
	v4 =	vsub.f32 $7.500000000e+00, v4  }
0x2ae: {  	v44 =	vmin.f32 v44, $7.000000000e+00;
	v45 =	vmin.f32 v45, $7.000000000e+00;
	[tilespmem:s25+$0x40] =	vst v6;
	v6 =	vld [tilespmem:s12+$0xB0];
	v7 =	vxor.u32 v11, v7  }
0x2af: {  	v4 =	vtrunc.f32 v4;
	[tilespmem:s25+$0x50] =	vst v7;
	v7 =	vld [tilespmem:s12+$0xC0];
	v8 =	vxor.u32 v17, v8;
	v17 =	vand.u32 $0x80000000, v25  }
0x2b0: {  	v46 =	vmin.f32 v46, $7.000000000e+00;
	v2 =	vcvt.f32.s32 v4;
	v25 =	vld.idx.msk [tilespmem:v32+s26+$0x0], $0xffff;
	v17 =	vxor.u32 v26, v17  }
0x2b1: {  	v44 =	vsub.f32 $7.500000000e+00, v44;
	v45 =	vsub.f32 $7.500000000e+00, v45;
	[tilespmem:s17+$0xFFFFFF00] =	vst v17;
	v17 =	vxor.u32 v18, v19;
	v18 =	vld [tilespmem:s12+$0x80]  }
0x2b2: {  	v14 =	vsub.s32 $0x7, v2;
	v19 =	vand.u32 $0x80000000, v21;
	v21 =	vld [tilespmem:s23+$0xFFFFFF80];
	[tilespmem:s17+$0xFFFFFF10] =	vst v17;
	v17 =	vxor.u32 v28, v20  }
0x2b3: {  	v20 =	vand.u32 $0x80000000, v22;
	v22 =	vand.u32 $0x80000000, v23;
	v23 =	vld [tilespmem:s23+$0xFFFFFF90];
	[tilespmem:s17+$0xFFFFFF20] =	vst v17;
	v17 =	vxor.u32 v29, v19  }
0x2b4: {  	v46 =	vsub.f32 $7.500000000e+00, v46;
	v19 =	vand.u32 $0x80000000, v24;
	v10 =	vxor.u32 v10, v22;
	v24 =	vld [tilespmem:s23+$0xFFFFFFA0];
	[tilespmem:s17+$0xFFFFFF30] =	vst v17  }
0x2b5: {  	v36 =	vand.u32 $0x80000000, v36;
	v37 =	vand.u32 $0x80000000, v37;
	v44 =	vtrunc.f32 v44;
	[tilespmem:s17+$0xFFFFFF50] =	vst v10;
	v4 =	vld [tilespmem:s23+$0xFFFFFFB0]  }
0x2b6: {  	v45 =	vtrunc.f32 v45;
	v46 =	vtrunc.f32 v46;
	v17 =	vxor.u32 v30, v20;
	v15 =	vld [tilespmem:s23+$0xFFFFFFD0]  }
0x2b7: {  	v58 =	vcvt.f32.s32 v44;
	v46 =	vcvt.f32.s32 v46;
	v10 =	vxor.u32 v25, v19;
	[tilespmem:s17+$0xFFFFFF40] =	vst v17;
	v14 =	vld.idx.msk [tilespmem:v14+s26+$0x0], $0xffff  }
0x2b8: {  	v16 =	vxor.u32 v16, v59;
	v59 =	vcvt.f32.s32 v45;
	v3 =	vmul.f32 v3, v0;
	[tilespmem:s17+$0xFFFFFF60] =	vst v10;
	v13 =	vld [tilespmem:s23+$0xFFFFFFC0]  }
0x2b9: {  	v40 =	vand.u32 $0x80000000, v40;
	v6 =	vmul.f32 v6, v0;
	v7 =	vmul.f32 v7, v0;
	v17 =	vld [tilespmem:s23+$0xFFFFFFE0]  }
0x2ba: {  	v46 =	vsub.s32 $0x7, v46;
	v11 =	vmul.f32 v21, v0;
	v10 =	vmul.f32 v23, v0  }
0x2bb: {  	v9 =	vand.u32 $0x80000000, v9;
	v2 =	vmul.f32 v18, v0;
	v18 =	vmul.f32 v24, v0  }
0x2bc: {  	v11 =	vsub.f32 v11, v1;
	v10 =	vsub.f32 v10, v1;
	v4 =	vmul.f32 v4, v0  }
0x2bd: {  	v15 =	vmul.f32 v15, v0;
	v9 =	vxor.u32 v14, v9;
	v18 =	vsub.f32 v18, v1  }
0x2be: {  	v13 =	vmul.f32 v13, v0;
	v20 =	vand.u32 $0x7FFFFFFF, v11;
	v17 =	vmul.f32 v17, v0  }
0x2bf: {  	v21 =	vand.u32 $0x7FFFFFFF, v10;
	v4 =	vsub.f32 v4, v1;
	v20 =	vmin.f32 v20, $7.000000000e+00  }
0x2c0: {  	v15 =	vsub.f32 v15, v1;
	v22 =	vand.u32 $0x7FFFFFFF, v18;
	v17 =	vsub.f32 v17, v1  }
0x2c1: {  	v13 =	vsub.f32 v13, v1;
	v21 =	vmin.f32 v21, $7.000000000e+00;
	v23 =	vand.u32 $0x7FFFFFFF, v4  }
0x2c2: {  	[tilespmem:s17+$0xFFFFFFF0] =	vst v9;
	v22 =	vmin.f32 v22, $7.000000000e+00;
	v25 =	vand.u32 $0x7FFFFFFF, v15;
	v14 =	vand.u32 $0x7FFFFFFF, v17  }
0x2c3: {  	v21 =	vsub.f32 $7.500000000e+00, v21;
	v9 =	vmin.f32 v14, $7.000000000e+00;
	v14 =	vsub.f32 $7.500000000e+00, v20;
	v20 =	vld [tilespmem:s23+$0x70]  }
0x2c4: {  	v26 =	vand.u32 $0x80000000, v4;
	v23 =	vmin.f32 v23, $7.000000000e+00;
	v22 =	vsub.f32 $7.500000000e+00, v22  }
0x2c5: {  	v24 =	vand.u32 $0x7FFFFFFF, v13;
	v25 =	vmin.f32 v25, $7.000000000e+00;
	v23 =	vsub.f32 $7.500000000e+00, v23  }
0x2c6: {  	v25 =	vsub.f32 $7.500000000e+00, v25;
	v21 =	vtrunc.f32 v21;
	v22 =	vtrunc.f32 v22  }
0x2c7: {  	v24 =	vmin.f32 v24, $7.000000000e+00;
	v14 =	vtrunc.f32 v14;
	v23 =	vtrunc.f32 v23  }
0x2c8: {  	v24 =	vsub.f32 $7.500000000e+00, v24;
	v12 =	vtrunc.f32 v25;
	v4 =	vmul.f32 v20, v0  }
0x2c9: {  	v9 =	vsub.f32 $7.500000000e+00, v9;
	v5 =	vcvt.f32.s32 v22;
	v14 =	vcvt.f32.s32 v14  }
0x2ca: {  	[tilespmem:s25+$0x60] =	vst v16;
	v16 =	vld [tilespmem:s12+$0xD0];
	v24 =	vtrunc.f32 v24;
	v20 =	vcvt.f32.s32 v21;
	v21 =	vsub.f32 v4, v1  }
0x2cb: {  	v9 =	vtrunc.f32 v9;
	v22 =	vcvt.f32.s32 v23;
	v14 =	vsub.s32 $0x7, v14  }
0x2cc: {  	v23 =	vcvt.f32.s32 v24;
	v5 =	vsub.s32 $0x7, v5;
	v24 =	vand.u32 $0x7FFFFFFF, v21  }
0x2cd: {  	v12 =	vcvt.f32.s32 v12;
	v20 =	vsub.s32 $0x7, v20;
	v24 =	vmin.f32 v24, $7.000000000e+00  }
0x2ce: {  	v25 =	vld [tilespmem:s12+$0xE0];
	v9 =	vcvt.f32.s32 v9;
	v22 =	vsub.s32 $0x7, v22;
	v24 =	vsub.f32 $7.500000000e+00, v24  }
0x2cf: {  	v16 =	vmul.f32 v16, v0;
	v2 =	vsub.f32 v2, v1;
	v12 =	vsub.s32 $0x7, v12;
	v4 =	vld [tilespmem:s12+$0xA0]  }
0x2d0: {  	v23 =	vsub.s32 $0x7, v23;
	v27 =	vsub.s32 $0x7, v9;
	v14 =	vld.idx.msk [tilespmem:v14+s26+$0x0], $0xffff;
	v9 =	vtrunc.f32 v24  }
0x2d1: {  	v19 =	vand.u32 $0x7FFFFFFF, v2;
	v11 =	vand.u32 $0x80000000, v11;
	v28 =	vld.idx.msk [tilespmem:v5+s26+$0x0], $0xffff;
	v24 =	vcvt.f32.s32 v9  }
0x2d2: {  	v19 =	vmin.f32 v19, $7.000000000e+00;
	v10 =	vand.u32 $0x80000000, v10;
	v18 =	vand.u32 $0x80000000, v18;
	v20 =	vld.idx.msk [tilespmem:v20+s26+$0x0], $0xffff  }
0x2d3: {  	v15 =	vand.u32 $0x80000000, v15;
	v13 =	vand.u32 $0x80000000, v13;
	v22 =	vld.idx.msk [tilespmem:v22+s26+$0x0], $0xffff;
	v24 =	vsub.s32 $0x7, v24  }
0x2d4: {  	v25 =	vmul.f32 v25, v0;
	v5 =	vsub.f32 v6, v1;
	v12 =	vld.idx.msk [tilespmem:v12+s26+$0x0], $0xffff;
	v4 =	vmul.f32 v4, v0  }
0x2d5: {  	v6 =	vsub.f32 v16, v1;
	v23 =	vld.idx.msk [tilespmem:v23+s26+$0x0], $0xffff;
	v9 =	vsub.f32 v3, v1;
	v11 =	vxor.u32 v14, v11  }
0x2d6: {  	v17 =	vand.u32 $0x80000000, v17;
	v16 =	vld.idx.msk [tilespmem:v27+s26+$0x0], $0xffff;
	v3 =	vsub.f32 v4, v1;
	v4 =	vsub.f32 v7, v1;
	[tilespmem:s17+$0xFFFFFF80] =	vst v11  }
0x2d7: {  	v7 =	vsub.f32 v25, v1;
	v25 =	vand.u32 $0x7FFFFFFF, v5;
	v10 =	vxor.u32 v20, v10;
	v30 =	vld [tilespmem:s23+$0x0]  }
0x2d8: {  	v29 =	vand.u32 $0x7FFFFFFF, v9;
	v14 =	vand.u32 $0x7FFFFFFF, v3;
	[tilespmem:s17+$0xFFFFFF90] =	vst v10;
	v10 =	vxor.u32 v28, v18;
	v20 =	vld.idx.msk [tilespmem:v24+s26+$0x0], $0xffff  }
0x2d9: {  	v27 =	vand.u32 $0x7FFFFFFF, v4;
	[tilespmem:s17+$0xFFFFFFA0] =	vst v10;
	v10 =	vxor.u32 v22, v26;
	v24 =	vand.u32 $0x7FFFFFFF, v7  }
0x2da: {  	v14 =	vmin.f32 v14, $7.000000000e+00;
	[tilespmem:s17+$0xFFFFFFB0] =	vst v10;
	v10 =	vxor.u32 v23, v13;
	v22 =	vmin.f32 v24, $7.000000000e+00;
	v24 =	vld [tilespmem:s23+$0x20]  }
0x2db: {  	v18 =	vmin.f32 v25, $7.000000000e+00;
	v25 =	vmin.f32 v27, $7.000000000e+00;
	[tilespmem:s17+$0xFFFFFFC0] =	vst v10;
	v10 =	vxor.u32 v12, v15  }
0x2dc: {  	v12 =	vsub.f32 $7.500000000e+00, v14;
	[tilespmem:s17+$0xFFFFFFD0] =	vst v10;
	v10 =	vxor.u32 v16, v17;
	v16 =	vand.u32 $0x80000000, v21  }
0x2dd: {  	v27 =	vld [tilespmem:s23+$0x10];
	v14 =	vsub.f32 $7.500000000e+00, v18;
	v18 =	vmul.f32 v30, v0;
	[tilespmem:s17+$0xFFFFFFE0] =	vst v10;
	v10 =	vxor.u32 v20, v16  }
0x2de: {  	v11 =	vand.u32 $0x7FFFFFFF, v6;
	v29 =	vmin.f32 v29, $7.000000000e+00;
	v13 =	vsub.f32 $7.500000000e+00, v19;
	v23 =	vld [tilespmem:s23+$0x30];
	[tilespmem:s17+$0x70] =	vst v10  }
0x2df: {  	v19 =	vsub.f32 $7.500000000e+00, v29;
	v10 =	vsub.f32 v18, v1;
	v18 =	vmul.f32 v24, v0;
	v24 =	vld [tilespmem:s23+$0xF0]  }
0x2e0: {  	v44 =	vsub.s32 $0x7, v59;
	v11 =	vmin.f32 v11, $7.000000000e+00;
	v15 =	vld [tilespmem:s23+$0x40];
	v13 =	vtrunc.f32 v13  }
0x2e1: {  	v17 =	vsub.f32 $7.500000000e+00, v25;
	v19 =	vtrunc.f32 v19;
	v12 =	vtrunc.f32 v12  }
0x2e2: {  	v21 =	vld [tilespmem:s23+$0x50];
	v22 =	vsub.f32 $7.500000000e+00, v22;
	v14 =	vtrunc.f32 v14;
	v13 =	vcvt.f32.s32 v13  }
0x2e3: {  	v19 =	vcvt.f32.s32 v19;
	v16 =	vsub.f32 $7.500000000e+00, v11;
	v11 =	vmul.f32 v27, v0;
	v20 =	vld [tilespmem:s23+$0x60]  }
0x2e4: {  	v17 =	vtrunc.f32 v17;
	v13 =	vsub.s32 $0x7, v13;
	v24 =	vmul.f32 v24, v0  }
0x2e5: {  	v15 =	vmul.f32 v15, v0;
	v25 =	vsub.f32 v11, v1;
	v11 =	vmul.f32 v23, v0  }
0x2e6: {  	v18 =	vsub.f32 v18, v1;
	v23 =	vand.u32 $0x7FFFFFFF, v10;
	v24 =	vsub.f32 v24, v1  }
0x2e7: {  	v15 =	vsub.f32 v15, v1;
	v27 =	vsub.f32 v11, v1;
	v11 =	vmul.f32 v21, v0  }
0x2e8: {  	v26 =	vand.u32 $0x7FFFFFFF, v25;
	v20 =	vmul.f32 v20, v0;
	v60 =	vand.u32 $0x7FFFFFFF, v24  }
0x2e9: {  	v29 =	vsub.f32 v11, v1;
	v11 =	vmin.f32 v23, $7.000000000e+00;
	v32 =	vmin.f32 v60, $7.000000000e+00  }
0x2ea: {  	v62 =	vld [tilespmem:s21+$0xFFFFFF70];
	v61 =	vsub.f32 $7.500000000e+00, v11;
	v11 =	vand.u32 $0x80000000, v10;
	v10 =	vsub.f32 $7.500000000e+00, v32  }
0x2eb: {  	v21 =	vand.u32 $0x7FFFFFFF, v18;
	v26 =	vmin.f32 v26, $7.000000000e+00;
	v20 =	vsub.f32 v20, v1  }
0x2ec: {  	v34 =	vand.u32 $0x80000000, v18;
	v28 =	vand.u32 $0x7FFFFFFF, v27;
	v10 =	vtrunc.f32 v10  }
0x2ed: {  	v23 =	vand.u32 $0x7FFFFFFF, v15;
	v31 =	vand.u32 $0x7FFFFFFF, v20;
	v10 =	vcvt.f32.s32 v10  }
0x2ee: {  	v21 =	vmin.f32 v21, $7.000000000e+00;
	v26 =	vsub.f32 $7.500000000e+00, v26;
	v31 =	vmin.f32 v31, $7.000000000e+00  }
0x2ef: {  	v31 =	vsub.f32 $7.500000000e+00, v31;
	v32 =	vmul.f32 v62, v0;
	v10 =	vsub.s32 $0x7, v10  }
0x2f0: {  	v28 =	vmin.f32 v28, $7.000000000e+00;
	v23 =	vmin.f32 v23, $7.000000000e+00;
	v21 =	vsub.f32 $7.500000000e+00, v21  }
0x2f1: {  	v30 =	vand.u32 $0x7FFFFFFF, v29;
	v18 =	vtrunc.f32 v31;
	v31 =	vsub.f32 v32, v1  }
0x2f2: {  	v28 =	vsub.f32 $7.500000000e+00, v28;
	v23 =	vsub.f32 $7.500000000e+00, v23;
	v26 =	vtrunc.f32 v26  }
0x2f3: {  	v33 =	vtrunc.f32 v61;
	v21 =	vtrunc.f32 v21;
	v47 =	vand.u32 $0x7FFFFFFF, v31  }
0x2f4: {  	v26 =	vcvt.f32.s32 v26;
	v28 =	vtrunc.f32 v28;
	v35 =	vld.idx.msk [tilespmem:v10+s26+$0x0], $0xffff;
	v10 =	vmin.f32 v47, $7.000000000e+00  }
0x2f5: {  	v23 =	vtrunc.f32 v23;
	v33 =	vcvt.f32.s32 v33;
	v10 =	vsub.f32 $7.500000000e+00, v10  }
0x2f6: {  	v48 =	vld [tilespmem:s21+$0xFFFFFF10];
	v30 =	vmin.f32 v30, $7.000000000e+00;
	v21 =	vcvt.f32.s32 v21;
	v18 =	vcvt.f32.s32 v18  }
0x2f7: {  	v30 =	vsub.f32 $7.500000000e+00, v30;
	v28 =	vcvt.f32.s32 v28;
	v10 =	vtrunc.f32 v10  }
0x2f8: {  	v23 =	vcvt.f32.s32 v23;
	v38 =	vsub.s32 $0x7, v18;
	v18 =	vcvt.f32.s32 v10  }
0x2f9: {  	v10 =	vand.u32 $0x80000000, v2;
	v2 =	vand.u32 $0x80000000, v9;
	v9 =	vtrunc.f32 v22;
	v22 =	vld [tilespmem:s21+$0xFFFFFF00]  }
0x2fa: {  	v26 =	vsub.s32 $0x7, v26;
	v30 =	vtrunc.f32 v30;
	v63 =	vsub.s32 $0x7, v33  }
0x2fb: {  	v42 =	vsub.s32 $0x7, v18;
	v18 =	vand.u32 $0x80000000, v24;
	v24 =	vmul.f32 v48, v0  }
0x2fc: {  	v21 =	vsub.s32 $0x7, v21;
	v33 =	vsub.f32 v49, v1;
	v30 =	vcvt.f32.s32 v30  }
0x2fd: {  	v28 =	vsub.s32 $0x7, v28;
	v23 =	vsub.s32 $0x7, v23;
	v24 =	vsub.f32 v24, v1  }
0x2fe: {  	v56 =	vand.u32 $0x7FFFFFFF, v33;
	v30 =	vsub.s32 $0x7, v30;
	v22 =	vmul.f32 v22, v0  }
0x2ff: {  	v13 =	vld.idx.msk [tilespmem:v13+s26+$0x0], $0xffff;
	v18 =	vxor.u32 v35, v18;
	v35 =	vsub.f32 v50, v1;
	v55 =	vand.u32 $0x7FFFFFFF, v24  }
0x300: {  	v31 =	vand.u32 $0x80000000, v31;
	v53 =	vld.idx.msk [tilespmem:v42+s26+$0x0], $0xffff;
	v22 =	vsub.f32 v22, v1;
	v41 =	vmin.f32 v55, $7.000000000e+00  }
0x301: {  	v26 =	vld.idx.msk [tilespmem:v26+s26+$0x0], $0xffff;
	v43 =	vand.u32 $0x7FFFFFFF, v35;
	v42 =	vmin.f32 v56, $7.000000000e+00;
	v41 =	vsub.f32 $7.500000000e+00, v41  }
0x302: {  	v32 =	vld.idx.msk [tilespmem:v63+s26+$0x0], $0xffff;
	v43 =	vmin.f32 v43, $7.000000000e+00;
	v42 =	vsub.f32 $7.500000000e+00, v42;
	v57 =	vand.u32 $0x7FFFFFFF, v22  }
0x303: {  	v21 =	vld.idx.msk [tilespmem:v21+s26+$0x0], $0xffff;
	v43 =	vsub.f32 $7.500000000e+00, v43;
	v39 =	vmin.f32 v57, $7.000000000e+00;
	v41 =	vtrunc.f32 v41  }
0x304: {  	v63 =	vld.idx.msk [tilespmem:v46+s26+$0x0], $0xffff;
	v42 =	vtrunc.f32 v42;
	v39 =	vsub.f32 $7.500000000e+00, v39;
	v41 =	vcvt.f32.s32 v41  }
0x305: {  	s22 =	simm.s32 $0xA680;
	v23 =	vld.idx.msk [tilespmem:v23+s26+$0x0], $0xffff;
	v43 =	vtrunc.f32 v43;
	v42 =	vcvt.f32.s32 v42;
	v31 =	vxor.u32 v53, v31  }
0x306: {  	v28 =	vld.idx.msk [tilespmem:v28+s26+$0x0], $0xffff;
	v43 =	vcvt.f32.s32 v43;
	v39 =	vtrunc.f32 v39;
	[tilespmem:s22+$0xFFFFFF70] =	vst v31;
	v31 =	vsub.s32 $0x7, v41  }
0x307: {  	v12 =	vcvt.f32.s32 v12;
	v42 =	vsub.s32 $0x7, v42;
	v39 =	vcvt.f32.s32 v39;
	v60 =	vld [tilespmem:s21+$0xFFFFFFF0]  }
0x308: {  	v16 =	vtrunc.f32 v16;
	v25 =	vand.u32 $0x80000000, v25;
	v30 =	vld.idx.msk [tilespmem:v30+s26+$0x0], $0xffff;
	v43 =	vsub.s32 $0x7, v43  }
0x309: {  	v27 =	vand.u32 $0x80000000, v27;
	v15 =	vand.u32 $0x80000000, v15;
	v38 =	vld.idx.msk [tilespmem:v38+s26+$0x0], $0xffff;
	v39 =	vsub.s32 $0x7, v39  }
0x30a: {  	v61 =	vxor.u32 v23, v15;
	v23 =	vcvt.f32.s32 v16;
	v16 =	vsub.s32 $0x7, v12;
	v12 =	vld.idx.msk [tilespmem:v44+s26+$0x0], $0xffff  }
0x30b: {  	v25 =	vxor.u32 v26, v25;
	v11 =	vxor.u32 v32, v11;
	v41 =	vsub.s32 $0x7, v58;
	v26 =	vld.idx.msk [tilespmem:v31+s26+$0x0], $0xffff  }
0x30c: {  	v29 =	vand.u32 $0x80000000, v29;
	[tilespmem:s17+$0x10] =	vst v25;
	v27 =	vxor.u32 v28, v27;
	v31 =	vld.idx.msk [tilespmem:v42+s26+$0x0], $0xffff;
	v28 =	vmul.f32 v60, v0  }
0x30d: {  	v14 =	vcvt.f32.s32 v14;
	v21 =	vxor.u32 v21, v34;
	[tilespmem:s17+$0x0] =	vst v11;
	v30 =	vxor.u32 v30, v29;
	v29 =	vld.idx.msk [tilespmem:v43+s26+$0x0], $0xffff  }
0x30e: {  	v33 =	vand.u32 $0x80000000, v33;
	v15 =	vsub.s32 $0x7, v19;
	[tilespmem:s17+$0x20] =	vst v21;
	v39 =	vld.idx.msk [tilespmem:v39+s26+$0x0], $0xffff;
	v28 =	vsub.f32 v28, v1  }
0x30f: {  	v19 =	vcvt.f32.s32 v17;
	v17 =	vsub.s32 $0x7, v14;
	v21 =	vld [tilespmem:s23+$0x90];
	[tilespmem:s17+$0x40] =	vst v61;
	v24 =	vand.u32 $0x80000000, v24  }
0x310: {  	[tilespmem:s17+$0x50] =	vst v30;
	v9 =	vcvt.f32.s32 v9;
	v62 =	vld.idx.msk [tilespmem:v41+s26+$0x0], $0xffff;
	v11 =	vand.u32 $0x7FFFFFFF, v28;
	v14 =	vxor.u32 v26, v24  }
0x311: {  	v30 =	vld [tilespmem:s23+$0xC0];
	v35 =	vand.u32 $0x80000000, v35;
	v11 =	vmin.f32 v11, $7.000000000e+00;
	[tilespmem:s22+$0xFFFFFF10] =	vst v14;
	v14 =	vxor.u32 v31, v33  }
0x312: {  	v22 =	vand.u32 $0x80000000, v22;
	v24 =	vld [tilespmem:s23+$0x80];
	v11 =	vsub.f32 $7.500000000e+00, v11;
	[tilespmem:s22+$0xFFFFFF20] =	vst v14;
	v14 =	vxor.u32 v29, v35  }
0x313: {  	v5 =	vand.u32 $0x80000000, v5;
	v3 =	vand.u32 $0x80000000, v3;
	v31 =	vld [tilespmem:s21+$0xFFFFFF90];
	v22 =	vxor.u32 v39, v22;
	[tilespmem:s22+$0xFFFFFF30] =	vst v14  }
0x314: {  	[tilespmem:s22+$0xFFFFFF00] =	vst v22;
	v22 =	vsub.s32 $0x7, v19;
	v19 =	vsub.s32 $0x7, v9;
	v9 =	vtrunc.f32 v11;
	v11 =	vld [tilespmem:s21+$0xFFFFFFA0]  }
0x315: {  	v4 =	vand.u32 $0x80000000, v4;
	v6 =	vand.u32 $0x80000000, v6;
	v14 =	vxor.u32 v62, v36;
	v36 =	vld [tilespmem:s21+$0xFFFFFFB0]  }
0x316: {  	v7 =	vand.u32 $0x80000000, v7;
	v12 =	vxor.u32 v12, v37;
	[tilespmem:s22+$0xFFFFFF40] =	vst v14;
	v26 =	vld [tilespmem:s21+$0xFFFFFF80];
	v9 =	vcvt.f32.s32 v9  }
0x317: {  	v20 =	vand.u32 $0x80000000, v20;
	v23 =	vsub.s32 $0x7, v23;
	[tilespmem:s22+$0xFFFFFF50] =	vst v12;
	v12 =	vxor.u32 v63, v40;
	v39 =	vld [tilespmem:s21+$0xFFFFFFC0]  }
0x318: {  	v20 =	vxor.u32 v38, v20;
	v21 =	vmul.f32 v21, v0;
	[tilespmem:s22+$0xFFFFFF60] =	vst v12;
	v9 =	vsub.s32 $0x7, v9  }
0x319: {  	v30 =	vmul.f32 v30, v0;
	v28 =	vand.u32 $0x80000000, v28;
	v12 =	vmul.f32 v31, v0;
	v31 =	vld [tilespmem:s21+$0xFFFFFFE0]  }
0x31a: {  	v29 =	vxor.u32 v13, v10;
	v14 =	vmul.f32 v24, v0;
	v11 =	vmul.f32 v11, v0  }
0x31b: {  	v12 =	vsub.f32 v12, v1;
	v13 =	vmul.f32 v36, v0;
	v24 =	vmul.f32 v26, v0  }
0x31c: {  	v14 =	vsub.f32 v14, v1;
	v34 =	vmul.f32 v39, v0;
	v11 =	vsub.f32 v11, v1  }
0x31d: {  	v41 =	vand.u32 $0x7FFFFFFF, v12;
	v13 =	vsub.f32 v13, v1;
	v10 =	vsub.f32 v24, v1;
	v9 =	vld.idx.msk [tilespmem:v9+s26+$0x0], $0xffff  }
0x31e: {  	v26 =	vld [tilespmem:s21+$0xFFFFFFD0];
	v24 =	vand.u32 $0x7FFFFFFF, v14;
	v34 =	vsub.f32 v34, v1;
	v31 =	vmul.f32 v31, v0  }
0x31f: {  	v35 =	vmin.f32 v41, $7.000000000e+00;
	v42 =	vand.u32 $0x7FFFFFFF, v11;
	v43 =	vand.u32 $0x7FFFFFFF, v13  }
0x320: {  	v49 =	vsub.f32 $7.500000000e+00, v35;
	v39 =	vand.u32 $0x80000000, v11;
	v25 =	vand.u32 $0x80000000, v13  }
0x321: {  	v24 =	vmin.f32 v24, $7.000000000e+00;
	v40 =	vand.u32 $0x7FFFFFFF, v10;
	v44 =	vand.u32 $0x7FFFFFFF, v34  }
0x322: {  	v31 =	vsub.f32 v31, v1;
	v36 =	vmin.f32 v42, $7.000000000e+00;
	v9 =	vxor.u32 v9, v28  }
0x323: {  	v37 =	vmin.f32 v43, $7.000000000e+00;
	v26 =	vmul.f32 v26, v0;
	v33 =	vmin.f32 v40, $7.000000000e+00;
	[tilespmem:s22+$0xFFFFFFF0] =	vst v9  }
0x324: {  	v40 =	vand.u32 $0x80000000, v12;
	v12 =	vsub.f32 $7.500000000e+00, v36;
	v51 =	vsub.f32 $7.500000000e+00, v37;
	v50 =	vld [tilespmem:s21+$0x70]  }
0x325: {  	v46 =	vand.u32 $0x7FFFFFFF, v31;
	v26 =	vsub.f32 v26, v1;
	v28 =	vmin.f32 v44, $7.000000000e+00  }
0x326: {  	v48 =	vmin.f32 v46, $7.000000000e+00;
	v12 =	vtrunc.f32 v12;
	v11 =	vtrunc.f32 v51  }
0x327: {  	v9 =	vsub.f32 $7.500000000e+00, v33;
	v28 =	vsub.f32 $7.500000000e+00, v28;
	v33 =	vtrunc.f32 v49  }
0x328: {  	v53 =	vsub.f32 $7.500000000e+00, v48;
	v12 =	vcvt.f32.s32 v12;
	v11 =	vcvt.f32.s32 v11  }
0x329: {  	v45 =	vand.u32 $0x7FFFFFFF, v26;
	v9 =	vtrunc.f32 v9;
	v35 =	vmul.f32 v50, v0  }
0x32a: {  	v33 =	vcvt.f32.s32 v33;
	v47 =	vmin.f32 v45, $7.000000000e+00;
	v9 =	vcvt.f32.s32 v9  }
0x32b: {  	[tilespmem:s17+$0x30] =	vst v27;
	v28 =	vtrunc.f32 v28;
	v54 =	vtrunc.f32 v53;
	v35 =	vsub.f32 v35, v1  }
0x32c: {  	v27 =	vld [tilespmem:s23+$0xA0];
	[tilespmem:s17+$0x60] =	vst v20;
	v12 =	vsub.s32 $0x7, v12;
	v52 =	vsub.f32 $7.500000000e+00, v47;
	v9 =	vsub.s32 $0x7, v9  }
0x32d: {  	v59 =	vld [tilespmem:s23+$0xE0];
	v11 =	vsub.s32 $0x7, v11;
	v36 =	vcvt.f32.s32 v54;
	v56 =	vand.u32 $0x7FFFFFFF, v35  }
0x32e: {  	v55 =	vld [tilespmem:s23+$0xB0];
	v20 =	vsub.s32 $0x7, v33;
	v13 =	vtrunc.f32 v52;
	v58 =	vmin.f32 v56, $7.000000000e+00  }
0x32f: {  	v28 =	vcvt.f32.s32 v28;
	v13 =	vcvt.f32.s32 v13;
	v33 =	vsub.f32 $7.500000000e+00, v58  }
0x330: {  	v57 =	vld [tilespmem:s23+$0xD0];
	v10 =	vand.u32 $0x80000000, v10;
	v34 =	vand.u32 $0x80000000, v34;
	v36 =	vsub.s32 $0x7, v36  }
0x331: {  	v28 =	vsub.s32 $0x7, v28;
	v60 =	vsub.s32 $0x7, v13;
	v61 =	vld.idx.msk [tilespmem:v9+s26+$0x0], $0xffff;
	v13 =	vtrunc.f32 v33  }
0x332: {  	v24 =	vsub.f32 $7.500000000e+00, v24;
	v37 =	vmul.f32 v59, v0;
	v48 =	vld.idx.msk [tilespmem:v11+s26+$0x0], $0xffff;
	v9 =	vcvt.f32.s32 v13  }
0x333: {  	v13 =	vmul.f32 v27, v0;
	v27 =	vld.idx.msk [tilespmem:v20+s26+$0x0], $0xffff;
	v20 =	vsub.f32 v21, v1;
	v21 =	vmul.f32 v55, v0  }
0x334: {  	v31 =	vand.u32 $0x80000000, v31;
	v32 =	vtrunc.f32 v24;
	v62 =	vld.idx.msk [tilespmem:v12+s26+$0x0], $0xffff;
	v63 =	vsub.s32 $0x7, v9  }
0x335: {  	v36 =	vld.idx.msk [tilespmem:v36+s26+$0x0], $0xffff;
	v9 =	vmul.f32 v57, v0;
	v11 =	vand.u32 $0x7FFFFFFF, v20;
	v12 =	vsub.f32 v21, v1  }
0x336: {  	v21 =	vld.idx.msk [tilespmem:v28+s26+$0x0], $0xffff;
	v28 =	vmin.f32 v11, $7.000000000e+00;
	v11 =	vsub.f32 v30, v1;
	v30 =	vxor.u32 v61, v10  }
0x337: {  	v26 =	vand.u32 $0x80000000, v26;
	v25 =	vxor.u32 v48, v25;
	v49 =	vld.idx.msk [tilespmem:v60+s26+$0x0], $0xffff;
	v13 =	vsub.f32 v13, v1;
	[tilespmem:s22+$0xFFFFFF80] =	vst v30  }
0x338: {  	v10 =	vsub.f32 v37, v1;
	v9 =	vsub.f32 v9, v1;
	v27 =	vxor.u32 v27, v40;
	v56 =	vld [tilespmem:s21+$0x0]  }
0x339: {  	v50 =	vand.u32 $0x7FFFFFFF, v13;
	v51 =	vand.u32 $0x7FFFFFFF, v12;
	v52 =	vand.u32 $0x7FFFFFFF, v11;
	[tilespmem:s22+$0xFFFFFF90] =	vst v27;
	v30 =	vld.idx.msk [tilespmem:v63+s26+$0x0], $0xffff  }
0x33a: {  	[tilespmem:s22+$0xFFFFFFB0] =	vst v25;
	v54 =	vmin.f32 v50, $7.000000000e+00;
	v55 =	vand.u32 $0x7FFFFFFF, v10;
	v27 =	vxor.u32 v62, v39;
	v59 =	vld [tilespmem:s21+$0x10]  }
0x33b: {  	v57 =	vmin.f32 v51, $7.000000000e+00;
	v53 =	vand.u32 $0x7FFFFFFF, v9;
	v58 =	vmin.f32 v52, $7.000000000e+00;
	[tilespmem:s22+$0xFFFFFFA0] =	vst v27;
	v63 =	vld [tilespmem:s21+$0x30]  }
0x33c: {  	v60 =	vmin.f32 v55, $7.000000000e+00;
	v62 =	vsub.f32 $7.500000000e+00, v28;
	v21 =	vxor.u32 v21, v34;
	v61 =	vld [tilespmem:s21+$0x20]  }
0x33d: {  	v45 =	vsub.f32 $7.500000000e+00, v54;
	v25 =	vsub.f32 $7.500000000e+00, v57;
	[tilespmem:s22+$0xFFFFFFC0] =	vst v21;
	v21 =	vxor.u32 v49, v26  }
0x33e: {  	v28 =	vand.u32 $0x80000000, v35;
	v27 =	vmin.f32 v53, $7.000000000e+00;
	v46 =	vld [tilespmem:s21+$0x40];
	[tilespmem:s22+$0xFFFFFFD0] =	vst v21;
	v21 =	vxor.u32 v36, v31  }
0x33f: {  	v26 =	vsub.f32 $7.500000000e+00, v58;
	v31 =	vmul.f32 v56, v0;
	v47 =	vld [tilespmem:s21+$0x50];
	[tilespmem:s22+$0xFFFFFFE0] =	vst v21;
	v21 =	vxor.u32 v30, v28  }
0x340: {  	v28 =	vsub.f32 $7.500000000e+00, v27;
	v27 =	vmul.f32 v59, v0;
	v30 =	vsub.f32 $7.500000000e+00, v60;
	[tilespmem:s22+$0x70] =	vst v21  }
0x341: {  	v51 =	vmul.f32 v63, v0;
	v21 =	vsub.f32 v31, v1;
	v24 =	vmul.f32 v61, v0;
	v49 =	vld [tilespmem:s21+$0xF0]  }
0x342: {  	v48 =	vld [tilespmem:s21+$0x60];
	v31 =	vtrunc.f32 v62;
	v50 =	vsub.f32 v27, v1;
	v27 =	vtrunc.f32 v45  }
0x343: {  	v43 =	vsub.f32 v51, v1;
	v52 =	vand.u32 $0x7FFFFFFF, v21;
	v41 =	vsub.f32 v24, v1  }
0x344: {  	v24 =	vmul.f32 v46, v0;
	v35 =	vmul.f32 v47, v0;
	v21 =	vand.u32 $0x80000000, v21  }
0x345: {  	v53 =	vand.u32 $0x7FFFFFFF, v50;
	v55 =	vand.u32 $0x7FFFFFFF, v43;
	v56 =	vmin.f32 v52, $7.000000000e+00  }
0x346: {  	[tilespmem:s17+$0xF0] =	vst v18;
	v18 =	vld.idx.msk [tilespmem:v23+s26+$0x0], $0xffff;
	v23 =	vand.u32 $0x80000000, v43;
	v54 =	vand.u32 $0x7FFFFFFF, v41;
	v37 =	vmul.f32 v49, v0  }
0x347: {  	v34 =	vsub.f32 v24, v1;
	v24 =	vmul.f32 v48, v0;
	v35 =	vsub.f32 v35, v1  }
0x348: {  	v60 =	vmin.f32 v55, $7.000000000e+00;
	v44 =	vsub.f32 $7.500000000e+00, v56;
	v33 =	vsub.f32 v37, v1  }
0x349: {  	v59 =	vmin.f32 v54, $7.000000000e+00;
	v40 =	vsub.f32 $7.500000000e+00, v60;
	v57 =	vand.u32 $0x7FFFFFFF, v34  }
0x34a: {  	v36 =	vsub.f32 v24, v1;
	v24 =	vmin.f32 v53, $7.000000000e+00;
	v62 =	vand.u32 $0x7FFFFFFF, v33  }
0x34b: {  	v58 =	vand.u32 $0x7FFFFFFF, v35;
	v44 =	vtrunc.f32 v44;
	v46 =	vmin.f32 v62, $7.000000000e+00  }
0x34c: {  	v45 =	vmin.f32 v57, $7.000000000e+00;
	v39 =	vmin.f32 v58, $7.000000000e+00;
	v46 =	vsub.f32 $7.500000000e+00, v46  }
0x34d: {  	v24 =	vsub.f32 $7.500000000e+00, v24;
	v48 =	vtrunc.f32 v40;
	v44 =	vcvt.f32.s32 v44  }
0x34e: {  	v61 =	vand.u32 $0x7FFFFFFF, v36;
	v37 =	vsub.f32 $7.500000000e+00, v59;
	v46 =	vtrunc.f32 v46  }
0x34f: {  	v45 =	vsub.f32 $7.500000000e+00, v45;
	v39 =	vsub.f32 $7.500000000e+00, v39;
	v46 =	vcvt.f32.s32 v46  }
0x350: {  	v15 =	vld.idx.msk [tilespmem:v15+s26+$0x0], $0xffff;
	v43 =	vcvt.f32.s32 v48;
	v42 =	vmin.f32 v61, $7.000000000e+00;
	v47 =	vtrunc.f32 v24  }
0x351: {  	v16 =	vld.idx.msk [tilespmem:v16+s26+$0x0], $0xffff;
	v42 =	vsub.f32 $7.500000000e+00, v42;
	v63 =	vtrunc.f32 v37;
	v37 =	vsub.s32 $0x7, v46  }
0x352: {  	[tilespmem:s25+$0xF0] =	vst v8;
	v8 =	vld.idx.msk [tilespmem:v22+s26+$0x0], $0xffff;
	v22 =	vand.u32 $0x80000000, v41;
	v45 =	vtrunc.f32 v45;
	v39 =	vtrunc.f32 v39  }
0x353: {  	v17 =	vld.idx.msk [tilespmem:v17+s26+$0x0], $0xffff;
	v24 =	vand.u32 $0x80000000, v50;
	v40 =	vtrunc.f32 v42;
	v42 =	vcvt.f32.s32 v47  }
0x354: {  	s14 =	simm.s32 $0x2880;
	s12 =	simm.s32 $0x100;
	s23 =	simm.s32 $0xA680;
	[tilespmem:s25+$0x80] =	vst v29;
	v19 =	vld.idx.msk [tilespmem:v19+s26+$0x0], $0xffff;
	v38 =	vsub.s32 $0x7, v44;
	v41 =	vcvt.f32.s32 v63;
	v29 =	vcvt.f32.s32 v45  }
.LBB2_9:
0x355: {  	v44 =	vld [tilespmem:s14+$0xFFFFFF70];
	s12 =	sadd.s32 $0x80, s12;
	v42 =	vsub.s32 $0x7, v42;
	v39 =	vcvt.f32.s32 v39;
	v40 =	vcvt.f32.s32 v40  }
0x356: {  	v41 =	vsub.s32 $0x7, v41;
	p2 =	slt.u32 s12, $0x780;
	v43 =	vsub.s32 $0x7, v43;
	v45 =	vsub.s32 $0x7, v29;
	v46 =	vld.idx.msk [tilespmem:v37+s26+$0x0], $0xffff  }
0x357: {  	v34 =	vand.u32 $0x80000000, v34;
	v47 =	vld [tilespmem:s14+$0xFFFFFF10];
	v39 =	vsub.s32 $0x7, v39;
	v40 =	vsub.s32 $0x7, v40  }
0x358: {  	v37 =	vand.u32 $0x80000000, v35;
	v35 =	vand.u32 $0x80000000, v36;
	v29 =	vtrunc.f32 v25;
	v48 =	vld [tilespmem:s14+$0xFFFFFF20]  }
0x359: {  	v26 =	vtrunc.f32 v26;
	v28 =	vtrunc.f32 v28;
	v25 =	vand.u32 $0x80000000, v14;
	v36 =	vld [tilespmem:s14+$0xFFFFFF30]  }
0x35a: {  	v14 =	vand.u32 $0x80000000, v20;
	v20 =	vtrunc.f32 v30;
	v49 =	vld [tilespmem:s14+$0xFFFFFF40];
	v44 =	vmul.f32 v44, v0  }
0x35b: {  	v33 =	vand.u32 $0x80000000, v33;
	v32 =	vcvt.f32.s32 v32;
	v30 =	vcvt.f32.s32 v31;
	v50 =	vld [tilespmem:s14+$0xFFFFFF50]  }
0x35c: {  	v33 =	vxor.u32 v46, v33;
	v31 =	vmul.f32 v47, v0;
	v47 =	vld [tilespmem:s14+$0xFFFFFF60];
	v44 =	vsub.f32 v44, v1  }
0x35d: {  	v27 =	vcvt.f32.s32 v27;
	v32 =	vsub.s32 $0x7, v32;
	v46 =	vld [tilespmem:s14+$0xFFFFFF00];
	v48 =	vmul.f32 v48, v0;
	[tilespmem:s22+$0xF0] =	vst v33  }
0x35e: {  	v31 =	vsub.f32 v31, v1;
	v33 =	vmul.f32 v36, v0;
	v36 =	vand.u32 $0x7FFFFFFF, v44;
	v38 =	vld.idx.msk [tilespmem:v38+s26+$0x0], $0xffff  }
0x35f: {  	v48 =	vsub.f32 v48, v1;
	v49 =	vmul.f32 v49, v0;
	v36 =	vmin.f32 v36, $7.000000000e+00;
	v42 =	vld.idx.msk [tilespmem:v42+s26+$0x0], $0xffff  }
0x360: {  	v33 =	vsub.f32 v33, v1;
	v50 =	vmul.f32 v50, v0;
	v36 =	vsub.f32 $7.500000000e+00, v36;
	v41 =	vld.idx.msk [tilespmem:v41+s26+$0x0], $0xffff  }
0x361: {  	v51 =	vand.u32 $0x7FFFFFFF, v31;
	v49 =	vsub.f32 v49, v1;
	v47 =	vmul.f32 v47, v0;
	v43 =	vld.idx.msk [tilespmem:v43+s26+$0x0], $0xffff  }
0x362: {  	v46 =	vmul.f32 v46, v0;
	v50 =	vsub.f32 v50, v1;
	v36 =	vtrunc.f32 v36;
	v45 =	vld.idx.msk [tilespmem:v45+s26+$0x0], $0xffff  }
0x363: {  	v52 =	vand.u32 $0x7FFFFFFF, v48;
	v47 =	vsub.f32 v47, v1;
	v36 =	vcvt.f32.s32 v36;
	v39 =	vld.idx.msk [tilespmem:v39+s26+$0x0], $0xffff  }
0x364: {  	v53 =	vand.u32 $0x7FFFFFFF, v33;
	v54 =	vand.u32 $0x7FFFFFFF, v49;
	v46 =	vsub.f32 v46, v1;
	v40 =	vld.idx.msk [tilespmem:v40+s26+$0x0], $0xffff  }
0x365: {  	v55 =	vand.u32 $0x7FFFFFFF, v50;
	v56 =	vand.u32 $0x7FFFFFFF, v47;
	v36 =	vsub.s32 $0x7, v36;
	v32 =	vld.idx.msk [tilespmem:v32+s26+$0x0], $0xffff  }
0x366: {  	v51 =	vmin.f32 v51, $7.000000000e+00;
	v52 =	vmin.f32 v52, $7.000000000e+00;
	v57 =	vand.u32 $0x7FFFFFFF, v46  }
0x367: {  	v53 =	vmin.f32 v53, $7.000000000e+00;
	v54 =	vmin.f32 v54, $7.000000000e+00;
	v57 =	vmin.f32 v57, $7.000000000e+00  }
0x368: {  	v55 =	vmin.f32 v55, $7.000000000e+00;
	v56 =	vmin.f32 v56, $7.000000000e+00;
	v57 =	vsub.f32 $7.500000000e+00, v57  }
0x369: {  	v51 =	vsub.f32 $7.500000000e+00, v51;
	v52 =	vsub.f32 $7.500000000e+00, v52;
	v46 =	vand.u32 $0x80000000, v46  }
0x36a: {  	v53 =	vsub.f32 $7.500000000e+00, v53;
	v54 =	vsub.f32 $7.500000000e+00, v54;
	v57 =	vtrunc.f32 v57;
	v36 =	vld.idx.msk [tilespmem:v36+s26+$0x0], $0xffff  }
0x36b: {  	v51 =	vtrunc.f32 v51;
	v55 =	vsub.f32 $7.500000000e+00, v55;
	v56 =	vsub.f32 $7.500000000e+00, v56  }
0x36c: {  	v31 =	vand.u32 $0x80000000, v31;
	v52 =	vtrunc.f32 v52;
	v53 =	vtrunc.f32 v53  }
0x36d: {  	v48 =	vand.u32 $0x80000000, v48;
	v54 =	vtrunc.f32 v54;
	v55 =	vtrunc.f32 v55  }
0x36e: {  	v33 =	vand.u32 $0x80000000, v33;
	v56 =	vtrunc.f32 v56;
	v57 =	vcvt.f32.s32 v57  }
0x36f: {  	v44 =	vand.u32 $0x80000000, v44;
	v51 =	vcvt.f32.s32 v51;
	v52 =	vcvt.f32.s32 v52  }
0x370: {  	s22 =	sadd.s32 $0x200, s22;
	v53 =	vcvt.f32.s32 v53;
	v54 =	vcvt.f32.s32 v54;
	v36 =	vxor.u32 v36, v44  }
0x371: {  	v55 =	vcvt.f32.s32 v55;
	v56 =	vcvt.f32.s32 v56;
	v44 =	vsub.s32 $0x7, v57;
	[tilespmem:s22+$0xFFFFFF70] =	vst v36  }
0x372: {  	v36 =	vsub.s32 $0x7, v51;
	v51 =	vsub.s32 $0x7, v52;
	v52 =	vsub.s32 $0x7, v53;
	v53 =	vld [tilespmem:s14+$0xFFFFFFF0]  }
0x373: {  	v54 =	vsub.s32 $0x7, v54;
	v55 =	vsub.s32 $0x7, v55;
	v56 =	vsub.s32 $0x7, v56  }
0x374: {  	v49 =	vand.u32 $0x80000000, v49;
	v50 =	vand.u32 $0x80000000, v50;
	v47 =	vand.u32 $0x80000000, v47  }
0x375: {  	v21 =	vxor.u32 v38, v21;
	v24 =	vxor.u32 v42, v24;
	v38 =	vxor.u32 v41, v22  }
0x376: {  	v23 =	vxor.u32 v43, v23;
	v34 =	vxor.u32 v45, v34;
	v37 =	vxor.u32 v39, v37;
	v41 =	vld.idx.msk [tilespmem:v44+s26+$0x0], $0xffff  }
0x377: {  	v35 =	vxor.u32 v40, v35;
	v36 =	vld.idx.msk [tilespmem:v36+s26+$0x0], $0xffff;
	v39 =	vmul.f32 v53, v0;
	[tilespmem:s23+$0x0] =	vst v21;
	v21 =	vcvt.f32.s32 v29  }
0x378: {  	v22 =	vsub.s32 $0x7, v30;
	v29 =	vld.idx.msk [tilespmem:v51+s26+$0x0], $0xffff;
	[tilespmem:s23+$0x10] =	vst v24;
	v24 =	vcvt.f32.s32 v26;
	v26 =	vcvt.f32.s32 v28  }
0x379: {  	v27 =	vsub.s32 $0x7, v27;
	v28 =	vld.idx.msk [tilespmem:v52+s26+$0x0], $0xffff;
	v30 =	vsub.f32 v39, v1;
	[tilespmem:s23+$0x20] =	vst v38;
	v38 =	vcvt.f32.s32 v20  }
0x37a: {  	v39 =	vld.idx.msk [tilespmem:v54+s26+$0x0], $0xffff;
	[tilespmem:s23+$0x30] =	vst v23;
	v23 =	vsub.s32 $0x7, v21;
	v21 =	vsub.s32 $0x7, v24;
	v20 =	vsub.s32 $0x7, v26  }
0x37b: {  	v24 =	vld.idx.msk [tilespmem:v55+s26+$0x0], $0xffff;
	v26 =	vand.u32 $0x7FFFFFFF, v30;
	[tilespmem:s23+$0x40] =	vst v34;
	v34 =	vand.u32 $0x80000000, v13;
	v13 =	vsub.s32 $0x7, v38  }
0x37c: {  	v12 =	vand.u32 $0x80000000, v12;
	v38 =	vxor.u32 v41, v46;
	v40 =	vld.idx.msk [tilespmem:v56+s26+$0x0], $0xffff;
	v26 =	vmin.f32 v26, $7.000000000e+00;
	[tilespmem:s23+$0x50] =	vst v37  }
0x37d: {  	v11 =	vand.u32 $0x80000000, v11;
	v31 =	vxor.u32 v36, v31;
	[tilespmem:s22+$0xFFFFFF00] =	vst v38;
	v26 =	vsub.f32 $7.500000000e+00, v26;
	v36 =	vld [tilespmem:s21+$0x80]  }
0x37e: {  	v9 =	vand.u32 $0x80000000, v9;
	v10 =	vand.u32 $0x80000000, v10;
	v29 =	vxor.u32 v29, v48;
	v37 =	vld [tilespmem:s14+$0xFFFFFF80];
	[tilespmem:s22+$0xFFFFFF10] =	vst v31  }
0x37f: {  	v25 =	vxor.u32 v32, v25;
	v28 =	vxor.u32 v28, v33;
	v31 =	vld [tilespmem:s14+$0xFFFFFF90];
	[tilespmem:s22+$0xFFFFFF20] =	vst v29;
	v26 =	vtrunc.f32 v26  }
0x380: {  	v15 =	vxor.u32 v15, v2;
	v2 =	vmovc v14;
	v29 =	vld [tilespmem:s14+$0xFFFFFFA0];
	[tilespmem:s22+$0xFFFFFF30] =	vst v28;
	v28 =	vxor.u32 v39, v49;
	v26 =	vcvt.f32.s32 v26  }
0x381: {  	v16 =	vxor.u32 v16, v3;
	v17 =	vxor.u32 v17, v5;
	v14 =	vxor.u32 v24, v50;
	v32 =	vld [tilespmem:s14+$0xFFFFFFB0];
	[tilespmem:s22+$0xFFFFFF40] =	vst v28  }
0x382: {  	v3 =	vmovc v34;
	v5 =	vxor.u32 v40, v47;
	v24 =	vld [tilespmem:s14+$0xFFFFFFC0];
	[tilespmem:s22+$0xFFFFFF50] =	vst v14;
	v26 =	vsub.s32 $0x7, v26;
	v14 =	vmul.f32 v36, v0  }
0x383: {  	v8 =	vxor.u32 v8, v4;
	v18 =	vxor.u32 v18, v6;
	v28 =	vmul.f32 v37, v0;
	v33 =	vld [tilespmem:s14+$0xFFFFFFD0];
	[tilespmem:s22+$0xFFFFFF60] =	vst v5  }
0x384: {  	v19 =	vxor.u32 v19, v7;
	v34 =	vmul.f32 v31, v0;
	v31 =	vld [tilespmem:s14+$0xFFFFFFE0];
	v14 =	vsub.f32 v14, v1;
	[tilespmem:s23+$0x60] =	vst v35  }
0x385: {  	v4 =	vmovc v11;
	v5 =	vmov v12;
	v28 =	vsub.f32 v28, v1;
	v35 =	vmul.f32 v29, v0;
	v29 =	vld [tilespmem:s21+$0x90];
	[tilespmem:s17+$0x80] =	vst v25  }
0x386: {  	v6 =	vmovc v9;
	v11 =	vsub.f32 v34, v1;
	v12 =	vmul.f32 v32, v0;
	v25 =	vand.u32 $0x7FFFFFFF, v14;
	v32 =	vld [tilespmem:s21+$0xA0];
	[tilespmem:s25+$0x90] =	vst v15  }
0x387: {  	v9 =	vand.u32 $0x7FFFFFFF, v28;
	v34 =	vsub.f32 v35, v1;
	v15 =	vmul.f32 v24, v0;
	v24 =	vld.idx.msk [tilespmem:v26+s26+$0x0], $0xffff;
	[tilespmem:s25+$0xA0] =	vst v16  }
0x388: {  	v7 =	vmovc v10;
	v16 =	vand.u32 $0x7FFFFFFF, v11;
	v12 =	vsub.f32 v12, v1;
	v26 =	vmul.f32 v33, v0;
	v33 =	vld [tilespmem:s21+$0xB0];
	[tilespmem:s25+$0xB0] =	vst v17  }
0x389: {  	v10 =	vand.u32 $0x7FFFFFFF, v34;
	v35 =	vsub.f32 v15, v1;
	v15 =	vmul.f32 v31, v0;
	v31 =	vld [tilespmem:s21+$0xC0];
	[tilespmem:s25+$0xC0] =	vst v8  }
0x38a: {  	v8 =	vmin.f32 v9, $7.000000000e+00;
	v9 =	vand.u32 $0x7FFFFFFF, v12;
	v26 =	vsub.f32 v26, v1;
	v36 =	vld [tilespmem:s21+$0xD0];
	[tilespmem:s25+$0xD0] =	vst v18  }
0x38b: {  	v18 =	vmin.f32 v16, $7.000000000e+00;
	v17 =	vand.u32 $0x7FFFFFFF, v35;
	v37 =	vsub.f32 v15, v1;
	v38 =	vld [tilespmem:s21+$0xE0];
	[tilespmem:s25+$0xE0] =	vst v19;
	s25 =	smov.u32 s17;
	s17 =	smov.u32 s23;
	s23 =	smov.u32 s22  }
0x38c: {  	v10 =	vmin.f32 v10, $7.000000000e+00;
	v16 =	vand.u32 $0x80000000, v30;
	s21 =	smov.u32 s14;
	v19 =	vand.u32 $0x7FFFFFFF, v26;
	v15 =	vld.idx.msk [tilespmem:v22+s26+$0x0], $0xffff  }
0x38d: {  	v9 =	vmin.f32 v9, $7.000000000e+00;
	v24 =	vxor.u32 v24, v16;
	v22 =	vand.u32 $0x7FFFFFFF, v37;
	v16 =	vld.idx.msk [tilespmem:v27+s26+$0x0], $0xffff  }
0x38e: {  	v27 =	vmin.f32 v17, $7.000000000e+00;
	v19 =	vmin.f32 v19, $7.000000000e+00;
	v22 =	vmin.f32 v22, $7.000000000e+00;
	[tilespmem:s22+$0xFFFFFFF0] =	vst v24;
	v17 =	vld.idx.msk [tilespmem:v23+s26+$0x0], $0xffff  }
0x38f: {  	v23 =	vsub.f32 $7.500000000e+00, v8;
	v24 =	vand.u32 $0x80000000, v28;
	v28 =	vsub.f32 $7.500000000e+00, v18;
	v30 =	vld [tilespmem:s14+$0x70]  }
0x390: {  	v39 =	vand.u32 $0x80000000, v11;
	v10 =	vsub.f32 $7.500000000e+00, v10;
	v9 =	vsub.f32 $7.500000000e+00, v9;
	v8 =	vld.idx.msk [tilespmem:v21+s26+$0x0], $0xffff  }
0x391: {  	v11 =	vtrunc.f32 v23;
	v21 =	vsub.f32 $7.500000000e+00, v27;
	v23 =	vsub.f32 $7.500000000e+00, v19;
	v18 =	vld.idx.msk [tilespmem:v20+s26+$0x0], $0xffff  }
0x392: {  	v10 =	vtrunc.f32 v10;
	v22 =	vsub.f32 $7.500000000e+00, v22;
	v20 =	vtrunc.f32 v28;
	v19 =	vld.idx.msk [tilespmem:v13+s26+$0x0], $0xffff  }
0x393: {  	v9 =	vtrunc.f32 v9;
	v27 =	vand.u32 $0x80000000, v34;
	v13 =	vtrunc.f32 v21  }
0x394: {  	v21 =	vand.u32 $0x80000000, v12;
	v12 =	vtrunc.f32 v23;
	v23 =	vmul.f32 v30, v0  }
0x395: {  	v11 =	vcvt.f32.s32 v11;
	v28 =	vand.u32 $0x80000000, v35;
	v22 =	vtrunc.f32 v22  }
0x396: {  	v10 =	vcvt.f32.s32 v10;
	v20 =	vcvt.f32.s32 v20;
	v23 =	vsub.f32 v23, v1  }
0x397: {  	v9 =	vcvt.f32.s32 v9;
	v11 =	vsub.s32 $0x7, v11;
	v13 =	vcvt.f32.s32 v13  }
0x398: {  	v22 =	vcvt.f32.s32 v22;
	v12 =	vcvt.f32.s32 v12;
	v30 =	vand.u32 $0x7FFFFFFF, v23  }
0x399: {  	v10 =	vsub.s32 $0x7, v10;
	v20 =	vsub.s32 $0x7, v20;
	v30 =	vmin.f32 v30, $7.000000000e+00  }
0x39a: {  	v9 =	vsub.s32 $0x7, v9;
	v34 =	vsub.s32 $0x7, v13;
	v13 =	vsub.f32 $7.500000000e+00, v30  }
0x39b: {  	v26 =	vand.u32 $0x80000000, v26;
	v22 =	vsub.s32 $0x7, v22;
	v30 =	vsub.s32 $0x7, v12  }
0x39c: {  	v37 =	vand.u32 $0x80000000, v37;
	v12 =	vmul.f32 v29, v0;
	v35 =	vld.idx.msk [tilespmem:v11+s26+$0x0], $0xffff;
	v11 =	vtrunc.f32 v13  }
0x39d: {  	v25 =	vmin.f32 v25, $7.000000000e+00;
	v13 =	vmul.f32 v32, v0;
	v11 =	vcvt.f32.s32 v11  }
0x39e: {  	v31 =	vmul.f32 v31, v0;
	v29 =	vld.idx.msk [tilespmem:v20+s26+$0x0], $0xffff;
	v20 =	vsub.f32 v12, v1;
	v12 =	vmul.f32 v33, v0  }
0x39f: {  	v32 =	vld.idx.msk [tilespmem:v10+s26+$0x0], $0xffff;
	v33 =	vsub.s32 $0x7, v11;
	v10 =	vmul.f32 v36, v0;
	v36 =	vmul.f32 v38, v0  }
0x3a0: {  	v13 =	vsub.f32 v13, v1;
	v38 =	vld.idx.msk [tilespmem:v9+s26+$0x0], $0xffff;
	v9 =	vand.u32 $0x7FFFFFFF, v20;
	v12 =	vsub.f32 v12, v1  }
0x3a1: {  	v11 =	vsub.f32 v31, v1;
	v34 =	vld.idx.msk [tilespmem:v34+s26+$0x0], $0xffff;
	v40 =	vmin.f32 v9, $7.000000000e+00;
	v9 =	vsub.f32 v10, v1  }
0x3a2: {  	v31 =	vand.u32 $0x7FFFFFFF, v13;
	v24 =	vxor.u32 v35, v24;
	v10 =	vsub.f32 v36, v1;
	v30 =	vld.idx.msk [tilespmem:v30+s26+$0x0], $0xffff  }
0x3a3: {  	v35 =	vand.u32 $0x7FFFFFFF, v11;
	[tilespmem:s22+$0xFFFFFF80] =	vst v24;
	v22 =	vld.idx.msk [tilespmem:v22+s26+$0x0], $0xffff;
	v24 =	vand.u32 $0x7FFFFFFF, v12;
	v36 =	vand.u32 $0x7FFFFFFF, v9  }
0x3a4: {  	v31 =	vmin.f32 v31, $7.000000000e+00;
	v29 =	vxor.u32 v29, v39;
	v39 =	vand.u32 $0x7FFFFFFF, v10;
	v33 =	vld.idx.msk [tilespmem:v33+s26+$0x0], $0xffff  }
0x3a5: {  	v27 =	vxor.u32 v32, v27;
	v24 =	vmin.f32 v24, $7.000000000e+00;
	v41 =	vld [tilespmem:s14+$0x0];
	[tilespmem:s22+$0xFFFFFF90] =	vst v29;
	v29 =	vmin.f32 v35, $7.000000000e+00  }
0x3a6: {  	v21 =	vxor.u32 v38, v21;
	v35 =	vmin.f32 v39, $7.000000000e+00;
	v32 =	vld [tilespmem:s14+$0x10];
	[tilespmem:s22+$0xFFFFFFA0] =	vst v27;
	v27 =	vmin.f32 v36, $7.000000000e+00  }
0x3a7: {  	v38 =	vsub.f32 $7.500000000e+00, v40;
	v36 =	vld [tilespmem:s14+$0x20];
	[tilespmem:s22+$0xFFFFFFB0] =	vst v21;
	v21 =	vxor.u32 v34, v28;
	v34 =	vsub.f32 $7.500000000e+00, v25  }
0x3a8: {  	v40 =	vsub.f32 $7.500000000e+00, v31;
	v25 =	vsub.f32 $7.500000000e+00, v24;
	v39 =	vld [tilespmem:s14+$0x30];
	[tilespmem:s22+$0xFFFFFFC0] =	vst v21;
	v21 =	vxor.u32 v30, v26  }
0x3a9: {  	v26 =	vsub.f32 $7.500000000e+00, v29;
	v24 =	vld [tilespmem:s14+$0x40];
	[tilespmem:s22+$0xFFFFFFD0] =	vst v21;
	v21 =	vxor.u32 v22, v37;
	v22 =	vand.u32 $0x80000000, v23  }
0x3aa: {  	v28 =	vsub.f32 $7.500000000e+00, v27;
	v23 =	vmul.f32 v41, v0;
	v29 =	vld [tilespmem:s14+$0x50];
	[tilespmem:s22+$0xFFFFFFE0] =	vst v21;
	v21 =	vxor.u32 v33, v22  }
0x3ab: {  	v30 =	vsub.f32 $7.500000000e+00, v35;
	v22 =	vmul.f32 v32, v0;
	v33 =	vld [tilespmem:s14+$0x60];
	[tilespmem:s22+$0x70] =	vst v21;
	v32 =	vtrunc.f32 v34  }
0x3ac: {  	v31 =	vtrunc.f32 v38;
	v21 =	vsub.f32 v23, v1;
	v23 =	vmul.f32 v36, v0;
	v36 =	vld [tilespmem:s14+$0xF0]  }
0x3ad: {  	v27 =	vtrunc.f32 v40;
	v22 =	vsub.f32 v22, v1;
	v34 =	vmul.f32 v39, v0  }
0x3ae: {  	v37 =	vand.u32 $0x7FFFFFFF, v21;
	v23 =	vsub.f32 v23, v1;
	v24 =	vmul.f32 v24, v0  }
0x3af: {  	v38 =	vand.u32 $0x7FFFFFFF, v22;
	v43 =	vsub.f32 v34, v1;
	v29 =	vmul.f32 v29, v0  }
0x3b0: {  	v39 =	vand.u32 $0x7FFFFFFF, v23;
	v34 =	vsub.f32 v24, v1;
	v24 =	vmul.f32 v33, v0  }
0x3b1: {  	v40 =	vand.u32 $0x7FFFFFFF, v43;
	v35 =	vsub.f32 v29, v1;
	v29 =	vmul.f32 v36, v0  }
0x3b2: {  	v37 =	vmin.f32 v37, $7.000000000e+00;
	v41 =	vand.u32 $0x7FFFFFFF, v34;
	v36 =	vsub.f32 v24, v1  }
0x3b3: {  	v24 =	vmin.f32 v38, $7.000000000e+00;
	v38 =	vand.u32 $0x7FFFFFFF, v35;
	v33 =	vsub.f32 v29, v1  }
0x3b4: {  	v29 =	vmin.f32 v39, $7.000000000e+00;
	v39 =	vmin.f32 v40, $7.000000000e+00;
	v40 =	vand.u32 $0x7FFFFFFF, v36  }
0x3b5: {  	v41 =	vmin.f32 v41, $7.000000000e+00;
	v38 =	vmin.f32 v38, $7.000000000e+00;
	v42 =	vand.u32 $0x7FFFFFFF, v33  }
0x3b6: {  	v37 =	vsub.f32 $7.500000000e+00, v37;
	v40 =	vmin.f32 v40, $7.000000000e+00;
	v42 =	vmin.f32 v42, $7.000000000e+00  }
0x3b7: {  	v21 =	vand.u32 $0x80000000, v21;
	v24 =	vsub.f32 $7.500000000e+00, v24;
	v42 =	vsub.f32 $7.500000000e+00, v42  }
0x3b8: {  	v44 =	vtrunc.f32 v37;
	v29 =	vsub.f32 $7.500000000e+00, v29;
	v37 =	vsub.f32 $7.500000000e+00, v39  }
0x3b9: {  	v39 =	vsub.f32 $7.500000000e+00, v41;
	v38 =	vsub.f32 $7.500000000e+00, v38;
	v41 =	vtrunc.f32 v42  }
0x3ba: {  	v40 =	vsub.f32 $7.500000000e+00, v40;
	v42 =	vtrunc.f32 v24;
	v41 =	vcvt.f32.s32 v41  }
.Ltmp6:
0x3bb: {  	v29 =	vtrunc.f32 v29;
	v45 =	vtrunc.f32 v37;
	v24 =	vand.u32 $0x80000000, v22;
	(pc) =	sbr.rel @p2 .LBB2_9-.Ltmp6, $4  }
0x3bc: {  	v46 =	vtrunc.f32 v39;
	v39 =	vtrunc.f32 v38;
	v37 =	vsub.s32 $0x7, v41  }
0x3bd: {  	v38 =	vcvt.f32.s32 v44;
	v40 =	vtrunc.f32 v40;
	v22 =	vand.u32 $0x80000000, v23  }
0x3be: {  	v23 =	vand.u32 $0x80000000, v43;
	v42 =	vcvt.f32.s32 v42;
	v41 =	vcvt.f32.s32 v29  }
0x3bf: {  	s14 =	sadd.s32 $0x200, s14;
	v38 =	vsub.s32 $0x7, v38;
	v43 =	vcvt.f32.s32 v45;
	v29 =	vcvt.f32.s32 v46  }
0x3c0: {  	_ = 	snop  }
0x3c1: {  	v42 =	vsub.s32 $0x7, v42  }
0x3c2: {  	v41 =	vsub.s32 $0x7, v41  }
0x3c3: {  	v39 =	vcvt.f32.s32 v39;
	v43 =	vsub.s32 $0x7, v43  }
0x3c4: {  	v40 =	vcvt.f32.s32 v40;
	v37 =	vld.idx.msk [tilespmem:v37+s26+$0x0], $0xffff;
	v29 =	vsub.s32 $0x7, v29  }
0x3c5: {  	v38 =	vld.idx.msk [tilespmem:v38+s26+$0x0], $0xffff;
	v39 =	vsub.s32 $0x7, v39  }
0x3c6: {  	v32 =	vcvt.f32.s32 v32;
	v40 =	vsub.s32 $0x7, v40;
	v42 =	vld.idx.msk [tilespmem:v42+s26+$0x0], $0xffff  }
0x3c7: {  	v34 =	vand.u32 $0x80000000, v34;
	v41 =	vld.idx.msk [tilespmem:v41+s26+$0x0], $0xffff  }
0x3c8: {  	v35 =	vand.u32 $0x80000000, v35;
	v36 =	vand.u32 $0x80000000, v36;
	v32 =	vsub.s32 $0x7, v32;
	v43 =	vld.idx.msk [tilespmem:v43+s26+$0x0], $0xffff  }
0x3c9: {  	v25 =	vtrunc.f32 v25;
	v14 =	vand.u32 $0x80000000, v14;
	v26 =	vtrunc.f32 v26;
	v29 =	vld.idx.msk [tilespmem:v29+s26+$0x0], $0xffff  }
0x3ca: {  	v28 =	vtrunc.f32 v28;
	v20 =	vand.u32 $0x80000000, v20;
	v21 =	vxor.u32 v38, v21;
	v39 =	vld.idx.msk [tilespmem:v39+s26+$0x0], $0xffff  }
0x3cb: {  	v48 =	vtrunc.f32 v30;
	v49 =	vand.u32 $0x80000000, v33;
	v31 =	vcvt.f32.s32 v31;
	[tilespmem:s23+$0x0] =	vst v21;
	v40 =	vld.idx.msk [tilespmem:v40+s26+$0x0], $0xffff  }
0x3cc: {  	v2 =	vxor.u32 v15, v2;
	v3 =	vxor.u32 v16, v3;
	v50 =	vld [tilespmem:s21+$0x80];
	v24 =	vxor.u32 v42, v24  }
0x3cd: {  	v27 =	vcvt.f32.s32 v27;
	v5 =	vxor.u32 v17, v5;
	v32 =	vld.idx.msk [tilespmem:v32+s26+$0x0], $0xffff;
	v22 =	vxor.u32 v41, v22;
	[tilespmem:s23+$0x10] =	vst v24  }
0x3ce: {  	v4 =	vxor.u32 v8, v4;
	v6 =	vxor.u32 v18, v6;
	v23 =	vxor.u32 v43, v23;
	[tilespmem:s23+$0x20] =	vst v22;
	v53 =	vld [tilespmem:s21+$0x90]  }
0x3cf: {  	v7 =	vxor.u32 v19, v7;
	v13 =	vand.u32 $0x80000000, v13;
	v29 =	vxor.u32 v29, v34;
	[tilespmem:s23+$0x30] =	vst v23;
	v54 =	vld [tilespmem:s21+$0xA0]  }
0x3d0: {  	v25 =	vcvt.f32.s32 v25;
	v26 =	vcvt.f32.s32 v26;
	v51 =	vxor.u32 v39, v35;
	[tilespmem:s23+$0x40] =	vst v29;
	v56 =	vld [tilespmem:s21+$0xB0]  }
0x3d1: {  	v28 =	vcvt.f32.s32 v28;
	v52 =	vxor.u32 v40, v36;
	v55 =	vmul.f32 v50, v0;
	[tilespmem:s23+$0x50] =	vst v51;
	v57 =	vld [tilespmem:s21+$0xC0]  }
0x3d2: {  	v31 =	vsub.s32 $0x7, v31;
	v27 =	vsub.s32 $0x7, v27;
	v21 =	vcvt.f32.s32 v48;
	[tilespmem:s23+$0x60] =	vst v52;
	v58 =	vld [tilespmem:s21+$0xD0]  }
0x3d3: {  	v25 =	vsub.s32 $0x7, v25;
	v26 =	vsub.s32 $0x7, v26;
	v29 =	vsub.f32 v55, v1;
	v59 =	vld [tilespmem:s21+$0xE0]  }
0x3d4: {  	v28 =	vsub.s32 $0x7, v28;
	v30 =	vxor.u32 v37, v49;
	v21 =	vsub.s32 $0x7, v21  }
0x3d5: {  	v14 =	vxor.u32 v32, v14;
	v60 =	vand.u32 $0x7FFFFFFF, v29;
	v61 =	vmul.f32 v53, v0  }
0x3d6: {  	v8 =	vmin.f32 v60, $7.000000000e+00;
	v62 =	vmul.f32 v54, v0;
	v63 =	vmul.f32 v56, v0  }
0x3d7: {  	v33 =	vmul.f32 v57, v0;
	v8 =	vsub.f32 $7.500000000e+00, v8;
	v16 =	vsub.f32 v61, v1  }
0x3d8: {  	v34 =	vmul.f32 v58, v0;
	v15 =	vmul.f32 v59, v0;
	v17 =	vsub.f32 v62, v1  }
0x3d9: {  	v18 =	vsub.f32 v63, v1;
	v8 =	vtrunc.f32 v8;
	v19 =	vsub.f32 v33, v1  }
0x3da: {  	v35 =	vand.u32 $0x7FFFFFFF, v16;
	v22 =	vsub.f32 v34, v1;
	v8 =	vcvt.f32.s32 v8  }
0x3db: {  	v36 =	vand.u32 $0x7FFFFFFF, v17;
	v15 =	vsub.f32 v15, v1;
	v23 =	vmin.f32 v35, $7.000000000e+00  }
0x3dc: {  	v37 =	vand.u32 $0x7FFFFFFF, v18;
	v38 =	vand.u32 $0x7FFFFFFF, v19;
	v24 =	vmin.f32 v36, $7.000000000e+00  }
0x3dd: {  	v39 =	vand.u32 $0x7FFFFFFF, v22;
	v8 =	vsub.s32 $0x7, v8;
	v40 =	vand.u32 $0x7FFFFFFF, v15  }
0x3de: {  	v32 =	vmin.f32 v37, $7.000000000e+00;
	v33 =	vmin.f32 v38, $7.000000000e+00;
	v23 =	vsub.f32 $7.500000000e+00, v23  }
0x3df: {  	[tilespmem:s25+$0x90] =	vst v2;
	v24 =	vsub.f32 $7.500000000e+00, v24;
	v34 =	vmin.f32 v39, $7.000000000e+00;
	v41 =	vmin.f32 v40, $7.000000000e+00  }
0x3e0: {  	[tilespmem:s25+$0xA0] =	vst v3;
	v32 =	vsub.f32 $7.500000000e+00, v32;
	v42 =	vsub.f32 $7.500000000e+00, v33;
	v23 =	vtrunc.f32 v23  }
0x3e1: {  	[tilespmem:s25+$0xB0] =	vst v5;
	v3 =	vld.idx.msk [tilespmem:v31+s26+$0x0], $0xffff;
	v43 =	vsub.f32 $7.500000000e+00, v34;
	v24 =	vtrunc.f32 v24;
	v23 =	vcvt.f32.s32 v23  }
0x3e2: {  	[tilespmem:s25+$0xC0] =	vst v4;
	v45 =	vld.idx.msk [tilespmem:v27+s26+$0x0], $0xffff;
	v2 =	vsub.f32 $7.500000000e+00, v41;
	v44 =	vtrunc.f32 v32;
	v24 =	vcvt.f32.s32 v24  }
0x3e3: {  	v49 =	vld.idx.msk [tilespmem:v26+s26+$0x0], $0xffff;
	[tilespmem:s17+$0x80] =	vst v14;
	v14 =	vtrunc.f32 v42;
	v46 =	vcvt.f32.s32 v44;
	v23 =	vsub.s32 $0x7, v23  }
0x3e4: {  	[tilespmem:s25+$0xD0] =	vst v6;
	v47 =	vld.idx.msk [tilespmem:v25+s26+$0x0], $0xffff;
	v48 =	vtrunc.f32 v43;
	v14 =	vcvt.f32.s32 v14;
	v24 =	vsub.s32 $0x7, v24  }
0x3e5: {  	[tilespmem:s25+$0xE0] =	vst v7;
	v51 =	vld.idx.msk [tilespmem:v28+s26+$0x0], $0xffff;
	v2 =	vtrunc.f32 v2;
	v25 =	vcvt.f32.s32 v48;
	v50 =	vsub.s32 $0x7, v46  }
0x3e6: {  	[tilespmem:s22+$0xF0] =	vst v30;
	v3 =	vxor.u32 v3, v20;
	v21 =	vld.idx.msk [tilespmem:v21+s26+$0x0], $0xffff;
	v2 =	vcvt.f32.s32 v2;
	v14 =	vsub.s32 $0x7, v14  }
0x3e7: {  	v11 =	vand.u32 $0x80000000, v11;
	v5 =	vxor.u32 v45, v13;
	[tilespmem:s17+$0x90] =	vst v3;
	v8 =	vld.idx.msk [tilespmem:v8+s26+$0x0], $0xffff;
	v25 =	vsub.s32 $0x7, v25  }
0x3e8: {  	v52 =	vand.u32 $0x80000000, v12;
	[tilespmem:s17+$0xA0] =	vst v5;
	v6 =	vxor.u32 v49, v11;
	v2 =	vsub.s32 $0x7, v2;
	v3 =	vld.idx.msk [tilespmem:v23+s26+$0x0], $0xffff  }
0x3e9: {  	v4 =	vxor.u32 v47, v52;
	[tilespmem:s17+$0xC0] =	vst v6;
	v54 =	vand.u32 $0x80000000, v9;
	v53 =	vld.idx.msk [tilespmem:v24+s26+$0x0], $0xffff  }
0x3ea: {  	[tilespmem:s17+$0xB0] =	vst v4;
	v56 =	vand.u32 $0x80000000, v10;
	v7 =	vxor.u32 v51, v54;
	v55 =	vld.idx.msk [tilespmem:v50+s26+$0x0], $0xffff  }
0x3eb: {  	v29 =	vand.u32 $0x80000000, v29;
	v9 =	vxor.u32 v21, v56;
	[tilespmem:s17+$0xD0] =	vst v7;
	v57 =	vld.idx.msk [tilespmem:v14+s26+$0x0], $0xffff  }
0x3ec: {  	[tilespmem:s17+$0xE0] =	vst v9;
	v58 =	vand.u32 $0x80000000, v16;
	v8 =	vxor.u32 v8, v29;
	v59 =	vld.idx.msk [tilespmem:v25+s26+$0x0], $0xffff  }
0x3ed: {  	v60 =	vand.u32 $0x80000000, v17;
	[tilespmem:s23+$0x80] =	vst v8;
	v2 =	vld.idx.msk [tilespmem:v2+s26+$0x0], $0xffff;
	v3 =	vxor.u32 v3, v58  }
0x3ee: {  	v61 =	vand.u32 $0x80000000, v18;
	v5 =	vxor.u32 v53, v60;
	[tilespmem:s23+$0x90] =	vst v3  }
0x3ef: {  	v3 =	vand.u32 $0x80000000, v19;
	v4 =	vxor.u32 v55, v61;
	[tilespmem:s23+$0xA0] =	vst v5  }
.Ltmp7:
0x3f0: {  	v62 =	vand.u32 $0x80000000, v22;
	v3 =	vxor.u32 v57, v3;
	[tilespmem:s23+$0xB0] =	vst v4;
	(pc) =	sbr.rel @p1 .LBB2_12-.Ltmp7, $4  }
0x3f1: {  	v63 =	vand.u32 $0x80000000, v15;
	v5 =	vxor.u32 v59, v62;
	[tilespmem:s23+$0xC0] =	vst v3  }
0x3f2: {  	v2 =	vxor.u32 v2, v63;
	[tilespmem:s23+$0xD0] =	vst v5  }
0x3f3: {  	s3 =	sadd.s32 s3, s13;
	[tilespmem:s23+$0xE0] =	vst v2  }
0x3f4: {  	[hbm4b:s3+s19] =	stream.strided.scatter [tilespmem:s2], [sflag:$0x6], $0x2000, s20, s19, $0x38;
	[tilespmem:$0x10180] =	vst v63  }
.Ltmp8:
0x3f5: {  	(pc) =	sbr.rel .LBB2_13-.Ltmp8, $4  }
0x3f6: {  	_ = 	snop  }
0x3f7: {  	_ =	swait.ge [sflag:s28], $0x2000  }
0x3f8: {  	[sflag:s28] =	ssyncset.done $0x0  }
0x3f9: {  	[sflag:s28] =	ssyncadd.s32 $0xFFFFE000  }
.LBB2_12:
0x3fa: {  	s3 =	rddreg [dreg:$0xc]  }
.Ltmp9:
0x3fb: {  	s12 =	simm.s32 $0x2180;
	s3 =	sadd.s32 s11, s3;
	(pc) =	sbr.rel @p0 .LBB2_14-.Ltmp9, $4  }
0x3fc: {  	[tilespmem:s12], [sflag:$0x2] =	stream.strided.gather [hbm4b:s3+s19], $0x2000, s20, s19, $0x38;
	[tilespmem:$0x10180] =	vst v63  }
0x3fd: {  	_ =	swait.ge [sflag:s28], $0x2000  }
0x3fe: {  	[sflag:s28] =	ssyncset.done $0x0  }
0x3ff: {  	[sflag:s28] =	ssyncadd.s32 $0xFFFFE000  }
.LBB2_13:
0x400: {  	_ =	swait.ge [sflag:s4], $0x2000  }
0x401: {  	[sflag:s4] =	ssyncset.done $0x0  }
0x402: {  	[sflag:s4] =	ssyncadd.s32 $0xFFFFE000  }
.LBB2_14:
0x403: {  	s12 =	simm.s32 $0x4280  }
0x404: {  	v2 =	vld [tilespmem:s12+$0xFFFFFF70]  }
0x405: {  	v3 =	vld [tilespmem:s12+$0xFFFFFF10]  }
0x406: {  	v4 =	vld [tilespmem:s12+$0xFFFFFF20]  }
0x407: {  	v5 =	vld [tilespmem:s12+$0xFFFFFF30]  }
0x408: {  	v7 =	vld [tilespmem:s12+$0xFFFFFF40]  }
0x409: {  	v8 =	vld [tilespmem:s12+$0xFFFFFF50]  }
0x40a: {  	v9 =	vld [tilespmem:s12+$0xFFFFFF60]  }
0x40b: {  	s23 =	simm.s32 $0x4480;
	v10 =	vld [tilespmem:s12+$0xFFFFFF00]  }
0x40c: {  	v18 =	vld [tilespmem:s23+$0xFFFFFF70]  }
0x40d: {  	v19 =	vld [tilespmem:s23+$0xFFFFFF10]  }
0x40e: {  	v20 =	vld [tilespmem:s23+$0xFFFFFF20]  }
0x40f: {  	v21 =	vld [tilespmem:s23+$0xFFFFFF30]  }
0x410: {  	v22 =	vld [tilespmem:s23+$0xFFFFFF40];
	v2 =	vmul.f32 v2, v0  }
0x411: {  	v23 =	vld [tilespmem:s23+$0xFFFFFF50];
	v3 =	vmul.f32 v3, v0;
	v4 =	vmul.f32 v4, v0  }
0x412: {  	v24 =	vld [tilespmem:s23+$0xFFFFFF60];
	v5 =	vmul.f32 v5, v0;
	v7 =	vmul.f32 v7, v0  }
0x413: {  	v25 =	vld [tilespmem:s23+$0xFFFFFF00];
	v8 =	vmul.f32 v8, v0;
	v9 =	vmul.f32 v9, v0  }
0x414: {  	s21 =	simm.s32 $0x4680;
	v10 =	vmul.f32 v10, v0;
	v18 =	vmul.f32 v18, v0  }
0x415: {  	v39 =	vld [tilespmem:s21+$0xFFFFFF40];
	v19 =	vmul.f32 v19, v0;
	v20 =	vmul.f32 v20, v0  }
0x416: {  	v40 =	vld [tilespmem:s21+$0xFFFFFF50];
	v21 =	vmul.f32 v21, v0;
	v22 =	vmul.f32 v22, v0;
	v2 =	vsub.f32 v2, v1  }
0x417: {  	v23 =	vmul.f32 v23, v0;
	v24 =	vmul.f32 v24, v0  }
0x418: {  	v25 =	vmul.f32 v25, v0;
	v3 =	vsub.f32 v3, v1;
	v6 =	vand.u32 $0x7FFFFFFF, v2  }
0x419: {  	v41 =	vld [tilespmem:s21+$0xFFFFFF60];
	v4 =	vsub.f32 v4, v1;
	v5 =	vsub.f32 v5, v1;
	v6 =	vmin.f32 v6, $7.000000000e+00  }
0x41a: {  	v51 =	vmul.f32 v39, v0;
	v7 =	vsub.f32 v7, v1;
	v6 =	vsub.f32 $7.500000000e+00, v6  }
0x41b: {  	v36 =	vld [tilespmem:s21+$0xFFFFFF20];
	v52 =	vmul.f32 v40, v0;
	v8 =	vsub.f32 v8, v1;
	v9 =	vsub.f32 v9, v1  }
0x41c: {  	v37 =	vld [tilespmem:s21+$0xFFFFFF30];
	v10 =	vsub.f32 v10, v1;
	v18 =	vsub.f32 v18, v1;
	v6 =	vtrunc.f32 v6  }
0x41d: {  	v19 =	vsub.f32 v19, v1;
	v20 =	vsub.f32 v20, v1;
	v6 =	vcvt.f32.s32 v6  }
0x41e: {  	v54 =	vmul.f32 v41, v0;
	v21 =	vsub.f32 v21, v1;
	v22 =	vsub.f32 v22, v1  }
0x41f: {  	v23 =	vsub.f32 v23, v1;
	v24 =	vsub.f32 v24, v1;
	v6 =	vsub.s32 $0x7, v6  }
0x420: {  	v49 =	vmul.f32 v36, v0;
	v25 =	vsub.f32 v25, v1;
	v36 =	vsub.f32 v51, v1  }
0x421: {  	v50 =	vmul.f32 v37, v0;
	v37 =	vsub.f32 v52, v1;
	v40 =	vsub.f32 v54, v1  }
0x422: {  	v11 =	vand.u32 $0x7FFFFFFF, v3;
	v12 =	vand.u32 $0x7FFFFFFF, v4;
	v13 =	vand.u32 $0x7FFFFFFF, v5  }
0x423: {  	v14 =	vand.u32 $0x7FFFFFFF, v7;
	v15 =	vand.u32 $0x7FFFFFFF, v8;
	v16 =	vand.u32 $0x7FFFFFFF, v9  }
0x424: {  	v17 =	vand.u32 $0x7FFFFFFF, v10;
	v2 =	vand.u32 $0x80000000, v2;
	v10 =	vand.u32 $0x80000000, v10;
	v6 =	vld.idx.msk [tilespmem:v6+s26+$0x0], $0xffff  }
0x425: {  	v11 =	vmin.f32 v11, $7.000000000e+00;
	v12 =	vmin.f32 v12, $7.000000000e+00;
	v17 =	vmin.f32 v17, $7.000000000e+00  }
0x426: {  	v13 =	vmin.f32 v13, $7.000000000e+00;
	v17 =	vsub.f32 $7.500000000e+00, v17;
	v11 =	vsub.f32 $7.500000000e+00, v11  }
0x427: {  	v14 =	vmin.f32 v14, $7.000000000e+00;
	v15 =	vmin.f32 v15, $7.000000000e+00;
	v12 =	vsub.f32 $7.500000000e+00, v12  }
0x428: {  	v16 =	vmin.f32 v16, $7.000000000e+00;
	v17 =	vtrunc.f32 v17;
	v11 =	vtrunc.f32 v11  }
0x429: {  	v12 =	vtrunc.f32 v12;
	v11 =	vcvt.f32.s32 v11;
	v2 =	vxor.u32 v6, v2  }
0x42a: {  	s3 =	simm.s32 $0xC280;
	v6 =	vsub.f32 $7.500000000e+00, v13;
	v13 =	vsub.f32 $7.500000000e+00, v14;
	v14 =	vcvt.f32.s32 v17  }
0x42b: {  	v16 =	vsub.f32 $7.500000000e+00, v16;
	v12 =	vcvt.f32.s32 v12;
	v11 =	vsub.s32 $0x7, v11;
	[tilespmem:s3+$0xFFFFFF70] =	vst v2  }
0x42c: {  	v2 =	vsub.f32 $7.500000000e+00, v15;
	v15 =	vld [tilespmem:s12+$0xFFFFFFF0];
	v6 =	vtrunc.f32 v6;
	v14 =	vsub.s32 $0x7, v14  }
0x42d: {  	v12 =	vsub.s32 $0x7, v12;
	v13 =	vtrunc.f32 v13;
	v6 =	vcvt.f32.s32 v6  }
0x42e: {  	v3 =	vand.u32 $0x80000000, v3;
	v2 =	vtrunc.f32 v2;
	v13 =	vcvt.f32.s32 v13  }
0x42f: {  	v16 =	vtrunc.f32 v16;
	v2 =	vcvt.f32.s32 v2;
	v6 =	vsub.s32 $0x7, v6  }
0x430: {  	v4 =	vand.u32 $0x80000000, v4;
	v16 =	vcvt.f32.s32 v16;
	v11 =	vld.idx.msk [tilespmem:v11+s26+$0x0], $0xffff;
	v13 =	vsub.s32 $0x7, v13  }
0x431: {  	v5 =	vand.u32 $0x80000000, v5;
	v2 =	vsub.s32 $0x7, v2;
	v15 =	vmul.f32 v15, v0;
	v14 =	vld.idx.msk [tilespmem:v14+s26+$0x0], $0xffff  }
0x432: {  	v7 =	vand.u32 $0x80000000, v7;
	v26 =	vand.u32 $0x7FFFFFFF, v18;
	v16 =	vsub.s32 $0x7, v16;
	v12 =	vld.idx.msk [tilespmem:v12+s26+$0x0], $0xffff  }
0x433: {  	v27 =	vand.u32 $0x7FFFFFFF, v19;
	v28 =	vand.u32 $0x7FFFFFFF, v20;
	v15 =	vsub.f32 v15, v1  }
0x434: {  	v29 =	vand.u32 $0x7FFFFFFF, v21;
	v30 =	vand.u32 $0x7FFFFFFF, v22;
	v31 =	vand.u32 $0x7FFFFFFF, v23;
	v6 =	vld.idx.msk [tilespmem:v6+s26+$0x0], $0xffff  }
0x435: {  	v32 =	vand.u32 $0x7FFFFFFF, v24;
	v3 =	vxor.u32 v11, v3;
	v13 =	vld.idx.msk [tilespmem:v13+s26+$0x0], $0xffff;
	v17 =	vand.u32 $0x7FFFFFFF, v15  }
0x436: {  	v33 =	vand.u32 $0x7FFFFFFF, v25;
	[tilespmem:s3+$0xFFFFFF10] =	vst v3;
	v2 =	vld.idx.msk [tilespmem:v2+s26+$0x0], $0xffff;
	v17 =	vmin.f32 v17, $7.000000000e+00;
	v10 =	vxor.u32 v14, v10  }
0x437: {  	v18 =	vand.u32 $0x80000000, v18;
	v3 =	vxor.u32 v12, v4;
	v14 =	vld.idx.msk [tilespmem:v16+s26+$0x0], $0xffff;
	v17 =	vsub.f32 $7.500000000e+00, v17;
	[tilespmem:s3+$0xFFFFFF00] =	vst v10  }
0x438: {  	v19 =	vand.u32 $0x80000000, v19;
	v20 =	vand.u32 $0x80000000, v20;
	v44 =	vand.u32 $0x7FFFFFFF, v36;
	[tilespmem:s3+$0xFFFFFF20] =	vst v3;
	v11 =	vld [tilespmem:s12+$0xFFFFFF80]  }
0x439: {  	v26 =	vmin.f32 v26, $7.000000000e+00;
	v10 =	vtrunc.f32 v17;
	v3 =	vxor.u32 v6, v5;
	v6 =	vld [tilespmem:s12+$0xFFFFFFA0]  }
0x43a: {  	v5 =	vand.u32 $0x80000000, v8;
	v4 =	vcvt.f32.s32 v10;
	v10 =	vld [tilespmem:s12+$0xFFFFFF90];
	[tilespmem:s3+$0xFFFFFF30] =	vst v3;
	v3 =	vxor.u32 v13, v7  }
0x43b: {  	v26 =	vsub.f32 $7.500000000e+00, v26;
	v7 =	vand.u32 $0x80000000, v9;
	v2 =	vxor.u32 v2, v5;
	v8 =	vld [tilespmem:s12+$0xFFFFFFB0];
	[tilespmem:s3+$0xFFFFFF40] =	vst v3  }
0x43c: {  	v27 =	vmin.f32 v27, $7.000000000e+00;
	[tilespmem:s3+$0xFFFFFF50] =	vst v2;
	v2 =	vxor.u32 v14, v7;
	v4 =	vsub.s32 $0x7, v4;
	v3 =	vld [tilespmem:s12+$0xFFFFFFC0]  }
0x43d: {  	v28 =	vmin.f32 v28, $7.000000000e+00;
	v26 =	vtrunc.f32 v26;
	v7 =	vld [tilespmem:s12+$0xFFFFFFD0];
	[tilespmem:s3+$0xFFFFFF60] =	vst v2;
	v5 =	vmul.f32 v11, v0  }
0x43e: {  	v33 =	vmin.f32 v33, $7.000000000e+00;
	v29 =	vmin.f32 v29, $7.000000000e+00;
	v26 =	vcvt.f32.s32 v26;
	v9 =	vld [tilespmem:s12+$0xFFFFFFE0]  }
0x43f: {  	v6 =	vmul.f32 v6, v0;
	v2 =	vmul.f32 v10, v0;
	v5 =	vsub.f32 v5, v1  }
0x440: {  	v26 =	vsub.s32 $0x7, v26;
	v13 =	vand.u32 $0x80000000, v15;
	v8 =	vmul.f32 v8, v0  }
0x441: {  	v6 =	vsub.f32 v6, v1;
	v4 =	vld.idx.msk [tilespmem:v4+s26+$0x0], $0xffff;
	v2 =	vsub.f32 v2, v1;
	v10 =	vand.u32 $0x7FFFFFFF, v5  }
0x442: {  	v3 =	vmul.f32 v3, v0;
	v7 =	vmul.f32 v7, v0;
	v8 =	vsub.f32 v8, v1  }
0x443: {  	v12 =	vand.u32 $0x7FFFFFFF, v6;
	v9 =	vmul.f32 v9, v0;
	v10 =	vmin.f32 v10, $7.000000000e+00  }
0x444: {  	v11 =	vand.u32 $0x7FFFFFFF, v2;
	v3 =	vsub.f32 v3, v1;
	v7 =	vsub.f32 v7, v1  }
0x445: {  	v12 =	vmin.f32 v12, $7.000000000e+00;
	v10 =	vsub.f32 $7.500000000e+00, v10;
	v9 =	vsub.f32 v9, v1  }
0x446: {  	v12 =	vsub.f32 $7.500000000e+00, v12;
	v15 =	vand.u32 $0x7FFFFFFF, v7;
	v4 =	vxor.u32 v4, v13  }
0x447: {  	v10 =	vtrunc.f32 v10;
	v13 =	vand.u32 $0x7FFFFFFF, v8;
	v16 =	vand.u32 $0x7FFFFFFF, v9;
	[tilespmem:s3+$0xFFFFFFF0] =	vst v4  }
0x448: {  	v15 =	vmin.f32 v15, $7.000000000e+00;
	v12 =	vtrunc.f32 v12;
	v10 =	vcvt.f32.s32 v10;
	v14 =	vld [tilespmem:s12+$0x70]  }
0x449: {  	v4 =	vmin.f32 v11, $7.000000000e+00;
	v11 =	vand.u32 $0x7FFFFFFF, v3;
	v13 =	vmin.f32 v13, $7.000000000e+00  }
0x44a: {  	v16 =	vmin.f32 v16, $7.000000000e+00;
	v15 =	vsub.f32 $7.500000000e+00, v15;
	v4 =	vsub.f32 $7.500000000e+00, v4  }
0x44b: {  	v12 =	vcvt.f32.s32 v12;
	v11 =	vmin.f32 v11, $7.000000000e+00;
	v13 =	vsub.f32 $7.500000000e+00, v13  }
0x44c: {  	v16 =	vsub.f32 $7.500000000e+00, v16;
	v15 =	vtrunc.f32 v15;
	v4 =	vtrunc.f32 v4  }
0x44d: {  	v10 =	vsub.s32 $0x7, v10;
	v4 =	vcvt.f32.s32 v4;
	v14 =	vmul.f32 v14, v0  }
0x44e: {  	v11 =	vsub.f32 $7.500000000e+00, v11;
	v13 =	vtrunc.f32 v13;
	v16 =	vtrunc.f32 v16  }
0x44f: {  	v15 =	vcvt.f32.s32 v15;
	v4 =	vsub.s32 $0x7, v4;
	v14 =	vsub.f32 v14, v1  }
0x450: {  	v12 =	vsub.s32 $0x7, v12;
	v11 =	vtrunc.f32 v11;
	v13 =	vcvt.f32.s32 v13  }
0x451: {  	v11 =	vcvt.f32.s32 v11;
	v15 =	vsub.s32 $0x7, v15;
	v17 =	vand.u32 $0x7FFFFFFF, v14  }
0x452: {  	v26 =	vld.idx.msk [tilespmem:v26+s26+$0x0], $0xffff;
	v16 =	vcvt.f32.s32 v16;
	v13 =	vsub.s32 $0x7, v13;
	v17 =	vmin.f32 v17, $7.000000000e+00  }
0x453: {  	v30 =	vmin.f32 v30, $7.000000000e+00;
	v10 =	vld.idx.msk [tilespmem:v10+s26+$0x0], $0xffff;
	v11 =	vsub.s32 $0x7, v11;
	v17 =	vsub.f32 $7.500000000e+00, v17  }
0x454: {  	v31 =	vmin.f32 v31, $7.000000000e+00;
	v32 =	vmin.f32 v32, $7.000000000e+00;
	v16 =	vsub.s32 $0x7, v16;
	v4 =	vld.idx.msk [tilespmem:v4+s26+$0x0], $0xffff  }
0x455: {  	v33 =	vsub.f32 $7.500000000e+00, v33;
	v27 =	vsub.f32 $7.500000000e+00, v27;
	v12 =	vld.idx.msk [tilespmem:v12+s26+$0x0], $0xffff;
	v17 =	vtrunc.f32 v17  }
0x456: {  	v28 =	vsub.f32 $7.500000000e+00, v28;
	v29 =	vsub.f32 $7.500000000e+00, v29;
	v15 =	vld.idx.msk [tilespmem:v15+s26+$0x0], $0xffff;
	v17 =	vcvt.f32.s32 v17  }
0x457: {  	v30 =	vsub.f32 $7.500000000e+00, v30;
	v33 =	vtrunc.f32 v33;
	v5 =	vand.u32 $0x80000000, v5;
	v13 =	vld.idx.msk [tilespmem:v13+s26+$0x0], $0xffff  }
0x458: {  	v2 =	vand.u32 $0x80000000, v2;
	v5 =	vxor.u32 v10, v5;
	v11 =	vld.idx.msk [tilespmem:v11+s26+$0x0], $0xffff;
	v17 =	vsub.s32 $0x7, v17  }
0x459: {  	v27 =	vtrunc.f32 v27;
	v6 =	vand.u32 $0x80000000, v6;
	v10 =	vld.idx.msk [tilespmem:v16+s26+$0x0], $0xffff;
	[tilespmem:s3+$0xFFFFFF80] =	vst v5;
	v2 =	vxor.u32 v4, v2  }
0x45a: {  	v28 =	vtrunc.f32 v28;
	v5 =	vand.u32 $0x80000000, v8;
	v8 =	vld [tilespmem:s12+$0x0];
	[tilespmem:s3+$0xFFFFFF90] =	vst v2;
	v2 =	vxor.u32 v12, v6  }
0x45b: {  	v31 =	vsub.f32 $7.500000000e+00, v31;
	v29 =	vtrunc.f32 v29;
	v30 =	vtrunc.f32 v30;
	v6 =	vld [tilespmem:s12+$0x10];
	[tilespmem:s3+$0xFFFFFFA0] =	vst v2  }
0x45c: {  	v3 =	vand.u32 $0x80000000, v3;
	v2 =	vxor.u32 v13, v5;
	v5 =	vand.u32 $0x80000000, v7;
	v7 =	vld [tilespmem:s12+$0x20]  }
0x45d: {  	v28 =	vcvt.f32.s32 v28;
	v29 =	vcvt.f32.s32 v29;
	[tilespmem:s3+$0xFFFFFFB0] =	vst v2;
	v2 =	vxor.u32 v11, v3;
	v4 =	vld.idx.msk [tilespmem:v17+s26+$0x0], $0xffff  }
0x45e: {  	v30 =	vcvt.f32.s32 v30;
	v3 =	vand.u32 $0x80000000, v9;
	v9 =	vld [tilespmem:s12+$0x30];
	[tilespmem:s3+$0xFFFFFFC0] =	vst v2;
	v2 =	vxor.u32 v15, v5  }
0x45f: {  	v33 =	vcvt.f32.s32 v33;
	v27 =	vcvt.f32.s32 v27;
	v28 =	vsub.s32 $0x7, v28;
	v5 =	vld [tilespmem:s12+$0x40];
	[tilespmem:s3+$0xFFFFFFD0] =	vst v2  }
0x460: {  	v29 =	vsub.s32 $0x7, v29;
	v30 =	vsub.s32 $0x7, v30;
	v2 =	vxor.u32 v10, v3;
	v10 =	vld [tilespmem:s12+$0x50]  }
0x461: {  	v18 =	vxor.u32 v26, v18;
	v26 =	vsub.s32 $0x7, v33;
	v3 =	vand.u32 $0x80000000, v14  }
0x462: {  	s17 =	simm.s32 $0xC480;
	[tilespmem:s3+$0xFFFFFFE0] =	vst v2;
	v6 =	vmul.f32 v6, v0;
	v2 =	vxor.u32 v4, v3;
	v3 =	vmul.f32 v8, v0  }
0x463: {  	[tilespmem:s17+$0xFFFFFF70] =	vst v18;
	v18 =	vsub.s32 $0x7, v27;
	v27 =	vtrunc.f32 v31;
	v7 =	vmul.f32 v7, v0;
	v8 =	vld [tilespmem:s12+$0x60]  }
0x464: {  	[tilespmem:s3+$0x70] =	vst v2;
	v2 =	vsub.f32 v6, v1;
	v6 =	vmul.f32 v9, v0;
	v4 =	vsub.f32 v3, v1  }
0x465: {  	v10 =	vmul.f32 v10, v0;
	v3 =	vsub.f32 v7, v1;
	v7 =	vmul.f32 v5, v0  }
0x466: {  	v11 =	vld [tilespmem:s12+$0xF0];
	v12 =	vand.u32 $0x7FFFFFFF, v2;
	v5 =	vsub.f32 v6, v1;
	v9 =	vand.u32 $0x7FFFFFFF, v4  }
0x467: {  	v13 =	vand.u32 $0x7FFFFFFF, v3;
	v6 =	vsub.f32 v7, v1;
	v7 =	vsub.f32 v10, v1  }
0x468: {  	v12 =	vmin.f32 v12, $7.000000000e+00;
	v8 =	vmul.f32 v8, v0;
	v14 =	vand.u32 $0x7FFFFFFF, v5  }
0x469: {  	v10 =	vmin.f32 v9, $7.000000000e+00;
	v13 =	vmin.f32 v13, $7.000000000e+00;
	v12 =	vsub.f32 $7.500000000e+00, v12  }
0x46a: {  	v15 =	vand.u32 $0x7FFFFFFF, v6;
	v14 =	vmin.f32 v14, $7.000000000e+00;
	v10 =	vsub.f32 $7.500000000e+00, v10  }
0x46b: {  	v13 =	vsub.f32 $7.500000000e+00, v13;
	v11 =	vmul.f32 v11, v0;
	v8 =	vsub.f32 v8, v1  }
0x46c: {  	v15 =	vmin.f32 v15, $7.000000000e+00;
	v14 =	vsub.f32 $7.500000000e+00, v14;
	v12 =	vtrunc.f32 v12  }
0x46d: {  	v10 =	vtrunc.f32 v10;
	v15 =	vsub.f32 $7.500000000e+00, v15;
	v13 =	vtrunc.f32 v13  }
0x46e: {  	v12 =	vcvt.f32.s32 v12;
	v9 =	vsub.f32 v11, v1;
	v11 =	vand.u32 $0x7FFFFFFF, v7  }
0x46f: {  	v16 =	vand.u32 $0x7FFFFFFF, v8;
	v14 =	vtrunc.f32 v14;
	v10 =	vcvt.f32.s32 v10  }
0x470: {  	v13 =	vcvt.f32.s32 v13;
	v11 =	vmin.f32 v11, $7.000000000e+00;
	v16 =	vmin.f32 v16, $7.000000000e+00  }
0x471: {  	v28 =	vld.idx.msk [tilespmem:v28+s26+$0x0], $0xffff;
	v15 =	vtrunc.f32 v15;
	v14 =	vcvt.f32.s32 v14;
	v17 =	vand.u32 $0x7FFFFFFF, v9  }
0x472: {  	v29 =	vld.idx.msk [tilespmem:v29+s26+$0x0], $0xffff;
	v12 =	vsub.s32 $0x7, v12;
	v11 =	vsub.f32 $7.500000000e+00, v11;
	v17 =	vmin.f32 v17, $7.000000000e+00  }
0x473: {  	v30 =	vld.idx.msk [tilespmem:v30+s26+$0x0], $0xffff;
	v16 =	vsub.f32 $7.500000000e+00, v16;
	v10 =	vsub.s32 $0x7, v10;
	v17 =	vsub.f32 $7.500000000e+00, v17  }
0x474: {  	v31 =	vld [tilespmem:s23+$0xFFFFFFF0];
	v15 =	vcvt.f32.s32 v15;
	v13 =	vsub.s32 $0x7, v13;
	v11 =	vtrunc.f32 v11  }
0x475: {  	v26 =	vld.idx.msk [tilespmem:v26+s26+$0x0], $0xffff;
	v14 =	vsub.s32 $0x7, v14;
	v11 =	vcvt.f32.s32 v11;
	v17 =	vtrunc.f32 v17  }
0x476: {  	v18 =	vld.idx.msk [tilespmem:v18+s26+$0x0], $0xffff;
	v16 =	vtrunc.f32 v16;
	v15 =	vsub.s32 $0x7, v15;
	v17 =	vcvt.f32.s32 v17  }
0x477: {  	v32 =	vsub.f32 $7.500000000e+00, v32;
	v16 =	vcvt.f32.s32 v16;
	v12 =	vld.idx.msk [tilespmem:v12+s26+$0x0], $0xffff;
	v11 =	vsub.s32 $0x7, v11  }
0x478: {  	v45 =	vand.u32 $0x7FFFFFFF, v37;
	v27 =	vcvt.f32.s32 v27;
	v10 =	vld.idx.msk [tilespmem:v10+s26+$0x0], $0xffff;
	v17 =	vsub.s32 $0x7, v17  }
0x479: {  	v46 =	vand.u32 $0x7FFFFFFF, v40;
	v32 =	vtrunc.f32 v32;
	v16 =	vsub.s32 $0x7, v16;
	v13 =	vld.idx.msk [tilespmem:v13+s26+$0x0], $0xffff  }
0x47a: {  	v32 =	vcvt.f32.s32 v32;
	v27 =	vsub.s32 $0x7, v27;
	v31 =	vmul.f32 v31, v0;
	v14 =	vld.idx.msk [tilespmem:v14+s26+$0x0], $0xffff  }
0x47b: {  	v2 =	vand.u32 $0x80000000, v2;
	v4 =	vand.u32 $0x80000000, v4;
	v59 =	vand.u32 $0x80000000, v8;
	v15 =	vld.idx.msk [tilespmem:v15+s26+$0x0], $0xffff  }
0x47c: {  	v8 =	vand.u32 $0x80000000, v9;
	v9 =	vsub.f32 v31, v1;
	v12 =	vxor.u32 v12, v2;
	v11 =	vld.idx.msk [tilespmem:v11+s26+$0x0], $0xffff  }
0x47d: {  	v32 =	vsub.s32 $0x7, v32;
	v3 =	vand.u32 $0x80000000, v3;
	v4 =	vxor.u32 v10, v4;
	[tilespmem:s3+$0x10] =	vst v12;
	v17 =	vld.idx.msk [tilespmem:v17+s26+$0x0], $0xffff  }
0x47e: {  	v5 =	vand.u32 $0x80000000, v5;
	v16 =	vld.idx.msk [tilespmem:v16+s26+$0x0], $0xffff;
	v3 =	vxor.u32 v13, v3;
	[tilespmem:s3+$0x0] =	vst v4;
	v4 =	vand.u32 $0x7FFFFFFF, v9  }
0x47f: {  	v6 =	vand.u32 $0x80000000, v6;
	v10 =	vld.idx.msk [tilespmem:v27+s26+$0x0], $0xffff;
	v5 =	vxor.u32 v14, v5;
	[tilespmem:s3+$0x20] =	vst v3;
	v4 =	vmin.f32 v4, $7.000000000e+00  }
0x480: {  	v7 =	vand.u32 $0x80000000, v7;
	v3 =	vld [tilespmem:s12+$0x90];
	v6 =	vxor.u32 v15, v6;
	[tilespmem:s3+$0x30] =	vst v5;
	v4 =	vsub.f32 $7.500000000e+00, v4  }
0x481: {  	v44 =	vmin.f32 v44, $7.000000000e+00;
	v45 =	vmin.f32 v45, $7.000000000e+00;
	[tilespmem:s3+$0x40] =	vst v6;
	v6 =	vld [tilespmem:s12+$0xB0];
	v7 =	vxor.u32 v11, v7  }
0x482: {  	v4 =	vtrunc.f32 v4;
	[tilespmem:s3+$0x50] =	vst v7;
	v7 =	vld [tilespmem:s12+$0xC0];
	v8 =	vxor.u32 v17, v8;
	v17 =	vand.u32 $0x80000000, v25  }
0x483: {  	v46 =	vmin.f32 v46, $7.000000000e+00;
	v2 =	vcvt.f32.s32 v4;
	v25 =	vld.idx.msk [tilespmem:v32+s26+$0x0], $0xffff;
	v17 =	vxor.u32 v26, v17  }
0x484: {  	v44 =	vsub.f32 $7.500000000e+00, v44;
	v45 =	vsub.f32 $7.500000000e+00, v45;
	[tilespmem:s17+$0xFFFFFF00] =	vst v17;
	v17 =	vxor.u32 v18, v19;
	v18 =	vld [tilespmem:s12+$0x80]  }
0x485: {  	v14 =	vsub.s32 $0x7, v2;
	v19 =	vand.u32 $0x80000000, v21;
	v21 =	vld [tilespmem:s23+$0xFFFFFF80];
	[tilespmem:s17+$0xFFFFFF10] =	vst v17;
	v17 =	vxor.u32 v28, v20  }
0x486: {  	v20 =	vand.u32 $0x80000000, v22;
	v22 =	vand.u32 $0x80000000, v23;
	v23 =	vld [tilespmem:s23+$0xFFFFFF90];
	[tilespmem:s17+$0xFFFFFF20] =	vst v17;
	v17 =	vxor.u32 v29, v19  }
0x487: {  	v46 =	vsub.f32 $7.500000000e+00, v46;
	v19 =	vand.u32 $0x80000000, v24;
	v10 =	vxor.u32 v10, v22;
	v24 =	vld [tilespmem:s23+$0xFFFFFFA0];
	[tilespmem:s17+$0xFFFFFF30] =	vst v17  }
0x488: {  	v36 =	vand.u32 $0x80000000, v36;
	v37 =	vand.u32 $0x80000000, v37;
	v44 =	vtrunc.f32 v44;
	[tilespmem:s17+$0xFFFFFF50] =	vst v10;
	v4 =	vld [tilespmem:s23+$0xFFFFFFB0]  }
0x489: {  	v45 =	vtrunc.f32 v45;
	v46 =	vtrunc.f32 v46;
	v17 =	vxor.u32 v30, v20;
	v15 =	vld [tilespmem:s23+$0xFFFFFFD0]  }
0x48a: {  	v58 =	vcvt.f32.s32 v44;
	v46 =	vcvt.f32.s32 v46;
	v10 =	vxor.u32 v25, v19;
	[tilespmem:s17+$0xFFFFFF40] =	vst v17;
	v14 =	vld.idx.msk [tilespmem:v14+s26+$0x0], $0xffff  }
0x48b: {  	v16 =	vxor.u32 v16, v59;
	v59 =	vcvt.f32.s32 v45;
	v3 =	vmul.f32 v3, v0;
	[tilespmem:s17+$0xFFFFFF60] =	vst v10;
	v13 =	vld [tilespmem:s23+$0xFFFFFFC0]  }
0x48c: {  	v40 =	vand.u32 $0x80000000, v40;
	v6 =	vmul.f32 v6, v0;
	v7 =	vmul.f32 v7, v0;
	v17 =	vld [tilespmem:s23+$0xFFFFFFE0]  }
0x48d: {  	v46 =	vsub.s32 $0x7, v46;
	v11 =	vmul.f32 v21, v0;
	v10 =	vmul.f32 v23, v0  }
0x48e: {  	v9 =	vand.u32 $0x80000000, v9;
	v2 =	vmul.f32 v18, v0;
	v18 =	vmul.f32 v24, v0  }
0x48f: {  	v11 =	vsub.f32 v11, v1;
	v10 =	vsub.f32 v10, v1;
	v4 =	vmul.f32 v4, v0  }
0x490: {  	v15 =	vmul.f32 v15, v0;
	v9 =	vxor.u32 v14, v9;
	v18 =	vsub.f32 v18, v1  }
0x491: {  	v13 =	vmul.f32 v13, v0;
	v20 =	vand.u32 $0x7FFFFFFF, v11;
	v17 =	vmul.f32 v17, v0  }
0x492: {  	v21 =	vand.u32 $0x7FFFFFFF, v10;
	v4 =	vsub.f32 v4, v1;
	v20 =	vmin.f32 v20, $7.000000000e+00  }
0x493: {  	v15 =	vsub.f32 v15, v1;
	v22 =	vand.u32 $0x7FFFFFFF, v18;
	v17 =	vsub.f32 v17, v1  }
0x494: {  	v13 =	vsub.f32 v13, v1;
	v21 =	vmin.f32 v21, $7.000000000e+00;
	v23 =	vand.u32 $0x7FFFFFFF, v4  }
0x495: {  	[tilespmem:s17+$0xFFFFFFF0] =	vst v9;
	v22 =	vmin.f32 v22, $7.000000000e+00;
	v25 =	vand.u32 $0x7FFFFFFF, v15;
	v14 =	vand.u32 $0x7FFFFFFF, v17  }
0x496: {  	v21 =	vsub.f32 $7.500000000e+00, v21;
	v9 =	vmin.f32 v14, $7.000000000e+00;
	v14 =	vsub.f32 $7.500000000e+00, v20;
	v20 =	vld [tilespmem:s23+$0x70]  }
0x497: {  	v26 =	vand.u32 $0x80000000, v4;
	v23 =	vmin.f32 v23, $7.000000000e+00;
	v22 =	vsub.f32 $7.500000000e+00, v22  }
0x498: {  	v24 =	vand.u32 $0x7FFFFFFF, v13;
	v25 =	vmin.f32 v25, $7.000000000e+00;
	v23 =	vsub.f32 $7.500000000e+00, v23  }
0x499: {  	v25 =	vsub.f32 $7.500000000e+00, v25;
	v21 =	vtrunc.f32 v21;
	v22 =	vtrunc.f32 v22  }
0x49a: {  	v24 =	vmin.f32 v24, $7.000000000e+00;
	v14 =	vtrunc.f32 v14;
	v23 =	vtrunc.f32 v23  }
0x49b: {  	v24 =	vsub.f32 $7.500000000e+00, v24;
	v12 =	vtrunc.f32 v25;
	v4 =	vmul.f32 v20, v0  }
0x49c: {  	v9 =	vsub.f32 $7.500000000e+00, v9;
	v5 =	vcvt.f32.s32 v22;
	v14 =	vcvt.f32.s32 v14  }
0x49d: {  	[tilespmem:s3+$0x60] =	vst v16;
	v16 =	vld [tilespmem:s12+$0xD0];
	v24 =	vtrunc.f32 v24;
	v20 =	vcvt.f32.s32 v21;
	v21 =	vsub.f32 v4, v1  }
0x49e: {  	v9 =	vtrunc.f32 v9;
	v22 =	vcvt.f32.s32 v23;
	v14 =	vsub.s32 $0x7, v14  }
0x49f: {  	v23 =	vcvt.f32.s32 v24;
	v5 =	vsub.s32 $0x7, v5;
	v24 =	vand.u32 $0x7FFFFFFF, v21  }
0x4a0: {  	v12 =	vcvt.f32.s32 v12;
	v20 =	vsub.s32 $0x7, v20;
	v24 =	vmin.f32 v24, $7.000000000e+00  }
0x4a1: {  	v25 =	vld [tilespmem:s12+$0xE0];
	v9 =	vcvt.f32.s32 v9;
	v22 =	vsub.s32 $0x7, v22;
	v24 =	vsub.f32 $7.500000000e+00, v24  }
0x4a2: {  	v16 =	vmul.f32 v16, v0;
	v2 =	vsub.f32 v2, v1;
	v12 =	vsub.s32 $0x7, v12;
	v4 =	vld [tilespmem:s12+$0xA0]  }
0x4a3: {  	v23 =	vsub.s32 $0x7, v23;
	v27 =	vsub.s32 $0x7, v9;
	v14 =	vld.idx.msk [tilespmem:v14+s26+$0x0], $0xffff;
	v9 =	vtrunc.f32 v24  }
0x4a4: {  	v19 =	vand.u32 $0x7FFFFFFF, v2;
	v11 =	vand.u32 $0x80000000, v11;
	v28 =	vld.idx.msk [tilespmem:v5+s26+$0x0], $0xffff;
	v24 =	vcvt.f32.s32 v9  }
0x4a5: {  	v19 =	vmin.f32 v19, $7.000000000e+00;
	v10 =	vand.u32 $0x80000000, v10;
	v18 =	vand.u32 $0x80000000, v18;
	v20 =	vld.idx.msk [tilespmem:v20+s26+$0x0], $0xffff  }
0x4a6: {  	v15 =	vand.u32 $0x80000000, v15;
	v13 =	vand.u32 $0x80000000, v13;
	v22 =	vld.idx.msk [tilespmem:v22+s26+$0x0], $0xffff;
	v24 =	vsub.s32 $0x7, v24  }
0x4a7: {  	v25 =	vmul.f32 v25, v0;
	v5 =	vsub.f32 v6, v1;
	v12 =	vld.idx.msk [tilespmem:v12+s26+$0x0], $0xffff;
	v4 =	vmul.f32 v4, v0  }
0x4a8: {  	v6 =	vsub.f32 v16, v1;
	v23 =	vld.idx.msk [tilespmem:v23+s26+$0x0], $0xffff;
	v9 =	vsub.f32 v3, v1;
	v11 =	vxor.u32 v14, v11  }
0x4a9: {  	v17 =	vand.u32 $0x80000000, v17;
	v16 =	vld.idx.msk [tilespmem:v27+s26+$0x0], $0xffff;
	v3 =	vsub.f32 v4, v1;
	v4 =	vsub.f32 v7, v1;
	[tilespmem:s17+$0xFFFFFF80] =	vst v11  }
0x4aa: {  	v7 =	vsub.f32 v25, v1;
	v25 =	vand.u32 $0x7FFFFFFF, v5;
	v10 =	vxor.u32 v20, v10;
	v30 =	vld [tilespmem:s23+$0x0]  }
0x4ab: {  	v29 =	vand.u32 $0x7FFFFFFF, v9;
	v14 =	vand.u32 $0x7FFFFFFF, v3;
	[tilespmem:s17+$0xFFFFFF90] =	vst v10;
	v10 =	vxor.u32 v28, v18;
	v20 =	vld.idx.msk [tilespmem:v24+s26+$0x0], $0xffff  }
0x4ac: {  	v27 =	vand.u32 $0x7FFFFFFF, v4;
	[tilespmem:s17+$0xFFFFFFA0] =	vst v10;
	v10 =	vxor.u32 v22, v26;
	v24 =	vand.u32 $0x7FFFFFFF, v7  }
0x4ad: {  	v14 =	vmin.f32 v14, $7.000000000e+00;
	[tilespmem:s17+$0xFFFFFFB0] =	vst v10;
	v10 =	vxor.u32 v23, v13;
	v22 =	vmin.f32 v24, $7.000000000e+00;
	v24 =	vld [tilespmem:s23+$0x20]  }
0x4ae: {  	v18 =	vmin.f32 v25, $7.000000000e+00;
	v25 =	vmin.f32 v27, $7.000000000e+00;
	[tilespmem:s17+$0xFFFFFFC0] =	vst v10;
	v10 =	vxor.u32 v12, v15  }
0x4af: {  	v12 =	vsub.f32 $7.500000000e+00, v14;
	[tilespmem:s17+$0xFFFFFFD0] =	vst v10;
	v10 =	vxor.u32 v16, v17;
	v16 =	vand.u32 $0x80000000, v21  }
0x4b0: {  	v27 =	vld [tilespmem:s23+$0x10];
	v14 =	vsub.f32 $7.500000000e+00, v18;
	v18 =	vmul.f32 v30, v0;
	[tilespmem:s17+$0xFFFFFFE0] =	vst v10;
	v10 =	vxor.u32 v20, v16  }
0x4b1: {  	v11 =	vand.u32 $0x7FFFFFFF, v6;
	v29 =	vmin.f32 v29, $7.000000000e+00;
	v13 =	vsub.f32 $7.500000000e+00, v19;
	v23 =	vld [tilespmem:s23+$0x30];
	[tilespmem:s17+$0x70] =	vst v10  }
0x4b2: {  	v19 =	vsub.f32 $7.500000000e+00, v29;
	v10 =	vsub.f32 v18, v1;
	v18 =	vmul.f32 v24, v0;
	v24 =	vld [tilespmem:s23+$0xF0]  }
0x4b3: {  	v44 =	vsub.s32 $0x7, v59;
	v11 =	vmin.f32 v11, $7.000000000e+00;
	v15 =	vld [tilespmem:s23+$0x40];
	v13 =	vtrunc.f32 v13  }
0x4b4: {  	v17 =	vsub.f32 $7.500000000e+00, v25;
	v19 =	vtrunc.f32 v19;
	v12 =	vtrunc.f32 v12  }
0x4b5: {  	v21 =	vld [tilespmem:s23+$0x50];
	v22 =	vsub.f32 $7.500000000e+00, v22;
	v14 =	vtrunc.f32 v14;
	v13 =	vcvt.f32.s32 v13  }
0x4b6: {  	v19 =	vcvt.f32.s32 v19;
	v16 =	vsub.f32 $7.500000000e+00, v11;
	v11 =	vmul.f32 v27, v0;
	v20 =	vld [tilespmem:s23+$0x60]  }
0x4b7: {  	v17 =	vtrunc.f32 v17;
	v13 =	vsub.s32 $0x7, v13;
	v24 =	vmul.f32 v24, v0  }
0x4b8: {  	v15 =	vmul.f32 v15, v0;
	v25 =	vsub.f32 v11, v1;
	v11 =	vmul.f32 v23, v0  }
0x4b9: {  	v18 =	vsub.f32 v18, v1;
	v23 =	vand.u32 $0x7FFFFFFF, v10;
	v24 =	vsub.f32 v24, v1  }
0x4ba: {  	v15 =	vsub.f32 v15, v1;
	v27 =	vsub.f32 v11, v1;
	v11 =	vmul.f32 v21, v0  }
0x4bb: {  	v26 =	vand.u32 $0x7FFFFFFF, v25;
	v20 =	vmul.f32 v20, v0;
	v60 =	vand.u32 $0x7FFFFFFF, v24  }
0x4bc: {  	v29 =	vsub.f32 v11, v1;
	v11 =	vmin.f32 v23, $7.000000000e+00;
	v32 =	vmin.f32 v60, $7.000000000e+00  }
0x4bd: {  	v62 =	vld [tilespmem:s21+$0xFFFFFF70];
	v61 =	vsub.f32 $7.500000000e+00, v11;
	v11 =	vand.u32 $0x80000000, v10;
	v10 =	vsub.f32 $7.500000000e+00, v32  }
0x4be: {  	v21 =	vand.u32 $0x7FFFFFFF, v18;
	v26 =	vmin.f32 v26, $7.000000000e+00;
	v20 =	vsub.f32 v20, v1  }
0x4bf: {  	v34 =	vand.u32 $0x80000000, v18;
	v28 =	vand.u32 $0x7FFFFFFF, v27;
	v10 =	vtrunc.f32 v10  }
0x4c0: {  	v23 =	vand.u32 $0x7FFFFFFF, v15;
	v31 =	vand.u32 $0x7FFFFFFF, v20;
	v10 =	vcvt.f32.s32 v10  }
0x4c1: {  	v21 =	vmin.f32 v21, $7.000000000e+00;
	v26 =	vsub.f32 $7.500000000e+00, v26;
	v31 =	vmin.f32 v31, $7.000000000e+00  }
0x4c2: {  	v31 =	vsub.f32 $7.500000000e+00, v31;
	v32 =	vmul.f32 v62, v0;
	v10 =	vsub.s32 $0x7, v10  }
0x4c3: {  	v28 =	vmin.f32 v28, $7.000000000e+00;
	v23 =	vmin.f32 v23, $7.000000000e+00;
	v21 =	vsub.f32 $7.500000000e+00, v21  }
0x4c4: {  	v30 =	vand.u32 $0x7FFFFFFF, v29;
	v18 =	vtrunc.f32 v31;
	v31 =	vsub.f32 v32, v1  }
0x4c5: {  	v28 =	vsub.f32 $7.500000000e+00, v28;
	v23 =	vsub.f32 $7.500000000e+00, v23;
	v26 =	vtrunc.f32 v26  }
0x4c6: {  	v33 =	vtrunc.f32 v61;
	v21 =	vtrunc.f32 v21;
	v47 =	vand.u32 $0x7FFFFFFF, v31  }
0x4c7: {  	v26 =	vcvt.f32.s32 v26;
	v28 =	vtrunc.f32 v28;
	v35 =	vld.idx.msk [tilespmem:v10+s26+$0x0], $0xffff;
	v10 =	vmin.f32 v47, $7.000000000e+00  }
0x4c8: {  	v23 =	vtrunc.f32 v23;
	v33 =	vcvt.f32.s32 v33;
	v10 =	vsub.f32 $7.500000000e+00, v10  }
0x4c9: {  	v48 =	vld [tilespmem:s21+$0xFFFFFF10];
	v30 =	vmin.f32 v30, $7.000000000e+00;
	v21 =	vcvt.f32.s32 v21;
	v18 =	vcvt.f32.s32 v18  }
0x4ca: {  	v30 =	vsub.f32 $7.500000000e+00, v30;
	v28 =	vcvt.f32.s32 v28;
	v10 =	vtrunc.f32 v10  }
0x4cb: {  	v23 =	vcvt.f32.s32 v23;
	v38 =	vsub.s32 $0x7, v18;
	v18 =	vcvt.f32.s32 v10  }
0x4cc: {  	v10 =	vand.u32 $0x80000000, v2;
	v2 =	vand.u32 $0x80000000, v9;
	v9 =	vtrunc.f32 v22;
	v22 =	vld [tilespmem:s21+$0xFFFFFF00]  }
0x4cd: {  	v26 =	vsub.s32 $0x7, v26;
	v30 =	vtrunc.f32 v30;
	v63 =	vsub.s32 $0x7, v33  }
0x4ce: {  	v42 =	vsub.s32 $0x7, v18;
	v18 =	vand.u32 $0x80000000, v24;
	v24 =	vmul.f32 v48, v0  }
0x4cf: {  	v21 =	vsub.s32 $0x7, v21;
	v33 =	vsub.f32 v49, v1;
	v30 =	vcvt.f32.s32 v30  }
0x4d0: {  	v28 =	vsub.s32 $0x7, v28;
	v23 =	vsub.s32 $0x7, v23;
	v24 =	vsub.f32 v24, v1  }
0x4d1: {  	v56 =	vand.u32 $0x7FFFFFFF, v33;
	v30 =	vsub.s32 $0x7, v30;
	v22 =	vmul.f32 v22, v0  }
0x4d2: {  	v13 =	vld.idx.msk [tilespmem:v13+s26+$0x0], $0xffff;
	v18 =	vxor.u32 v35, v18;
	v35 =	vsub.f32 v50, v1;
	v55 =	vand.u32 $0x7FFFFFFF, v24  }
0x4d3: {  	v31 =	vand.u32 $0x80000000, v31;
	v53 =	vld.idx.msk [tilespmem:v42+s26+$0x0], $0xffff;
	v22 =	vsub.f32 v22, v1;
	v41 =	vmin.f32 v55, $7.000000000e+00  }
0x4d4: {  	v26 =	vld.idx.msk [tilespmem:v26+s26+$0x0], $0xffff;
	v43 =	vand.u32 $0x7FFFFFFF, v35;
	v42 =	vmin.f32 v56, $7.000000000e+00;
	v41 =	vsub.f32 $7.500000000e+00, v41  }
0x4d5: {  	v32 =	vld.idx.msk [tilespmem:v63+s26+$0x0], $0xffff;
	v43 =	vmin.f32 v43, $7.000000000e+00;
	v42 =	vsub.f32 $7.500000000e+00, v42;
	v57 =	vand.u32 $0x7FFFFFFF, v22  }
0x4d6: {  	v21 =	vld.idx.msk [tilespmem:v21+s26+$0x0], $0xffff;
	v43 =	vsub.f32 $7.500000000e+00, v43;
	v39 =	vmin.f32 v57, $7.000000000e+00;
	v41 =	vtrunc.f32 v41  }
0x4d7: {  	v63 =	vld.idx.msk [tilespmem:v46+s26+$0x0], $0xffff;
	v42 =	vtrunc.f32 v42;
	v39 =	vsub.f32 $7.500000000e+00, v39;
	v41 =	vcvt.f32.s32 v41  }
0x4d8: {  	s22 =	simm.s32 $0xC680;
	v23 =	vld.idx.msk [tilespmem:v23+s26+$0x0], $0xffff;
	v43 =	vtrunc.f32 v43;
	v42 =	vcvt.f32.s32 v42;
	v31 =	vxor.u32 v53, v31  }
0x4d9: {  	v28 =	vld.idx.msk [tilespmem:v28+s26+$0x0], $0xffff;
	v43 =	vcvt.f32.s32 v43;
	v39 =	vtrunc.f32 v39;
	[tilespmem:s22+$0xFFFFFF70] =	vst v31;
	v31 =	vsub.s32 $0x7, v41  }
0x4da: {  	v12 =	vcvt.f32.s32 v12;
	v42 =	vsub.s32 $0x7, v42;
	v39 =	vcvt.f32.s32 v39;
	v60 =	vld [tilespmem:s21+$0xFFFFFFF0]  }
0x4db: {  	v16 =	vtrunc.f32 v16;
	v25 =	vand.u32 $0x80000000, v25;
	v30 =	vld.idx.msk [tilespmem:v30+s26+$0x0], $0xffff;
	v43 =	vsub.s32 $0x7, v43  }
0x4dc: {  	v27 =	vand.u32 $0x80000000, v27;
	v15 =	vand.u32 $0x80000000, v15;
	v38 =	vld.idx.msk [tilespmem:v38+s26+$0x0], $0xffff;
	v39 =	vsub.s32 $0x7, v39  }
0x4dd: {  	v61 =	vxor.u32 v23, v15;
	v23 =	vcvt.f32.s32 v16;
	v16 =	vsub.s32 $0x7, v12;
	v12 =	vld.idx.msk [tilespmem:v44+s26+$0x0], $0xffff  }
0x4de: {  	v25 =	vxor.u32 v26, v25;
	v11 =	vxor.u32 v32, v11;
	v41 =	vsub.s32 $0x7, v58;
	v26 =	vld.idx.msk [tilespmem:v31+s26+$0x0], $0xffff  }
0x4df: {  	v29 =	vand.u32 $0x80000000, v29;
	[tilespmem:s17+$0x10] =	vst v25;
	v27 =	vxor.u32 v28, v27;
	v31 =	vld.idx.msk [tilespmem:v42+s26+$0x0], $0xffff;
	v28 =	vmul.f32 v60, v0  }
0x4e0: {  	v14 =	vcvt.f32.s32 v14;
	v21 =	vxor.u32 v21, v34;
	[tilespmem:s17+$0x0] =	vst v11;
	v30 =	vxor.u32 v30, v29;
	v29 =	vld.idx.msk [tilespmem:v43+s26+$0x0], $0xffff  }
0x4e1: {  	v33 =	vand.u32 $0x80000000, v33;
	v15 =	vsub.s32 $0x7, v19;
	[tilespmem:s17+$0x20] =	vst v21;
	v39 =	vld.idx.msk [tilespmem:v39+s26+$0x0], $0xffff;
	v28 =	vsub.f32 v28, v1  }
0x4e2: {  	v19 =	vcvt.f32.s32 v17;
	v17 =	vsub.s32 $0x7, v14;
	v21 =	vld [tilespmem:s23+$0x90];
	[tilespmem:s17+$0x40] =	vst v61;
	v24 =	vand.u32 $0x80000000, v24  }
0x4e3: {  	[tilespmem:s17+$0x50] =	vst v30;
	v9 =	vcvt.f32.s32 v9;
	v62 =	vld.idx.msk [tilespmem:v41+s26+$0x0], $0xffff;
	v11 =	vand.u32 $0x7FFFFFFF, v28;
	v14 =	vxor.u32 v26, v24  }
0x4e4: {  	v30 =	vld [tilespmem:s23+$0xC0];
	v35 =	vand.u32 $0x80000000, v35;
	v11 =	vmin.f32 v11, $7.000000000e+00;
	[tilespmem:s22+$0xFFFFFF10] =	vst v14;
	v14 =	vxor.u32 v31, v33  }
0x4e5: {  	v22 =	vand.u32 $0x80000000, v22;
	v24 =	vld [tilespmem:s23+$0x80];
	v11 =	vsub.f32 $7.500000000e+00, v11;
	[tilespmem:s22+$0xFFFFFF20] =	vst v14;
	v14 =	vxor.u32 v29, v35  }
0x4e6: {  	v5 =	vand.u32 $0x80000000, v5;
	v3 =	vand.u32 $0x80000000, v3;
	v31 =	vld [tilespmem:s21+$0xFFFFFF90];
	v22 =	vxor.u32 v39, v22;
	[tilespmem:s22+$0xFFFFFF30] =	vst v14  }
0x4e7: {  	[tilespmem:s22+$0xFFFFFF00] =	vst v22;
	v22 =	vsub.s32 $0x7, v19;
	v19 =	vsub.s32 $0x7, v9;
	v9 =	vtrunc.f32 v11;
	v11 =	vld [tilespmem:s21+$0xFFFFFFA0]  }
0x4e8: {  	v4 =	vand.u32 $0x80000000, v4;
	v6 =	vand.u32 $0x80000000, v6;
	v14 =	vxor.u32 v62, v36;
	v36 =	vld [tilespmem:s21+$0xFFFFFFB0]  }
0x4e9: {  	v7 =	vand.u32 $0x80000000, v7;
	v12 =	vxor.u32 v12, v37;
	[tilespmem:s22+$0xFFFFFF40] =	vst v14;
	v26 =	vld [tilespmem:s21+$0xFFFFFF80];
	v9 =	vcvt.f32.s32 v9  }
0x4ea: {  	v20 =	vand.u32 $0x80000000, v20;
	v23 =	vsub.s32 $0x7, v23;
	[tilespmem:s22+$0xFFFFFF50] =	vst v12;
	v12 =	vxor.u32 v63, v40;
	v39 =	vld [tilespmem:s21+$0xFFFFFFC0]  }
0x4eb: {  	v20 =	vxor.u32 v38, v20;
	v21 =	vmul.f32 v21, v0;
	[tilespmem:s22+$0xFFFFFF60] =	vst v12;
	v9 =	vsub.s32 $0x7, v9  }
0x4ec: {  	v30 =	vmul.f32 v30, v0;
	v28 =	vand.u32 $0x80000000, v28;
	v12 =	vmul.f32 v31, v0;
	v31 =	vld [tilespmem:s21+$0xFFFFFFE0]  }
0x4ed: {  	v29 =	vxor.u32 v13, v10;
	v14 =	vmul.f32 v24, v0;
	v11 =	vmul.f32 v11, v0  }
0x4ee: {  	v12 =	vsub.f32 v12, v1;
	v13 =	vmul.f32 v36, v0;
	v24 =	vmul.f32 v26, v0  }
0x4ef: {  	v14 =	vsub.f32 v14, v1;
	v34 =	vmul.f32 v39, v0;
	v11 =	vsub.f32 v11, v1  }
0x4f0: {  	v41 =	vand.u32 $0x7FFFFFFF, v12;
	v13 =	vsub.f32 v13, v1;
	v10 =	vsub.f32 v24, v1;
	v9 =	vld.idx.msk [tilespmem:v9+s26+$0x0], $0xffff  }
0x4f1: {  	v26 =	vld [tilespmem:s21+$0xFFFFFFD0];
	v24 =	vand.u32 $0x7FFFFFFF, v14;
	v34 =	vsub.f32 v34, v1;
	v31 =	vmul.f32 v31, v0  }
0x4f2: {  	v35 =	vmin.f32 v41, $7.000000000e+00;
	v42 =	vand.u32 $0x7FFFFFFF, v11;
	v43 =	vand.u32 $0x7FFFFFFF, v13  }
0x4f3: {  	v49 =	vsub.f32 $7.500000000e+00, v35;
	v39 =	vand.u32 $0x80000000, v11;
	v25 =	vand.u32 $0x80000000, v13  }
0x4f4: {  	v24 =	vmin.f32 v24, $7.000000000e+00;
	v40 =	vand.u32 $0x7FFFFFFF, v10;
	v44 =	vand.u32 $0x7FFFFFFF, v34  }
0x4f5: {  	v31 =	vsub.f32 v31, v1;
	v36 =	vmin.f32 v42, $7.000000000e+00;
	v9 =	vxor.u32 v9, v28  }
0x4f6: {  	v37 =	vmin.f32 v43, $7.000000000e+00;
	v26 =	vmul.f32 v26, v0;
	v33 =	vmin.f32 v40, $7.000000000e+00;
	[tilespmem:s22+$0xFFFFFFF0] =	vst v9  }
0x4f7: {  	v40 =	vand.u32 $0x80000000, v12;
	v12 =	vsub.f32 $7.500000000e+00, v36;
	v51 =	vsub.f32 $7.500000000e+00, v37;
	v50 =	vld [tilespmem:s21+$0x70]  }
0x4f8: {  	v46 =	vand.u32 $0x7FFFFFFF, v31;
	v26 =	vsub.f32 v26, v1;
	v28 =	vmin.f32 v44, $7.000000000e+00  }
0x4f9: {  	v48 =	vmin.f32 v46, $7.000000000e+00;
	v12 =	vtrunc.f32 v12;
	v11 =	vtrunc.f32 v51  }
0x4fa: {  	v9 =	vsub.f32 $7.500000000e+00, v33;
	v28 =	vsub.f32 $7.500000000e+00, v28;
	v33 =	vtrunc.f32 v49  }
0x4fb: {  	v53 =	vsub.f32 $7.500000000e+00, v48;
	v12 =	vcvt.f32.s32 v12;
	v11 =	vcvt.f32.s32 v11  }
0x4fc: {  	v45 =	vand.u32 $0x7FFFFFFF, v26;
	v9 =	vtrunc.f32 v9;
	v35 =	vmul.f32 v50, v0  }
0x4fd: {  	v33 =	vcvt.f32.s32 v33;
	v47 =	vmin.f32 v45, $7.000000000e+00;
	v9 =	vcvt.f32.s32 v9  }
0x4fe: {  	[tilespmem:s17+$0x30] =	vst v27;
	v28 =	vtrunc.f32 v28;
	v54 =	vtrunc.f32 v53;
	v35 =	vsub.f32 v35, v1  }
0x4ff: {  	v27 =	vld [tilespmem:s23+$0xA0];
	[tilespmem:s17+$0x60] =	vst v20;
	v12 =	vsub.s32 $0x7, v12;
	v52 =	vsub.f32 $7.500000000e+00, v47;
	v9 =	vsub.s32 $0x7, v9  }
0x500: {  	v59 =	vld [tilespmem:s23+$0xE0];
	v11 =	vsub.s32 $0x7, v11;
	v36 =	vcvt.f32.s32 v54;
	v56 =	vand.u32 $0x7FFFFFFF, v35  }
0x501: {  	v55 =	vld [tilespmem:s23+$0xB0];
	v20 =	vsub.s32 $0x7, v33;
	v13 =	vtrunc.f32 v52;
	v58 =	vmin.f32 v56, $7.000000000e+00  }
0x502: {  	v28 =	vcvt.f32.s32 v28;
	v13 =	vcvt.f32.s32 v13;
	v33 =	vsub.f32 $7.500000000e+00, v58  }
0x503: {  	v57 =	vld [tilespmem:s23+$0xD0];
	v10 =	vand.u32 $0x80000000, v10;
	v34 =	vand.u32 $0x80000000, v34;
	v36 =	vsub.s32 $0x7, v36  }
0x504: {  	v28 =	vsub.s32 $0x7, v28;
	v60 =	vsub.s32 $0x7, v13;
	v61 =	vld.idx.msk [tilespmem:v9+s26+$0x0], $0xffff;
	v13 =	vtrunc.f32 v33  }
0x505: {  	v24 =	vsub.f32 $7.500000000e+00, v24;
	v37 =	vmul.f32 v59, v0;
	v48 =	vld.idx.msk [tilespmem:v11+s26+$0x0], $0xffff;
	v9 =	vcvt.f32.s32 v13  }
0x506: {  	v13 =	vmul.f32 v27, v0;
	v27 =	vld.idx.msk [tilespmem:v20+s26+$0x0], $0xffff;
	v20 =	vsub.f32 v21, v1;
	v21 =	vmul.f32 v55, v0  }
0x507: {  	v31 =	vand.u32 $0x80000000, v31;
	v32 =	vtrunc.f32 v24;
	v62 =	vld.idx.msk [tilespmem:v12+s26+$0x0], $0xffff;
	v63 =	vsub.s32 $0x7, v9  }
0x508: {  	v36 =	vld.idx.msk [tilespmem:v36+s26+$0x0], $0xffff;
	v9 =	vmul.f32 v57, v0;
	v11 =	vand.u32 $0x7FFFFFFF, v20;
	v12 =	vsub.f32 v21, v1  }
0x509: {  	v21 =	vld.idx.msk [tilespmem:v28+s26+$0x0], $0xffff;
	v28 =	vmin.f32 v11, $7.000000000e+00;
	v11 =	vsub.f32 v30, v1;
	v30 =	vxor.u32 v61, v10  }
0x50a: {  	v26 =	vand.u32 $0x80000000, v26;
	v25 =	vxor.u32 v48, v25;
	v49 =	vld.idx.msk [tilespmem:v60+s26+$0x0], $0xffff;
	v13 =	vsub.f32 v13, v1;
	[tilespmem:s22+$0xFFFFFF80] =	vst v30  }
0x50b: {  	v10 =	vsub.f32 v37, v1;
	v9 =	vsub.f32 v9, v1;
	v27 =	vxor.u32 v27, v40;
	v56 =	vld [tilespmem:s21+$0x0]  }
0x50c: {  	v50 =	vand.u32 $0x7FFFFFFF, v13;
	v51 =	vand.u32 $0x7FFFFFFF, v12;
	v52 =	vand.u32 $0x7FFFFFFF, v11;
	[tilespmem:s22+$0xFFFFFF90] =	vst v27;
	v30 =	vld.idx.msk [tilespmem:v63+s26+$0x0], $0xffff  }
0x50d: {  	[tilespmem:s22+$0xFFFFFFB0] =	vst v25;
	v54 =	vmin.f32 v50, $7.000000000e+00;
	v55 =	vand.u32 $0x7FFFFFFF, v10;
	v27 =	vxor.u32 v62, v39;
	v59 =	vld [tilespmem:s21+$0x10]  }
0x50e: {  	v57 =	vmin.f32 v51, $7.000000000e+00;
	v53 =	vand.u32 $0x7FFFFFFF, v9;
	v58 =	vmin.f32 v52, $7.000000000e+00;
	[tilespmem:s22+$0xFFFFFFA0] =	vst v27;
	v63 =	vld [tilespmem:s21+$0x30]  }
0x50f: {  	v60 =	vmin.f32 v55, $7.000000000e+00;
	v62 =	vsub.f32 $7.500000000e+00, v28;
	v21 =	vxor.u32 v21, v34;
	v61 =	vld [tilespmem:s21+$0x20]  }
0x510: {  	v45 =	vsub.f32 $7.500000000e+00, v54;
	v25 =	vsub.f32 $7.500000000e+00, v57;
	[tilespmem:s22+$0xFFFFFFC0] =	vst v21;
	v21 =	vxor.u32 v49, v26  }
0x511: {  	v28 =	vand.u32 $0x80000000, v35;
	v27 =	vmin.f32 v53, $7.000000000e+00;
	v46 =	vld [tilespmem:s21+$0x40];
	[tilespmem:s22+$0xFFFFFFD0] =	vst v21;
	v21 =	vxor.u32 v36, v31  }
0x512: {  	v26 =	vsub.f32 $7.500000000e+00, v58;
	v31 =	vmul.f32 v56, v0;
	v47 =	vld [tilespmem:s21+$0x50];
	[tilespmem:s22+$0xFFFFFFE0] =	vst v21;
	v21 =	vxor.u32 v30, v28  }
0x513: {  	v28 =	vsub.f32 $7.500000000e+00, v27;
	v27 =	vmul.f32 v59, v0;
	v30 =	vsub.f32 $7.500000000e+00, v60;
	[tilespmem:s22+$0x70] =	vst v21  }
0x514: {  	v51 =	vmul.f32 v63, v0;
	v21 =	vsub.f32 v31, v1;
	v24 =	vmul.f32 v61, v0;
	v49 =	vld [tilespmem:s21+$0xF0]  }
0x515: {  	v48 =	vld [tilespmem:s21+$0x60];
	v31 =	vtrunc.f32 v62;
	v50 =	vsub.f32 v27, v1;
	v27 =	vtrunc.f32 v45  }
0x516: {  	v43 =	vsub.f32 v51, v1;
	v52 =	vand.u32 $0x7FFFFFFF, v21;
	v41 =	vsub.f32 v24, v1  }
0x517: {  	v24 =	vmul.f32 v46, v0;
	v35 =	vmul.f32 v47, v0;
	v21 =	vand.u32 $0x80000000, v21  }
0x518: {  	v53 =	vand.u32 $0x7FFFFFFF, v50;
	v55 =	vand.u32 $0x7FFFFFFF, v43;
	v56 =	vmin.f32 v52, $7.000000000e+00  }
0x519: {  	[tilespmem:s17+$0xF0] =	vst v18;
	v18 =	vld.idx.msk [tilespmem:v23+s26+$0x0], $0xffff;
	v23 =	vand.u32 $0x80000000, v43;
	v54 =	vand.u32 $0x7FFFFFFF, v41;
	v37 =	vmul.f32 v49, v0  }
0x51a: {  	v34 =	vsub.f32 v24, v1;
	v24 =	vmul.f32 v48, v0;
	v35 =	vsub.f32 v35, v1  }
0x51b: {  	v60 =	vmin.f32 v55, $7.000000000e+00;
	v44 =	vsub.f32 $7.500000000e+00, v56;
	v33 =	vsub.f32 v37, v1  }
0x51c: {  	v59 =	vmin.f32 v54, $7.000000000e+00;
	v40 =	vsub.f32 $7.500000000e+00, v60;
	v57 =	vand.u32 $0x7FFFFFFF, v34  }
0x51d: {  	v36 =	vsub.f32 v24, v1;
	v24 =	vmin.f32 v53, $7.000000000e+00;
	v62 =	vand.u32 $0x7FFFFFFF, v33  }
0x51e: {  	v58 =	vand.u32 $0x7FFFFFFF, v35;
	v44 =	vtrunc.f32 v44;
	v46 =	vmin.f32 v62, $7.000000000e+00  }
0x51f: {  	v45 =	vmin.f32 v57, $7.000000000e+00;
	v39 =	vmin.f32 v58, $7.000000000e+00;
	v46 =	vsub.f32 $7.500000000e+00, v46  }
0x520: {  	v24 =	vsub.f32 $7.500000000e+00, v24;
	v48 =	vtrunc.f32 v40;
	v44 =	vcvt.f32.s32 v44  }
0x521: {  	v61 =	vand.u32 $0x7FFFFFFF, v36;
	v37 =	vsub.f32 $7.500000000e+00, v59;
	v46 =	vtrunc.f32 v46  }
0x522: {  	v45 =	vsub.f32 $7.500000000e+00, v45;
	v39 =	vsub.f32 $7.500000000e+00, v39;
	v46 =	vcvt.f32.s32 v46  }
0x523: {  	v15 =	vld.idx.msk [tilespmem:v15+s26+$0x0], $0xffff;
	v43 =	vcvt.f32.s32 v48;
	v42 =	vmin.f32 v61, $7.000000000e+00;
	v47 =	vtrunc.f32 v24  }
0x524: {  	v16 =	vld.idx.msk [tilespmem:v16+s26+$0x0], $0xffff;
	v42 =	vsub.f32 $7.500000000e+00, v42;
	v63 =	vtrunc.f32 v37;
	v37 =	vsub.s32 $0x7, v46  }
0x525: {  	[tilespmem:s3+$0xF0] =	vst v8;
	v8 =	vld.idx.msk [tilespmem:v22+s26+$0x0], $0xffff;
	v22 =	vand.u32 $0x80000000, v41;
	v45 =	vtrunc.f32 v45;
	v39 =	vtrunc.f32 v39  }
0x526: {  	v17 =	vld.idx.msk [tilespmem:v17+s26+$0x0], $0xffff;
	v24 =	vand.u32 $0x80000000, v50;
	v40 =	vtrunc.f32 v42;
	v42 =	vcvt.f32.s32 v47  }
0x527: {  	s14 =	simm.s32 $0x4880;
	s25 =	simm.s32 $0xC680;
	s12 =	simm.s32 $0x100;
	[tilespmem:s3+$0x80] =	vst v29;
	v19 =	vld.idx.msk [tilespmem:v19+s26+$0x0], $0xffff;
	v38 =	vsub.s32 $0x7, v44;
	v41 =	vcvt.f32.s32 v63;
	v29 =	vcvt.f32.s32 v45  }
.LBB2_15:
0x528: {  	v44 =	vld [tilespmem:s14+$0xFFFFFF70];
	s12 =	sadd.s32 $0x80, s12;
	v42 =	vsub.s32 $0x7, v42;
	v39 =	vcvt.f32.s32 v39;
	v40 =	vcvt.f32.s32 v40  }
0x529: {  	v41 =	vsub.s32 $0x7, v41;
	p2 =	slt.u32 s12, $0x780;
	v43 =	vsub.s32 $0x7, v43;
	v45 =	vsub.s32 $0x7, v29;
	v46 =	vld.idx.msk [tilespmem:v37+s26+$0x0], $0xffff  }
0x52a: {  	v34 =	vand.u32 $0x80000000, v34;
	v47 =	vld [tilespmem:s14+$0xFFFFFF10];
	v39 =	vsub.s32 $0x7, v39;
	v40 =	vsub.s32 $0x7, v40  }
0x52b: {  	v37 =	vand.u32 $0x80000000, v35;
	v35 =	vand.u32 $0x80000000, v36;
	v29 =	vtrunc.f32 v25;
	v48 =	vld [tilespmem:s14+$0xFFFFFF20]  }
0x52c: {  	v26 =	vtrunc.f32 v26;
	v28 =	vtrunc.f32 v28;
	v25 =	vand.u32 $0x80000000, v14;
	v36 =	vld [tilespmem:s14+$0xFFFFFF30]  }
0x52d: {  	v14 =	vand.u32 $0x80000000, v20;
	v20 =	vtrunc.f32 v30;
	v49 =	vld [tilespmem:s14+$0xFFFFFF40];
	v44 =	vmul.f32 v44, v0  }
0x52e: {  	v33 =	vand.u32 $0x80000000, v33;
	v32 =	vcvt.f32.s32 v32;
	v30 =	vcvt.f32.s32 v31;
	v50 =	vld [tilespmem:s14+$0xFFFFFF50]  }
0x52f: {  	v33 =	vxor.u32 v46, v33;
	v31 =	vmul.f32 v47, v0;
	v47 =	vld [tilespmem:s14+$0xFFFFFF60];
	v44 =	vsub.f32 v44, v1  }
0x530: {  	v27 =	vcvt.f32.s32 v27;
	v32 =	vsub.s32 $0x7, v32;
	v46 =	vld [tilespmem:s14+$0xFFFFFF00];
	v48 =	vmul.f32 v48, v0;
	[tilespmem:s22+$0xF0] =	vst v33  }
0x531: {  	v31 =	vsub.f32 v31, v1;
	v33 =	vmul.f32 v36, v0;
	v36 =	vand.u32 $0x7FFFFFFF, v44;
	v38 =	vld.idx.msk [tilespmem:v38+s26+$0x0], $0xffff  }
0x532: {  	v48 =	vsub.f32 v48, v1;
	v49 =	vmul.f32 v49, v0;
	v36 =	vmin.f32 v36, $7.000000000e+00;
	v42 =	vld.idx.msk [tilespmem:v42+s26+$0x0], $0xffff  }
0x533: {  	v33 =	vsub.f32 v33, v1;
	v50 =	vmul.f32 v50, v0;
	v36 =	vsub.f32 $7.500000000e+00, v36;
	v41 =	vld.idx.msk [tilespmem:v41+s26+$0x0], $0xffff  }
0x534: {  	v51 =	vand.u32 $0x7FFFFFFF, v31;
	v49 =	vsub.f32 v49, v1;
	v47 =	vmul.f32 v47, v0;
	v43 =	vld.idx.msk [tilespmem:v43+s26+$0x0], $0xffff  }
0x535: {  	v46 =	vmul.f32 v46, v0;
	v50 =	vsub.f32 v50, v1;
	v36 =	vtrunc.f32 v36;
	v45 =	vld.idx.msk [tilespmem:v45+s26+$0x0], $0xffff  }
0x536: {  	v52 =	vand.u32 $0x7FFFFFFF, v48;
	v47 =	vsub.f32 v47, v1;
	v36 =	vcvt.f32.s32 v36;
	v39 =	vld.idx.msk [tilespmem:v39+s26+$0x0], $0xffff  }
0x537: {  	v53 =	vand.u32 $0x7FFFFFFF, v33;
	v54 =	vand.u32 $0x7FFFFFFF, v49;
	v46 =	vsub.f32 v46, v1;
	v40 =	vld.idx.msk [tilespmem:v40+s26+$0x0], $0xffff  }
0x538: {  	v55 =	vand.u32 $0x7FFFFFFF, v50;
	v56 =	vand.u32 $0x7FFFFFFF, v47;
	v36 =	vsub.s32 $0x7, v36;
	v32 =	vld.idx.msk [tilespmem:v32+s26+$0x0], $0xffff  }
0x539: {  	v51 =	vmin.f32 v51, $7.000000000e+00;
	v52 =	vmin.f32 v52, $7.000000000e+00;
	v57 =	vand.u32 $0x7FFFFFFF, v46  }
0x53a: {  	v53 =	vmin.f32 v53, $7.000000000e+00;
	v54 =	vmin.f32 v54, $7.000000000e+00;
	v57 =	vmin.f32 v57, $7.000000000e+00  }
0x53b: {  	v55 =	vmin.f32 v55, $7.000000000e+00;
	v56 =	vmin.f32 v56, $7.000000000e+00;
	v57 =	vsub.f32 $7.500000000e+00, v57  }
0x53c: {  	v51 =	vsub.f32 $7.500000000e+00, v51;
	v52 =	vsub.f32 $7.500000000e+00, v52;
	v46 =	vand.u32 $0x80000000, v46  }
0x53d: {  	v53 =	vsub.f32 $7.500000000e+00, v53;
	v54 =	vsub.f32 $7.500000000e+00, v54;
	v57 =	vtrunc.f32 v57;
	v36 =	vld.idx.msk [tilespmem:v36+s26+$0x0], $0xffff  }
0x53e: {  	v51 =	vtrunc.f32 v51;
	v55 =	vsub.f32 $7.500000000e+00, v55;
	v56 =	vsub.f32 $7.500000000e+00, v56  }
0x53f: {  	v31 =	vand.u32 $0x80000000, v31;
	v52 =	vtrunc.f32 v52;
	v53 =	vtrunc.f32 v53  }
0x540: {  	v48 =	vand.u32 $0x80000000, v48;
	v54 =	vtrunc.f32 v54;
	v55 =	vtrunc.f32 v55  }
0x541: {  	v33 =	vand.u32 $0x80000000, v33;
	v56 =	vtrunc.f32 v56;
	v57 =	vcvt.f32.s32 v57  }
0x542: {  	v44 =	vand.u32 $0x80000000, v44;
	v51 =	vcvt.f32.s32 v51;
	v52 =	vcvt.f32.s32 v52  }
0x543: {  	s22 =	sadd.s32 $0x200, s22;
	v53 =	vcvt.f32.s32 v53;
	v54 =	vcvt.f32.s32 v54;
	v36 =	vxor.u32 v36, v44  }
0x544: {  	v55 =	vcvt.f32.s32 v55;
	v56 =	vcvt.f32.s32 v56;
	v44 =	vsub.s32 $0x7, v57;
	[tilespmem:s22+$0xFFFFFF70] =	vst v36  }
0x545: {  	v36 =	vsub.s32 $0x7, v51;
	v51 =	vsub.s32 $0x7, v52;
	v52 =	vsub.s32 $0x7, v53;
	v53 =	vld [tilespmem:s14+$0xFFFFFFF0]  }
0x546: {  	v54 =	vsub.s32 $0x7, v54;
	v55 =	vsub.s32 $0x7, v55;
	v56 =	vsub.s32 $0x7, v56  }
0x547: {  	v49 =	vand.u32 $0x80000000, v49;
	v50 =	vand.u32 $0x80000000, v50;
	v47 =	vand.u32 $0x80000000, v47  }
0x548: {  	v21 =	vxor.u32 v38, v21;
	v24 =	vxor.u32 v42, v24;
	v38 =	vxor.u32 v41, v22  }
0x549: {  	v23 =	vxor.u32 v43, v23;
	v34 =	vxor.u32 v45, v34;
	v37 =	vxor.u32 v39, v37;
	v41 =	vld.idx.msk [tilespmem:v44+s26+$0x0], $0xffff  }
0x54a: {  	v35 =	vxor.u32 v40, v35;
	v36 =	vld.idx.msk [tilespmem:v36+s26+$0x0], $0xffff;
	v39 =	vmul.f32 v53, v0;
	[tilespmem:s25+$0x0] =	vst v21;
	v21 =	vcvt.f32.s32 v29  }
0x54b: {  	v22 =	vsub.s32 $0x7, v30;
	v29 =	vld.idx.msk [tilespmem:v51+s26+$0x0], $0xffff;
	[tilespmem:s25+$0x10] =	vst v24;
	v24 =	vcvt.f32.s32 v26;
	v26 =	vcvt.f32.s32 v28  }
0x54c: {  	v27 =	vsub.s32 $0x7, v27;
	v28 =	vld.idx.msk [tilespmem:v52+s26+$0x0], $0xffff;
	v30 =	vsub.f32 v39, v1;
	[tilespmem:s25+$0x20] =	vst v38;
	v38 =	vcvt.f32.s32 v20  }
0x54d: {  	v39 =	vld.idx.msk [tilespmem:v54+s26+$0x0], $0xffff;
	[tilespmem:s25+$0x30] =	vst v23;
	v23 =	vsub.s32 $0x7, v21;
	v21 =	vsub.s32 $0x7, v24;
	v20 =	vsub.s32 $0x7, v26  }
0x54e: {  	v24 =	vld.idx.msk [tilespmem:v55+s26+$0x0], $0xffff;
	v26 =	vand.u32 $0x7FFFFFFF, v30;
	[tilespmem:s25+$0x40] =	vst v34;
	v34 =	vand.u32 $0x80000000, v13;
	v13 =	vsub.s32 $0x7, v38  }
0x54f: {  	v12 =	vand.u32 $0x80000000, v12;
	v38 =	vxor.u32 v41, v46;
	v40 =	vld.idx.msk [tilespmem:v56+s26+$0x0], $0xffff;
	v26 =	vmin.f32 v26, $7.000000000e+00;
	[tilespmem:s25+$0x50] =	vst v37  }
0x550: {  	v11 =	vand.u32 $0x80000000, v11;
	v31 =	vxor.u32 v36, v31;
	[tilespmem:s22+$0xFFFFFF00] =	vst v38;
	v26 =	vsub.f32 $7.500000000e+00, v26;
	v36 =	vld [tilespmem:s21+$0x80]  }
0x551: {  	v9 =	vand.u32 $0x80000000, v9;
	v10 =	vand.u32 $0x80000000, v10;
	v29 =	vxor.u32 v29, v48;
	v37 =	vld [tilespmem:s14+$0xFFFFFF80];
	[tilespmem:s22+$0xFFFFFF10] =	vst v31  }
0x552: {  	v25 =	vxor.u32 v32, v25;
	v28 =	vxor.u32 v28, v33;
	v31 =	vld [tilespmem:s14+$0xFFFFFF90];
	[tilespmem:s22+$0xFFFFFF20] =	vst v29;
	v26 =	vtrunc.f32 v26  }
0x553: {  	v15 =	vxor.u32 v15, v2;
	v2 =	vmovc v14;
	v29 =	vld [tilespmem:s14+$0xFFFFFFA0];
	[tilespmem:s22+$0xFFFFFF30] =	vst v28;
	v28 =	vxor.u32 v39, v49;
	v26 =	vcvt.f32.s32 v26  }
0x554: {  	v16 =	vxor.u32 v16, v3;
	v17 =	vxor.u32 v17, v5;
	v14 =	vxor.u32 v24, v50;
	v32 =	vld [tilespmem:s14+$0xFFFFFFB0];
	[tilespmem:s22+$0xFFFFFF40] =	vst v28  }
0x555: {  	v3 =	vmovc v34;
	v5 =	vxor.u32 v40, v47;
	v24 =	vld [tilespmem:s14+$0xFFFFFFC0];
	[tilespmem:s22+$0xFFFFFF50] =	vst v14;
	v26 =	vsub.s32 $0x7, v26;
	v14 =	vmul.f32 v36, v0  }
0x556: {  	v8 =	vxor.u32 v8, v4;
	v18 =	vxor.u32 v18, v6;
	v28 =	vmul.f32 v37, v0;
	v33 =	vld [tilespmem:s14+$0xFFFFFFD0];
	[tilespmem:s22+$0xFFFFFF60] =	vst v5  }
0x557: {  	v19 =	vxor.u32 v19, v7;
	v34 =	vmul.f32 v31, v0;
	v31 =	vld [tilespmem:s14+$0xFFFFFFE0];
	v14 =	vsub.f32 v14, v1;
	[tilespmem:s25+$0x60] =	vst v35  }
0x558: {  	v4 =	vmovc v11;
	v5 =	vmov v12;
	v28 =	vsub.f32 v28, v1;
	v35 =	vmul.f32 v29, v0;
	v29 =	vld [tilespmem:s21+$0x90];
	[tilespmem:s17+$0x80] =	vst v25  }
0x559: {  	v6 =	vmovc v9;
	v11 =	vsub.f32 v34, v1;
	v12 =	vmul.f32 v32, v0;
	v25 =	vand.u32 $0x7FFFFFFF, v14;
	v32 =	vld [tilespmem:s21+$0xA0];
	[tilespmem:s3+$0x90] =	vst v15  }
0x55a: {  	v9 =	vand.u32 $0x7FFFFFFF, v28;
	v34 =	vsub.f32 v35, v1;
	v15 =	vmul.f32 v24, v0;
	v24 =	vld.idx.msk [tilespmem:v26+s26+$0x0], $0xffff;
	[tilespmem:s3+$0xA0] =	vst v16  }
0x55b: {  	v7 =	vmovc v10;
	v16 =	vand.u32 $0x7FFFFFFF, v11;
	v12 =	vsub.f32 v12, v1;
	v26 =	vmul.f32 v33, v0;
	v33 =	vld [tilespmem:s21+$0xB0];
	[tilespmem:s3+$0xB0] =	vst v17  }
0x55c: {  	v10 =	vand.u32 $0x7FFFFFFF, v34;
	v35 =	vsub.f32 v15, v1;
	v15 =	vmul.f32 v31, v0;
	v31 =	vld [tilespmem:s21+$0xC0];
	[tilespmem:s3+$0xC0] =	vst v8  }
0x55d: {  	v8 =	vmin.f32 v9, $7.000000000e+00;
	v9 =	vand.u32 $0x7FFFFFFF, v12;
	v26 =	vsub.f32 v26, v1;
	v36 =	vld [tilespmem:s21+$0xD0];
	[tilespmem:s3+$0xD0] =	vst v18  }
0x55e: {  	v18 =	vmin.f32 v16, $7.000000000e+00;
	v17 =	vand.u32 $0x7FFFFFFF, v35;
	v37 =	vsub.f32 v15, v1;
	v38 =	vld [tilespmem:s21+$0xE0];
	[tilespmem:s3+$0xE0] =	vst v19;
	s3 =	smov.u32 s17;
	s17 =	smov.u32 s25;
	s25 =	smov.u32 s22  }
0x55f: {  	v10 =	vmin.f32 v10, $7.000000000e+00;
	v16 =	vand.u32 $0x80000000, v30;
	s21 =	smov.u32 s14;
	v19 =	vand.u32 $0x7FFFFFFF, v26;
	v15 =	vld.idx.msk [tilespmem:v22+s26+$0x0], $0xffff  }
0x560: {  	v9 =	vmin.f32 v9, $7.000000000e+00;
	v24 =	vxor.u32 v24, v16;
	v22 =	vand.u32 $0x7FFFFFFF, v37;
	v16 =	vld.idx.msk [tilespmem:v27+s26+$0x0], $0xffff  }
0x561: {  	v27 =	vmin.f32 v17, $7.000000000e+00;
	v19 =	vmin.f32 v19, $7.000000000e+00;
	v22 =	vmin.f32 v22, $7.000000000e+00;
	[tilespmem:s22+$0xFFFFFFF0] =	vst v24;
	v17 =	vld.idx.msk [tilespmem:v23+s26+$0x0], $0xffff  }
0x562: {  	v23 =	vsub.f32 $7.500000000e+00, v8;
	v24 =	vand.u32 $0x80000000, v28;
	v28 =	vsub.f32 $7.500000000e+00, v18;
	v30 =	vld [tilespmem:s14+$0x70]  }
0x563: {  	v39 =	vand.u32 $0x80000000, v11;
	v10 =	vsub.f32 $7.500000000e+00, v10;
	v9 =	vsub.f32 $7.500000000e+00, v9;
	v8 =	vld.idx.msk [tilespmem:v21+s26+$0x0], $0xffff  }
0x564: {  	v11 =	vtrunc.f32 v23;
	v21 =	vsub.f32 $7.500000000e+00, v27;
	v23 =	vsub.f32 $7.500000000e+00, v19;
	v18 =	vld.idx.msk [tilespmem:v20+s26+$0x0], $0xffff  }
0x565: {  	v10 =	vtrunc.f32 v10;
	v22 =	vsub.f32 $7.500000000e+00, v22;
	v20 =	vtrunc.f32 v28;
	v19 =	vld.idx.msk [tilespmem:v13+s26+$0x0], $0xffff  }
0x566: {  	v9 =	vtrunc.f32 v9;
	v27 =	vand.u32 $0x80000000, v34;
	v13 =	vtrunc.f32 v21  }
0x567: {  	v21 =	vand.u32 $0x80000000, v12;
	v12 =	vtrunc.f32 v23;
	v23 =	vmul.f32 v30, v0  }
0x568: {  	v11 =	vcvt.f32.s32 v11;
	v28 =	vand.u32 $0x80000000, v35;
	v22 =	vtrunc.f32 v22  }
0x569: {  	v10 =	vcvt.f32.s32 v10;
	v20 =	vcvt.f32.s32 v20;
	v23 =	vsub.f32 v23, v1  }
0x56a: {  	v9 =	vcvt.f32.s32 v9;
	v11 =	vsub.s32 $0x7, v11;
	v13 =	vcvt.f32.s32 v13  }
0x56b: {  	v22 =	vcvt.f32.s32 v22;
	v12 =	vcvt.f32.s32 v12;
	v30 =	vand.u32 $0x7FFFFFFF, v23  }
0x56c: {  	v10 =	vsub.s32 $0x7, v10;
	v20 =	vsub.s32 $0x7, v20;
	v30 =	vmin.f32 v30, $7.000000000e+00  }
0x56d: {  	v9 =	vsub.s32 $0x7, v9;
	v34 =	vsub.s32 $0x7, v13;
	v13 =	vsub.f32 $7.500000000e+00, v30  }
0x56e: {  	v26 =	vand.u32 $0x80000000, v26;
	v22 =	vsub.s32 $0x7, v22;
	v30 =	vsub.s32 $0x7, v12  }
0x56f: {  	v37 =	vand.u32 $0x80000000, v37;
	v12 =	vmul.f32 v29, v0;
	v35 =	vld.idx.msk [tilespmem:v11+s26+$0x0], $0xffff;
	v11 =	vtrunc.f32 v13  }
0x570: {  	v25 =	vmin.f32 v25, $7.000000000e+00;
	v13 =	vmul.f32 v32, v0;
	v11 =	vcvt.f32.s32 v11  }
0x571: {  	v31 =	vmul.f32 v31, v0;
	v29 =	vld.idx.msk [tilespmem:v20+s26+$0x0], $0xffff;
	v20 =	vsub.f32 v12, v1;
	v12 =	vmul.f32 v33, v0  }
0x572: {  	v32 =	vld.idx.msk [tilespmem:v10+s26+$0x0], $0xffff;
	v33 =	vsub.s32 $0x7, v11;
	v10 =	vmul.f32 v36, v0;
	v36 =	vmul.f32 v38, v0  }
0x573: {  	v13 =	vsub.f32 v13, v1;
	v38 =	vld.idx.msk [tilespmem:v9+s26+$0x0], $0xffff;
	v9 =	vand.u32 $0x7FFFFFFF, v20;
	v12 =	vsub.f32 v12, v1  }
0x574: {  	v11 =	vsub.f32 v31, v1;
	v34 =	vld.idx.msk [tilespmem:v34+s26+$0x0], $0xffff;
	v40 =	vmin.f32 v9, $7.000000000e+00;
	v9 =	vsub.f32 v10, v1  }
0x575: {  	v31 =	vand.u32 $0x7FFFFFFF, v13;
	v24 =	vxor.u32 v35, v24;
	v10 =	vsub.f32 v36, v1;
	v30 =	vld.idx.msk [tilespmem:v30+s26+$0x0], $0xffff  }
0x576: {  	v35 =	vand.u32 $0x7FFFFFFF, v11;
	[tilespmem:s22+$0xFFFFFF80] =	vst v24;
	v22 =	vld.idx.msk [tilespmem:v22+s26+$0x0], $0xffff;
	v24 =	vand.u32 $0x7FFFFFFF, v12;
	v36 =	vand.u32 $0x7FFFFFFF, v9  }
0x577: {  	v31 =	vmin.f32 v31, $7.000000000e+00;
	v29 =	vxor.u32 v29, v39;
	v39 =	vand.u32 $0x7FFFFFFF, v10;
	v33 =	vld.idx.msk [tilespmem:v33+s26+$0x0], $0xffff  }
0x578: {  	v27 =	vxor.u32 v32, v27;
	v24 =	vmin.f32 v24, $7.000000000e+00;
	v41 =	vld [tilespmem:s14+$0x0];
	[tilespmem:s22+$0xFFFFFF90] =	vst v29;
	v29 =	vmin.f32 v35, $7.000000000e+00  }
0x579: {  	v21 =	vxor.u32 v38, v21;
	v35 =	vmin.f32 v39, $7.000000000e+00;
	v32 =	vld [tilespmem:s14+$0x10];
	[tilespmem:s22+$0xFFFFFFA0] =	vst v27;
	v27 =	vmin.f32 v36, $7.000000000e+00  }
0x57a: {  	v38 =	vsub.f32 $7.500000000e+00, v40;
	v36 =	vld [tilespmem:s14+$0x20];
	[tilespmem:s22+$0xFFFFFFB0] =	vst v21;
	v21 =	vxor.u32 v34, v28;
	v34 =	vsub.f32 $7.500000000e+00, v25  }
0x57b: {  	v40 =	vsub.f32 $7.500000000e+00, v31;
	v25 =	vsub.f32 $7.500000000e+00, v24;
	v39 =	vld [tilespmem:s14+$0x30];
	[tilespmem:s22+$0xFFFFFFC0] =	vst v21;
	v21 =	vxor.u32 v30, v26  }
0x57c: {  	v26 =	vsub.f32 $7.500000000e+00, v29;
	v24 =	vld [tilespmem:s14+$0x40];
	[tilespmem:s22+$0xFFFFFFD0] =	vst v21;
	v21 =	vxor.u32 v22, v37;
	v22 =	vand.u32 $0x80000000, v23  }
0x57d: {  	v28 =	vsub.f32 $7.500000000e+00, v27;
	v23 =	vmul.f32 v41, v0;
	v29 =	vld [tilespmem:s14+$0x50];
	[tilespmem:s22+$0xFFFFFFE0] =	vst v21;
	v21 =	vxor.u32 v33, v22  }
0x57e: {  	v30 =	vsub.f32 $7.500000000e+00, v35;
	v22 =	vmul.f32 v32, v0;
	v33 =	vld [tilespmem:s14+$0x60];
	[tilespmem:s22+$0x70] =	vst v21;
	v32 =	vtrunc.f32 v34  }
0x57f: {  	v31 =	vtrunc.f32 v38;
	v21 =	vsub.f32 v23, v1;
	v23 =	vmul.f32 v36, v0;
	v36 =	vld [tilespmem:s14+$0xF0]  }
0x580: {  	v27 =	vtrunc.f32 v40;
	v22 =	vsub.f32 v22, v1;
	v34 =	vmul.f32 v39, v0  }
0x581: {  	v37 =	vand.u32 $0x7FFFFFFF, v21;
	v23 =	vsub.f32 v23, v1;
	v24 =	vmul.f32 v24, v0  }
0x582: {  	v38 =	vand.u32 $0x7FFFFFFF, v22;
	v43 =	vsub.f32 v34, v1;
	v29 =	vmul.f32 v29, v0  }
0x583: {  	v39 =	vand.u32 $0x7FFFFFFF, v23;
	v34 =	vsub.f32 v24, v1;
	v24 =	vmul.f32 v33, v0  }
0x584: {  	v40 =	vand.u32 $0x7FFFFFFF, v43;
	v35 =	vsub.f32 v29, v1;
	v29 =	vmul.f32 v36, v0  }
0x585: {  	v37 =	vmin.f32 v37, $7.000000000e+00;
	v41 =	vand.u32 $0x7FFFFFFF, v34;
	v36 =	vsub.f32 v24, v1  }
0x586: {  	v24 =	vmin.f32 v38, $7.000000000e+00;
	v38 =	vand.u32 $0x7FFFFFFF, v35;
	v33 =	vsub.f32 v29, v1  }
0x587: {  	v29 =	vmin.f32 v39, $7.000000000e+00;
	v39 =	vmin.f32 v40, $7.000000000e+00;
	v40 =	vand.u32 $0x7FFFFFFF, v36  }
0x588: {  	v41 =	vmin.f32 v41, $7.000000000e+00;
	v38 =	vmin.f32 v38, $7.000000000e+00;
	v42 =	vand.u32 $0x7FFFFFFF, v33  }
0x589: {  	v37 =	vsub.f32 $7.500000000e+00, v37;
	v40 =	vmin.f32 v40, $7.000000000e+00;
	v42 =	vmin.f32 v42, $7.000000000e+00  }
0x58a: {  	v21 =	vand.u32 $0x80000000, v21;
	v24 =	vsub.f32 $7.500000000e+00, v24;
	v42 =	vsub.f32 $7.500000000e+00, v42  }
0x58b: {  	v44 =	vtrunc.f32 v37;
	v29 =	vsub.f32 $7.500000000e+00, v29;
	v37 =	vsub.f32 $7.500000000e+00, v39  }
0x58c: {  	v39 =	vsub.f32 $7.500000000e+00, v41;
	v38 =	vsub.f32 $7.500000000e+00, v38;
	v41 =	vtrunc.f32 v42  }
0x58d: {  	v40 =	vsub.f32 $7.500000000e+00, v40;
	v42 =	vtrunc.f32 v24;
	v41 =	vcvt.f32.s32 v41  }
.Ltmp10:
0x58e: {  	v29 =	vtrunc.f32 v29;
	v45 =	vtrunc.f32 v37;
	v24 =	vand.u32 $0x80000000, v22;
	(pc) =	sbr.rel @p2 .LBB2_15-.Ltmp10, $4  }
0x58f: {  	v46 =	vtrunc.f32 v39;
	v39 =	vtrunc.f32 v38;
	v37 =	vsub.s32 $0x7, v41  }
0x590: {  	v38 =	vcvt.f32.s32 v44;
	v40 =	vtrunc.f32 v40;
	v22 =	vand.u32 $0x80000000, v23  }
0x591: {  	v23 =	vand.u32 $0x80000000, v43;
	v42 =	vcvt.f32.s32 v42;
	v41 =	vcvt.f32.s32 v29  }
0x592: {  	s14 =	sadd.s32 $0x200, s14;
	v38 =	vsub.s32 $0x7, v38;
	v43 =	vcvt.f32.s32 v45;
	v29 =	vcvt.f32.s32 v46  }
0x593: {  	_ = 	snop  }
0x594: {  	v42 =	vsub.s32 $0x7, v42  }
0x595: {  	v41 =	vsub.s32 $0x7, v41  }
0x596: {  	v39 =	vcvt.f32.s32 v39;
	v43 =	vsub.s32 $0x7, v43  }
0x597: {  	v40 =	vcvt.f32.s32 v40;
	v37 =	vld.idx.msk [tilespmem:v37+s26+$0x0], $0xffff;
	v29 =	vsub.s32 $0x7, v29  }
0x598: {  	v38 =	vld.idx.msk [tilespmem:v38+s26+$0x0], $0xffff;
	v39 =	vsub.s32 $0x7, v39  }
0x599: {  	v32 =	vcvt.f32.s32 v32;
	v40 =	vsub.s32 $0x7, v40;
	v42 =	vld.idx.msk [tilespmem:v42+s26+$0x0], $0xffff  }
0x59a: {  	v34 =	vand.u32 $0x80000000, v34;
	v41 =	vld.idx.msk [tilespmem:v41+s26+$0x0], $0xffff  }
0x59b: {  	v35 =	vand.u32 $0x80000000, v35;
	v36 =	vand.u32 $0x80000000, v36;
	v32 =	vsub.s32 $0x7, v32;
	v43 =	vld.idx.msk [tilespmem:v43+s26+$0x0], $0xffff  }
0x59c: {  	v25 =	vtrunc.f32 v25;
	v14 =	vand.u32 $0x80000000, v14;
	v26 =	vtrunc.f32 v26;
	v29 =	vld.idx.msk [tilespmem:v29+s26+$0x0], $0xffff  }
0x59d: {  	v28 =	vtrunc.f32 v28;
	v20 =	vand.u32 $0x80000000, v20;
	v21 =	vxor.u32 v38, v21;
	v39 =	vld.idx.msk [tilespmem:v39+s26+$0x0], $0xffff  }
0x59e: {  	v48 =	vtrunc.f32 v30;
	v49 =	vand.u32 $0x80000000, v33;
	v31 =	vcvt.f32.s32 v31;
	[tilespmem:s25+$0x0] =	vst v21;
	v40 =	vld.idx.msk [tilespmem:v40+s26+$0x0], $0xffff  }
0x59f: {  	v2 =	vxor.u32 v15, v2;
	v3 =	vxor.u32 v16, v3;
	v50 =	vld [tilespmem:s21+$0x80];
	v24 =	vxor.u32 v42, v24  }
0x5a0: {  	v27 =	vcvt.f32.s32 v27;
	v5 =	vxor.u32 v17, v5;
	v32 =	vld.idx.msk [tilespmem:v32+s26+$0x0], $0xffff;
	v22 =	vxor.u32 v41, v22;
	[tilespmem:s25+$0x10] =	vst v24  }
0x5a1: {  	v4 =	vxor.u32 v8, v4;
	v6 =	vxor.u32 v18, v6;
	v23 =	vxor.u32 v43, v23;
	[tilespmem:s25+$0x20] =	vst v22;
	v53 =	vld [tilespmem:s21+$0x90]  }
0x5a2: {  	v7 =	vxor.u32 v19, v7;
	v13 =	vand.u32 $0x80000000, v13;
	v29 =	vxor.u32 v29, v34;
	[tilespmem:s25+$0x30] =	vst v23;
	v54 =	vld [tilespmem:s21+$0xA0]  }
0x5a3: {  	v25 =	vcvt.f32.s32 v25;
	v26 =	vcvt.f32.s32 v26;
	v51 =	vxor.u32 v39, v35;
	[tilespmem:s25+$0x40] =	vst v29;
	v56 =	vld [tilespmem:s21+$0xB0]  }
0x5a4: {  	v28 =	vcvt.f32.s32 v28;
	v52 =	vxor.u32 v40, v36;
	v55 =	vmul.f32 v50, v0;
	[tilespmem:s25+$0x50] =	vst v51;
	v57 =	vld [tilespmem:s21+$0xC0]  }
0x5a5: {  	v31 =	vsub.s32 $0x7, v31;
	v27 =	vsub.s32 $0x7, v27;
	v21 =	vcvt.f32.s32 v48;
	[tilespmem:s25+$0x60] =	vst v52;
	v58 =	vld [tilespmem:s21+$0xD0]  }
0x5a6: {  	v25 =	vsub.s32 $0x7, v25;
	v26 =	vsub.s32 $0x7, v26;
	v29 =	vsub.f32 v55, v1;
	v59 =	vld [tilespmem:s21+$0xE0]  }
0x5a7: {  	v28 =	vsub.s32 $0x7, v28;
	v30 =	vxor.u32 v37, v49;
	v21 =	vsub.s32 $0x7, v21  }
0x5a8: {  	v14 =	vxor.u32 v32, v14;
	v60 =	vand.u32 $0x7FFFFFFF, v29;
	v61 =	vmul.f32 v53, v0  }
0x5a9: {  	v8 =	vmin.f32 v60, $7.000000000e+00;
	v62 =	vmul.f32 v54, v0;
	v63 =	vmul.f32 v56, v0  }
0x5aa: {  	v33 =	vmul.f32 v57, v0;
	v8 =	vsub.f32 $7.500000000e+00, v8;
	v16 =	vsub.f32 v61, v1  }
0x5ab: {  	v34 =	vmul.f32 v58, v0;
	v15 =	vmul.f32 v59, v0;
	v17 =	vsub.f32 v62, v1  }
0x5ac: {  	v18 =	vsub.f32 v63, v1;
	v8 =	vtrunc.f32 v8;
	v19 =	vsub.f32 v33, v1  }
0x5ad: {  	v35 =	vand.u32 $0x7FFFFFFF, v16;
	v22 =	vsub.f32 v34, v1;
	v8 =	vcvt.f32.s32 v8  }
0x5ae: {  	v36 =	vand.u32 $0x7FFFFFFF, v17;
	v15 =	vsub.f32 v15, v1;
	v23 =	vmin.f32 v35, $7.000000000e+00  }
0x5af: {  	v37 =	vand.u32 $0x7FFFFFFF, v18;
	v38 =	vand.u32 $0x7FFFFFFF, v19;
	v24 =	vmin.f32 v36, $7.000000000e+00  }
0x5b0: {  	v39 =	vand.u32 $0x7FFFFFFF, v22;
	v8 =	vsub.s32 $0x7, v8;
	v40 =	vand.u32 $0x7FFFFFFF, v15  }
0x5b1: {  	v32 =	vmin.f32 v37, $7.000000000e+00;
	v33 =	vmin.f32 v38, $7.000000000e+00;
	v23 =	vsub.f32 $7.500000000e+00, v23  }
0x5b2: {  	[tilespmem:s3+$0x90] =	vst v2;
	v24 =	vsub.f32 $7.500000000e+00, v24;
	v34 =	vmin.f32 v39, $7.000000000e+00;
	v41 =	vmin.f32 v40, $7.000000000e+00  }
0x5b3: {  	[tilespmem:s3+$0xA0] =	vst v3;
	v32 =	vsub.f32 $7.500000000e+00, v32;
	v42 =	vsub.f32 $7.500000000e+00, v33;
	v23 =	vtrunc.f32 v23  }
0x5b4: {  	[tilespmem:s3+$0xB0] =	vst v5;
	v3 =	vld.idx.msk [tilespmem:v31+s26+$0x0], $0xffff;
	v43 =	vsub.f32 $7.500000000e+00, v34;
	v24 =	vtrunc.f32 v24;
	v23 =	vcvt.f32.s32 v23  }
0x5b5: {  	[tilespmem:s3+$0xC0] =	vst v4;
	v45 =	vld.idx.msk [tilespmem:v27+s26+$0x0], $0xffff;
	v2 =	vsub.f32 $7.500000000e+00, v41;
	v44 =	vtrunc.f32 v32;
	v24 =	vcvt.f32.s32 v24  }
0x5b6: {  	v49 =	vld.idx.msk [tilespmem:v26+s26+$0x0], $0xffff;
	[tilespmem:s17+$0x80] =	vst v14;
	v14 =	vtrunc.f32 v42;
	v46 =	vcvt.f32.s32 v44;
	v23 =	vsub.s32 $0x7, v23  }
0x5b7: {  	[tilespmem:s3+$0xD0] =	vst v6;
	v47 =	vld.idx.msk [tilespmem:v25+s26+$0x0], $0xffff;
	v48 =	vtrunc.f32 v43;
	v14 =	vcvt.f32.s32 v14;
	v24 =	vsub.s32 $0x7, v24  }
0x5b8: {  	[tilespmem:s3+$0xE0] =	vst v7;
	v51 =	vld.idx.msk [tilespmem:v28+s26+$0x0], $0xffff;
	v2 =	vtrunc.f32 v2;
	v25 =	vcvt.f32.s32 v48;
	v50 =	vsub.s32 $0x7, v46  }
0x5b9: {  	[tilespmem:s22+$0xF0] =	vst v30;
	v3 =	vxor.u32 v3, v20;
	v21 =	vld.idx.msk [tilespmem:v21+s26+$0x0], $0xffff;
	v2 =	vcvt.f32.s32 v2;
	v14 =	vsub.s32 $0x7, v14  }
0x5ba: {  	v11 =	vand.u32 $0x80000000, v11;
	v5 =	vxor.u32 v45, v13;
	[tilespmem:s17+$0x90] =	vst v3;
	v8 =	vld.idx.msk [tilespmem:v8+s26+$0x0], $0xffff;
	v25 =	vsub.s32 $0x7, v25  }
0x5bb: {  	v52 =	vand.u32 $0x80000000, v12;
	[tilespmem:s17+$0xA0] =	vst v5;
	v6 =	vxor.u32 v49, v11;
	v2 =	vsub.s32 $0x7, v2;
	v3 =	vld.idx.msk [tilespmem:v23+s26+$0x0], $0xffff  }
0x5bc: {  	v4 =	vxor.u32 v47, v52;
	[tilespmem:s17+$0xC0] =	vst v6;
	v54 =	vand.u32 $0x80000000, v9;
	v53 =	vld.idx.msk [tilespmem:v24+s26+$0x0], $0xffff  }
0x5bd: {  	[tilespmem:s17+$0xB0] =	vst v4;
	v56 =	vand.u32 $0x80000000, v10;
	v7 =	vxor.u32 v51, v54;
	v55 =	vld.idx.msk [tilespmem:v50+s26+$0x0], $0xffff  }
0x5be: {  	v29 =	vand.u32 $0x80000000, v29;
	v9 =	vxor.u32 v21, v56;
	[tilespmem:s17+$0xD0] =	vst v7;
	v57 =	vld.idx.msk [tilespmem:v14+s26+$0x0], $0xffff  }
0x5bf: {  	[tilespmem:s17+$0xE0] =	vst v9;
	v58 =	vand.u32 $0x80000000, v16;
	v8 =	vxor.u32 v8, v29;
	v59 =	vld.idx.msk [tilespmem:v25+s26+$0x0], $0xffff  }
0x5c0: {  	v60 =	vand.u32 $0x80000000, v17;
	[tilespmem:s25+$0x80] =	vst v8;
	v2 =	vld.idx.msk [tilespmem:v2+s26+$0x0], $0xffff;
	v3 =	vxor.u32 v3, v58  }
0x5c1: {  	v61 =	vand.u32 $0x80000000, v18;
	v5 =	vxor.u32 v53, v60;
	[tilespmem:s25+$0x90] =	vst v3  }
0x5c2: {  	v3 =	vand.u32 $0x80000000, v19;
	v4 =	vxor.u32 v55, v61;
	[tilespmem:s25+$0xA0] =	vst v5  }
.Ltmp11:
0x5c3: {  	v62 =	vand.u32 $0x80000000, v22;
	v3 =	vxor.u32 v57, v3;
	[tilespmem:s25+$0xB0] =	vst v4;
	(pc) =	sbr.rel @p1 .LBB2_18-.Ltmp11, $4  }
0x5c4: {  	v63 =	vand.u32 $0x80000000, v15;
	v5 =	vxor.u32 v59, v62;
	[tilespmem:s25+$0xC0] =	vst v3  }
0x5c5: {  	s3 =	sadd.s32 s18, s11;
	v2 =	vxor.u32 v2, v63;
	[tilespmem:s25+$0xD0] =	vst v5  }
0x5c6: {  	s12 =	sadd.s32 s1, s3;
	[tilespmem:s25+$0xE0] =	vst v2  }
0x5c7: {  	[hbm4b:s12+s19] =	stream.strided.scatter [tilespmem:s5], [sflag:$0x7], $0x2000, s20, s19, $0x38;
	[tilespmem:$0x10180] =	vst v63  }
.Ltmp12:
0x5c8: {  	(pc) =	sbr.rel .LBB2_19-.Ltmp12, $4  }
0x5c9: {  	_ = 	snop  }
0x5ca: {  	_ =	swait.ge [sflag:s7], $0x2000  }
0x5cb: {  	[sflag:s7] =	ssyncset.done $0x0  }
0x5cc: {  	[sflag:s7] =	ssyncadd.s32 $0xFFFFE000  }
.LBB2_18:
.Ltmp13:
0x5cd: {  	s12 =	sadd.s32 s11, s15;
	s14 =	simm.s32 $0x4180;
	(pc) =	sbr.rel @p0 .LBB2_20-.Ltmp13, $4  }
0x5ce: {  	[tilespmem:s14], [sflag:$0x3] =	stream.strided.gather [hbm4b:s12+s19], $0x2000, s20, s19, $0x38;
	[tilespmem:$0x10180] =	vst v63  }
0x5cf: {  	_ =	swait.ge [sflag:s7], $0x2000  }
0x5d0: {  	[sflag:s7] =	ssyncset.done $0x0  }
0x5d1: {  	[sflag:s7] =	ssyncadd.s32 $0xFFFFE000  }
.LBB2_19:
0x5d2: {  	_ =	swait.ge [sflag:s9], $0x2000  }
0x5d3: {  	[sflag:s9] =	ssyncset.done $0x0  }
0x5d4: {  	[sflag:s9] =	ssyncadd.s32 $0xFFFFE000  }
.LBB2_20:
0x5d5: {  	s12 =	simm.s32 $0x6280  }
0x5d6: {  	v2 =	vld [tilespmem:s12+$0xFFFFFF70]  }
0x5d7: {  	v3 =	vld [tilespmem:s12+$0xFFFFFF10]  }
0x5d8: {  	v4 =	vld [tilespmem:s12+$0xFFFFFF20]  }
0x5d9: {  	v5 =	vld [tilespmem:s12+$0xFFFFFF30]  }
0x5da: {  	v7 =	vld [tilespmem:s12+$0xFFFFFF40]  }
0x5db: {  	v8 =	vld [tilespmem:s12+$0xFFFFFF50]  }
0x5dc: {  	v9 =	vld [tilespmem:s12+$0xFFFFFF60]  }
0x5dd: {  	s23 =	simm.s32 $0x6480;
	v10 =	vld [tilespmem:s12+$0xFFFFFF00]  }
0x5de: {  	v18 =	vld [tilespmem:s23+$0xFFFFFF70]  }
0x5df: {  	v19 =	vld [tilespmem:s23+$0xFFFFFF10]  }
0x5e0: {  	v20 =	vld [tilespmem:s23+$0xFFFFFF20]  }
0x5e1: {  	v21 =	vld [tilespmem:s23+$0xFFFFFF30]  }
0x5e2: {  	v22 =	vld [tilespmem:s23+$0xFFFFFF40];
	v2 =	vmul.f32 v2, v0  }
0x5e3: {  	v23 =	vld [tilespmem:s23+$0xFFFFFF50];
	v3 =	vmul.f32 v3, v0;
	v4 =	vmul.f32 v4, v0  }
0x5e4: {  	v24 =	vld [tilespmem:s23+$0xFFFFFF60];
	v5 =	vmul.f32 v5, v0;
	v7 =	vmul.f32 v7, v0  }
0x5e5: {  	v25 =	vld [tilespmem:s23+$0xFFFFFF00];
	v8 =	vmul.f32 v8, v0;
	v9 =	vmul.f32 v9, v0  }
0x5e6: {  	s21 =	simm.s32 $0x6680;
	v10 =	vmul.f32 v10, v0;
	v18 =	vmul.f32 v18, v0  }
0x5e7: {  	v39 =	vld [tilespmem:s21+$0xFFFFFF40];
	v19 =	vmul.f32 v19, v0;
	v20 =	vmul.f32 v20, v0  }
0x5e8: {  	v40 =	vld [tilespmem:s21+$0xFFFFFF50];
	v21 =	vmul.f32 v21, v0;
	v22 =	vmul.f32 v22, v0;
	v2 =	vsub.f32 v2, v1  }
0x5e9: {  	v23 =	vmul.f32 v23, v0;
	v24 =	vmul.f32 v24, v0  }
0x5ea: {  	v25 =	vmul.f32 v25, v0;
	v3 =	vsub.f32 v3, v1;
	v6 =	vand.u32 $0x7FFFFFFF, v2  }
0x5eb: {  	v41 =	vld [tilespmem:s21+$0xFFFFFF60];
	v4 =	vsub.f32 v4, v1;
	v5 =	vsub.f32 v5, v1;
	v6 =	vmin.f32 v6, $7.000000000e+00  }
0x5ec: {  	v51 =	vmul.f32 v39, v0;
	v7 =	vsub.f32 v7, v1;
	v6 =	vsub.f32 $7.500000000e+00, v6  }
0x5ed: {  	v36 =	vld [tilespmem:s21+$0xFFFFFF20];
	v52 =	vmul.f32 v40, v0;
	v8 =	vsub.f32 v8, v1;
	v9 =	vsub.f32 v9, v1  }
0x5ee: {  	v37 =	vld [tilespmem:s21+$0xFFFFFF30];
	v10 =	vsub.f32 v10, v1;
	v18 =	vsub.f32 v18, v1;
	v6 =	vtrunc.f32 v6  }
0x5ef: {  	v19 =	vsub.f32 v19, v1;
	v20 =	vsub.f32 v20, v1;
	v6 =	vcvt.f32.s32 v6  }
0x5f0: {  	v54 =	vmul.f32 v41, v0;
	v21 =	vsub.f32 v21, v1;
	v22 =	vsub.f32 v22, v1  }
0x5f1: {  	v23 =	vsub.f32 v23, v1;
	v24 =	vsub.f32 v24, v1;
	v6 =	vsub.s32 $0x7, v6  }
0x5f2: {  	v49 =	vmul.f32 v36, v0;
	v25 =	vsub.f32 v25, v1;
	v36 =	vsub.f32 v51, v1  }
0x5f3: {  	v50 =	vmul.f32 v37, v0;
	v37 =	vsub.f32 v52, v1;
	v40 =	vsub.f32 v54, v1  }
0x5f4: {  	v11 =	vand.u32 $0x7FFFFFFF, v3;
	v12 =	vand.u32 $0x7FFFFFFF, v4;
	v13 =	vand.u32 $0x7FFFFFFF, v5  }
0x5f5: {  	v14 =	vand.u32 $0x7FFFFFFF, v7;
	v15 =	vand.u32 $0x7FFFFFFF, v8;
	v16 =	vand.u32 $0x7FFFFFFF, v9  }
0x5f6: {  	v17 =	vand.u32 $0x7FFFFFFF, v10;
	v2 =	vand.u32 $0x80000000, v2;
	v10 =	vand.u32 $0x80000000, v10;
	v6 =	vld.idx.msk [tilespmem:v6+s26+$0x0], $0xffff  }
0x5f7: {  	v11 =	vmin.f32 v11, $7.000000000e+00;
	v12 =	vmin.f32 v12, $7.000000000e+00;
	v17 =	vmin.f32 v17, $7.000000000e+00  }
0x5f8: {  	v13 =	vmin.f32 v13, $7.000000000e+00;
	v17 =	vsub.f32 $7.500000000e+00, v17;
	v11 =	vsub.f32 $7.500000000e+00, v11  }
0x5f9: {  	v14 =	vmin.f32 v14, $7.000000000e+00;
	v15 =	vmin.f32 v15, $7.000000000e+00;
	v12 =	vsub.f32 $7.500000000e+00, v12  }
0x5fa: {  	v16 =	vmin.f32 v16, $7.000000000e+00;
	v17 =	vtrunc.f32 v17;
	v11 =	vtrunc.f32 v11  }
0x5fb: {  	v12 =	vtrunc.f32 v12;
	v11 =	vcvt.f32.s32 v11;
	v2 =	vxor.u32 v6, v2  }
0x5fc: {  	s25 =	simm.s32 $0xE280;
	v6 =	vsub.f32 $7.500000000e+00, v13;
	v13 =	vsub.f32 $7.500000000e+00, v14;
	v14 =	vcvt.f32.s32 v17  }
0x5fd: {  	v16 =	vsub.f32 $7.500000000e+00, v16;
	v12 =	vcvt.f32.s32 v12;
	v11 =	vsub.s32 $0x7, v11;
	[tilespmem:s25+$0xFFFFFF70] =	vst v2  }
0x5fe: {  	v2 =	vsub.f32 $7.500000000e+00, v15;
	v15 =	vld [tilespmem:s12+$0xFFFFFFF0];
	v6 =	vtrunc.f32 v6;
	v14 =	vsub.s32 $0x7, v14  }
0x5ff: {  	v12 =	vsub.s32 $0x7, v12;
	v13 =	vtrunc.f32 v13;
	v6 =	vcvt.f32.s32 v6  }
0x600: {  	v3 =	vand.u32 $0x80000000, v3;
	v2 =	vtrunc.f32 v2;
	v13 =	vcvt.f32.s32 v13  }
0x601: {  	v16 =	vtrunc.f32 v16;
	v2 =	vcvt.f32.s32 v2;
	v6 =	vsub.s32 $0x7, v6  }
0x602: {  	v4 =	vand.u32 $0x80000000, v4;
	v16 =	vcvt.f32.s32 v16;
	v11 =	vld.idx.msk [tilespmem:v11+s26+$0x0], $0xffff;
	v13 =	vsub.s32 $0x7, v13  }
0x603: {  	v5 =	vand.u32 $0x80000000, v5;
	v2 =	vsub.s32 $0x7, v2;
	v15 =	vmul.f32 v15, v0;
	v14 =	vld.idx.msk [tilespmem:v14+s26+$0x0], $0xffff  }
0x604: {  	v7 =	vand.u32 $0x80000000, v7;
	v26 =	vand.u32 $0x7FFFFFFF, v18;
	v16 =	vsub.s32 $0x7, v16;
	v12 =	vld.idx.msk [tilespmem:v12+s26+$0x0], $0xffff  }
0x605: {  	v27 =	vand.u32 $0x7FFFFFFF, v19;
	v28 =	vand.u32 $0x7FFFFFFF, v20;
	v15 =	vsub.f32 v15, v1  }
0x606: {  	v29 =	vand.u32 $0x7FFFFFFF, v21;
	v30 =	vand.u32 $0x7FFFFFFF, v22;
	v31 =	vand.u32 $0x7FFFFFFF, v23;
	v6 =	vld.idx.msk [tilespmem:v6+s26+$0x0], $0xffff  }
0x607: {  	v32 =	vand.u32 $0x7FFFFFFF, v24;
	v3 =	vxor.u32 v11, v3;
	v13 =	vld.idx.msk [tilespmem:v13+s26+$0x0], $0xffff;
	v17 =	vand.u32 $0x7FFFFFFF, v15  }
0x608: {  	v33 =	vand.u32 $0x7FFFFFFF, v25;
	[tilespmem:s25+$0xFFFFFF10] =	vst v3;
	v2 =	vld.idx.msk [tilespmem:v2+s26+$0x0], $0xffff;
	v17 =	vmin.f32 v17, $7.000000000e+00;
	v10 =	vxor.u32 v14, v10  }
0x609: {  	v18 =	vand.u32 $0x80000000, v18;
	v3 =	vxor.u32 v12, v4;
	v14 =	vld.idx.msk [tilespmem:v16+s26+$0x0], $0xffff;
	v17 =	vsub.f32 $7.500000000e+00, v17;
	[tilespmem:s25+$0xFFFFFF00] =	vst v10  }
0x60a: {  	v19 =	vand.u32 $0x80000000, v19;
	v20 =	vand.u32 $0x80000000, v20;
	v44 =	vand.u32 $0x7FFFFFFF, v36;
	[tilespmem:s25+$0xFFFFFF20] =	vst v3;
	v11 =	vld [tilespmem:s12+$0xFFFFFF80]  }
0x60b: {  	v26 =	vmin.f32 v26, $7.000000000e+00;
	v10 =	vtrunc.f32 v17;
	v3 =	vxor.u32 v6, v5;
	v6 =	vld [tilespmem:s12+$0xFFFFFFA0]  }
0x60c: {  	v5 =	vand.u32 $0x80000000, v8;
	v4 =	vcvt.f32.s32 v10;
	v10 =	vld [tilespmem:s12+$0xFFFFFF90];
	[tilespmem:s25+$0xFFFFFF30] =	vst v3;
	v3 =	vxor.u32 v13, v7  }
0x60d: {  	v26 =	vsub.f32 $7.500000000e+00, v26;
	v7 =	vand.u32 $0x80000000, v9;
	v2 =	vxor.u32 v2, v5;
	v8 =	vld [tilespmem:s12+$0xFFFFFFB0];
	[tilespmem:s25+$0xFFFFFF40] =	vst v3  }
0x60e: {  	v27 =	vmin.f32 v27, $7.000000000e+00;
	[tilespmem:s25+$0xFFFFFF50] =	vst v2;
	v2 =	vxor.u32 v14, v7;
	v4 =	vsub.s32 $0x7, v4;
	v3 =	vld [tilespmem:s12+$0xFFFFFFC0]  }
0x60f: {  	v28 =	vmin.f32 v28, $7.000000000e+00;
	v26 =	vtrunc.f32 v26;
	v7 =	vld [tilespmem:s12+$0xFFFFFFD0];
	[tilespmem:s25+$0xFFFFFF60] =	vst v2;
	v5 =	vmul.f32 v11, v0  }
0x610: {  	v33 =	vmin.f32 v33, $7.000000000e+00;
	v29 =	vmin.f32 v29, $7.000000000e+00;
	v26 =	vcvt.f32.s32 v26;
	v9 =	vld [tilespmem:s12+$0xFFFFFFE0]  }
0x611: {  	v6 =	vmul.f32 v6, v0;
	v2 =	vmul.f32 v10, v0;
	v5 =	vsub.f32 v5, v1  }
0x612: {  	v26 =	vsub.s32 $0x7, v26;
	v13 =	vand.u32 $0x80000000, v15;
	v8 =	vmul.f32 v8, v0  }
0x613: {  	v6 =	vsub.f32 v6, v1;
	v4 =	vld.idx.msk [tilespmem:v4+s26+$0x0], $0xffff;
	v2 =	vsub.f32 v2, v1;
	v10 =	vand.u32 $0x7FFFFFFF, v5  }
0x614: {  	v3 =	vmul.f32 v3, v0;
	v7 =	vmul.f32 v7, v0;
	v8 =	vsub.f32 v8, v1  }
0x615: {  	v12 =	vand.u32 $0x7FFFFFFF, v6;
	v9 =	vmul.f32 v9, v0;
	v10 =	vmin.f32 v10, $7.000000000e+00  }
0x616: {  	v11 =	vand.u32 $0x7FFFFFFF, v2;
	v3 =	vsub.f32 v3, v1;
	v7 =	vsub.f32 v7, v1  }
0x617: {  	v12 =	vmin.f32 v12, $7.000000000e+00;
	v10 =	vsub.f32 $7.500000000e+00, v10;
	v9 =	vsub.f32 v9, v1  }
0x618: {  	v12 =	vsub.f32 $7.500000000e+00, v12;
	v15 =	vand.u32 $0x7FFFFFFF, v7;
	v4 =	vxor.u32 v4, v13  }
0x619: {  	v10 =	vtrunc.f32 v10;
	v13 =	vand.u32 $0x7FFFFFFF, v8;
	v16 =	vand.u32 $0x7FFFFFFF, v9;
	[tilespmem:s25+$0xFFFFFFF0] =	vst v4  }
0x61a: {  	v15 =	vmin.f32 v15, $7.000000000e+00;
	v12 =	vtrunc.f32 v12;
	v10 =	vcvt.f32.s32 v10;
	v14 =	vld [tilespmem:s12+$0x70]  }
0x61b: {  	v4 =	vmin.f32 v11, $7.000000000e+00;
	v11 =	vand.u32 $0x7FFFFFFF, v3;
	v13 =	vmin.f32 v13, $7.000000000e+00  }
0x61c: {  	v16 =	vmin.f32 v16, $7.000000000e+00;
	v15 =	vsub.f32 $7.500000000e+00, v15;
	v4 =	vsub.f32 $7.500000000e+00, v4  }
0x61d: {  	v12 =	vcvt.f32.s32 v12;
	v11 =	vmin.f32 v11, $7.000000000e+00;
	v13 =	vsub.f32 $7.500000000e+00, v13  }
0x61e: {  	v16 =	vsub.f32 $7.500000000e+00, v16;
	v15 =	vtrunc.f32 v15;
	v4 =	vtrunc.f32 v4  }
0x61f: {  	v10 =	vsub.s32 $0x7, v10;
	v4 =	vcvt.f32.s32 v4;
	v14 =	vmul.f32 v14, v0  }
0x620: {  	v11 =	vsub.f32 $7.500000000e+00, v11;
	v13 =	vtrunc.f32 v13;
	v16 =	vtrunc.f32 v16  }
0x621: {  	v15 =	vcvt.f32.s32 v15;
	v4 =	vsub.s32 $0x7, v4;
	v14 =	vsub.f32 v14, v1  }
0x622: {  	v12 =	vsub.s32 $0x7, v12;
	v11 =	vtrunc.f32 v11;
	v13 =	vcvt.f32.s32 v13  }
0x623: {  	v11 =	vcvt.f32.s32 v11;
	v15 =	vsub.s32 $0x7, v15;
	v17 =	vand.u32 $0x7FFFFFFF, v14  }
0x624: {  	v26 =	vld.idx.msk [tilespmem:v26+s26+$0x0], $0xffff;
	v16 =	vcvt.f32.s32 v16;
	v13 =	vsub.s32 $0x7, v13;
	v17 =	vmin.f32 v17, $7.000000000e+00  }
0x625: {  	v30 =	vmin.f32 v30, $7.000000000e+00;
	v10 =	vld.idx.msk [tilespmem:v10+s26+$0x0], $0xffff;
	v11 =	vsub.s32 $0x7, v11;
	v17 =	vsub.f32 $7.500000000e+00, v17  }
0x626: {  	v31 =	vmin.f32 v31, $7.000000000e+00;
	v32 =	vmin.f32 v32, $7.000000000e+00;
	v16 =	vsub.s32 $0x7, v16;
	v4 =	vld.idx.msk [tilespmem:v4+s26+$0x0], $0xffff  }
0x627: {  	v33 =	vsub.f32 $7.500000000e+00, v33;
	v27 =	vsub.f32 $7.500000000e+00, v27;
	v12 =	vld.idx.msk [tilespmem:v12+s26+$0x0], $0xffff;
	v17 =	vtrunc.f32 v17  }
0x628: {  	v28 =	vsub.f32 $7.500000000e+00, v28;
	v29 =	vsub.f32 $7.500000000e+00, v29;
	v15 =	vld.idx.msk [tilespmem:v15+s26+$0x0], $0xffff;
	v17 =	vcvt.f32.s32 v17  }
0x629: {  	v30 =	vsub.f32 $7.500000000e+00, v30;
	v33 =	vtrunc.f32 v33;
	v5 =	vand.u32 $0x80000000, v5;
	v13 =	vld.idx.msk [tilespmem:v13+s26+$0x0], $0xffff  }
0x62a: {  	v2 =	vand.u32 $0x80000000, v2;
	v5 =	vxor.u32 v10, v5;
	v11 =	vld.idx.msk [tilespmem:v11+s26+$0x0], $0xffff;
	v17 =	vsub.s32 $0x7, v17  }
0x62b: {  	v27 =	vtrunc.f32 v27;
	v6 =	vand.u32 $0x80000000, v6;
	v10 =	vld.idx.msk [tilespmem:v16+s26+$0x0], $0xffff;
	[tilespmem:s25+$0xFFFFFF80] =	vst v5;
	v2 =	vxor.u32 v4, v2  }
0x62c: {  	v28 =	vtrunc.f32 v28;
	v5 =	vand.u32 $0x80000000, v8;
	v8 =	vld [tilespmem:s12+$0x0];
	[tilespmem:s25+$0xFFFFFF90] =	vst v2;
	v2 =	vxor.u32 v12, v6  }
0x62d: {  	v31 =	vsub.f32 $7.500000000e+00, v31;
	v29 =	vtrunc.f32 v29;
	v30 =	vtrunc.f32 v30;
	v6 =	vld [tilespmem:s12+$0x10];
	[tilespmem:s25+$0xFFFFFFA0] =	vst v2  }
0x62e: {  	v3 =	vand.u32 $0x80000000, v3;
	v2 =	vxor.u32 v13, v5;
	v5 =	vand.u32 $0x80000000, v7;
	v7 =	vld [tilespmem:s12+$0x20]  }
0x62f: {  	v28 =	vcvt.f32.s32 v28;
	v29 =	vcvt.f32.s32 v29;
	[tilespmem:s25+$0xFFFFFFB0] =	vst v2;
	v2 =	vxor.u32 v11, v3;
	v4 =	vld.idx.msk [tilespmem:v17+s26+$0x0], $0xffff  }
0x630: {  	v30 =	vcvt.f32.s32 v30;
	v3 =	vand.u32 $0x80000000, v9;
	v9 =	vld [tilespmem:s12+$0x30];
	[tilespmem:s25+$0xFFFFFFC0] =	vst v2;
	v2 =	vxor.u32 v15, v5  }
0x631: {  	v33 =	vcvt.f32.s32 v33;
	v27 =	vcvt.f32.s32 v27;
	v28 =	vsub.s32 $0x7, v28;
	v5 =	vld [tilespmem:s12+$0x40];
	[tilespmem:s25+$0xFFFFFFD0] =	vst v2  }
0x632: {  	v29 =	vsub.s32 $0x7, v29;
	v30 =	vsub.s32 $0x7, v30;
	v2 =	vxor.u32 v10, v3;
	v10 =	vld [tilespmem:s12+$0x50]  }
0x633: {  	v18 =	vxor.u32 v26, v18;
	v26 =	vsub.s32 $0x7, v33;
	v3 =	vand.u32 $0x80000000, v14  }
0x634: {  	s17 =	simm.s32 $0xE480;
	[tilespmem:s25+$0xFFFFFFE0] =	vst v2;
	v6 =	vmul.f32 v6, v0;
	v2 =	vxor.u32 v4, v3;
	v3 =	vmul.f32 v8, v0  }
0x635: {  	[tilespmem:s17+$0xFFFFFF70] =	vst v18;
	v18 =	vsub.s32 $0x7, v27;
	v27 =	vtrunc.f32 v31;
	v7 =	vmul.f32 v7, v0;
	v8 =	vld [tilespmem:s12+$0x60]  }
0x636: {  	[tilespmem:s25+$0x70] =	vst v2;
	v2 =	vsub.f32 v6, v1;
	v6 =	vmul.f32 v9, v0;
	v4 =	vsub.f32 v3, v1  }
0x637: {  	v10 =	vmul.f32 v10, v0;
	v3 =	vsub.f32 v7, v1;
	v7 =	vmul.f32 v5, v0  }
0x638: {  	v11 =	vld [tilespmem:s12+$0xF0];
	v12 =	vand.u32 $0x7FFFFFFF, v2;
	v5 =	vsub.f32 v6, v1;
	v9 =	vand.u32 $0x7FFFFFFF, v4  }
0x639: {  	v13 =	vand.u32 $0x7FFFFFFF, v3;
	v6 =	vsub.f32 v7, v1;
	v7 =	vsub.f32 v10, v1  }
0x63a: {  	v12 =	vmin.f32 v12, $7.000000000e+00;
	v8 =	vmul.f32 v8, v0;
	v14 =	vand.u32 $0x7FFFFFFF, v5  }
0x63b: {  	v10 =	vmin.f32 v9, $7.000000000e+00;
	v13 =	vmin.f32 v13, $7.000000000e+00;
	v12 =	vsub.f32 $7.500000000e+00, v12  }
0x63c: {  	v15 =	vand.u32 $0x7FFFFFFF, v6;
	v14 =	vmin.f32 v14, $7.000000000e+00;
	v10 =	vsub.f32 $7.500000000e+00, v10  }
0x63d: {  	v13 =	vsub.f32 $7.500000000e+00, v13;
	v11 =	vmul.f32 v11, v0;
	v8 =	vsub.f32 v8, v1  }
0x63e: {  	v15 =	vmin.f32 v15, $7.000000000e+00;
	v14 =	vsub.f32 $7.500000000e+00, v14;
	v12 =	vtrunc.f32 v12  }
0x63f: {  	v10 =	vtrunc.f32 v10;
	v15 =	vsub.f32 $7.500000000e+00, v15;
	v13 =	vtrunc.f32 v13  }
0x640: {  	v12 =	vcvt.f32.s32 v12;
	v9 =	vsub.f32 v11, v1;
	v11 =	vand.u32 $0x7FFFFFFF, v7  }
0x641: {  	v16 =	vand.u32 $0x7FFFFFFF, v8;
	v14 =	vtrunc.f32 v14;
	v10 =	vcvt.f32.s32 v10  }
0x642: {  	v13 =	vcvt.f32.s32 v13;
	v11 =	vmin.f32 v11, $7.000000000e+00;
	v16 =	vmin.f32 v16, $7.000000000e+00  }
0x643: {  	v28 =	vld.idx.msk [tilespmem:v28+s26+$0x0], $0xffff;
	v15 =	vtrunc.f32 v15;
	v14 =	vcvt.f32.s32 v14;
	v17 =	vand.u32 $0x7FFFFFFF, v9  }
0x644: {  	v29 =	vld.idx.msk [tilespmem:v29+s26+$0x0], $0xffff;
	v12 =	vsub.s32 $0x7, v12;
	v11 =	vsub.f32 $7.500000000e+00, v11;
	v17 =	vmin.f32 v17, $7.000000000e+00  }
0x645: {  	v30 =	vld.idx.msk [tilespmem:v30+s26+$0x0], $0xffff;
	v16 =	vsub.f32 $7.500000000e+00, v16;
	v10 =	vsub.s32 $0x7, v10;
	v17 =	vsub.f32 $7.500000000e+00, v17  }
0x646: {  	v31 =	vld [tilespmem:s23+$0xFFFFFFF0];
	v15 =	vcvt.f32.s32 v15;
	v13 =	vsub.s32 $0x7, v13;
	v11 =	vtrunc.f32 v11  }
0x647: {  	v26 =	vld.idx.msk [tilespmem:v26+s26+$0x0], $0xffff;
	v14 =	vsub.s32 $0x7, v14;
	v11 =	vcvt.f32.s32 v11;
	v17 =	vtrunc.f32 v17  }
0x648: {  	v18 =	vld.idx.msk [tilespmem:v18+s26+$0x0], $0xffff;
	v16 =	vtrunc.f32 v16;
	v15 =	vsub.s32 $0x7, v15;
	v17 =	vcvt.f32.s32 v17  }
0x649: {  	v32 =	vsub.f32 $7.500000000e+00, v32;
	v16 =	vcvt.f32.s32 v16;
	v12 =	vld.idx.msk [tilespmem:v12+s26+$0x0], $0xffff;
	v11 =	vsub.s32 $0x7, v11  }
0x64a: {  	v45 =	vand.u32 $0x7FFFFFFF, v37;
	v27 =	vcvt.f32.s32 v27;
	v10 =	vld.idx.msk [tilespmem:v10+s26+$0x0], $0xffff;
	v17 =	vsub.s32 $0x7, v17  }
0x64b: {  	v46 =	vand.u32 $0x7FFFFFFF, v40;
	v32 =	vtrunc.f32 v32;
	v16 =	vsub.s32 $0x7, v16;
	v13 =	vld.idx.msk [tilespmem:v13+s26+$0x0], $0xffff  }
0x64c: {  	v32 =	vcvt.f32.s32 v32;
	v27 =	vsub.s32 $0x7, v27;
	v31 =	vmul.f32 v31, v0;
	v14 =	vld.idx.msk [tilespmem:v14+s26+$0x0], $0xffff  }
0x64d: {  	v2 =	vand.u32 $0x80000000, v2;
	v4 =	vand.u32 $0x80000000, v4;
	v59 =	vand.u32 $0x80000000, v8;
	v15 =	vld.idx.msk [tilespmem:v15+s26+$0x0], $0xffff  }
0x64e: {  	v8 =	vand.u32 $0x80000000, v9;
	v9 =	vsub.f32 v31, v1;
	v12 =	vxor.u32 v12, v2;
	v11 =	vld.idx.msk [tilespmem:v11+s26+$0x0], $0xffff  }
0x64f: {  	v32 =	vsub.s32 $0x7, v32;
	v3 =	vand.u32 $0x80000000, v3;
	v4 =	vxor.u32 v10, v4;
	[tilespmem:s25+$0x10] =	vst v12;
	v17 =	vld.idx.msk [tilespmem:v17+s26+$0x0], $0xffff  }
0x650: {  	v5 =	vand.u32 $0x80000000, v5;
	v16 =	vld.idx.msk [tilespmem:v16+s26+$0x0], $0xffff;
	v3 =	vxor.u32 v13, v3;
	[tilespmem:s25+$0x0] =	vst v4;
	v4 =	vand.u32 $0x7FFFFFFF, v9  }
0x651: {  	v6 =	vand.u32 $0x80000000, v6;
	v10 =	vld.idx.msk [tilespmem:v27+s26+$0x0], $0xffff;
	v5 =	vxor.u32 v14, v5;
	[tilespmem:s25+$0x20] =	vst v3;
	v4 =	vmin.f32 v4, $7.000000000e+00  }
0x652: {  	v7 =	vand.u32 $0x80000000, v7;
	v3 =	vld [tilespmem:s12+$0x90];
	v6 =	vxor.u32 v15, v6;
	[tilespmem:s25+$0x30] =	vst v5;
	v4 =	vsub.f32 $7.500000000e+00, v4  }
0x653: {  	v44 =	vmin.f32 v44, $7.000000000e+00;
	v45 =	vmin.f32 v45, $7.000000000e+00;
	[tilespmem:s25+$0x40] =	vst v6;
	v6 =	vld [tilespmem:s12+$0xB0];
	v7 =	vxor.u32 v11, v7  }
0x654: {  	v4 =	vtrunc.f32 v4;
	[tilespmem:s25+$0x50] =	vst v7;
	v7 =	vld [tilespmem:s12+$0xC0];
	v8 =	vxor.u32 v17, v8;
	v17 =	vand.u32 $0x80000000, v25  }
0x655: {  	v46 =	vmin.f32 v46, $7.000000000e+00;
	v2 =	vcvt.f32.s32 v4;
	v25 =	vld.idx.msk [tilespmem:v32+s26+$0x0], $0xffff;
	v17 =	vxor.u32 v26, v17  }
0x656: {  	v44 =	vsub.f32 $7.500000000e+00, v44;
	v45 =	vsub.f32 $7.500000000e+00, v45;
	[tilespmem:s17+$0xFFFFFF00] =	vst v17;
	v17 =	vxor.u32 v18, v19;
	v18 =	vld [tilespmem:s12+$0x80]  }
0x657: {  	v14 =	vsub.s32 $0x7, v2;
	v19 =	vand.u32 $0x80000000, v21;
	v21 =	vld [tilespmem:s23+$0xFFFFFF80];
	[tilespmem:s17+$0xFFFFFF10] =	vst v17;
	v17 =	vxor.u32 v28, v20  }
0x658: {  	v20 =	vand.u32 $0x80000000, v22;
	v22 =	vand.u32 $0x80000000, v23;
	v23 =	vld [tilespmem:s23+$0xFFFFFF90];
	[tilespmem:s17+$0xFFFFFF20] =	vst v17;
	v17 =	vxor.u32 v29, v19  }
0x659: {  	v46 =	vsub.f32 $7.500000000e+00, v46;
	v19 =	vand.u32 $0x80000000, v24;
	v10 =	vxor.u32 v10, v22;
	v24 =	vld [tilespmem:s23+$0xFFFFFFA0];
	[tilespmem:s17+$0xFFFFFF30] =	vst v17  }
0x65a: {  	v36 =	vand.u32 $0x80000000, v36;
	v37 =	vand.u32 $0x80000000, v37;
	v44 =	vtrunc.f32 v44;
	[tilespmem:s17+$0xFFFFFF50] =	vst v10;
	v4 =	vld [tilespmem:s23+$0xFFFFFFB0]  }
0x65b: {  	v45 =	vtrunc.f32 v45;
	v46 =	vtrunc.f32 v46;
	v17 =	vxor.u32 v30, v20;
	v15 =	vld [tilespmem:s23+$0xFFFFFFD0]  }
0x65c: {  	v58 =	vcvt.f32.s32 v44;
	v46 =	vcvt.f32.s32 v46;
	v10 =	vxor.u32 v25, v19;
	[tilespmem:s17+$0xFFFFFF40] =	vst v17;
	v14 =	vld.idx.msk [tilespmem:v14+s26+$0x0], $0xffff  }
0x65d: {  	v16 =	vxor.u32 v16, v59;
	v59 =	vcvt.f32.s32 v45;
	v3 =	vmul.f32 v3, v0;
	[tilespmem:s17+$0xFFFFFF60] =	vst v10;
	v13 =	vld [tilespmem:s23+$0xFFFFFFC0]  }
0x65e: {  	v40 =	vand.u32 $0x80000000, v40;
	v6 =	vmul.f32 v6, v0;
	v7 =	vmul.f32 v7, v0;
	v17 =	vld [tilespmem:s23+$0xFFFFFFE0]  }
0x65f: {  	v46 =	vsub.s32 $0x7, v46;
	v11 =	vmul.f32 v21, v0;
	v10 =	vmul.f32 v23, v0  }
0x660: {  	v9 =	vand.u32 $0x80000000, v9;
	v2 =	vmul.f32 v18, v0;
	v18 =	vmul.f32 v24, v0  }
0x661: {  	v11 =	vsub.f32 v11, v1;
	v10 =	vsub.f32 v10, v1;
	v4 =	vmul.f32 v4, v0  }
0x662: {  	v15 =	vmul.f32 v15, v0;
	v9 =	vxor.u32 v14, v9;
	v18 =	vsub.f32 v18, v1  }
0x663: {  	v13 =	vmul.f32 v13, v0;
	v20 =	vand.u32 $0x7FFFFFFF, v11;
	v17 =	vmul.f32 v17, v0  }
0x664: {  	v21 =	vand.u32 $0x7FFFFFFF, v10;
	v4 =	vsub.f32 v4, v1;
	v20 =	vmin.f32 v20, $7.000000000e+00  }
0x665: {  	v15 =	vsub.f32 v15, v1;
	v22 =	vand.u32 $0x7FFFFFFF, v18;
	v17 =	vsub.f32 v17, v1  }
0x666: {  	v13 =	vsub.f32 v13, v1;
	v21 =	vmin.f32 v21, $7.000000000e+00;
	v23 =	vand.u32 $0x7FFFFFFF, v4  }
0x667: {  	[tilespmem:s17+$0xFFFFFFF0] =	vst v9;
	v22 =	vmin.f32 v22, $7.000000000e+00;
	v25 =	vand.u32 $0x7FFFFFFF, v15;
	v14 =	vand.u32 $0x7FFFFFFF, v17  }
0x668: {  	v21 =	vsub.f32 $7.500000000e+00, v21;
	v9 =	vmin.f32 v14, $7.000000000e+00;
	v14 =	vsub.f32 $7.500000000e+00, v20;
	v20 =	vld [tilespmem:s23+$0x70]  }
0x669: {  	v26 =	vand.u32 $0x80000000, v4;
	v23 =	vmin.f32 v23, $7.000000000e+00;
	v22 =	vsub.f32 $7.500000000e+00, v22  }
0x66a: {  	v24 =	vand.u32 $0x7FFFFFFF, v13;
	v25 =	vmin.f32 v25, $7.000000000e+00;
	v23 =	vsub.f32 $7.500000000e+00, v23  }
0x66b: {  	v25 =	vsub.f32 $7.500000000e+00, v25;
	v21 =	vtrunc.f32 v21;
	v22 =	vtrunc.f32 v22  }
0x66c: {  	v24 =	vmin.f32 v24, $7.000000000e+00;
	v14 =	vtrunc.f32 v14;
	v23 =	vtrunc.f32 v23  }
0x66d: {  	v24 =	vsub.f32 $7.500000000e+00, v24;
	v12 =	vtrunc.f32 v25;
	v4 =	vmul.f32 v20, v0  }
0x66e: {  	v9 =	vsub.f32 $7.500000000e+00, v9;
	v5 =	vcvt.f32.s32 v22;
	v14 =	vcvt.f32.s32 v14  }
0x66f: {  	[tilespmem:s25+$0x60] =	vst v16;
	v16 =	vld [tilespmem:s12+$0xD0];
	v24 =	vtrunc.f32 v24;
	v20 =	vcvt.f32.s32 v21;
	v21 =	vsub.f32 v4, v1  }
0x670: {  	v9 =	vtrunc.f32 v9;
	v22 =	vcvt.f32.s32 v23;
	v14 =	vsub.s32 $0x7, v14  }
0x671: {  	v23 =	vcvt.f32.s32 v24;
	v5 =	vsub.s32 $0x7, v5;
	v24 =	vand.u32 $0x7FFFFFFF, v21  }
0x672: {  	v12 =	vcvt.f32.s32 v12;
	v20 =	vsub.s32 $0x7, v20;
	v24 =	vmin.f32 v24, $7.000000000e+00  }
0x673: {  	v25 =	vld [tilespmem:s12+$0xE0];
	v9 =	vcvt.f32.s32 v9;
	v22 =	vsub.s32 $0x7, v22;
	v24 =	vsub.f32 $7.500000000e+00, v24  }
0x674: {  	v16 =	vmul.f32 v16, v0;
	v2 =	vsub.f32 v2, v1;
	v12 =	vsub.s32 $0x7, v12;
	v4 =	vld [tilespmem:s12+$0xA0]  }
0x675: {  	v23 =	vsub.s32 $0x7, v23;
	v27 =	vsub.s32 $0x7, v9;
	v14 =	vld.idx.msk [tilespmem:v14+s26+$0x0], $0xffff;
	v9 =	vtrunc.f32 v24  }
0x676: {  	v19 =	vand.u32 $0x7FFFFFFF, v2;
	v11 =	vand.u32 $0x80000000, v11;
	v28 =	vld.idx.msk [tilespmem:v5+s26+$0x0], $0xffff;
	v24 =	vcvt.f32.s32 v9  }
0x677: {  	v19 =	vmin.f32 v19, $7.000000000e+00;
	v10 =	vand.u32 $0x80000000, v10;
	v18 =	vand.u32 $0x80000000, v18;
	v20 =	vld.idx.msk [tilespmem:v20+s26+$0x0], $0xffff  }
0x678: {  	v15 =	vand.u32 $0x80000000, v15;
	v13 =	vand.u32 $0x80000000, v13;
	v22 =	vld.idx.msk [tilespmem:v22+s26+$0x0], $0xffff;
	v24 =	vsub.s32 $0x7, v24  }
0x679: {  	v25 =	vmul.f32 v25, v0;
	v5 =	vsub.f32 v6, v1;
	v12 =	vld.idx.msk [tilespmem:v12+s26+$0x0], $0xffff;
	v4 =	vmul.f32 v4, v0  }
0x67a: {  	v6 =	vsub.f32 v16, v1;
	v23 =	vld.idx.msk [tilespmem:v23+s26+$0x0], $0xffff;
	v9 =	vsub.f32 v3, v1;
	v11 =	vxor.u32 v14, v11  }
0x67b: {  	v17 =	vand.u32 $0x80000000, v17;
	v16 =	vld.idx.msk [tilespmem:v27+s26+$0x0], $0xffff;
	v3 =	vsub.f32 v4, v1;
	v4 =	vsub.f32 v7, v1;
	[tilespmem:s17+$0xFFFFFF80] =	vst v11  }
0x67c: {  	v7 =	vsub.f32 v25, v1;
	v25 =	vand.u32 $0x7FFFFFFF, v5;
	v10 =	vxor.u32 v20, v10;
	v30 =	vld [tilespmem:s23+$0x0]  }
0x67d: {  	v29 =	vand.u32 $0x7FFFFFFF, v9;
	v14 =	vand.u32 $0x7FFFFFFF, v3;
	[tilespmem:s17+$0xFFFFFF90] =	vst v10;
	v10 =	vxor.u32 v28, v18;
	v20 =	vld.idx.msk [tilespmem:v24+s26+$0x0], $0xffff  }
0x67e: {  	v27 =	vand.u32 $0x7FFFFFFF, v4;
	[tilespmem:s17+$0xFFFFFFA0] =	vst v10;
	v10 =	vxor.u32 v22, v26;
	v24 =	vand.u32 $0x7FFFFFFF, v7  }
0x67f: {  	v14 =	vmin.f32 v14, $7.000000000e+00;
	[tilespmem:s17+$0xFFFFFFB0] =	vst v10;
	v10 =	vxor.u32 v23, v13;
	v22 =	vmin.f32 v24, $7.000000000e+00;
	v24 =	vld [tilespmem:s23+$0x20]  }
0x680: {  	v18 =	vmin.f32 v25, $7.000000000e+00;
	v25 =	vmin.f32 v27, $7.000000000e+00;
	[tilespmem:s17+$0xFFFFFFC0] =	vst v10;
	v10 =	vxor.u32 v12, v15  }
0x681: {  	v12 =	vsub.f32 $7.500000000e+00, v14;
	[tilespmem:s17+$0xFFFFFFD0] =	vst v10;
	v10 =	vxor.u32 v16, v17;
	v16 =	vand.u32 $0x80000000, v21  }
0x682: {  	v27 =	vld [tilespmem:s23+$0x10];
	v14 =	vsub.f32 $7.500000000e+00, v18;
	v18 =	vmul.f32 v30, v0;
	[tilespmem:s17+$0xFFFFFFE0] =	vst v10;
	v10 =	vxor.u32 v20, v16  }
0x683: {  	v11 =	vand.u32 $0x7FFFFFFF, v6;
	v29 =	vmin.f32 v29, $7.000000000e+00;
	v13 =	vsub.f32 $7.500000000e+00, v19;
	v23 =	vld [tilespmem:s23+$0x30];
	[tilespmem:s17+$0x70] =	vst v10  }
0x684: {  	v19 =	vsub.f32 $7.500000000e+00, v29;
	v10 =	vsub.f32 v18, v1;
	v18 =	vmul.f32 v24, v0;
	v24 =	vld [tilespmem:s23+$0xF0]  }
0x685: {  	v44 =	vsub.s32 $0x7, v59;
	v11 =	vmin.f32 v11, $7.000000000e+00;
	v15 =	vld [tilespmem:s23+$0x40];
	v13 =	vtrunc.f32 v13  }
0x686: {  	v17 =	vsub.f32 $7.500000000e+00, v25;
	v19 =	vtrunc.f32 v19;
	v12 =	vtrunc.f32 v12  }
0x687: {  	v21 =	vld [tilespmem:s23+$0x50];
	v22 =	vsub.f32 $7.500000000e+00, v22;
	v14 =	vtrunc.f32 v14;
	v13 =	vcvt.f32.s32 v13  }
0x688: {  	v19 =	vcvt.f32.s32 v19;
	v16 =	vsub.f32 $7.500000000e+00, v11;
	v11 =	vmul.f32 v27, v0;
	v20 =	vld [tilespmem:s23+$0x60]  }
0x689: {  	v17 =	vtrunc.f32 v17;
	v13 =	vsub.s32 $0x7, v13;
	v24 =	vmul.f32 v24, v0  }
0x68a: {  	v15 =	vmul.f32 v15, v0;
	v25 =	vsub.f32 v11, v1;
	v11 =	vmul.f32 v23, v0  }
0x68b: {  	v18 =	vsub.f32 v18, v1;
	v23 =	vand.u32 $0x7FFFFFFF, v10;
	v24 =	vsub.f32 v24, v1  }
0x68c: {  	v15 =	vsub.f32 v15, v1;
	v27 =	vsub.f32 v11, v1;
	v11 =	vmul.f32 v21, v0  }
0x68d: {  	v26 =	vand.u32 $0x7FFFFFFF, v25;
	v20 =	vmul.f32 v20, v0;
	v60 =	vand.u32 $0x7FFFFFFF, v24  }
0x68e: {  	v29 =	vsub.f32 v11, v1;
	v11 =	vmin.f32 v23, $7.000000000e+00;
	v32 =	vmin.f32 v60, $7.000000000e+00  }
0x68f: {  	v62 =	vld [tilespmem:s21+$0xFFFFFF70];
	v61 =	vsub.f32 $7.500000000e+00, v11;
	v11 =	vand.u32 $0x80000000, v10;
	v10 =	vsub.f32 $7.500000000e+00, v32  }
0x690: {  	v21 =	vand.u32 $0x7FFFFFFF, v18;
	v26 =	vmin.f32 v26, $7.000000000e+00;
	v20 =	vsub.f32 v20, v1  }
0x691: {  	v34 =	vand.u32 $0x80000000, v18;
	v28 =	vand.u32 $0x7FFFFFFF, v27;
	v10 =	vtrunc.f32 v10  }
0x692: {  	v23 =	vand.u32 $0x7FFFFFFF, v15;
	v31 =	vand.u32 $0x7FFFFFFF, v20;
	v10 =	vcvt.f32.s32 v10  }
0x693: {  	v21 =	vmin.f32 v21, $7.000000000e+00;
	v26 =	vsub.f32 $7.500000000e+00, v26;
	v31 =	vmin.f32 v31, $7.000000000e+00  }
0x694: {  	v31 =	vsub.f32 $7.500000000e+00, v31;
	v32 =	vmul.f32 v62, v0;
	v10 =	vsub.s32 $0x7, v10  }
0x695: {  	v28 =	vmin.f32 v28, $7.000000000e+00;
	v23 =	vmin.f32 v23, $7.000000000e+00;
	v21 =	vsub.f32 $7.500000000e+00, v21  }
0x696: {  	v30 =	vand.u32 $0x7FFFFFFF, v29;
	v18 =	vtrunc.f32 v31;
	v31 =	vsub.f32 v32, v1  }
0x697: {  	v28 =	vsub.f32 $7.500000000e+00, v28;
	v23 =	vsub.f32 $7.500000000e+00, v23;
	v26 =	vtrunc.f32 v26  }
0x698: {  	v33 =	vtrunc.f32 v61;
	v21 =	vtrunc.f32 v21;
	v47 =	vand.u32 $0x7FFFFFFF, v31  }
0x699: {  	v26 =	vcvt.f32.s32 v26;
	v28 =	vtrunc.f32 v28;
	v35 =	vld.idx.msk [tilespmem:v10+s26+$0x0], $0xffff;
	v10 =	vmin.f32 v47, $7.000000000e+00  }
0x69a: {  	v23 =	vtrunc.f32 v23;
	v33 =	vcvt.f32.s32 v33;
	v10 =	vsub.f32 $7.500000000e+00, v10  }
0x69b: {  	v48 =	vld [tilespmem:s21+$0xFFFFFF10];
	v30 =	vmin.f32 v30, $7.000000000e+00;
	v21 =	vcvt.f32.s32 v21;
	v18 =	vcvt.f32.s32 v18  }
0x69c: {  	v30 =	vsub.f32 $7.500000000e+00, v30;
	v28 =	vcvt.f32.s32 v28;
	v10 =	vtrunc.f32 v10  }
0x69d: {  	v23 =	vcvt.f32.s32 v23;
	v38 =	vsub.s32 $0x7, v18;
	v18 =	vcvt.f32.s32 v10  }
0x69e: {  	v10 =	vand.u32 $0x80000000, v2;
	v2 =	vand.u32 $0x80000000, v9;
	v9 =	vtrunc.f32 v22;
	v22 =	vld [tilespmem:s21+$0xFFFFFF00]  }
0x69f: {  	v26 =	vsub.s32 $0x7, v26;
	v30 =	vtrunc.f32 v30;
	v63 =	vsub.s32 $0x7, v33  }
0x6a0: {  	v42 =	vsub.s32 $0x7, v18;
	v18 =	vand.u32 $0x80000000, v24;
	v24 =	vmul.f32 v48, v0  }
0x6a1: {  	v21 =	vsub.s32 $0x7, v21;
	v33 =	vsub.f32 v49, v1;
	v30 =	vcvt.f32.s32 v30  }
0x6a2: {  	v28 =	vsub.s32 $0x7, v28;
	v23 =	vsub.s32 $0x7, v23;
	v24 =	vsub.f32 v24, v1  }
0x6a3: {  	v56 =	vand.u32 $0x7FFFFFFF, v33;
	v30 =	vsub.s32 $0x7, v30;
	v22 =	vmul.f32 v22, v0  }
0x6a4: {  	v13 =	vld.idx.msk [tilespmem:v13+s26+$0x0], $0xffff;
	v18 =	vxor.u32 v35, v18;
	v35 =	vsub.f32 v50, v1;
	v55 =	vand.u32 $0x7FFFFFFF, v24  }
0x6a5: {  	v31 =	vand.u32 $0x80000000, v31;
	v53 =	vld.idx.msk [tilespmem:v42+s26+$0x0], $0xffff;
	v22 =	vsub.f32 v22, v1;
	v41 =	vmin.f32 v55, $7.000000000e+00  }
0x6a6: {  	v26 =	vld.idx.msk [tilespmem:v26+s26+$0x0], $0xffff;
	v43 =	vand.u32 $0x7FFFFFFF, v35;
	v42 =	vmin.f32 v56, $7.000000000e+00;
	v41 =	vsub.f32 $7.500000000e+00, v41  }
0x6a7: {  	v32 =	vld.idx.msk [tilespmem:v63+s26+$0x0], $0xffff;
	v43 =	vmin.f32 v43, $7.000000000e+00;
	v42 =	vsub.f32 $7.500000000e+00, v42;
	v57 =	vand.u32 $0x7FFFFFFF, v22  }
0x6a8: {  	v21 =	vld.idx.msk [tilespmem:v21+s26+$0x0], $0xffff;
	v43 =	vsub.f32 $7.500000000e+00, v43;
	v39 =	vmin.f32 v57, $7.000000000e+00;
	v41 =	vtrunc.f32 v41  }
0x6a9: {  	v63 =	vld.idx.msk [tilespmem:v46+s26+$0x0], $0xffff;
	v42 =	vtrunc.f32 v42;
	v39 =	vsub.f32 $7.500000000e+00, v39;
	v41 =	vcvt.f32.s32 v41  }
0x6aa: {  	s22 =	simm.s32 $0xE680;
	v23 =	vld.idx.msk [tilespmem:v23+s26+$0x0], $0xffff;
	v43 =	vtrunc.f32 v43;
	v42 =	vcvt.f32.s32 v42;
	v31 =	vxor.u32 v53, v31  }
0x6ab: {  	v28 =	vld.idx.msk [tilespmem:v28+s26+$0x0], $0xffff;
	v43 =	vcvt.f32.s32 v43;
	v39 =	vtrunc.f32 v39;
	[tilespmem:s22+$0xFFFFFF70] =	vst v31;
	v31 =	vsub.s32 $0x7, v41  }
0x6ac: {  	v12 =	vcvt.f32.s32 v12;
	v42 =	vsub.s32 $0x7, v42;
	v39 =	vcvt.f32.s32 v39;
	v60 =	vld [tilespmem:s21+$0xFFFFFFF0]  }
0x6ad: {  	v16 =	vtrunc.f32 v16;
	v25 =	vand.u32 $0x80000000, v25;
	v30 =	vld.idx.msk [tilespmem:v30+s26+$0x0], $0xffff;
	v43 =	vsub.s32 $0x7, v43  }
0x6ae: {  	v27 =	vand.u32 $0x80000000, v27;
	v15 =	vand.u32 $0x80000000, v15;
	v38 =	vld.idx.msk [tilespmem:v38+s26+$0x0], $0xffff;
	v39 =	vsub.s32 $0x7, v39  }
0x6af: {  	v61 =	vxor.u32 v23, v15;
	v23 =	vcvt.f32.s32 v16;
	v16 =	vsub.s32 $0x7, v12;
	v12 =	vld.idx.msk [tilespmem:v44+s26+$0x0], $0xffff  }
0x6b0: {  	v25 =	vxor.u32 v26, v25;
	v11 =	vxor.u32 v32, v11;
	v41 =	vsub.s32 $0x7, v58;
	v26 =	vld.idx.msk [tilespmem:v31+s26+$0x0], $0xffff  }
0x6b1: {  	v29 =	vand.u32 $0x80000000, v29;
	[tilespmem:s17+$0x10] =	vst v25;
	v27 =	vxor.u32 v28, v27;
	v31 =	vld.idx.msk [tilespmem:v42+s26+$0x0], $0xffff;
	v28 =	vmul.f32 v60, v0  }
0x6b2: {  	v14 =	vcvt.f32.s32 v14;
	v21 =	vxor.u32 v21, v34;
	[tilespmem:s17+$0x0] =	vst v11;
	v30 =	vxor.u32 v30, v29;
	v29 =	vld.idx.msk [tilespmem:v43+s26+$0x0], $0xffff  }
0x6b3: {  	v33 =	vand.u32 $0x80000000, v33;
	v15 =	vsub.s32 $0x7, v19;
	[tilespmem:s17+$0x20] =	vst v21;
	v39 =	vld.idx.msk [tilespmem:v39+s26+$0x0], $0xffff;
	v28 =	vsub.f32 v28, v1  }
0x6b4: {  	v19 =	vcvt.f32.s32 v17;
	v17 =	vsub.s32 $0x7, v14;
	v21 =	vld [tilespmem:s23+$0x90];
	[tilespmem:s17+$0x40] =	vst v61;
	v24 =	vand.u32 $0x80000000, v24  }
0x6b5: {  	[tilespmem:s17+$0x50] =	vst v30;
	v9 =	vcvt.f32.s32 v9;
	v62 =	vld.idx.msk [tilespmem:v41+s26+$0x0], $0xffff;
	v11 =	vand.u32 $0x7FFFFFFF, v28;
	v14 =	vxor.u32 v26, v24  }
0x6b6: {  	v30 =	vld [tilespmem:s23+$0xC0];
	v35 =	vand.u32 $0x80000000, v35;
	v11 =	vmin.f32 v11, $7.000000000e+00;
	[tilespmem:s22+$0xFFFFFF10] =	vst v14;
	v14 =	vxor.u32 v31, v33  }
0x6b7: {  	v22 =	vand.u32 $0x80000000, v22;
	v24 =	vld [tilespmem:s23+$0x80];
	v11 =	vsub.f32 $7.500000000e+00, v11;
	[tilespmem:s22+$0xFFFFFF20] =	vst v14;
	v14 =	vxor.u32 v29, v35  }
0x6b8: {  	v5 =	vand.u32 $0x80000000, v5;
	v3 =	vand.u32 $0x80000000, v3;
	v31 =	vld [tilespmem:s21+$0xFFFFFF90];
	v22 =	vxor.u32 v39, v22;
	[tilespmem:s22+$0xFFFFFF30] =	vst v14  }
0x6b9: {  	[tilespmem:s22+$0xFFFFFF00] =	vst v22;
	v22 =	vsub.s32 $0x7, v19;
	v19 =	vsub.s32 $0x7, v9;
	v9 =	vtrunc.f32 v11;
	v11 =	vld [tilespmem:s21+$0xFFFFFFA0]  }
0x6ba: {  	v4 =	vand.u32 $0x80000000, v4;
	v6 =	vand.u32 $0x80000000, v6;
	v14 =	vxor.u32 v62, v36;
	v36 =	vld [tilespmem:s21+$0xFFFFFFB0]  }
0x6bb: {  	v7 =	vand.u32 $0x80000000, v7;
	v12 =	vxor.u32 v12, v37;
	[tilespmem:s22+$0xFFFFFF40] =	vst v14;
	v26 =	vld [tilespmem:s21+$0xFFFFFF80];
	v9 =	vcvt.f32.s32 v9  }
0x6bc: {  	v20 =	vand.u32 $0x80000000, v20;
	v23 =	vsub.s32 $0x7, v23;
	[tilespmem:s22+$0xFFFFFF50] =	vst v12;
	v12 =	vxor.u32 v63, v40;
	v39 =	vld [tilespmem:s21+$0xFFFFFFC0]  }
0x6bd: {  	v20 =	vxor.u32 v38, v20;
	v21 =	vmul.f32 v21, v0;
	[tilespmem:s22+$0xFFFFFF60] =	vst v12;
	v9 =	vsub.s32 $0x7, v9  }
0x6be: {  	v30 =	vmul.f32 v30, v0;
	v28 =	vand.u32 $0x80000000, v28;
	v12 =	vmul.f32 v31, v0;
	v31 =	vld [tilespmem:s21+$0xFFFFFFE0]  }
0x6bf: {  	v29 =	vxor.u32 v13, v10;
	v14 =	vmul.f32 v24, v0;
	v11 =	vmul.f32 v11, v0  }
0x6c0: {  	v12 =	vsub.f32 v12, v1;
	v13 =	vmul.f32 v36, v0;
	v24 =	vmul.f32 v26, v0  }
0x6c1: {  	v14 =	vsub.f32 v14, v1;
	v34 =	vmul.f32 v39, v0;
	v11 =	vsub.f32 v11, v1  }
0x6c2: {  	v41 =	vand.u32 $0x7FFFFFFF, v12;
	v13 =	vsub.f32 v13, v1;
	v10 =	vsub.f32 v24, v1;
	v9 =	vld.idx.msk [tilespmem:v9+s26+$0x0], $0xffff  }
0x6c3: {  	v26 =	vld [tilespmem:s21+$0xFFFFFFD0];
	v24 =	vand.u32 $0x7FFFFFFF, v14;
	v34 =	vsub.f32 v34, v1;
	v31 =	vmul.f32 v31, v0  }
0x6c4: {  	v35 =	vmin.f32 v41, $7.000000000e+00;
	v42 =	vand.u32 $0x7FFFFFFF, v11;
	v43 =	vand.u32 $0x7FFFFFFF, v13  }
0x6c5: {  	v49 =	vsub.f32 $7.500000000e+00, v35;
	v39 =	vand.u32 $0x80000000, v11;
	v25 =	vand.u32 $0x80000000, v13  }
0x6c6: {  	v24 =	vmin.f32 v24, $7.000000000e+00;
	v40 =	vand.u32 $0x7FFFFFFF, v10;
	v44 =	vand.u32 $0x7FFFFFFF, v34  }
0x6c7: {  	v31 =	vsub.f32 v31, v1;
	v36 =	vmin.f32 v42, $7.000000000e+00;
	v9 =	vxor.u32 v9, v28  }
0x6c8: {  	v37 =	vmin.f32 v43, $7.000000000e+00;
	v26 =	vmul.f32 v26, v0;
	v33 =	vmin.f32 v40, $7.000000000e+00;
	[tilespmem:s22+$0xFFFFFFF0] =	vst v9  }
0x6c9: {  	v40 =	vand.u32 $0x80000000, v12;
	v12 =	vsub.f32 $7.500000000e+00, v36;
	v51 =	vsub.f32 $7.500000000e+00, v37;
	v50 =	vld [tilespmem:s21+$0x70]  }
0x6ca: {  	v46 =	vand.u32 $0x7FFFFFFF, v31;
	v26 =	vsub.f32 v26, v1;
	v28 =	vmin.f32 v44, $7.000000000e+00  }
0x6cb: {  	v48 =	vmin.f32 v46, $7.000000000e+00;
	v12 =	vtrunc.f32 v12;
	v11 =	vtrunc.f32 v51  }
0x6cc: {  	v9 =	vsub.f32 $7.500000000e+00, v33;
	v28 =	vsub.f32 $7.500000000e+00, v28;
	v33 =	vtrunc.f32 v49  }
0x6cd: {  	v53 =	vsub.f32 $7.500000000e+00, v48;
	v12 =	vcvt.f32.s32 v12;
	v11 =	vcvt.f32.s32 v11  }
0x6ce: {  	v45 =	vand.u32 $0x7FFFFFFF, v26;
	v9 =	vtrunc.f32 v9;
	v35 =	vmul.f32 v50, v0  }
0x6cf: {  	v33 =	vcvt.f32.s32 v33;
	v47 =	vmin.f32 v45, $7.000000000e+00;
	v9 =	vcvt.f32.s32 v9  }
0x6d0: {  	[tilespmem:s17+$0x30] =	vst v27;
	v28 =	vtrunc.f32 v28;
	v54 =	vtrunc.f32 v53;
	v35 =	vsub.f32 v35, v1  }
0x6d1: {  	v27 =	vld [tilespmem:s23+$0xA0];
	[tilespmem:s17+$0x60] =	vst v20;
	v12 =	vsub.s32 $0x7, v12;
	v52 =	vsub.f32 $7.500000000e+00, v47;
	v9 =	vsub.s32 $0x7, v9  }
0x6d2: {  	v59 =	vld [tilespmem:s23+$0xE0];
	v11 =	vsub.s32 $0x7, v11;
	v36 =	vcvt.f32.s32 v54;
	v56 =	vand.u32 $0x7FFFFFFF, v35  }
0x6d3: {  	v55 =	vld [tilespmem:s23+$0xB0];
	v20 =	vsub.s32 $0x7, v33;
	v13 =	vtrunc.f32 v52;
	v58 =	vmin.f32 v56, $7.000000000e+00  }
0x6d4: {  	v28 =	vcvt.f32.s32 v28;
	v13 =	vcvt.f32.s32 v13;
	v33 =	vsub.f32 $7.500000000e+00, v58  }
0x6d5: {  	v57 =	vld [tilespmem:s23+$0xD0];
	v10 =	vand.u32 $0x80000000, v10;
	v34 =	vand.u32 $0x80000000, v34;
	v36 =	vsub.s32 $0x7, v36  }
0x6d6: {  	v28 =	vsub.s32 $0x7, v28;
	v60 =	vsub.s32 $0x7, v13;
	v61 =	vld.idx.msk [tilespmem:v9+s26+$0x0], $0xffff;
	v13 =	vtrunc.f32 v33  }
0x6d7: {  	v24 =	vsub.f32 $7.500000000e+00, v24;
	v37 =	vmul.f32 v59, v0;
	v48 =	vld.idx.msk [tilespmem:v11+s26+$0x0], $0xffff;
	v9 =	vcvt.f32.s32 v13  }
0x6d8: {  	v13 =	vmul.f32 v27, v0;
	v27 =	vld.idx.msk [tilespmem:v20+s26+$0x0], $0xffff;
	v20 =	vsub.f32 v21, v1;
	v21 =	vmul.f32 v55, v0  }
0x6d9: {  	v31 =	vand.u32 $0x80000000, v31;
	v32 =	vtrunc.f32 v24;
	v62 =	vld.idx.msk [tilespmem:v12+s26+$0x0], $0xffff;
	v63 =	vsub.s32 $0x7, v9  }
0x6da: {  	v36 =	vld.idx.msk [tilespmem:v36+s26+$0x0], $0xffff;
	v9 =	vmul.f32 v57, v0;
	v11 =	vand.u32 $0x7FFFFFFF, v20;
	v12 =	vsub.f32 v21, v1  }
0x6db: {  	v21 =	vld.idx.msk [tilespmem:v28+s26+$0x0], $0xffff;
	v28 =	vmin.f32 v11, $7.000000000e+00;
	v11 =	vsub.f32 v30, v1;
	v30 =	vxor.u32 v61, v10  }
0x6dc: {  	v26 =	vand.u32 $0x80000000, v26;
	v25 =	vxor.u32 v48, v25;
	v49 =	vld.idx.msk [tilespmem:v60+s26+$0x0], $0xffff;
	v13 =	vsub.f32 v13, v1;
	[tilespmem:s22+$0xFFFFFF80] =	vst v30  }
0x6dd: {  	v10 =	vsub.f32 v37, v1;
	v9 =	vsub.f32 v9, v1;
	v27 =	vxor.u32 v27, v40;
	v56 =	vld [tilespmem:s21+$0x0]  }
0x6de: {  	v50 =	vand.u32 $0x7FFFFFFF, v13;
	v51 =	vand.u32 $0x7FFFFFFF, v12;
	v52 =	vand.u32 $0x7FFFFFFF, v11;
	[tilespmem:s22+$0xFFFFFF90] =	vst v27;
	v30 =	vld.idx.msk [tilespmem:v63+s26+$0x0], $0xffff  }
0x6df: {  	[tilespmem:s22+$0xFFFFFFB0] =	vst v25;
	v54 =	vmin.f32 v50, $7.000000000e+00;
	v55 =	vand.u32 $0x7FFFFFFF, v10;
	v27 =	vxor.u32 v62, v39;
	v59 =	vld [tilespmem:s21+$0x10]  }
0x6e0: {  	v57 =	vmin.f32 v51, $7.000000000e+00;
	v53 =	vand.u32 $0x7FFFFFFF, v9;
	v58 =	vmin.f32 v52, $7.000000000e+00;
	[tilespmem:s22+$0xFFFFFFA0] =	vst v27;
	v63 =	vld [tilespmem:s21+$0x30]  }
0x6e1: {  	v60 =	vmin.f32 v55, $7.000000000e+00;
	v62 =	vsub.f32 $7.500000000e+00, v28;
	v21 =	vxor.u32 v21, v34;
	v61 =	vld [tilespmem:s21+$0x20]  }
0x6e2: {  	v45 =	vsub.f32 $7.500000000e+00, v54;
	v25 =	vsub.f32 $7.500000000e+00, v57;
	[tilespmem:s22+$0xFFFFFFC0] =	vst v21;
	v21 =	vxor.u32 v49, v26  }
0x6e3: {  	v28 =	vand.u32 $0x80000000, v35;
	v27 =	vmin.f32 v53, $7.000000000e+00;
	v46 =	vld [tilespmem:s21+$0x40];
	[tilespmem:s22+$0xFFFFFFD0] =	vst v21;
	v21 =	vxor.u32 v36, v31  }
0x6e4: {  	v26 =	vsub.f32 $7.500000000e+00, v58;
	v31 =	vmul.f32 v56, v0;
	v47 =	vld [tilespmem:s21+$0x50];
	[tilespmem:s22+$0xFFFFFFE0] =	vst v21;
	v21 =	vxor.u32 v30, v28  }
0x6e5: {  	v28 =	vsub.f32 $7.500000000e+00, v27;
	v27 =	vmul.f32 v59, v0;
	v30 =	vsub.f32 $7.500000000e+00, v60;
	[tilespmem:s22+$0x70] =	vst v21  }
0x6e6: {  	v51 =	vmul.f32 v63, v0;
	v21 =	vsub.f32 v31, v1;
	v24 =	vmul.f32 v61, v0;
	v49 =	vld [tilespmem:s21+$0xF0]  }
0x6e7: {  	v48 =	vld [tilespmem:s21+$0x60];
	v31 =	vtrunc.f32 v62;
	v50 =	vsub.f32 v27, v1;
	v27 =	vtrunc.f32 v45  }
0x6e8: {  	v43 =	vsub.f32 v51, v1;
	v52 =	vand.u32 $0x7FFFFFFF, v21;
	v41 =	vsub.f32 v24, v1  }
0x6e9: {  	v24 =	vmul.f32 v46, v0;
	v35 =	vmul.f32 v47, v0;
	v21 =	vand.u32 $0x80000000, v21  }
0x6ea: {  	v53 =	vand.u32 $0x7FFFFFFF, v50;
	v55 =	vand.u32 $0x7FFFFFFF, v43;
	v56 =	vmin.f32 v52, $7.000000000e+00  }
0x6eb: {  	[tilespmem:s17+$0xF0] =	vst v18;
	v18 =	vld.idx.msk [tilespmem:v23+s26+$0x0], $0xffff;
	v23 =	vand.u32 $0x80000000, v43;
	v54 =	vand.u32 $0x7FFFFFFF, v41;
	v37 =	vmul.f32 v49, v0  }
0x6ec: {  	v34 =	vsub.f32 v24, v1;
	v24 =	vmul.f32 v48, v0;
	v35 =	vsub.f32 v35, v1  }
0x6ed: {  	v60 =	vmin.f32 v55, $7.000000000e+00;
	v44 =	vsub.f32 $7.500000000e+00, v56;
	v33 =	vsub.f32 v37, v1  }
0x6ee: {  	v59 =	vmin.f32 v54, $7.000000000e+00;
	v40 =	vsub.f32 $7.500000000e+00, v60;
	v57 =	vand.u32 $0x7FFFFFFF, v34  }
0x6ef: {  	v36 =	vsub.f32 v24, v1;
	v24 =	vmin.f32 v53, $7.000000000e+00;
	v62 =	vand.u32 $0x7FFFFFFF, v33  }
0x6f0: {  	v58 =	vand.u32 $0x7FFFFFFF, v35;
	v44 =	vtrunc.f32 v44;
	v46 =	vmin.f32 v62, $7.000000000e+00  }
0x6f1: {  	v45 =	vmin.f32 v57, $7.000000000e+00;
	v39 =	vmin.f32 v58, $7.000000000e+00;
	v46 =	vsub.f32 $7.500000000e+00, v46  }
0x6f2: {  	v24 =	vsub.f32 $7.500000000e+00, v24;
	v48 =	vtrunc.f32 v40;
	v44 =	vcvt.f32.s32 v44  }
0x6f3: {  	v61 =	vand.u32 $0x7FFFFFFF, v36;
	v37 =	vsub.f32 $7.500000000e+00, v59;
	v46 =	vtrunc.f32 v46  }
0x6f4: {  	v45 =	vsub.f32 $7.500000000e+00, v45;
	v39 =	vsub.f32 $7.500000000e+00, v39;
	v46 =	vcvt.f32.s32 v46  }
0x6f5: {  	v15 =	vld.idx.msk [tilespmem:v15+s26+$0x0], $0xffff;
	v43 =	vcvt.f32.s32 v48;
	v42 =	vmin.f32 v61, $7.000000000e+00;
	v47 =	vtrunc.f32 v24  }
0x6f6: {  	v16 =	vld.idx.msk [tilespmem:v16+s26+$0x0], $0xffff;
	v42 =	vsub.f32 $7.500000000e+00, v42;
	v63 =	vtrunc.f32 v37;
	v37 =	vsub.s32 $0x7, v46  }
0x6f7: {  	[tilespmem:s25+$0xF0] =	vst v8;
	v8 =	vld.idx.msk [tilespmem:v22+s26+$0x0], $0xffff;
	v22 =	vand.u32 $0x80000000, v41;
	v45 =	vtrunc.f32 v45;
	v39 =	vtrunc.f32 v39  }
0x6f8: {  	v17 =	vld.idx.msk [tilespmem:v17+s26+$0x0], $0xffff;
	v24 =	vand.u32 $0x80000000, v50;
	v40 =	vtrunc.f32 v42;
	v42 =	vcvt.f32.s32 v47  }
0x6f9: {  	s14 =	simm.s32 $0x6880;
	s12 =	simm.s32 $0x100;
	s23 =	simm.s32 $0xE680;
	[tilespmem:s25+$0x80] =	vst v29;
	v19 =	vld.idx.msk [tilespmem:v19+s26+$0x0], $0xffff;
	v38 =	vsub.s32 $0x7, v44;
	v41 =	vcvt.f32.s32 v63;
	v29 =	vcvt.f32.s32 v45  }
.LBB2_21:
0x6fa: {  	v44 =	vld [tilespmem:s14+$0xFFFFFF70];
	s12 =	sadd.s32 $0x80, s12;
	v42 =	vsub.s32 $0x7, v42;
	v39 =	vcvt.f32.s32 v39;
	v40 =	vcvt.f32.s32 v40  }
0x6fb: {  	v41 =	vsub.s32 $0x7, v41;
	p0 =	slt.u32 s12, $0x780;
	v43 =	vsub.s32 $0x7, v43;
	v45 =	vsub.s32 $0x7, v29;
	v46 =	vld.idx.msk [tilespmem:v37+s26+$0x0], $0xffff  }
0x6fc: {  	v34 =	vand.u32 $0x80000000, v34;
	v47 =	vld [tilespmem:s14+$0xFFFFFF10];
	v39 =	vsub.s32 $0x7, v39;
	v40 =	vsub.s32 $0x7, v40  }
0x6fd: {  	v37 =	vand.u32 $0x80000000, v35;
	v35 =	vand.u32 $0x80000000, v36;
	v29 =	vtrunc.f32 v25;
	v48 =	vld [tilespmem:s14+$0xFFFFFF20]  }
0x6fe: {  	v26 =	vtrunc.f32 v26;
	v28 =	vtrunc.f32 v28;
	v25 =	vand.u32 $0x80000000, v14;
	v36 =	vld [tilespmem:s14+$0xFFFFFF30]  }
0x6ff: {  	v14 =	vand.u32 $0x80000000, v20;
	v20 =	vtrunc.f32 v30;
	v49 =	vld [tilespmem:s14+$0xFFFFFF40];
	v44 =	vmul.f32 v44, v0  }
0x700: {  	v33 =	vand.u32 $0x80000000, v33;
	v32 =	vcvt.f32.s32 v32;
	v30 =	vcvt.f32.s32 v31;
	v50 =	vld [tilespmem:s14+$0xFFFFFF50]  }
0x701: {  	v33 =	vxor.u32 v46, v33;
	v31 =	vmul.f32 v47, v0;
	v47 =	vld [tilespmem:s14+$0xFFFFFF60];
	v44 =	vsub.f32 v44, v1  }
0x702: {  	v27 =	vcvt.f32.s32 v27;
	v32 =	vsub.s32 $0x7, v32;
	v46 =	vld [tilespmem:s14+$0xFFFFFF00];
	v48 =	vmul.f32 v48, v0;
	[tilespmem:s22+$0xF0] =	vst v33  }
0x703: {  	v31 =	vsub.f32 v31, v1;
	v33 =	vmul.f32 v36, v0;
	v36 =	vand.u32 $0x7FFFFFFF, v44;
	v38 =	vld.idx.msk [tilespmem:v38+s26+$0x0], $0xffff  }
0x704: {  	v48 =	vsub.f32 v48, v1;
	v49 =	vmul.f32 v49, v0;
	v36 =	vmin.f32 v36, $7.000000000e+00;
	v42 =	vld.idx.msk [tilespmem:v42+s26+$0x0], $0xffff  }
0x705: {  	v33 =	vsub.f32 v33, v1;
	v50 =	vmul.f32 v50, v0;
	v36 =	vsub.f32 $7.500000000e+00, v36;
	v41 =	vld.idx.msk [tilespmem:v41+s26+$0x0], $0xffff  }
0x706: {  	v51 =	vand.u32 $0x7FFFFFFF, v31;
	v49 =	vsub.f32 v49, v1;
	v47 =	vmul.f32 v47, v0;
	v43 =	vld.idx.msk [tilespmem:v43+s26+$0x0], $0xffff  }
0x707: {  	v46 =	vmul.f32 v46, v0;
	v50 =	vsub.f32 v50, v1;
	v36 =	vtrunc.f32 v36;
	v45 =	vld.idx.msk [tilespmem:v45+s26+$0x0], $0xffff  }
0x708: {  	v52 =	vand.u32 $0x7FFFFFFF, v48;
	v47 =	vsub.f32 v47, v1;
	v36 =	vcvt.f32.s32 v36;
	v39 =	vld.idx.msk [tilespmem:v39+s26+$0x0], $0xffff  }
0x709: {  	v53 =	vand.u32 $0x7FFFFFFF, v33;
	v54 =	vand.u32 $0x7FFFFFFF, v49;
	v46 =	vsub.f32 v46, v1;
	v40 =	vld.idx.msk [tilespmem:v40+s26+$0x0], $0xffff  }
0x70a: {  	v55 =	vand.u32 $0x7FFFFFFF, v50;
	v56 =	vand.u32 $0x7FFFFFFF, v47;
	v36 =	vsub.s32 $0x7, v36;
	v32 =	vld.idx.msk [tilespmem:v32+s26+$0x0], $0xffff  }
0x70b: {  	v51 =	vmin.f32 v51, $7.000000000e+00;
	v52 =	vmin.f32 v52, $7.000000000e+00;
	v57 =	vand.u32 $0x7FFFFFFF, v46  }
0x70c: {  	v53 =	vmin.f32 v53, $7.000000000e+00;
	v54 =	vmin.f32 v54, $7.000000000e+00;
	v57 =	vmin.f32 v57, $7.000000000e+00  }
0x70d: {  	v55 =	vmin.f32 v55, $7.000000000e+00;
	v56 =	vmin.f32 v56, $7.000000000e+00;
	v57 =	vsub.f32 $7.500000000e+00, v57  }
0x70e: {  	v51 =	vsub.f32 $7.500000000e+00, v51;
	v52 =	vsub.f32 $7.500000000e+00, v52;
	v46 =	vand.u32 $0x80000000, v46  }
0x70f: {  	v53 =	vsub.f32 $7.500000000e+00, v53;
	v54 =	vsub.f32 $7.500000000e+00, v54;
	v57 =	vtrunc.f32 v57;
	v36 =	vld.idx.msk [tilespmem:v36+s26+$0x0], $0xffff  }
0x710: {  	v51 =	vtrunc.f32 v51;
	v55 =	vsub.f32 $7.500000000e+00, v55;
	v56 =	vsub.f32 $7.500000000e+00, v56  }
0x711: {  	v31 =	vand.u32 $0x80000000, v31;
	v52 =	vtrunc.f32 v52;
	v53 =	vtrunc.f32 v53  }
0x712: {  	v48 =	vand.u32 $0x80000000, v48;
	v54 =	vtrunc.f32 v54;
	v55 =	vtrunc.f32 v55  }
0x713: {  	v33 =	vand.u32 $0x80000000, v33;
	v56 =	vtrunc.f32 v56;
	v57 =	vcvt.f32.s32 v57  }
0x714: {  	v44 =	vand.u32 $0x80000000, v44;
	v51 =	vcvt.f32.s32 v51;
	v52 =	vcvt.f32.s32 v52  }
0x715: {  	s22 =	sadd.s32 $0x200, s22;
	v53 =	vcvt.f32.s32 v53;
	v54 =	vcvt.f32.s32 v54;
	v36 =	vxor.u32 v36, v44  }
0x716: {  	v55 =	vcvt.f32.s32 v55;
	v56 =	vcvt.f32.s32 v56;
	v44 =	vsub.s32 $0x7, v57;
	[tilespmem:s22+$0xFFFFFF70] =	vst v36  }
0x717: {  	v36 =	vsub.s32 $0x7, v51;
	v51 =	vsub.s32 $0x7, v52;
	v52 =	vsub.s32 $0x7, v53;
	v53 =	vld [tilespmem:s14+$0xFFFFFFF0]  }
0x718: {  	v54 =	vsub.s32 $0x7, v54;
	v55 =	vsub.s32 $0x7, v55;
	v56 =	vsub.s32 $0x7, v56  }
0x719: {  	v49 =	vand.u32 $0x80000000, v49;
	v50 =	vand.u32 $0x80000000, v50;
	v47 =	vand.u32 $0x80000000, v47  }
0x71a: {  	v21 =	vxor.u32 v38, v21;
	v24 =	vxor.u32 v42, v24;
	v38 =	vxor.u32 v41, v22  }
0x71b: {  	v23 =	vxor.u32 v43, v23;
	v34 =	vxor.u32 v45, v34;
	v37 =	vxor.u32 v39, v37;
	v41 =	vld.idx.msk [tilespmem:v44+s26+$0x0], $0xffff  }
0x71c: {  	v35 =	vxor.u32 v40, v35;
	v36 =	vld.idx.msk [tilespmem:v36+s26+$0x0], $0xffff;
	v39 =	vmul.f32 v53, v0;
	[tilespmem:s23+$0x0] =	vst v21;
	v21 =	vcvt.f32.s32 v29  }
0x71d: {  	v22 =	vsub.s32 $0x7, v30;
	v29 =	vld.idx.msk [tilespmem:v51+s26+$0x0], $0xffff;
	[tilespmem:s23+$0x10] =	vst v24;
	v24 =	vcvt.f32.s32 v26;
	v26 =	vcvt.f32.s32 v28  }
0x71e: {  	v27 =	vsub.s32 $0x7, v27;
	v28 =	vld.idx.msk [tilespmem:v52+s26+$0x0], $0xffff;
	v30 =	vsub.f32 v39, v1;
	[tilespmem:s23+$0x20] =	vst v38;
	v38 =	vcvt.f32.s32 v20  }
0x71f: {  	v39 =	vld.idx.msk [tilespmem:v54+s26+$0x0], $0xffff;
	[tilespmem:s23+$0x30] =	vst v23;
	v23 =	vsub.s32 $0x7, v21;
	v21 =	vsub.s32 $0x7, v24;
	v20 =	vsub.s32 $0x7, v26  }
0x720: {  	v24 =	vld.idx.msk [tilespmem:v55+s26+$0x0], $0xffff;
	v26 =	vand.u32 $0x7FFFFFFF, v30;
	[tilespmem:s23+$0x40] =	vst v34;
	v34 =	vand.u32 $0x80000000, v13;
	v13 =	vsub.s32 $0x7, v38  }
0x721: {  	v12 =	vand.u32 $0x80000000, v12;
	v38 =	vxor.u32 v41, v46;
	v40 =	vld.idx.msk [tilespmem:v56+s26+$0x0], $0xffff;
	v26 =	vmin.f32 v26, $7.000000000e+00;
	[tilespmem:s23+$0x50] =	vst v37  }
0x722: {  	v11 =	vand.u32 $0x80000000, v11;
	v31 =	vxor.u32 v36, v31;
	[tilespmem:s22+$0xFFFFFF00] =	vst v38;
	v26 =	vsub.f32 $7.500000000e+00, v26;
	v36 =	vld [tilespmem:s21+$0x80]  }
0x723: {  	v9 =	vand.u32 $0x80000000, v9;
	v10 =	vand.u32 $0x80000000, v10;
	v29 =	vxor.u32 v29, v48;
	v37 =	vld [tilespmem:s14+$0xFFFFFF80];
	[tilespmem:s22+$0xFFFFFF10] =	vst v31  }
0x724: {  	v25 =	vxor.u32 v32, v25;
	v28 =	vxor.u32 v28, v33;
	v31 =	vld [tilespmem:s14+$0xFFFFFF90];
	[tilespmem:s22+$0xFFFFFF20] =	vst v29;
	v26 =	vtrunc.f32 v26  }
0x725: {  	v15 =	vxor.u32 v15, v2;
	v2 =	vmovc v14;
	v29 =	vld [tilespmem:s14+$0xFFFFFFA0];
	[tilespmem:s22+$0xFFFFFF30] =	vst v28;
	v28 =	vxor.u32 v39, v49;
	v26 =	vcvt.f32.s32 v26  }
0x726: {  	v16 =	vxor.u32 v16, v3;
	v17 =	vxor.u32 v17, v5;
	v14 =	vxor.u32 v24, v50;
	v32 =	vld [tilespmem:s14+$0xFFFFFFB0];
	[tilespmem:s22+$0xFFFFFF40] =	vst v28  }
0x727: {  	v3 =	vmovc v34;
	v5 =	vxor.u32 v40, v47;
	v24 =	vld [tilespmem:s14+$0xFFFFFFC0];
	[tilespmem:s22+$0xFFFFFF50] =	vst v14;
	v26 =	vsub.s32 $0x7, v26;
	v14 =	vmul.f32 v36, v0  }
0x728: {  	v8 =	vxor.u32 v8, v4;
	v18 =	vxor.u32 v18, v6;
	v28 =	vmul.f32 v37, v0;
	v33 =	vld [tilespmem:s14+$0xFFFFFFD0];
	[tilespmem:s22+$0xFFFFFF60] =	vst v5  }
0x729: {  	v19 =	vxor.u32 v19, v7;
	v34 =	vmul.f32 v31, v0;
	v31 =	vld [tilespmem:s14+$0xFFFFFFE0];
	v14 =	vsub.f32 v14, v1;
	[tilespmem:s23+$0x60] =	vst v35  }
0x72a: {  	v4 =	vmovc v11;
	v5 =	vmov v12;
	v28 =	vsub.f32 v28, v1;
	v35 =	vmul.f32 v29, v0;
	v29 =	vld [tilespmem:s21+$0x90];
	[tilespmem:s17+$0x80] =	vst v25  }
0x72b: {  	v6 =	vmovc v9;
	v11 =	vsub.f32 v34, v1;
	v12 =	vmul.f32 v32, v0;
	v25 =	vand.u32 $0x7FFFFFFF, v14;
	v32 =	vld [tilespmem:s21+$0xA0];
	[tilespmem:s25+$0x90] =	vst v15  }
0x72c: {  	v9 =	vand.u32 $0x7FFFFFFF, v28;
	v34 =	vsub.f32 v35, v1;
	v15 =	vmul.f32 v24, v0;
	v24 =	vld.idx.msk [tilespmem:v26+s26+$0x0], $0xffff;
	[tilespmem:s25+$0xA0] =	vst v16  }
0x72d: {  	v7 =	vmovc v10;
	v16 =	vand.u32 $0x7FFFFFFF, v11;
	v12 =	vsub.f32 v12, v1;
	v26 =	vmul.f32 v33, v0;
	v33 =	vld [tilespmem:s21+$0xB0];
	[tilespmem:s25+$0xB0] =	vst v17  }
0x72e: {  	v10 =	vand.u32 $0x7FFFFFFF, v34;
	v35 =	vsub.f32 v15, v1;
	v15 =	vmul.f32 v31, v0;
	v31 =	vld [tilespmem:s21+$0xC0];
	[tilespmem:s25+$0xC0] =	vst v8  }
0x72f: {  	v8 =	vmin.f32 v9, $7.000000000e+00;
	v9 =	vand.u32 $0x7FFFFFFF, v12;
	v26 =	vsub.f32 v26, v1;
	v36 =	vld [tilespmem:s21+$0xD0];
	[tilespmem:s25+$0xD0] =	vst v18  }
0x730: {  	v18 =	vmin.f32 v16, $7.000000000e+00;
	v17 =	vand.u32 $0x7FFFFFFF, v35;
	v37 =	vsub.f32 v15, v1;
	v38 =	vld [tilespmem:s21+$0xE0];
	[tilespmem:s25+$0xE0] =	vst v19;
	s25 =	smov.u32 s17;
	s17 =	smov.u32 s23;
	s23 =	smov.u32 s22  }
0x731: {  	v10 =	vmin.f32 v10, $7.000000000e+00;
	v16 =	vand.u32 $0x80000000, v30;
	s21 =	smov.u32 s14;
	v19 =	vand.u32 $0x7FFFFFFF, v26;
	v15 =	vld.idx.msk [tilespmem:v22+s26+$0x0], $0xffff  }
0x732: {  	v9 =	vmin.f32 v9, $7.000000000e+00;
	v24 =	vxor.u32 v24, v16;
	v22 =	vand.u32 $0x7FFFFFFF, v37;
	v16 =	vld.idx.msk [tilespmem:v27+s26+$0x0], $0xffff  }
0x733: {  	v27 =	vmin.f32 v17, $7.000000000e+00;
	v19 =	vmin.f32 v19, $7.000000000e+00;
	v22 =	vmin.f32 v22, $7.000000000e+00;
	[tilespmem:s22+$0xFFFFFFF0] =	vst v24;
	v17 =	vld.idx.msk [tilespmem:v23+s26+$0x0], $0xffff  }
0x734: {  	v23 =	vsub.f32 $7.500000000e+00, v8;
	v24 =	vand.u32 $0x80000000, v28;
	v28 =	vsub.f32 $7.500000000e+00, v18;
	v30 =	vld [tilespmem:s14+$0x70]  }
0x735: {  	v39 =	vand.u32 $0x80000000, v11;
	v10 =	vsub.f32 $7.500000000e+00, v10;
	v9 =	vsub.f32 $7.500000000e+00, v9;
	v8 =	vld.idx.msk [tilespmem:v21+s26+$0x0], $0xffff  }
0x736: {  	v11 =	vtrunc.f32 v23;
	v21 =	vsub.f32 $7.500000000e+00, v27;
	v23 =	vsub.f32 $7.500000000e+00, v19;
	v18 =	vld.idx.msk [tilespmem:v20+s26+$0x0], $0xffff  }
0x737: {  	v10 =	vtrunc.f32 v10;
	v22 =	vsub.f32 $7.500000000e+00, v22;
	v20 =	vtrunc.f32 v28;
	v19 =	vld.idx.msk [tilespmem:v13+s26+$0x0], $0xffff  }
0x738: {  	v9 =	vtrunc.f32 v9;
	v27 =	vand.u32 $0x80000000, v34;
	v13 =	vtrunc.f32 v21  }
0x739: {  	v21 =	vand.u32 $0x80000000, v12;
	v12 =	vtrunc.f32 v23;
	v23 =	vmul.f32 v30, v0  }
0x73a: {  	v11 =	vcvt.f32.s32 v11;
	v28 =	vand.u32 $0x80000000, v35;
	v22 =	vtrunc.f32 v22  }
0x73b: {  	v10 =	vcvt.f32.s32 v10;
	v20 =	vcvt.f32.s32 v20;
	v23 =	vsub.f32 v23, v1  }
0x73c: {  	v9 =	vcvt.f32.s32 v9;
	v11 =	vsub.s32 $0x7, v11;
	v13 =	vcvt.f32.s32 v13  }
0x73d: {  	v22 =	vcvt.f32.s32 v22;
	v12 =	vcvt.f32.s32 v12;
	v30 =	vand.u32 $0x7FFFFFFF, v23  }
0x73e: {  	v10 =	vsub.s32 $0x7, v10;
	v20 =	vsub.s32 $0x7, v20;
	v30 =	vmin.f32 v30, $7.000000000e+00  }
0x73f: {  	v9 =	vsub.s32 $0x7, v9;
	v34 =	vsub.s32 $0x7, v13;
	v13 =	vsub.f32 $7.500000000e+00, v30  }
0x740: {  	v26 =	vand.u32 $0x80000000, v26;
	v22 =	vsub.s32 $0x7, v22;
	v30 =	vsub.s32 $0x7, v12  }
0x741: {  	v37 =	vand.u32 $0x80000000, v37;
	v12 =	vmul.f32 v29, v0;
	v35 =	vld.idx.msk [tilespmem:v11+s26+$0x0], $0xffff;
	v11 =	vtrunc.f32 v13  }
0x742: {  	v25 =	vmin.f32 v25, $7.000000000e+00;
	v13 =	vmul.f32 v32, v0;
	v11 =	vcvt.f32.s32 v11  }
0x743: {  	v31 =	vmul.f32 v31, v0;
	v29 =	vld.idx.msk [tilespmem:v20+s26+$0x0], $0xffff;
	v20 =	vsub.f32 v12, v1;
	v12 =	vmul.f32 v33, v0  }
0x744: {  	v32 =	vld.idx.msk [tilespmem:v10+s26+$0x0], $0xffff;
	v33 =	vsub.s32 $0x7, v11;
	v10 =	vmul.f32 v36, v0;
	v36 =	vmul.f32 v38, v0  }
0x745: {  	v13 =	vsub.f32 v13, v1;
	v38 =	vld.idx.msk [tilespmem:v9+s26+$0x0], $0xffff;
	v9 =	vand.u32 $0x7FFFFFFF, v20;
	v12 =	vsub.f32 v12, v1  }
0x746: {  	v11 =	vsub.f32 v31, v1;
	v34 =	vld.idx.msk [tilespmem:v34+s26+$0x0], $0xffff;
	v40 =	vmin.f32 v9, $7.000000000e+00;
	v9 =	vsub.f32 v10, v1  }
0x747: {  	v31 =	vand.u32 $0x7FFFFFFF, v13;
	v24 =	vxor.u32 v35, v24;
	v10 =	vsub.f32 v36, v1;
	v30 =	vld.idx.msk [tilespmem:v30+s26+$0x0], $0xffff  }
0x748: {  	v35 =	vand.u32 $0x7FFFFFFF, v11;
	[tilespmem:s22+$0xFFFFFF80] =	vst v24;
	v22 =	vld.idx.msk [tilespmem:v22+s26+$0x0], $0xffff;
	v24 =	vand.u32 $0x7FFFFFFF, v12;
	v36 =	vand.u32 $0x7FFFFFFF, v9  }
0x749: {  	v31 =	vmin.f32 v31, $7.000000000e+00;
	v29 =	vxor.u32 v29, v39;
	v39 =	vand.u32 $0x7FFFFFFF, v10;
	v33 =	vld.idx.msk [tilespmem:v33+s26+$0x0], $0xffff  }
0x74a: {  	v27 =	vxor.u32 v32, v27;
	v24 =	vmin.f32 v24, $7.000000000e+00;
	v41 =	vld [tilespmem:s14+$0x0];
	[tilespmem:s22+$0xFFFFFF90] =	vst v29;
	v29 =	vmin.f32 v35, $7.000000000e+00  }
0x74b: {  	v21 =	vxor.u32 v38, v21;
	v35 =	vmin.f32 v39, $7.000000000e+00;
	v32 =	vld [tilespmem:s14+$0x10];
	[tilespmem:s22+$0xFFFFFFA0] =	vst v27;
	v27 =	vmin.f32 v36, $7.000000000e+00  }
0x74c: {  	v38 =	vsub.f32 $7.500000000e+00, v40;
	v36 =	vld [tilespmem:s14+$0x20];
	[tilespmem:s22+$0xFFFFFFB0] =	vst v21;
	v21 =	vxor.u32 v34, v28;
	v34 =	vsub.f32 $7.500000000e+00, v25  }
0x74d: {  	v40 =	vsub.f32 $7.500000000e+00, v31;
	v25 =	vsub.f32 $7.500000000e+00, v24;
	v39 =	vld [tilespmem:s14+$0x30];
	[tilespmem:s22+$0xFFFFFFC0] =	vst v21;
	v21 =	vxor.u32 v30, v26  }
0x74e: {  	v26 =	vsub.f32 $7.500000000e+00, v29;
	v24 =	vld [tilespmem:s14+$0x40];
	[tilespmem:s22+$0xFFFFFFD0] =	vst v21;
	v21 =	vxor.u32 v22, v37;
	v22 =	vand.u32 $0x80000000, v23  }
0x74f: {  	v28 =	vsub.f32 $7.500000000e+00, v27;
	v23 =	vmul.f32 v41, v0;
	v29 =	vld [tilespmem:s14+$0x50];
	[tilespmem:s22+$0xFFFFFFE0] =	vst v21;
	v21 =	vxor.u32 v33, v22  }
0x750: {  	v30 =	vsub.f32 $7.500000000e+00, v35;
	v22 =	vmul.f32 v32, v0;
	v33 =	vld [tilespmem:s14+$0x60];
	[tilespmem:s22+$0x70] =	vst v21;
	v32 =	vtrunc.f32 v34  }
0x751: {  	v31 =	vtrunc.f32 v38;
	v21 =	vsub.f32 v23, v1;
	v23 =	vmul.f32 v36, v0;
	v36 =	vld [tilespmem:s14+$0xF0]  }
0x752: {  	v27 =	vtrunc.f32 v40;
	v22 =	vsub.f32 v22, v1;
	v34 =	vmul.f32 v39, v0  }
0x753: {  	v37 =	vand.u32 $0x7FFFFFFF, v21;
	v23 =	vsub.f32 v23, v1;
	v24 =	vmul.f32 v24, v0  }
0x754: {  	v38 =	vand.u32 $0x7FFFFFFF, v22;
	v43 =	vsub.f32 v34, v1;
	v29 =	vmul.f32 v29, v0  }
0x755: {  	v39 =	vand.u32 $0x7FFFFFFF, v23;
	v34 =	vsub.f32 v24, v1;
	v24 =	vmul.f32 v33, v0  }
0x756: {  	v40 =	vand.u32 $0x7FFFFFFF, v43;
	v35 =	vsub.f32 v29, v1;
	v29 =	vmul.f32 v36, v0  }
0x757: {  	v37 =	vmin.f32 v37, $7.000000000e+00;
	v41 =	vand.u32 $0x7FFFFFFF, v34;
	v36 =	vsub.f32 v24, v1  }
0x758: {  	v24 =	vmin.f32 v38, $7.000000000e+00;
	v38 =	vand.u32 $0x7FFFFFFF, v35;
	v33 =	vsub.f32 v29, v1  }
0x759: {  	v29 =	vmin.f32 v39, $7.000000000e+00;
	v39 =	vmin.f32 v40, $7.000000000e+00;
	v40 =	vand.u32 $0x7FFFFFFF, v36  }
0x75a: {  	v41 =	vmin.f32 v41, $7.000000000e+00;
	v38 =	vmin.f32 v38, $7.000000000e+00;
	v42 =	vand.u32 $0x7FFFFFFF, v33  }
0x75b: {  	v37 =	vsub.f32 $7.500000000e+00, v37;
	v40 =	vmin.f32 v40, $7.000000000e+00;
	v42 =	vmin.f32 v42, $7.000000000e+00  }
0x75c: {  	v21 =	vand.u32 $0x80000000, v21;
	v24 =	vsub.f32 $7.500000000e+00, v24;
	v42 =	vsub.f32 $7.500000000e+00, v42  }
0x75d: {  	v44 =	vtrunc.f32 v37;
	v29 =	vsub.f32 $7.500000000e+00, v29;
	v37 =	vsub.f32 $7.500000000e+00, v39  }
0x75e: {  	v39 =	vsub.f32 $7.500000000e+00, v41;
	v38 =	vsub.f32 $7.500000000e+00, v38;
	v41 =	vtrunc.f32 v42  }
0x75f: {  	v40 =	vsub.f32 $7.500000000e+00, v40;
	v42 =	vtrunc.f32 v24;
	v41 =	vcvt.f32.s32 v41  }
.Ltmp14:
0x760: {  	v29 =	vtrunc.f32 v29;
	v45 =	vtrunc.f32 v37;
	v24 =	vand.u32 $0x80000000, v22;
	(pc) =	sbr.rel @p0 .LBB2_21-.Ltmp14, $4  }
0x761: {  	v46 =	vtrunc.f32 v39;
	v39 =	vtrunc.f32 v38;
	v37 =	vsub.s32 $0x7, v41  }
0x762: {  	v38 =	vcvt.f32.s32 v44;
	v40 =	vtrunc.f32 v40;
	v22 =	vand.u32 $0x80000000, v23  }
0x763: {  	v23 =	vand.u32 $0x80000000, v43;
	v42 =	vcvt.f32.s32 v42;
	v41 =	vcvt.f32.s32 v29  }
0x764: {  	s14 =	sadd.s32 $0x200, s14;
	v38 =	vsub.s32 $0x7, v38;
	v43 =	vcvt.f32.s32 v45;
	v29 =	vcvt.f32.s32 v46  }
0x765: {  	_ = 	snop  }
0x766: {  	v42 =	vsub.s32 $0x7, v42  }
0x767: {  	v41 =	vsub.s32 $0x7, v41  }
0x768: {  	v39 =	vcvt.f32.s32 v39;
	v43 =	vsub.s32 $0x7, v43  }
0x769: {  	v40 =	vcvt.f32.s32 v40;
	v37 =	vld.idx.msk [tilespmem:v37+s26+$0x0], $0xffff;
	v29 =	vsub.s32 $0x7, v29  }
0x76a: {  	v38 =	vld.idx.msk [tilespmem:v38+s26+$0x0], $0xffff;
	v39 =	vsub.s32 $0x7, v39  }
0x76b: {  	v32 =	vcvt.f32.s32 v32;
	v40 =	vsub.s32 $0x7, v40;
	v42 =	vld.idx.msk [tilespmem:v42+s26+$0x0], $0xffff  }
0x76c: {  	v34 =	vand.u32 $0x80000000, v34;
	v41 =	vld.idx.msk [tilespmem:v41+s26+$0x0], $0xffff  }
0x76d: {  	v35 =	vand.u32 $0x80000000, v35;
	v36 =	vand.u32 $0x80000000, v36;
	v32 =	vsub.s32 $0x7, v32;
	v43 =	vld.idx.msk [tilespmem:v43+s26+$0x0], $0xffff  }
0x76e: {  	v25 =	vtrunc.f32 v25;
	v14 =	vand.u32 $0x80000000, v14;
	v26 =	vtrunc.f32 v26;
	v29 =	vld.idx.msk [tilespmem:v29+s26+$0x0], $0xffff  }
0x76f: {  	v28 =	vtrunc.f32 v28;
	v20 =	vand.u32 $0x80000000, v20;
	v21 =	vxor.u32 v38, v21;
	v39 =	vld.idx.msk [tilespmem:v39+s26+$0x0], $0xffff  }
0x770: {  	v48 =	vtrunc.f32 v30;
	v49 =	vand.u32 $0x80000000, v33;
	v31 =	vcvt.f32.s32 v31;
	[tilespmem:s23+$0x0] =	vst v21;
	v40 =	vld.idx.msk [tilespmem:v40+s26+$0x0], $0xffff  }
0x771: {  	v2 =	vxor.u32 v15, v2;
	v3 =	vxor.u32 v16, v3;
	v50 =	vld [tilespmem:s21+$0x80];
	v24 =	vxor.u32 v42, v24  }
0x772: {  	v27 =	vcvt.f32.s32 v27;
	v5 =	vxor.u32 v17, v5;
	v32 =	vld.idx.msk [tilespmem:v32+s26+$0x0], $0xffff;
	v22 =	vxor.u32 v41, v22;
	[tilespmem:s23+$0x10] =	vst v24  }
0x773: {  	v4 =	vxor.u32 v8, v4;
	v6 =	vxor.u32 v18, v6;
	v23 =	vxor.u32 v43, v23;
	[tilespmem:s23+$0x20] =	vst v22;
	v53 =	vld [tilespmem:s21+$0x90]  }
0x774: {  	v7 =	vxor.u32 v19, v7;
	v13 =	vand.u32 $0x80000000, v13;
	v29 =	vxor.u32 v29, v34;
	[tilespmem:s23+$0x30] =	vst v23;
	v54 =	vld [tilespmem:s21+$0xA0]  }
0x775: {  	v25 =	vcvt.f32.s32 v25;
	v26 =	vcvt.f32.s32 v26;
	v51 =	vxor.u32 v39, v35;
	[tilespmem:s23+$0x40] =	vst v29;
	v56 =	vld [tilespmem:s21+$0xB0]  }
0x776: {  	v28 =	vcvt.f32.s32 v28;
	v52 =	vxor.u32 v40, v36;
	v55 =	vmul.f32 v50, v0;
	[tilespmem:s23+$0x50] =	vst v51;
	v57 =	vld [tilespmem:s21+$0xC0]  }
0x777: {  	v31 =	vsub.s32 $0x7, v31;
	v27 =	vsub.s32 $0x7, v27;
	v21 =	vcvt.f32.s32 v48;
	[tilespmem:s23+$0x60] =	vst v52;
	v58 =	vld [tilespmem:s21+$0xD0]  }
0x778: {  	v25 =	vsub.s32 $0x7, v25;
	v26 =	vsub.s32 $0x7, v26;
	v29 =	vsub.f32 v55, v1;
	v59 =	vld [tilespmem:s21+$0xE0]  }
0x779: {  	v28 =	vsub.s32 $0x7, v28;
	v30 =	vxor.u32 v37, v49;
	v21 =	vsub.s32 $0x7, v21  }
0x77a: {  	v14 =	vxor.u32 v32, v14;
	v60 =	vand.u32 $0x7FFFFFFF, v29;
	v61 =	vmul.f32 v53, v0  }
0x77b: {  	v8 =	vmin.f32 v60, $7.000000000e+00;
	v62 =	vmul.f32 v54, v0;
	v63 =	vmul.f32 v56, v0  }
0x77c: {  	v33 =	vmul.f32 v57, v0;
	v8 =	vsub.f32 $7.500000000e+00, v8;
	v16 =	vsub.f32 v61, v1  }
0x77d: {  	v34 =	vmul.f32 v58, v0;
	v15 =	vmul.f32 v59, v0;
	v17 =	vsub.f32 v62, v1  }
0x77e: {  	v18 =	vsub.f32 v63, v1;
	v8 =	vtrunc.f32 v8;
	v19 =	vsub.f32 v33, v1  }
0x77f: {  	v35 =	vand.u32 $0x7FFFFFFF, v16;
	v22 =	vsub.f32 v34, v1;
	v8 =	vcvt.f32.s32 v8  }
0x780: {  	v36 =	vand.u32 $0x7FFFFFFF, v17;
	v15 =	vsub.f32 v15, v1;
	v23 =	vmin.f32 v35, $7.000000000e+00  }
0x781: {  	v37 =	vand.u32 $0x7FFFFFFF, v18;
	v38 =	vand.u32 $0x7FFFFFFF, v19;
	v24 =	vmin.f32 v36, $7.000000000e+00  }
0x782: {  	v39 =	vand.u32 $0x7FFFFFFF, v22;
	v8 =	vsub.s32 $0x7, v8;
	v40 =	vand.u32 $0x7FFFFFFF, v15  }
0x783: {  	v32 =	vmin.f32 v37, $7.000000000e+00;
	v33 =	vmin.f32 v38, $7.000000000e+00;
	v23 =	vsub.f32 $7.500000000e+00, v23  }
0x784: {  	[tilespmem:s25+$0x90] =	vst v2;
	v24 =	vsub.f32 $7.500000000e+00, v24;
	v34 =	vmin.f32 v39, $7.000000000e+00;
	v41 =	vmin.f32 v40, $7.000000000e+00  }
0x785: {  	[tilespmem:s25+$0xA0] =	vst v3;
	v32 =	vsub.f32 $7.500000000e+00, v32;
	v42 =	vsub.f32 $7.500000000e+00, v33;
	v23 =	vtrunc.f32 v23  }
0x786: {  	[tilespmem:s25+$0xB0] =	vst v5;
	v3 =	vld.idx.msk [tilespmem:v31+s26+$0x0], $0xffff;
	v43 =	vsub.f32 $7.500000000e+00, v34;
	v24 =	vtrunc.f32 v24;
	v23 =	vcvt.f32.s32 v23  }
0x787: {  	[tilespmem:s25+$0xC0] =	vst v4;
	v45 =	vld.idx.msk [tilespmem:v27+s26+$0x0], $0xffff;
	v2 =	vsub.f32 $7.500000000e+00, v41;
	v44 =	vtrunc.f32 v32;
	v24 =	vcvt.f32.s32 v24  }
0x788: {  	v49 =	vld.idx.msk [tilespmem:v26+s26+$0x0], $0xffff;
	[tilespmem:s17+$0x80] =	vst v14;
	v14 =	vtrunc.f32 v42;
	v46 =	vcvt.f32.s32 v44;
	v23 =	vsub.s32 $0x7, v23  }
0x789: {  	[tilespmem:s25+$0xD0] =	vst v6;
	v47 =	vld.idx.msk [tilespmem:v25+s26+$0x0], $0xffff;
	v48 =	vtrunc.f32 v43;
	v14 =	vcvt.f32.s32 v14;
	v24 =	vsub.s32 $0x7, v24  }
0x78a: {  	[tilespmem:s25+$0xE0] =	vst v7;
	v51 =	vld.idx.msk [tilespmem:v28+s26+$0x0], $0xffff;
	v2 =	vtrunc.f32 v2;
	v25 =	vcvt.f32.s32 v48;
	v50 =	vsub.s32 $0x7, v46  }
0x78b: {  	[tilespmem:s22+$0xF0] =	vst v30;
	v3 =	vxor.u32 v3, v20;
	v21 =	vld.idx.msk [tilespmem:v21+s26+$0x0], $0xffff;
	v2 =	vcvt.f32.s32 v2;
	v14 =	vsub.s32 $0x7, v14  }
0x78c: {  	v11 =	vand.u32 $0x80000000, v11;
	v5 =	vxor.u32 v45, v13;
	[tilespmem:s17+$0x90] =	vst v3;
	v8 =	vld.idx.msk [tilespmem:v8+s26+$0x0], $0xffff;
	v25 =	vsub.s32 $0x7, v25  }
0x78d: {  	v52 =	vand.u32 $0x80000000, v12;
	[tilespmem:s17+$0xA0] =	vst v5;
	v6 =	vxor.u32 v49, v11;
	v2 =	vsub.s32 $0x7, v2;
	v3 =	vld.idx.msk [tilespmem:v23+s26+$0x0], $0xffff  }
0x78e: {  	v4 =	vxor.u32 v47, v52;
	[tilespmem:s17+$0xC0] =	vst v6;
	v54 =	vand.u32 $0x80000000, v9;
	v53 =	vld.idx.msk [tilespmem:v24+s26+$0x0], $0xffff  }
0x78f: {  	[tilespmem:s17+$0xB0] =	vst v4;
	v56 =	vand.u32 $0x80000000, v10;
	v7 =	vxor.u32 v51, v54;
	v55 =	vld.idx.msk [tilespmem:v50+s26+$0x0], $0xffff  }
0x790: {  	v29 =	vand.u32 $0x80000000, v29;
	v9 =	vxor.u32 v21, v56;
	[tilespmem:s17+$0xD0] =	vst v7;
	v57 =	vld.idx.msk [tilespmem:v14+s26+$0x0], $0xffff  }
0x791: {  	[tilespmem:s17+$0xE0] =	vst v9;
	v58 =	vand.u32 $0x80000000, v16;
	v8 =	vxor.u32 v8, v29;
	v59 =	vld.idx.msk [tilespmem:v25+s26+$0x0], $0xffff  }
0x792: {  	v60 =	vand.u32 $0x80000000, v17;
	[tilespmem:s23+$0x80] =	vst v8;
	v2 =	vld.idx.msk [tilespmem:v2+s26+$0x0], $0xffff;
	v3 =	vxor.u32 v3, v58  }
0x793: {  	v61 =	vand.u32 $0x80000000, v18;
	v5 =	vxor.u32 v53, v60;
	[tilespmem:s23+$0x90] =	vst v3  }
0x794: {  	p0 =	seq.s32 s8, $0x3;
	v3 =	vand.u32 $0x80000000, v19;
	v4 =	vxor.u32 v55, v61;
	[tilespmem:s23+$0xA0] =	vst v5  }
.Ltmp15:
0x795: {  	v62 =	vand.u32 $0x80000000, v22;
	v3 =	vxor.u32 v57, v3;
	[tilespmem:s23+$0xB0] =	vst v4;
	(pc) =	sbr.rel @p0 .LBB2_24-.Ltmp15, $4  }
0x796: {  	v63 =	vand.u32 $0x80000000, v15;
	v5 =	vxor.u32 v59, v62;
	[tilespmem:s23+$0xC0] =	vst v3  }
0x797: {  	v2 =	vxor.u32 v2, v63;
	[tilespmem:s23+$0xD0] =	vst v5  }
0x798: {  	s3 =	sadd.s32 s3, s13;
	[tilespmem:s23+$0xE0] =	vst v2  }
0x799: {  	[hbm4b:s3+s19] =	stream.strided.scatter [tilespmem:s10], [sflag:$0x8], $0x2000, s20, s19, $0x38;
	[tilespmem:$0x10180] =	vst v63  }
.Ltmp16:
0x79a: {  	(pc) =	sbr.rel .LBB2_2-.Ltmp16, $3  }
0x79b: {  	_ =	sdelay $0x1  }
0x79c: {  	s3 =	sadd.s32 s11, s16;
	s8 =	sadd.s32 $0x1, s8  }
0x79d: {  	[tilespmem:s24], [sflag:$0x4] =	stream.strided.gather [hbm4b:s3+s19], $0x2000, s20, s19, $0x38;
	[tilespmem:$0x10180] =	vst v63  }
.LBB2_25:
0x79e: {  	_ =	sfence.sel $0x180000  }
0x79f: {  	[bflag:$0x0] =	sbarrier.arrive $0xFFFF  }
0x7a0: {  	_ =	strace $0x90000047  }
0x7a1: {  	s0 =	stileid.u32;
	[bflag:$0x2] =	sbarrier.arrive $0xFFFF  }
0x7a2: {  	p0 =	sne.s32 s0, $0x0;
	s0 =	rddreg [dreg:$0x3]  }
0x7a3: {  	s0 =	sadd.s32 @!p0 $0x100000, s0  }
0x7a4: {  	[sflag:s0] =	ssyncadd.tile.s32 @!p0 $0x1;
	_ =	shalt  }
.Lfunc_end2:
_tile_overlayer_lowered:
.L_overlay_start_2:
0x7a5: {  	(tag) =	ssettag $0x2  }
0x7a6: {  	s0 =	rddreg [dreg:$0x0];
	s2 =	stileid.u32  }
0x7a7: {  	s1 =	rddreg [dreg:$0x1];
	p0 =	sne.s32 s2, $0x0  }
0x7a8: {  	s3 =	rddreg [dreg:$0x2];
	[bflag:$0x3] =	sbarrier.arrive $0xFFFF;
	s2 =	simm.s32 @!p0 $0x1C09  }
0x7a9: {  	[timem:s3], [sflag:s2] =	dma.local @!p0 [hbm:s0], s1  }
0x7aa: {  	s0 =	simm.s32 @!p0 $0x9  }
0x7ab: {  	_ =	swait.ge @!p0 [sflag:s0], s1  }
0x7ac: {  	s1 =	ssub.s32 @!p0 $0x0, s1;
	[sflag:s0] =	ssyncset.done @!p0 $0x0  }
0x7ad: {  	[sflag:s0] =	ssyncadd.s32 @!p0 s1  }
0x7ae: {  	[bflag:$0x3] =	sbarrier.arrive $0xFFFF  }
0x7af: {  	_ =	shalt  }

</sc_bundles>
